<compile_context>
chip_gen: v7x
topology: tpu7x:2x2x1
jax: 0.10.2.dev20260603
libtpu: 0.0.44.dev20260713+nightly
codegen_flags: <defaults>
</compile_context>

<pallas_src>
import functools

import jax
import jax.numpy as jnp
import numpy as np
from jax import lax
from jax.experimental import pallas as pl
from jax.experimental.pallas import tpu as pltpu
from jax.experimental.pallas import tpu_sc as plsc

_NC = 2
_NS = 16
_B = 64
_NSL = 5
_GA = 3
_G = 64


def _make_sc_aggr(n_nodes, fc, edges_per_core, edge_stride, src_core_stride,
                  init_stride):
    assert edges_per_core % _NS == 0 and n_nodes % _NS == 0
    ew = edges_per_core // _NS
    nfull = ew // _B
    rem = ew - nfull * _B
    n4 = (nfull // _NSL) * _NSL
    assert n4 >= _NSL
    nrow = ((n_nodes + 1 + _NS * 16 - 1) // (_NS * 16)) * (_NS * 16)
    rows_pt = nrow // _NS

    mesh = plsc.VectorSubcoreMesh(core_axis_name="c", subcore_axis_name="s")

    @functools.partial(
        pl.kernel,
        out_type=jax.ShapeDtypeStruct((_NC, nrow, fc), jnp.float32),
        mesh=mesh,
        scratch_types=[
            pltpu.VMEM((_NSL, _B), jnp.int32),
            pltpu.VMEM((_NSL, _B), jnp.int32),
            pltpu.VMEM((_NSL, _B, fc), jnp.float32),
            pltpu.VMEM_SHARED((nrow, fc), jnp.float32),
            [pltpu.SemaphoreType.DMA] * _NSL,
            [pltpu.SemaphoreType.DMA] * _NSL,
            [pltpu.SemaphoreType.DMA] * _NSL,
            [pltpu.SemaphoreType.DMA] * _NSL,
            pltpu.SemaphoreType.DMA,
        ],
    )
    def aggr(src_hbm, dst_hbm, table_hbm, out_hbm,
             srcb, dstb, rows, accum, sisem, disem, gsem, ssem, nsem):
        c = lax.axis_index("c")
        s = lax.axis_index("s")
        dbase = c * edge_stride + s * ew
        sbase = c * src_core_stride + s * ew
        ni = (n_nodes // (8 * _NS)) * 8
        ntail = n_nodes - ni * _NS

        def sidx_desc(jj, sl):
            return pltpu.make_async_copy(
                src_hbm.at[pl.ds(sbase + jj * _B, _B)], srcb.at[sl], sisem[sl])

        def didx_desc(jj, sl):
            return pltpu.make_async_copy(
                dst_hbm.at[pl.ds(dbase + jj * _B, _B)], dstb.at[sl], disem[sl])

        def gather_desc(sl):
            return pltpu.make_async_copy(
                table_hbm.at[srcb.at[sl]], rows.at[sl], gsem[sl])

        def scatter_start(sl):
            pltpu.async_copy(rows.at[sl], accum.at[dstb.at[sl]], ssem[sl],
                             add=True)

        def scatter_wait(sl):
            pltpu.make_async_copy(rows.at[sl], accum.at[dstb.at[sl]],
                                  ssem[sl]).wait()

        row0 = s * rows_pt
        init_desc = pltpu.make_async_copy(
            table_hbm.at[pl.ds(c * init_stride + s * ni, ni), :],
            accum.at[pl.ds(s * ni, ni), :], nsem)
        init_desc.start()
        if ntail:
            tail_desc = pltpu.make_async_copy(
                table_hbm.at[pl.ds(c * init_stride + _NS * ni, ntail), :],
                accum.at[pl.ds(_NS * ni, ntail), :], nsem)

            @pl.when(s == 0)
            def _tail_start():
                tail_desc.start()

        for sl in range(_NSL):
            sidx_desc(sl, sl).start()
            didx_desc(sl, sl).start()
        init_desc.wait()
        if ntail:
            @pl.when(s == 0)
            def _tail_wait():
                tail_desc.wait()
        plsc.subcore_barrier()
        for sl in range(_GA):
            sidx_desc(sl, sl).wait()
            gather_desc(sl).start()

        slag = _NSL - _GA
        @pl.loop(0, n4, step=_NSL)
        def _main(j):
            for sl in range(_NSL):
                jj = j + sl
                sla = (sl + _GA) % _NSL
                gather_desc(sl).wait()
                didx_desc(jj, sl).wait()
                scatter_start(sl)

                @pl.when(jj + _NSL < n4)
                def _pf_sidx():
                    sidx_desc(jj + _NSL, sl).start()

                @pl.when(jnp.logical_and(jj >= slag, jj + _GA < n4))
                def _free_buf():
                    scatter_wait(sla)
                    didx_desc(jj + _GA, sla).start()

                @pl.when(jj + _GA < n4)
                def _next_gather():
                    sidx_desc(jj + _GA, sla).wait()
                    gather_desc(sla).start()

        for sl in range(min(_NSL, n4)):
            scatter_wait(sl)

        for lb in range(n4, nfull):
            sidx_desc(lb, 0).start()
            didx_desc(lb, 0).start()
            sidx_desc(lb, 0).wait()
            didx_desc(lb, 0).wait()
            gather_desc(0).start()
            gather_desc(0).wait()
            scatter_start(0)
            scatter_wait(0)
        if rem:
            zpad = jnp.zeros((16,), jnp.int32)
            dpad = jnp.full((16,), n_nodes, jnp.int32)
            for k in range(_B // 16):
                srcb[0, pl.ds(k * 16, 16)] = zpad
                dstb[0, pl.ds(k * 16, 16)] = dpad
            ra = pltpu.make_async_copy(
                src_hbm.at[pl.ds(sbase + nfull * _B, rem)],
                srcb.at[0, pl.ds(0, rem)], sisem[0])
            rb = pltpu.make_async_copy(
                dst_hbm.at[pl.ds(dbase + nfull * _B, rem)],
                dstb.at[0, pl.ds(0, rem)], disem[0])
            ra.start()
            rb.start()
            ra.wait()
            rb.wait()
            gather_desc(0).start()
            gather_desc(0).wait()
            scatter_start(0)
            scatter_wait(0)

        plsc.subcore_barrier()
        pltpu.sync_copy(accum.at[pl.ds(row0, rows_pt), :],
                        out_hbm.at[c, pl.ds(row0, rows_pt), :])

    return aggr, nrow


def _tc_conv0(n, f, h, rb):
    grid = n // rb

    def body(x_ref, a_ref, b_ref, w1_ref, b1_ref, w2_ref, b2_ref,
             h_ref, p0_ref, p1_ref):
        i = pl.program_id(0)
        x = x_ref[...]
        z = a_ref[0] + a_ref[1] - x
        t = jnp.maximum(
            jnp.dot(z, w1_ref[...], preferred_element_type=jnp.float32)
            + b1_ref[...], 0.0)
        hh = jnp.maximum(
            jnp.dot(t, w2_ref[...], preferred_element_type=jnp.float32)
            + b2_ref[...], 0.0)
        h_ref[0] = hh[:, :f]
        h_ref[1] = hh[:, f:]
        gidx = lax.broadcasted_iota(jnp.int32, (1, _G), 1)
        oh = (b_ref[...] == gidx).astype(jnp.float32)
        dn = (((0,), (0,)), ((), ()))
        p0c = lax.dot_general(oh, x, dn, preferred_element_type=jnp.float32)
        p1c = lax.dot_general(oh, hh, dn, preferred_element_type=jnp.float32)

        @pl.when(i == 0)
        def _init():
            p0_ref[...] = p0c
            p1_ref[...] = p1c

        @pl.when(i > 0)
        def _acc():
            p0_ref[...] += p0c
            p1_ref[...] += p1c

    return body, grid


def _tc_conv1(n, f, h, c_out, rb):
    grid = n // rb

    def body(a_ref, b_ref, w1lo_ref, w1hi_ref, b1_ref, w2_ref, b2_ref,
             p0_ref, p1_ref, l0_ref, l1_ref, l2_ref, bs_ref,
             out_ref, p2_acc):
        i = pl.program_id(0)
        zlo = a_ref[0]
        zhi = a_ref[1]
        t = jnp.maximum(
            jnp.dot(zlo, w1lo_ref[...], preferred_element_type=jnp.float32)
            + jnp.dot(zhi, w1hi_ref[...], preferred_element_type=jnp.float32)
            + b1_ref[...], 0.0)
        h2 = jnp.maximum(
            jnp.dot(t, w2_ref[...], preferred_element_type=jnp.float32)
            + b2_ref[...], 0.0)
        gidx = lax.broadcasted_iota(jnp.int32, (1, _G), 1)
        oh = (b_ref[...] == gidx).astype(jnp.float32)
        dn = (((0,), (0,)), ((), ()))
        p2c = lax.dot_general(oh, h2, dn, preferred_element_type=jnp.float32)

        @pl.when(i == 0)
        def _init():
            p2_acc[...] = p2c

        @pl.when(i > 0)
        def _acc():
            p2_acc[...] += p2c

        @pl.when(i == grid - 1)
        def _final():
            out_ref[...] = (
                jnp.dot(p0_ref[...], l0_ref[...],
                        preferred_element_type=jnp.float32)
                + jnp.dot(p1_ref[...], l1_ref[...],
                          preferred_element_type=jnp.float32)
                + jnp.dot(p2_acc[...], l2_ref[...],
                          preferred_element_type=jnp.float32)
                + bs_ref[...])

    return body, grid


def kernel(x, edge_index, batch,
           c0_W1, c0_b1, c0_g1, c0_be1, c0_W2, c0_b2, bn0_g, bn0_b,
           c1_W1, c1_b1, c1_g1, c1_be1, c1_W2, c1_b2, bn1_g, bn1_b,
           l0_W, l0_b, l1_W, l1_b, l2_W, l2_b):
    n, f = x.shape
    e = edge_index.shape[1]
    h = c0_W2.shape[0]
    c_out = l0_W.shape[1]
    rb = 2000

    src = edge_index[0]
    dst = edge_index[1]
    batch2d = batch.reshape(n, 1)

    inv = float(1.0 / np.sqrt(1.0 + 1e-5))
    s1a = c0_g1 * inv
    w1f0 = c0_W1 * s1a[None, :]
    b1f0 = (c0_b1 * s1a + c0_be1).reshape(1, h)
    s0 = bn0_g * inv
    w2f0 = c0_W2 * s0[None, :]
    b2f0 = (c0_b2 * s0 + bn0_b).reshape(1, h)
    s1b = c1_g1 * inv
    w1f1 = c1_W1 * s1b[None, :]
    b1f1 = (c1_b1 * s1b + c1_be1).reshape(1, h)
    s1 = bn1_g * inv
    w2f1 = c1_W2 * s1[None, :]
    b2f1 = (c1_b2 * s1 + bn1_b).reshape(1, h)
    bsum = (l0_b + l1_b + l2_b).reshape(1, c_out)

    sc0, nrow = _make_sc_aggr(n, f, e // 2, e // 2, e // 2, 0)
    aggr0 = sc0(src, dst, x)

    body0, grid0 = _tc_conv0(n, f, h, rb)
    h1, pooled0, pooled1 = pl.pallas_call(
        body0,
        grid=(grid0,),
        in_specs=[
            pl.BlockSpec((rb, f), lambda i: (i, 0)),
            pl.BlockSpec((2, rb, f), lambda i: (0, i, 0)),
            pl.BlockSpec((rb, 1), lambda i: (i, 0)),
            pl.BlockSpec((f, h), lambda i: (0, 0)),
            pl.BlockSpec((1, h), lambda i: (0, 0)),
            pl.BlockSpec((h, h), lambda i: (0, 0)),
            pl.BlockSpec((1, h), lambda i: (0, 0)),
        ],
        out_specs=[
            pl.BlockSpec((2, rb, f), lambda i: (0, i, 0)),
            pl.BlockSpec((_G, f), lambda i: (0, 0)),
            pl.BlockSpec((_G, h), lambda i: (0, 0)),
        ],
        out_shape=[
            jax.ShapeDtypeStruct((2, n, f), jnp.float32),
            jax.ShapeDtypeStruct((_G, f), jnp.float32),
            jax.ShapeDtypeStruct((_G, h), jnp.float32),
        ],
    )(x, aggr0, batch2d, w1f0, b1f0, w2f0, b2f0)

    h1flat = h1.reshape(2 * n, f)
    src_cat = jnp.concatenate([src, src + n])
    sc1, nrow1 = _make_sc_aggr(n, f, e, 0, e, n)
    aggr1 = sc1(src_cat, dst, h1flat)

    body1, grid1 = _tc_conv1(n, f, h, c_out, rb)
    out = pl.pallas_call(
        body1,
        grid=(grid1,),
        in_specs=[
            pl.BlockSpec((2, rb, f), lambda i: (0, i, 0)),
            pl.BlockSpec((rb, 1), lambda i: (i, 0)),
            pl.BlockSpec((f, h), lambda i: (0, 0)),
            pl.BlockSpec((f, h), lambda i: (0, 0)),
            pl.BlockSpec((1, h), lambda i: (0, 0)),
            pl.BlockSpec((h, h), lambda i: (0, 0)),
            pl.BlockSpec((1, h), lambda i: (0, 0)),
            pl.BlockSpec((_G, f), lambda i: (0, 0)),
            pl.BlockSpec((_G, h), lambda i: (0, 0)),
            pl.BlockSpec((f, c_out), lambda i: (0, 0)),
            pl.BlockSpec((h, c_out), lambda i: (0, 0)),
            pl.BlockSpec((h, c_out), lambda i: (0, 0)),
            pl.BlockSpec((1, c_out), lambda i: (0, 0)),
        ],
        out_specs=pl.BlockSpec((_G, c_out), lambda i: (0, 0)),
        out_shape=jax.ShapeDtypeStruct((_G, c_out), jnp.float32),
        scratch_shapes=[pltpu.VMEM((_G, h), jnp.float32)],
    )(aggr1, batch2d, w1f1[:f], w1f1[f:], b1f1, w2f1, b2f1,
      pooled0, pooled1, l0_W, l1_W, l2_W, bsum)

    return out

# --- scband reference (transcript-rebuilt; emitter-appended) ---
"""Pipeline reference for scband-gin-31336081391976 (READ-ONLY COPY).

The authoritative reference and input builder live on the scoring server;
editing this copy changes nothing except your own understanding.
"""

import jax, jax.numpy as jnp
import numpy as np

N = 10000
E = 320000
F = 128
H = 256
C = 128
G = 64
BN_EPS = 1e-5


def setup_inputs(seed: int = 0) -> dict:
    key = jax.random.key(seed)
    ks = jax.random.split(key, 16)
    inp = {}
    inp["x"] = jax.random.normal(ks[0], (N, F), dtype=jnp.float32)
    inp["edge_index"] = jax.random.randint(ks[1], (2, E), 0, N, dtype=jnp.int32)
    inp["batch"] = jnp.sort(jax.random.randint(ks[2], (N,), 0, G, dtype=jnp.int32))

    def lin(k, i, o):
        return jax.random.normal(k, (i, o), dtype=jnp.float32) * (1.0 / np.sqrt(i))

    # GINConv 0: MLP(F -> H -> H) with internal BatchNorm, plus outer BatchNorm bn0
    inp["c0_W1"] = lin(ks[3], F, H); inp["c0_b1"] = jnp.zeros((H,), jnp.float32)
    inp["c0_g1"] = jnp.ones((H,), jnp.float32); inp["c0_be1"] = jnp.zeros((H,), jnp.float32)
    inp["c0_W2"] = lin(ks[4], H, H); inp["c0_b2"] = jnp.zeros((H,), jnp.float32)
    inp["bn0_g"] = jnp.ones((H,), jnp.float32); inp["bn0_b"] = jnp.zeros((H,), jnp.float32)
    # GINConv 1: MLP(H -> H -> H), plus outer BatchNorm bn1
    inp["c1_W1"] = lin(ks[5], H, H); inp["c1_b1"] = jnp.zeros((H,), jnp.float32)
    inp["c1_g1"] = jnp.ones((H,), jnp.float32); inp["c1_be1"] = jnp.zeros((H,), jnp.float32)
    inp["c1_W2"] = lin(ks[6], H, H); inp["c1_b2"] = jnp.zeros((H,), jnp.float32)
    inp["bn1_g"] = jnp.ones((H,), jnp.float32); inp["bn1_b"] = jnp.zeros((H,), jnp.float32)
    # Readout linears (one per layer representation)
    inp["l0_W"] = lin(ks[7], F, C); inp["l0_b"] = jnp.zeros((C,), jnp.float32)
    inp["l1_W"] = lin(ks[8], H, C); inp["l1_b"] = jnp.zeros((C,), jnp.float32)
    inp["l2_W"] = lin(ks[9], H, C); inp["l2_b"] = jnp.zeros((C,), jnp.float32)
    return inp


def _bn_eval(h, g, b):
    # BatchNorm1d in eval mode with running_mean=0, running_var=1
    return h / jnp.sqrt(1.0 + BN_EPS) * g + b


def reference(x, edge_index, batch,
              c0_W1, c0_b1, c0_g1, c0_be1, c0_W2, c0_b2, bn0_g, bn0_b,
              c1_W1, c1_b1, c1_g1, c1_be1, c1_W2, c1_b2, bn1_g, bn1_b,
              l0_W, l0_b, l1_W, l1_b, l2_W, l2_b):
    src = edge_index[0]
    dst = edge_index[1]

    def gin_conv(h, W1, b1, g1, be1, W2, b2):
        # GINConv with eps=0 (train_eps=False): MLP((1+eps)*x + sum_{j in N(i)} x_j)
        aggr = jax.ops.segment_sum(h[src], dst, num_segments=N)
        z = h + aggr
        z = z @ W1 + b1
        z = _bn_eval(z, g1, be1)
        z = jax.nn.relu(z)
        return z @ W2 + b2

    h_list = [x]
    h = gin_conv(h_list[-1], c0_W1, c0_b1, c0_g1, c0_be1, c0_W2, c0_b2)
    h_list.append(jax.nn.relu(_bn_eval(h, bn0_g, bn0_b)))
    h = gin_conv(h_list[-1], c1_W1, c1_b1, c1_g1, c1_be1, c1_W2, c1_b2)
    h_list.append(jax.nn.relu(_bn_eval(h, bn1_g, bn1_b)))

    lins = [(l0_W, l0_b), (l1_W, l1_b), (l2_W, l2_b)]
    out = jnp.zeros((G, C), jnp.float32)
    for hi, (W, b) in zip(h_list, lins):
        pooled = jax.ops.segment_sum(hi, batch, num_segments=G)  # global_add_pool
        out = out + (pooled @ W + b)  # dropout is identity in eval mode
    return out

if __name__ == "__main__":
    import jax
    _d = setup_inputs()
    print(jax.jit(kernel)(*tuple(_d.values())))

</pallas_src>

<mosaic_0001>
#map = affine_map<(d0, d1) -> (0)>
#map1 = affine_map<(d0, d1) -> (0, 0)>
#map2 = affine_map<(d0, d1) -> (0, 0, 0)>
module attributes {stable_mosaic.version = 14 : i64} {
  func.func @aggr(%arg0: i32, %arg1: i32, %arg2: memref<320000xi32, #tpu.memory_space<hbm>>, %arg3: memref<320000xi32, #tpu.memory_space<hbm>>, %arg4: memref<10000x128xf32, #tpu.memory_space<hbm>>, %arg5: memref<2x10240x128xf32, #tpu.memory_space<hbm>>, %arg6: memref<5x64xi32, #tpu.memory_space<vmem>>, %arg7: memref<5x64xi32, #tpu.memory_space<vmem>>, %arg8: memref<5x64x128xf32, #tpu.memory_space<vmem>>, %arg9: memref<10240x128xf32, #tpu.memory_space<vmem_shared>>, %arg10: memref<!tpu.dma_semaphore, #tpu.memory_space<semaphore_mem>>, %arg11: memref<!tpu.dma_semaphore, #tpu.memory_space<semaphore_mem>>, %arg12: memref<!tpu.dma_semaphore, #tpu.memory_space<semaphore_mem>>, %arg13: memref<!tpu.dma_semaphore, #tpu.memory_space<semaphore_mem>>, %arg14: memref<!tpu.dma_semaphore, #tpu.memory_space<semaphore_mem>>, %arg15: memref<!tpu.dma_semaphore, #tpu.memory_space<semaphore_mem>>, %arg16: memref<!tpu.dma_semaphore, #tpu.memory_space<semaphore_mem>>, %arg17: memref<!tpu.dma_semaphore, #tpu.memory_space<semaphore_mem>>, %arg18: memref<!tpu.dma_semaphore, #tpu.memory_space<semaphore_mem>>, %arg19: memref<!tpu.dma_semaphore, #tpu.memory_space<semaphore_mem>>, %arg20: memref<!tpu.dma_semaphore, #tpu.memory_space<semaphore_mem>>, %arg21: memref<!tpu.dma_semaphore, #tpu.memory_space<semaphore_mem>>, %arg22: memref<!tpu.dma_semaphore, #tpu.memory_space<semaphore_mem>>, %arg23: memref<!tpu.dma_semaphore, #tpu.memory_space<semaphore_mem>>, %arg24: memref<!tpu.dma_semaphore, #tpu.memory_space<semaphore_mem>>, %arg25: memref<!tpu.dma_semaphore, #tpu.memory_space<semaphore_mem>>, %arg26: memref<!tpu.dma_semaphore, #tpu.memory_space<semaphore_mem>>, %arg27: memref<!tpu.dma_semaphore, #tpu.memory_space<semaphore_mem>>, %arg28: memref<!tpu.dma_semaphore, #tpu.memory_space<semaphore_mem>>, %arg29: memref<!tpu.dma_semaphore, #tpu.memory_space<semaphore_mem>>, %arg30: memref<!tpu.dma_semaphore, #tpu.memory_space<semaphore_mem>>) attributes {dimension_semantics = [#tpu.dimension_semantics<core_parallel>, #tpu.dimension_semantics<subcore_parallel>], iteration_bounds = array<i64: 2, 16>, scalar_prefetch = 0 : i64, scratch_operands = 25 : i64, tpu.core_type = #tpu.core_type<sc_vector_subcore>, window_params = [{transform_indices = #map}, {transform_indices = #map}, {transform_indices = #map1}, {transform_indices = #map2}]} {
    %mul3A = arith.constant 160000 : i32
    %mul3A_0 = arith.muli %arg0, %mul3A : i32
    %mul3A_1 = arith.constant 10000 : i32
    %mul3A_2 = arith.muli %arg1, %mul3A_1 : i32
    %add3A = arith.addi %mul3A_0, %mul3A_2 : i32
    %mul3A_3 = arith.constant 160000 : i32
    %mul3A_4 = arith.muli %arg0, %mul3A_3 : i32
    %mul3A_5 = arith.constant 10000 : i32
    %mul3A_6 = arith.muli %arg1, %mul3A_5 : i32
    %add3A_7 = arith.addi %mul3A_4, %mul3A_6 : i32
    %mul3A_8 = arith.constant 640 : i32
    %mul3A_9 = arith.muli %arg1, %mul3A_8 : i32
    %mul3A_10 = arith.constant 0 : i32
    %mul3A_11 = arith.muli %arg0, %mul3A_10 : i32
    %mul3A_12 = arith.constant 624 : i32
    %mul3A_13 = arith.muli %arg1, %mul3A_12 : i32
    %add3A_14 = arith.addi %mul3A_11, %mul3A_13 : i32
    %mul3A_15 = arith.constant 624 : i32
    %mul3A_16 = arith.muli %arg1, %mul3A_15 : i32
    %dma_start3A = arith.constant 0 : i32
    %dma_start3A_17 = tpu.memref_slice %arg9[%mul3A_16, %dma_start3A] : memref<10240x128xf32, #tpu.memory_space<vmem_shared>> -> memref<624x128xf32, #tpu.memory_space<vmem_shared>>
    %dma_start3A_18 = arith.constant 0 : i32
    %dma_start3A_19 = tpu.memref_slice %arg4[%add3A_14, %dma_start3A_18] : memref<10000x128xf32, #tpu.memory_space<hbm>> -> memref<624x128xf32, #tpu.memory_space<hbm>>
    tpu.enqueue_dma source(%dma_start3A_19 : memref<624x128xf32, #tpu.memory_space<hbm>>) target(%dma_start3A_17 : memref<624x128xf32, #tpu.memory_space<vmem_shared>>) target_semaphore(%arg30 : memref<!tpu.dma_semaphore, #tpu.memory_space<semaphore_mem>>)
    %mul3A_20 = arith.constant 0 : i32
    %mul3A_21 = arith.muli %arg0, %mul3A_20 : i32
    %add3A_22 = arith.constant 9984 : i32
    %add3A_23 = arith.addi %mul3A_21, %add3A_22 : i32
    %eq3A = arith.constant 0 : i32
    %eq3A_24 = arith.cmpi eq, %arg1, %eq3A : i32
    %convert_element_type3A = arith.extui %eq3A_24 : i1 to i32
    %cond3A = arith.constant 0 : i32
    %cond3A_25 = arith.cmpi ne, %convert_element_type3A, %cond3A : i32
    scf.if %cond3A_25 {
      %dma_start3A_508 = arith.constant 9984 : i32
      %dma_start3A_509 = arith.constant 0 : i32
      %dma_start3A_510 = tpu.memref_slice %arg9[%dma_start3A_508, %dma_start3A_509] : memref<10240x128xf32, #tpu.memory_space<vmem_shared>> -> memref<16x128xf32, #tpu.memory_space<vmem_shared>>
      %dma_start3A_511 = arith.constant 0 : i32
      %dma_start3A_512 = tpu.memref_slice %arg4[%add3A_23, %dma_start3A_511] : memref<10000x128xf32, #tpu.memory_space<hbm>> -> memref<16x128xf32, #tpu.memory_space<hbm>>
      tpu.enqueue_dma source(%dma_start3A_512 : memref<16x128xf32, #tpu.memory_space<hbm>>) target(%dma_start3A_510 : memref<16x128xf32, #tpu.memory_space<vmem_shared>>) target_semaphore(%arg30 : memref<!tpu.dma_semaphore, #tpu.memory_space<semaphore_mem>>)
    } else {
    }
    %add3A_26 = arith.constant 0 : i32
    %add3A_27 = arith.addi %add3A_7, %add3A_26 : i32
    %dma_start3A_28 = arith.constant 0 : i32
    %dma_start3A_29 = arith.constant 0 : i32
    %dma_start3A_30 = tpu.memref_slice %arg6[%dma_start3A_28, %dma_start3A_29] : memref<5x64xi32, #tpu.memory_space<vmem>> -> memref<1x64xi32, #tpu.memory_space<vmem>>
    %dma_start3A_31 = tpu.memref_squeeze %dma_start3A_30 : memref<1x64xi32, #tpu.memory_space<vmem>> -> memref<64xi32, #tpu.memory_space<vmem>>
    %dma_start3A_32 = tpu.memref_slice %arg2[%add3A_27] : memref<320000xi32, #tpu.memory_space<hbm>> -> memref<64xi32, #tpu.memory_space<hbm>>
    %dma_start3A_33 = arith.constant 0 : i32
    %dma_start3A_34 = tpu.memref_slice %arg6[%dma_start3A_28, %dma_start3A_33] : memref<5x64xi32, #tpu.memory_space<vmem>> -> memref<1x64xi32, #tpu.memory_space<vmem>>
    %dma_start3A_35 = tpu.memref_squeeze %dma_start3A_34 : memref<1x64xi32, #tpu.memory_space<vmem>> -> memref<64xi32, #tpu.memory_space<vmem>>
    %dma_start3A_36 = tpu.memref_slice %arg2[%add3A_27] : memref<320000xi32, #tpu.memory_space<hbm>> -> memref<64xi32, #tpu.memory_space<hbm>>
    tpu.enqueue_dma source(%dma_start3A_36 : memref<64xi32, #tpu.memory_space<hbm>>) target(%dma_start3A_35 : memref<64xi32, #tpu.memory_space<vmem>>) target_semaphore(%arg10 : memref<!tpu.dma_semaphore, #tpu.memory_space<semaphore_mem>>)
    %add3A_37 = arith.constant 0 : i32
    %add3A_38 = arith.addi %add3A, %add3A_37 : i32
    %dma_start3A_39 = arith.constant 0 : i32
    %dma_start3A_40 = arith.constant 0 : i32
    %dma_start3A_41 = tpu.memref_slice %arg7[%dma_start3A_39, %dma_start3A_40] : memref<5x64xi32, #tpu.memory_space<vmem>> -> memref<1x64xi32, #tpu.memory_space<vmem>>
    %dma_start3A_42 = tpu.memref_squeeze %dma_start3A_41 : memref<1x64xi32, #tpu.memory_space<vmem>> -> memref<64xi32, #tpu.memory_space<vmem>>
    %dma_start3A_43 = tpu.memref_slice %arg3[%add3A_38] : memref<320000xi32, #tpu.memory_space<hbm>> -> memref<64xi32, #tpu.memory_space<hbm>>
    %dma_start3A_44 = arith.constant 0 : i32
    %dma_start3A_45 = tpu.memref_slice %arg7[%dma_start3A_39, %dma_start3A_44] : memref<5x64xi32, #tpu.memory_space<vmem>> -> memref<1x64xi32, #tpu.memory_space<vmem>>
    %dma_start3A_46 = tpu.memref_squeeze %dma_start3A_45 : memref<1x64xi32, #tpu.memory_space<vmem>> -> memref<64xi32, #tpu.memory_space<vmem>>
    %dma_start3A_47 = tpu.memref_slice %arg3[%add3A_38] : memref<320000xi32, #tpu.memory_space<hbm>> -> memref<64xi32, #tpu.memory_space<hbm>>
    tpu.enqueue_dma source(%dma_start3A_47 : memref<64xi32, #tpu.memory_space<hbm>>) target(%dma_start3A_46 : memref<64xi32, #tpu.memory_space<vmem>>) target_semaphore(%arg15 : memref<!tpu.dma_semaphore, #tpu.memory_space<semaphore_mem>>)
    %add3A_48 = arith.constant 64 : i32
    %add3A_49 = arith.addi %add3A_7, %add3A_48 : i32
    %dma_start3A_50 = arith.constant 1 : i32
    %dma_start3A_51 = arith.constant 0 : i32
    %dma_start3A_52 = tpu.memref_slice %arg6[%dma_start3A_50, %dma_start3A_51] : memref<5x64xi32, #tpu.memory_space<vmem>> -> memref<1x64xi32, #tpu.memory_space<vmem>>
    %dma_start3A_53 = tpu.memref_squeeze %dma_start3A_52 : memref<1x64xi32, #tpu.memory_space<vmem>> -> memref<64xi32, #tpu.memory_space<vmem>>
    %dma_start3A_54 = tpu.memref_slice %arg2[%add3A_49] : memref<320000xi32, #tpu.memory_space<hbm>> -> memref<64xi32, #tpu.memory_space<hbm>>
    %dma_start3A_55 = arith.constant 0 : i32
    %dma_start3A_56 = tpu.memref_slice %arg6[%dma_start3A_50, %dma_start3A_55] : memref<5x64xi32, #tpu.memory_space<vmem>> -> memref<1x64xi32, #tpu.memory_space<vmem>>
    %dma_start3A_57 = tpu.memref_squeeze %dma_start3A_56 : memref<1x64xi32, #tpu.memory_space<vmem>> -> memref<64xi32, #tpu.memory_space<vmem>>
    %dma_start3A_58 = tpu.memref_slice %arg2[%add3A_49] : memref<320000xi32, #tpu.memory_space<hbm>> -> memref<64xi32, #tpu.memory_space<hbm>>
    tpu.enqueue_dma source(%dma_start3A_58 : memref<64xi32, #tpu.memory_space<hbm>>) target(%dma_start3A_57 : memref<64xi32, #tpu.memory_space<vmem>>) target_semaphore(%arg11 : memref<!tpu.dma_semaphore, #tpu.memory_space<semaphore_mem>>)
    %add3A_59 = arith.constant 64 : i32
    %add3A_60 = arith.addi %add3A, %add3A_59 : i32
    %dma_start3A_61 = arith.constant 1 : i32
    %dma_start3A_62 = arith.constant 0 : i32
    %dma_start3A_63 = tpu.memref_slice %arg7[%dma_start3A_61, %dma_start3A_62] : memref<5x64xi32, #tpu.memory_space<vmem>> -> memref<1x64xi32, #tpu.memory_space<vmem>>
    %dma_start3A_64 = tpu.memref_squeeze %dma_start3A_63 : memref<1x64xi32, #tpu.memory_space<vmem>> -> memref<64xi32, #tpu.memory_space<vmem>>
    %dma_start3A_65 = tpu.memref_slice %arg3[%add3A_60] : memref<320000xi32, #tpu.memory_space<hbm>> -> memref<64xi32, #tpu.memory_space<hbm>>
    %dma_start3A_66 = arith.constant 0 : i32
    %dma_start3A_67 = tpu.memref_slice %arg7[%dma_start3A_61, %dma_start3A_66] : memref<5x64xi32, #tpu.memory_space<vmem>> -> memref<1x64xi32, #tpu.memory_space<vmem>>
    %dma_start3A_68 = tpu.memref_squeeze %dma_start3A_67 : memref<1x64xi32, #tpu.memory_space<vmem>> -> memref<64xi32, #tpu.memory_space<vmem>>
    %dma_start3A_69 = tpu.memref_slice %arg3[%add3A_60] : memref<320000xi32, #tpu.memory_space<hbm>> -> memref<64xi32, #tpu.memory_space<hbm>>
    tpu.enqueue_dma source(%dma_start3A_69 : memref<64xi32, #tpu.memory_space<hbm>>) target(%dma_start3A_68 : memref<64xi32, #tpu.memory_space<vmem>>) target_semaphore(%arg16 : memref<!tpu.dma_semaphore, #tpu.memory_space<semaphore_mem>>)
    %add3A_70 = arith.constant 128 : i32
    %add3A_71 = arith.addi %add3A_7, %add3A_70 : i32
    %dma_start3A_72 = arith.constant 2 : i32
    %dma_start3A_73 = arith.constant 0 : i32
    %dma_start3A_74 = tpu.memref_slice %arg6[%dma_start3A_72, %dma_start3A_73] : memref<5x64xi32, #tpu.memory_space<vmem>> -> memref<1x64xi32, #tpu.memory_space<vmem>>
    %dma_start3A_75 = tpu.memref_squeeze %dma_start3A_74 : memref<1x64xi32, #tpu.memory_space<vmem>> -> memref<64xi32, #tpu.memory_space<vmem>>
    %dma_start3A_76 = tpu.memref_slice %arg2[%add3A_71] : memref<320000xi32, #tpu.memory_space<hbm>> -> memref<64xi32, #tpu.memory_space<hbm>>
    %dma_start3A_77 = arith.constant 0 : i32
    %dma_start3A_78 = tpu.memref_slice %arg6[%dma_start3A_72, %dma_start3A_77] : memref<5x64xi32, #tpu.memory_space<vmem>> -> memref<1x64xi32, #tpu.memory_space<vmem>>
    %dma_start3A_79 = tpu.memref_squeeze %dma_start3A_78 : memref<1x64xi32, #tpu.memory_space<vmem>> -> memref<64xi32, #tpu.memory_space<vmem>>
    %dma_start3A_80 = tpu.memref_slice %arg2[%add3A_71] : memref<320000xi32, #tpu.memory_space<hbm>> -> memref<64xi32, #tpu.memory_space<hbm>>
    tpu.enqueue_dma source(%dma_start3A_80 : memref<64xi32, #tpu.memory_space<hbm>>) target(%dma_start3A_79 : memref<64xi32, #tpu.memory_space<vmem>>) target_semaphore(%arg12 : memref<!tpu.dma_semaphore, #tpu.memory_space<semaphore_mem>>)
    %add3A_81 = arith.constant 128 : i32
    %add3A_82 = arith.addi %add3A, %add3A_81 : i32
    %dma_start3A_83 = arith.constant 2 : i32
    %dma_start3A_84 = arith.constant 0 : i32
    %dma_start3A_85 = tpu.memref_slice %arg7[%dma_start3A_83, %dma_start3A_84] : memref<5x64xi32, #tpu.memory_space<vmem>> -> memref<1x64xi32, #tpu.memory_space<vmem>>
    %dma_start3A_86 = tpu.memref_squeeze %dma_start3A_85 : memref<1x64xi32, #tpu.memory_space<vmem>> -> memref<64xi32, #tpu.memory_space<vmem>>
    %dma_start3A_87 = tpu.memref_slice %arg3[%add3A_82] : memref<320000xi32, #tpu.memory_space<hbm>> -> memref<64xi32, #tpu.memory_space<hbm>>
    %dma_start3A_88 = arith.constant 0 : i32
    %dma_start3A_89 = tpu.memref_slice %arg7[%dma_start3A_83, %dma_start3A_88] : memref<5x64xi32, #tpu.memory_space<vmem>> -> memref<1x64xi32, #tpu.memory_space<vmem>>
    %dma_start3A_90 = tpu.memref_squeeze %dma_start3A_89 : memref<1x64xi32, #tpu.memory_space<vmem>> -> memref<64xi32, #tpu.memory_space<vmem>>
    %dma_start3A_91 = tpu.memref_slice %arg3[%add3A_82] : memref<320000xi32, #tpu.memory_space<hbm>> -> memref<64xi32, #tpu.memory_space<hbm>>
    tpu.enqueue_dma source(%dma_start3A_91 : memref<64xi32, #tpu.memory_space<hbm>>) target(%dma_start3A_90 : memref<64xi32, #tpu.memory_space<vmem>>) target_semaphore(%arg17 : memref<!tpu.dma_semaphore, #tpu.memory_space<semaphore_mem>>)
    %add3A_92 = arith.constant 192 : i32
    %add3A_93 = arith.addi %add3A_7, %add3A_92 : i32
    %dma_start3A_94 = arith.constant 3 : i32
    %dma_start3A_95 = arith.constant 0 : i32
    %dma_start3A_96 = tpu.memref_slice %arg6[%dma_start3A_94, %dma_start3A_95] : memref<5x64xi32, #tpu.memory_space<vmem>> -> memref<1x64xi32, #tpu.memory_space<vmem>>
    %dma_start3A_97 = tpu.memref_squeeze %dma_start3A_96 : memref<1x64xi32, #tpu.memory_space<vmem>> -> memref<64xi32, #tpu.memory_space<vmem>>
    %dma_start3A_98 = tpu.memref_slice %arg2[%add3A_93] : memref<320000xi32, #tpu.memory_space<hbm>> -> memref<64xi32, #tpu.memory_space<hbm>>
    %dma_start3A_99 = arith.constant 0 : i32
    %dma_start3A_100 = tpu.memref_slice %arg6[%dma_start3A_94, %dma_start3A_99] : memref<5x64xi32, #tpu.memory_space<vmem>> -> memref<1x64xi32, #tpu.memory_space<vmem>>
    %dma_start3A_101 = tpu.memref_squeeze %dma_start3A_100 : memref<1x64xi32, #tpu.memory_space<vmem>> -> memref<64xi32, #tpu.memory_space<vmem>>
    %dma_start3A_102 = tpu.memref_slice %arg2[%add3A_93] : memref<320000xi32, #tpu.memory_space<hbm>> -> memref<64xi32, #tpu.memory_space<hbm>>
    tpu.enqueue_dma source(%dma_start3A_102 : memref<64xi32, #tpu.memory_space<hbm>>) target(%dma_start3A_101 : memref<64xi32, #tpu.memory_space<vmem>>) target_semaphore(%arg13 : memref<!tpu.dma_semaphore, #tpu.memory_space<semaphore_mem>>)
    %add3A_103 = arith.constant 192 : i32
    %add3A_104 = arith.addi %add3A, %add3A_103 : i32
    %dma_start3A_105 = arith.constant 3 : i32
    %dma_start3A_106 = arith.constant 0 : i32
    %dma_start3A_107 = tpu.memref_slice %arg7[%dma_start3A_105, %dma_start3A_106] : memref<5x64xi32, #tpu.memory_space<vmem>> -> memref<1x64xi32, #tpu.memory_space<vmem>>
    %dma_start3A_108 = tpu.memref_squeeze %dma_start3A_107 : memref<1x64xi32, #tpu.memory_space<vmem>> -> memref<64xi32, #tpu.memory_space<vmem>>
    %dma_start3A_109 = tpu.memref_slice %arg3[%add3A_104] : memref<320000xi32, #tpu.memory_space<hbm>> -> memref<64xi32, #tpu.memory_space<hbm>>
    %dma_start3A_110 = arith.constant 0 : i32
    %dma_start3A_111 = tpu.memref_slice %arg7[%dma_start3A_105, %dma_start3A_110] : memref<5x64xi32, #tpu.memory_space<vmem>> -> memref<1x64xi32, #tpu.memory_space<vmem>>
    %dma_start3A_112 = tpu.memref_squeeze %dma_start3A_111 : memref<1x64xi32, #tpu.memory_space<vmem>> -> memref<64xi32, #tpu.memory_space<vmem>>
    %dma_start3A_113 = tpu.memref_slice %arg3[%add3A_104] : memref<320000xi32, #tpu.memory_space<hbm>> -> memref<64xi32, #tpu.memory_space<hbm>>
    tpu.enqueue_dma source(%dma_start3A_113 : memref<64xi32, #tpu.memory_space<hbm>>) target(%dma_start3A_112 : memref<64xi32, #tpu.memory_space<vmem>>) target_semaphore(%arg18 : memref<!tpu.dma_semaphore, #tpu.memory_space<semaphore_mem>>)
    %add3A_114 = arith.constant 256 : i32
    %add3A_115 = arith.addi %add3A_7, %add3A_114 : i32
    %dma_start3A_116 = arith.constant 4 : i32
    %dma_start3A_117 = arith.constant 0 : i32
    %dma_start3A_118 = tpu.memref_slice %arg6[%dma_start3A_116, %dma_start3A_117] : memref<5x64xi32, #tpu.memory_space<vmem>> -> memref<1x64xi32, #tpu.memory_space<vmem>>
    %dma_start3A_119 = tpu.memref_squeeze %dma_start3A_118 : memref<1x64xi32, #tpu.memory_space<vmem>> -> memref<64xi32, #tpu.memory_space<vmem>>
    %dma_start3A_120 = tpu.memref_slice %arg2[%add3A_115] : memref<320000xi32, #tpu.memory_space<hbm>> -> memref<64xi32, #tpu.memory_space<hbm>>
    %dma_start3A_121 = arith.constant 0 : i32
    %dma_start3A_122 = tpu.memref_slice %arg6[%dma_start3A_116, %dma_start3A_121] : memref<5x64xi32, #tpu.memory_space<vmem>> -> memref<1x64xi32, #tpu.memory_space<vmem>>
    %dma_start3A_123 = tpu.memref_squeeze %dma_start3A_122 : memref<1x64xi32, #tpu.memory_space<vmem>> -> memref<64xi32, #tpu.memory_space<vmem>>
    %dma_start3A_124 = tpu.memref_slice %arg2[%add3A_115] : memref<320000xi32, #tpu.memory_space<hbm>> -> memref<64xi32, #tpu.memory_space<hbm>>
    tpu.enqueue_dma source(%dma_start3A_124 : memref<64xi32, #tpu.memory_space<hbm>>) target(%dma_start3A_123 : memref<64xi32, #tpu.memory_space<vmem>>) target_semaphore(%arg14 : memref<!tpu.dma_semaphore, #tpu.memory_space<semaphore_mem>>)
    %add3A_125 = arith.constant 256 : i32
    %add3A_126 = arith.addi %add3A, %add3A_125 : i32
    %dma_start3A_127 = arith.constant 4 : i32
    %dma_start3A_128 = arith.constant 0 : i32
    %dma_start3A_129 = tpu.memref_slice %arg7[%dma_start3A_127, %dma_start3A_128] : memref<5x64xi32, #tpu.memory_space<vmem>> -> memref<1x64xi32, #tpu.memory_space<vmem>>
    %dma_start3A_130 = tpu.memref_squeeze %dma_start3A_129 : memref<1x64xi32, #tpu.memory_space<vmem>> -> memref<64xi32, #tpu.memory_space<vmem>>
    %dma_start3A_131 = tpu.memref_slice %arg3[%add3A_126] : memref<320000xi32, #tpu.memory_space<hbm>> -> memref<64xi32, #tpu.memory_space<hbm>>
    %dma_start3A_132 = arith.constant 0 : i32
    %dma_start3A_133 = tpu.memref_slice %arg7[%dma_start3A_127, %dma_start3A_132] : memref<5x64xi32, #tpu.memory_space<vmem>> -> memref<1x64xi32, #tpu.memory_space<vmem>>
    %dma_start3A_134 = tpu.memref_squeeze %dma_start3A_133 : memref<1x64xi32, #tpu.memory_space<vmem>> -> memref<64xi32, #tpu.memory_space<vmem>>
    %dma_start3A_135 = tpu.memref_slice %arg3[%add3A_126] : memref<320000xi32, #tpu.memory_space<hbm>> -> memref<64xi32, #tpu.memory_space<hbm>>
    tpu.enqueue_dma source(%dma_start3A_135 : memref<64xi32, #tpu.memory_space<hbm>>) target(%dma_start3A_134 : memref<64xi32, #tpu.memory_space<vmem>>) target_semaphore(%arg19 : memref<!tpu.dma_semaphore, #tpu.memory_space<semaphore_mem>>)
    %dma_wait3A = arith.constant 0 : i32
    %dma_wait3A_136 = tpu.memref_slice %arg9[%mul3A_16, %dma_wait3A] : memref<10240x128xf32, #tpu.memory_space<vmem_shared>> -> memref<624x128xf32, #tpu.memory_space<vmem_shared>>
    %dma_wait3A_137 = arith.constant 0 : i32
    %dma_wait3A_138 = tpu.memref_slice %arg4[%add3A_14, %dma_wait3A_137] : memref<10000x128xf32, #tpu.memory_space<hbm>> -> memref<624x128xf32, #tpu.memory_space<hbm>>
    tpu.wait_dma2 semaphore(%arg30 : memref<!tpu.dma_semaphore, #tpu.memory_space<semaphore_mem>>) src(%dma_wait3A_138 : memref<624x128xf32, #tpu.memory_space<hbm>>) dst(%dma_wait3A_136 : memref<624x128xf32, #tpu.memory_space<vmem_shared>>)
    %eq3A_139 = arith.constant 0 : i32
    %eq3A_140 = arith.cmpi eq, %arg1, %eq3A_139 : i32
    %convert_element_type3A_141 = arith.extui %eq3A_140 : i1 to i32
    %cond3A_142 = arith.constant 0 : i32
    %cond3A_143 = arith.cmpi ne, %convert_element_type3A_141, %cond3A_142 : i32
    scf.if %cond3A_143 {
      %dma_wait3A_508 = arith.constant 9984 : i32
      %dma_wait3A_509 = arith.constant 0 : i32
      %dma_wait3A_510 = tpu.memref_slice %arg9[%dma_wait3A_508, %dma_wait3A_509] : memref<10240x128xf32, #tpu.memory_space<vmem_shared>> -> memref<16x128xf32, #tpu.memory_space<vmem_shared>>
      %dma_wait3A_511 = arith.constant 0 : i32
      %dma_wait3A_512 = tpu.memref_slice %arg4[%add3A_23, %dma_wait3A_511] : memref<10000x128xf32, #tpu.memory_space<hbm>> -> memref<16x128xf32, #tpu.memory_space<hbm>>
      tpu.wait_dma2 semaphore(%arg30 : memref<!tpu.dma_semaphore, #tpu.memory_space<semaphore_mem>>) src(%dma_wait3A_512 : memref<16x128xf32, #tpu.memory_space<hbm>>) dst(%dma_wait3A_510 : memref<16x128xf32, #tpu.memory_space<vmem_shared>>)
    } else {
    }
    %barrier3A = arith.constant 0 : index
    tpu.barrier barrier_id(%barrier3A)
    %add3A_144 = arith.constant 0 : i32
    %add3A_145 = arith.addi %add3A_7, %add3A_144 : i32
    %dma_wait3A_146 = arith.constant 0 : i32
    %dma_wait3A_147 = arith.constant 0 : i32
    %dma_wait3A_148 = tpu.memref_slice %arg6[%dma_wait3A_146, %dma_wait3A_147] : memref<5x64xi32, #tpu.memory_space<vmem>> -> memref<1x64xi32, #tpu.memory_space<vmem>>
    %dma_wait3A_149 = tpu.memref_squeeze %dma_wait3A_148 : memref<1x64xi32, #tpu.memory_space<vmem>> -> memref<64xi32, #tpu.memory_space<vmem>>
    %dma_wait3A_150 = tpu.memref_slice %arg2[%add3A_145] : memref<320000xi32, #tpu.memory_space<hbm>> -> memref<64xi32, #tpu.memory_space<hbm>>
    %dma_wait3A_151 = arith.constant 0 : i32
    %dma_wait3A_152 = tpu.memref_slice %arg6[%dma_wait3A_146, %dma_wait3A_151] : memref<5x64xi32, #tpu.memory_space<vmem>> -> memref<1x64xi32, #tpu.memory_space<vmem>>
    %dma_wait3A_153 = tpu.memref_squeeze %dma_wait3A_152 : memref<1x64xi32, #tpu.memory_space<vmem>> -> memref<64xi32, #tpu.memory_space<vmem>>
    %dma_wait3A_154 = tpu.memref_slice %arg2[%add3A_145] : memref<320000xi32, #tpu.memory_space<hbm>> -> memref<64xi32, #tpu.memory_space<hbm>>
    tpu.wait_dma2 semaphore(%arg10 : memref<!tpu.dma_semaphore, #tpu.memory_space<semaphore_mem>>) src(%dma_wait3A_154 : memref<64xi32, #tpu.memory_space<hbm>>) dst(%dma_wait3A_153 : memref<64xi32, #tpu.memory_space<vmem>>)
    %dma_start3A_155 = arith.constant 0 : i32
    %dma_start3A_156 = arith.constant 0 : i32
    %dma_start3A_157 = arith.constant 0 : i32
    %dma_start3A_158 = arith.constant 0 : i32
    %dma_start3A_159 = tpu.memref_slice %arg8[%dma_start3A_156, %dma_start3A_157, %dma_start3A_158] : memref<5x64x128xf32, #tpu.memory_space<vmem>> -> memref<1x64x128xf32, #tpu.memory_space<vmem>>
    %dma_start3A_160 = tpu.memref_squeeze %dma_start3A_159 : memref<1x64x128xf32, #tpu.memory_space<vmem>> -> memref<64x128xf32, #tpu.memory_space<vmem>>
    %dma_start3A_161 = arith.constant 0 : i32
    %dma_start3A_162 = tpu.memref_slice %arg6[%dma_start3A_155, %dma_start3A_161] : memref<5x64xi32, #tpu.memory_space<vmem>> -> memref<1x64xi32, #tpu.memory_space<vmem>>
    %dma_start3A_163 = tpu.memref_squeeze %dma_start3A_162 : memref<1x64xi32, #tpu.memory_space<vmem>> -> memref<64xi32, #tpu.memory_space<vmem>>
    %dma_start3A_164 = arith.constant 0 : i32
    %dma_start3A_165 = arith.constant 0 : i32
    %dma_start3A_166 = tpu.memref_slice %arg4[%dma_start3A_164, %dma_start3A_165] : memref<10000x128xf32, #tpu.memory_space<hbm>> -> memref<10000x128xf32, #tpu.memory_space<hbm>>
    tpu.enqueue_indirect_dma source(%dma_start3A_166 : memref<10000x128xf32, #tpu.memory_space<hbm>>) target(%dma_start3A_160 : memref<64x128xf32, #tpu.memory_space<vmem>>) offsets(%dma_start3A_163 : memref<64xi32, #tpu.memory_space<vmem>>) semaphore(%arg20 : memref<!tpu.dma_semaphore, #tpu.memory_space<semaphore_mem>>)
    %add3A_167 = arith.constant 64 : i32
    %add3A_168 = arith.addi %add3A_7, %add3A_167 : i32
    %dma_wait3A_169 = arith.constant 1 : i32
    %dma_wait3A_170 = arith.constant 0 : i32
    %dma_wait3A_171 = tpu.memref_slice %arg6[%dma_wait3A_169, %dma_wait3A_170] : memref<5x64xi32, #tpu.memory_space<vmem>> -> memref<1x64xi32, #tpu.memory_space<vmem>>
    %dma_wait3A_172 = tpu.memref_squeeze %dma_wait3A_171 : memref<1x64xi32, #tpu.memory_space<vmem>> -> memref<64xi32, #tpu.memory_space<vmem>>
    %dma_wait3A_173 = tpu.memref_slice %arg2[%add3A_168] : memref<320000xi32, #tpu.memory_space<hbm>> -> memref<64xi32, #tpu.memory_space<hbm>>
    %dma_wait3A_174 = arith.constant 0 : i32
    %dma_wait3A_175 = tpu.memref_slice %arg6[%dma_wait3A_169, %dma_wait3A_174] : memref<5x64xi32, #tpu.memory_space<vmem>> -> memref<1x64xi32, #tpu.memory_space<vmem>>
    %dma_wait3A_176 = tpu.memref_squeeze %dma_wait3A_175 : memref<1x64xi32, #tpu.memory_space<vmem>> -> memref<64xi32, #tpu.memory_space<vmem>>
    %dma_wait3A_177 = tpu.memref_slice %arg2[%add3A_168] : memref<320000xi32, #tpu.memory_space<hbm>> -> memref<64xi32, #tpu.memory_space<hbm>>
    tpu.wait_dma2 semaphore(%arg11 : memref<!tpu.dma_semaphore, #tpu.memory_space<semaphore_mem>>) src(%dma_wait3A_177 : memref<64xi32, #tpu.memory_space<hbm>>) dst(%dma_wait3A_176 : memref<64xi32, #tpu.memory_space<vmem>>)
    %dma_start3A_178 = arith.constant 1 : i32
    %dma_start3A_179 = arith.constant 1 : i32
    %dma_start3A_180 = arith.constant 0 : i32
    %dma_start3A_181 = arith.constant 0 : i32
    %dma_start3A_182 = tpu.memref_slice %arg8[%dma_start3A_179, %dma_start3A_180, %dma_start3A_181] : memref<5x64x128xf32, #tpu.memory_space<vmem>> -> memref<1x64x128xf32, #tpu.memory_space<vmem>>
    %dma_start3A_183 = tpu.memref_squeeze %dma_start3A_182 : memref<1x64x128xf32, #tpu.memory_space<vmem>> -> memref<64x128xf32, #tpu.memory_space<vmem>>
    %dma_start3A_184 = arith.constant 0 : i32
    %dma_start3A_185 = tpu.memref_slice %arg6[%dma_start3A_178, %dma_start3A_184] : memref<5x64xi32, #tpu.memory_space<vmem>> -> memref<1x64xi32, #tpu.memory_space<vmem>>
    %dma_start3A_186 = tpu.memref_squeeze %dma_start3A_185 : memref<1x64xi32, #tpu.memory_space<vmem>> -> memref<64xi32, #tpu.memory_space<vmem>>
    %dma_start3A_187 = arith.constant 0 : i32
    %dma_start3A_188 = arith.constant 0 : i32
    %dma_start3A_189 = tpu.memref_slice %arg4[%dma_start3A_187, %dma_start3A_188] : memref<10000x128xf32, #tpu.memory_space<hbm>> -> memref<10000x128xf32, #tpu.memory_space<hbm>>
    tpu.enqueue_indirect_dma source(%dma_start3A_189 : memref<10000x128xf32, #tpu.memory_space<hbm>>) target(%dma_start3A_183 : memref<64x128xf32, #tpu.memory_space<vmem>>) offsets(%dma_start3A_186 : memref<64xi32, #tpu.memory_space<vmem>>) semaphore(%arg21 : memref<!tpu.dma_semaphore, #tpu.memory_space<semaphore_mem>>)
    %add3A_190 = arith.constant 128 : i32
    %add3A_191 = arith.addi %add3A_7, %add3A_190 : i32
    %dma_wait3A_192 = arith.constant 2 : i32
    %dma_wait3A_193 = arith.constant 0 : i32
    %dma_wait3A_194 = tpu.memref_slice %arg6[%dma_wait3A_192, %dma_wait3A_193] : memref<5x64xi32, #tpu.memory_space<vmem>> -> memref<1x64xi32, #tpu.memory_space<vmem>>
    %dma_wait3A_195 = tpu.memref_squeeze %dma_wait3A_194 : memref<1x64xi32, #tpu.memory_space<vmem>> -> memref<64xi32, #tpu.memory_space<vmem>>
    %dma_wait3A_196 = tpu.memref_slice %arg2[%add3A_191] : memref<320000xi32, #tpu.memory_space<hbm>> -> memref<64xi32, #tpu.memory_space<hbm>>
    %dma_wait3A_197 = arith.constant 0 : i32
    %dma_wait3A_198 = tpu.memref_slice %arg6[%dma_wait3A_192, %dma_wait3A_197] : memref<5x64xi32, #tpu.memory_space<vmem>> -> memref<1x64xi32, #tpu.memory_space<vmem>>
    %dma_wait3A_199 = tpu.memref_squeeze %dma_wait3A_198 : memref<1x64xi32, #tpu.memory_space<vmem>> -> memref<64xi32, #tpu.memory_space<vmem>>
    %dma_wait3A_200 = tpu.memref_slice %arg2[%add3A_191] : memref<320000xi32, #tpu.memory_space<hbm>> -> memref<64xi32, #tpu.memory_space<hbm>>
    tpu.wait_dma2 semaphore(%arg12 : memref<!tpu.dma_semaphore, #tpu.memory_space<semaphore_mem>>) src(%dma_wait3A_200 : memref<64xi32, #tpu.memory_space<hbm>>) dst(%dma_wait3A_199 : memref<64xi32, #tpu.memory_space<vmem>>)
    %dma_start3A_201 = arith.constant 2 : i32
    %dma_start3A_202 = arith.constant 2 : i32
    %dma_start3A_203 = arith.constant 0 : i32
    %dma_start3A_204 = arith.constant 0 : i32
    %dma_start3A_205 = tpu.memref_slice %arg8[%dma_start3A_202, %dma_start3A_203, %dma_start3A_204] : memref<5x64x128xf32, #tpu.memory_space<vmem>> -> memref<1x64x128xf32, #tpu.memory_space<vmem>>
    %dma_start3A_206 = tpu.memref_squeeze %dma_start3A_205 : memref<1x64x128xf32, #tpu.memory_space<vmem>> -> memref<64x128xf32, #tpu.memory_space<vmem>>
    %dma_start3A_207 = arith.constant 0 : i32
    %dma_start3A_208 = tpu.memref_slice %arg6[%dma_start3A_201, %dma_start3A_207] : memref<5x64xi32, #tpu.memory_space<vmem>> -> memref<1x64xi32, #tpu.memory_space<vmem>>
    %dma_start3A_209 = tpu.memref_squeeze %dma_start3A_208 : memref<1x64xi32, #tpu.memory_space<vmem>> -> memref<64xi32, #tpu.memory_space<vmem>>
    %dma_start3A_210 = arith.constant 0 : i32
    %dma_start3A_211 = arith.constant 0 : i32
    %dma_start3A_212 = tpu.memref_slice %arg4[%dma_start3A_210, %dma_start3A_211] : memref<10000x128xf32, #tpu.memory_space<hbm>> -> memref<10000x128xf32, #tpu.memory_space<hbm>>
    tpu.enqueue_indirect_dma source(%dma_start3A_212 : memref<10000x128xf32, #tpu.memory_space<hbm>>) target(%dma_start3A_206 : memref<64x128xf32, #tpu.memory_space<vmem>>) offsets(%dma_start3A_209 : memref<64xi32, #tpu.memory_space<vmem>>) semaphore(%arg22 : memref<!tpu.dma_semaphore, #tpu.memory_space<semaphore_mem>>)
    %scan3A = arith.constant 0 : i32
    %scan3A_213 = arith.constant 31 : i32
    %scan3A_214 = arith.addi %scan3A, %scan3A_213 : i32
    %scan3A_215 = arith.constant 1 : i32
    scf.for %scan3A_508 = %scan3A to %scan3A_214 step %scan3A_215  : i32 {
      %mul3A_509 = arith.constant 5 : i32
      %mul3A_510 = arith.muli %scan3A_508, %mul3A_509 : i32
      %add3A_511 = arith.constant 0 : i32
      %add3A_512 = arith.addi %add3A_511, %mul3A_510 : i32
      %add3A_513 = arith.constant 0 : i32
      %add3A_514 = arith.addi %add3A_512, %add3A_513 : i32
      %dma_wait3A_515 = arith.constant 0 : i32
      %dma_wait3A_516 = arith.constant 0 : i32
      %dma_wait3A_517 = arith.constant 0 : i32
      %dma_wait3A_518 = arith.constant 0 : i32
      %dma_wait3A_519 = tpu.memref_slice %arg8[%dma_wait3A_516, %dma_wait3A_517, %dma_wait3A_518] : memref<5x64x128xf32, #tpu.memory_space<vmem>> -> memref<1x64x128xf32, #tpu.memory_space<vmem>>
      %dma_wait3A_520 = tpu.memref_squeeze %dma_wait3A_519 : memref<1x64x128xf32, #tpu.memory_space<vmem>> -> memref<64x128xf32, #tpu.memory_space<vmem>>
      %dma_wait3A_521 = arith.constant 0 : i32
      %dma_wait3A_522 = tpu.memref_slice %arg6[%dma_wait3A_515, %dma_wait3A_521] : memref<5x64xi32, #tpu.memory_space<vmem>> -> memref<1x64xi32, #tpu.memory_space<vmem>>
      %dma_wait3A_523 = tpu.memref_squeeze %dma_wait3A_522 : memref<1x64xi32, #tpu.memory_space<vmem>> -> memref<64xi32, #tpu.memory_space<vmem>>
      %dma_wait3A_524 = arith.constant 0 : i32
      %dma_wait3A_525 = arith.constant 0 : i32
      %dma_wait3A_526 = tpu.memref_slice %arg4[%dma_wait3A_524, %dma_wait3A_525] : memref<10000x128xf32, #tpu.memory_space<hbm>> -> memref<10000x128xf32, #tpu.memory_space<hbm>>
      tpu.wait_indirect_dma semaphore(%arg20 : memref<!tpu.dma_semaphore, #tpu.memory_space<semaphore_mem>>) src(%dma_wait3A_526 : memref<10000x128xf32, #tpu.memory_space<hbm>>) dst(%dma_wait3A_520 : memref<64x128xf32, #tpu.memory_space<vmem>>)
      %mul3A_527 = arith.constant 64 : i32
      %mul3A_528 = arith.muli %add3A_514, %mul3A_527 : i32
      %add3A_529 = arith.addi %add3A, %mul3A_528 : i32
      %dma_wait3A_530 = arith.constant 0 : i32
      %dma_wait3A_531 = arith.constant 0 : i32
      %dma_wait3A_532 = tpu.memref_slice %arg7[%dma_wait3A_530, %dma_wait3A_531] : memref<5x64xi32, #tpu.memory_space<vmem>> -> memref<1x64xi32, #tpu.memory_space<vmem>>
      %dma_wait3A_533 = tpu.memref_squeeze %dma_wait3A_532 : memref<1x64xi32, #tpu.memory_space<vmem>> -> memref<64xi32, #tpu.memory_space<vmem>>
      %dma_wait3A_534 = tpu.memref_slice %arg3[%add3A_529] : memref<320000xi32, #tpu.memory_space<hbm>> -> memref<64xi32, #tpu.memory_space<hbm>>
      %dma_wait3A_535 = arith.constant 0 : i32
      %dma_wait3A_536 = tpu.memref_slice %arg7[%dma_wait3A_530, %dma_wait3A_535] : memref<5x64xi32, #tpu.memory_space<vmem>> -> memref<1x64xi32, #tpu.memory_space<vmem>>
      %dma_wait3A_537 = tpu.memref_squeeze %dma_wait3A_536 : memref<1x64xi32, #tpu.memory_space<vmem>> -> memref<64xi32, #tpu.memory_space<vmem>>
      %dma_wait3A_538 = tpu.memref_slice %arg3[%add3A_529] : memref<320000xi32, #tpu.memory_space<hbm>> -> memref<64xi32, #tpu.memory_space<hbm>>
      tpu.wait_dma2 semaphore(%arg15 : memref<!tpu.dma_semaphore, #tpu.memory_space<semaphore_mem>>) src(%dma_wait3A_538 : memref<64xi32, #tpu.memory_space<hbm>>) dst(%dma_wait3A_537 : memref<64xi32, #tpu.memory_space<vmem>>)
      %dma_start3A_539 = arith.constant 0 : i32
      %dma_start3A_540 = arith.constant 0 : i32
      %dma_start3A_541 = arith.constant 0 : i32
      %dma_start3A_542 = arith.constant 0 : i32
      %dma_start3A_543 = tpu.memref_slice %arg8[%dma_start3A_539, %dma_start3A_541, %dma_start3A_542] : memref<5x64x128xf32, #tpu.memory_space<vmem>> -> memref<1x64x128xf32, #tpu.memory_space<vmem>>
      %dma_start3A_544 = tpu.memref_squeeze %dma_start3A_543 : memref<1x64x128xf32, #tpu.memory_space<vmem>> -> memref<64x128xf32, #tpu.memory_space<vmem>>
      %dma_start3A_545 = arith.constant 0 : i32
      %dma_start3A_546 = tpu.memref_slice %arg7[%dma_start3A_540, %dma_start3A_545] : memref<5x64xi32, #tpu.memory_space<vmem>> -> memref<1x64xi32, #tpu.memory_space<vmem>>
      %dma_start3A_547 = tpu.memref_squeeze %dma_start3A_546 : memref<1x64xi32, #tpu.memory_space<vmem>> -> memref<64xi32, #tpu.memory_space<vmem>>
      %dma_start3A_548 = arith.constant 0 : i32
      %dma_start3A_549 = arith.constant 0 : i32
      %dma_start3A_550 = tpu.memref_slice %arg9[%dma_start3A_548, %dma_start3A_549] : memref<10240x128xf32, #tpu.memory_space<vmem_shared>> -> memref<10240x128xf32, #tpu.memory_space<vmem_shared>>
      tpu.enqueue_indirect_dma source(%dma_start3A_544 : memref<64x128xf32, #tpu.memory_space<vmem>>) target(%dma_start3A_550 : memref<10240x128xf32, #tpu.memory_space<vmem_shared>>) offsets(%dma_start3A_547 : memref<64xi32, #tpu.memory_space<vmem>>) semaphore(%arg25 : memref<!tpu.dma_semaphore, #tpu.memory_space<semaphore_mem>>) {add = true}
      %add3A_551 = arith.constant 5 : i32
      %add3A_552 = arith.addi %add3A_514, %add3A_551 : i32
      %lt3A = arith.constant 155 : i32
      %lt3A_553 = arith.cmpi slt, %add3A_552, %lt3A : i32
      %convert_element_type3A_554 = arith.extui %lt3A_553 : i1 to i32
      %cond3A_555 = arith.constant 0 : i32
      %cond3A_556 = arith.cmpi ne, %convert_element_type3A_554, %cond3A_555 : i32
      scf.if %cond3A_556 {
        %add3A_820 = arith.constant 5 : i32
        %add3A_821 = arith.addi %add3A_514, %add3A_820 : i32
        %mul3A_822 = arith.constant 64 : i32
        %mul3A_823 = arith.muli %add3A_821, %mul3A_822 : i32
        %add3A_824 = arith.addi %add3A_7, %mul3A_823 : i32
        %dma_start3A_825 = arith.constant 0 : i32
        %dma_start3A_826 = arith.constant 0 : i32
        %dma_start3A_827 = tpu.memref_slice %arg6[%dma_start3A_825, %dma_start3A_826] : memref<5x64xi32, #tpu.memory_space<vmem>> -> memref<1x64xi32, #tpu.memory_space<vmem>>
        %dma_start3A_828 = tpu.memref_squeeze %dma_start3A_827 : memref<1x64xi32, #tpu.memory_space<vmem>> -> memref<64xi32, #tpu.memory_space<vmem>>
        %dma_start3A_829 = tpu.memref_slice %arg2[%add3A_824] : memref<320000xi32, #tpu.memory_space<hbm>> -> memref<64xi32, #tpu.memory_space<hbm>>
        %dma_start3A_830 = arith.constant 0 : i32
        %dma_start3A_831 = tpu.memref_slice %arg6[%dma_start3A_825, %dma_start3A_830] : memref<5x64xi32, #tpu.memory_space<vmem>> -> memref<1x64xi32, #tpu.memory_space<vmem>>
        %dma_start3A_832 = tpu.memref_squeeze %dma_start3A_831 : memref<1x64xi32, #tpu.memory_space<vmem>> -> memref<64xi32, #tpu.memory_space<vmem>>
        %dma_start3A_833 = tpu.memref_slice %arg2[%add3A_824] : memref<320000xi32, #tpu.memory_space<hbm>> -> memref<64xi32, #tpu.memory_space<hbm>>
        tpu.enqueue_dma source(%dma_start3A_833 : memref<64xi32, #tpu.memory_space<hbm>>) target(%dma_start3A_832 : memref<64xi32, #tpu.memory_space<vmem>>) target_semaphore(%arg10 : memref<!tpu.dma_semaphore, #tpu.memory_space<semaphore_mem>>)
      } else {
      }
      %ge3A = arith.constant 2 : i32
      %ge3A_557 = arith.cmpi sge, %add3A_514, %ge3A : i32
      %add3A_558 = arith.constant 3 : i32
      %add3A_559 = arith.addi %add3A_514, %add3A_558 : i32
      %lt3A_560 = arith.constant 155 : i32
      %lt3A_561 = arith.cmpi slt, %add3A_559, %lt3A_560 : i32
      %and3A = arith.andi %ge3A_557, %lt3A_561 : i1
      %convert_element_type3A_562 = arith.extui %and3A : i1 to i32
      %cond3A_563 = arith.constant 0 : i32
      %cond3A_564 = arith.cmpi ne, %convert_element_type3A_562, %cond3A_563 : i32
      scf.if %cond3A_564 {
        %dma_wait3A_820 = arith.constant 3 : i32
        %dma_wait3A_821 = arith.constant 3 : i32
        %dma_wait3A_822 = arith.constant 0 : i32
        %dma_wait3A_823 = arith.constant 0 : i32
        %dma_wait3A_824 = tpu.memref_slice %arg8[%dma_wait3A_820, %dma_wait3A_822, %dma_wait3A_823] : memref<5x64x128xf32, #tpu.memory_space<vmem>> -> memref<1x64x128xf32, #tpu.memory_space<vmem>>
        %dma_wait3A_825 = tpu.memref_squeeze %dma_wait3A_824 : memref<1x64x128xf32, #tpu.memory_space<vmem>> -> memref<64x128xf32, #tpu.memory_space<vmem>>
        %dma_wait3A_826 = arith.constant 0 : i32
        %dma_wait3A_827 = tpu.memref_slice %arg7[%dma_wait3A_821, %dma_wait3A_826] : memref<5x64xi32, #tpu.memory_space<vmem>> -> memref<1x64xi32, #tpu.memory_space<vmem>>
        %dma_wait3A_828 = tpu.memref_squeeze %dma_wait3A_827 : memref<1x64xi32, #tpu.memory_space<vmem>> -> memref<64xi32, #tpu.memory_space<vmem>>
        %dma_wait3A_829 = arith.constant 0 : i32
        %dma_wait3A_830 = arith.constant 0 : i32
        %dma_wait3A_831 = tpu.memref_slice %arg9[%dma_wait3A_829, %dma_wait3A_830] : memref<10240x128xf32, #tpu.memory_space<vmem_shared>> -> memref<10240x128xf32, #tpu.memory_space<vmem_shared>>
        tpu.wait_indirect_dma semaphore(%arg28 : memref<!tpu.dma_semaphore, #tpu.memory_space<semaphore_mem>>) src(%dma_wait3A_825 : memref<64x128xf32, #tpu.memory_space<vmem>>) dst(%dma_wait3A_831 : memref<10240x128xf32, #tpu.memory_space<vmem_shared>>)
        %add3A_832 = arith.constant 3 : i32
        %add3A_833 = arith.addi %add3A_514, %add3A_832 : i32
        %mul3A_834 = arith.constant 64 : i32
        %mul3A_835 = arith.muli %add3A_833, %mul3A_834 : i32
        %add3A_836 = arith.addi %add3A, %mul3A_835 : i32
        %dma_start3A_837 = arith.constant 3 : i32
        %dma_start3A_838 = arith.constant 0 : i32
        %dma_start3A_839 = tpu.memref_slice %arg7[%dma_start3A_837, %dma_start3A_838] : memref<5x64xi32, #tpu.memory_space<vmem>> -> memref<1x64xi32, #tpu.memory_space<vmem>>
        %dma_start3A_840 = tpu.memref_squeeze %dma_start3A_839 : memref<1x64xi32, #tpu.memory_space<vmem>> -> memref<64xi32, #tpu.memory_space<vmem>>
        %dma_start3A_841 = tpu.memref_slice %arg3[%add3A_836] : memref<320000xi32, #tpu.memory_space<hbm>> -> memref<64xi32, #tpu.memory_space<hbm>>
        %dma_start3A_842 = arith.constant 0 : i32
        %dma_start3A_843 = tpu.memref_slice %arg7[%dma_start3A_837, %dma_start3A_842] : memref<5x64xi32, #tpu.memory_space<vmem>> -> memref<1x64xi32, #tpu.memory_space<vmem>>
        %dma_start3A_844 = tpu.memref_squeeze %dma_start3A_843 : memref<1x64xi32, #tpu.memory_space<vmem>> -> memref<64xi32, #tpu.memory_space<vmem>>
        %dma_start3A_845 = tpu.memref_slice %arg3[%add3A_836] : memref<320000xi32, #tpu.memory_space<hbm>> -> memref<64xi32, #tpu.memory_space<hbm>>
        tpu.enqueue_dma source(%dma_start3A_845 : memref<64xi32, #tpu.memory_space<hbm>>) target(%dma_start3A_844 : memref<64xi32, #tpu.memory_space<vmem>>) target_semaphore(%arg18 : memref<!tpu.dma_semaphore, #tpu.memory_space<semaphore_mem>>)
      } else {
      }
      %add3A_565 = arith.constant 3 : i32
      %add3A_566 = arith.addi %add3A_514, %add3A_565 : i32
      %lt3A_567 = arith.constant 155 : i32
      %lt3A_568 = arith.cmpi slt, %add3A_566, %lt3A_567 : i32
      %convert_element_type3A_569 = arith.extui %lt3A_568 : i1 to i32
      %cond3A_570 = arith.constant 0 : i32
      %cond3A_571 = arith.cmpi ne, %convert_element_type3A_569, %cond3A_570 : i32
      scf.if %cond3A_571 {
        %add3A_820 = arith.constant 3 : i32
        %add3A_821 = arith.addi %add3A_514, %add3A_820 : i32
        %mul3A_822 = arith.constant 64 : i32
        %mul3A_823 = arith.muli %add3A_821, %mul3A_822 : i32
        %add3A_824 = arith.addi %add3A_7, %mul3A_823 : i32
        %dma_wait3A_825 = arith.constant 3 : i32
        %dma_wait3A_826 = arith.constant 0 : i32
        %dma_wait3A_827 = tpu.memref_slice %arg6[%dma_wait3A_825, %dma_wait3A_826] : memref<5x64xi32, #tpu.memory_space<vmem>> -> memref<1x64xi32, #tpu.memory_space<vmem>>
        %dma_wait3A_828 = tpu.memref_squeeze %dma_wait3A_827 : memref<1x64xi32, #tpu.memory_space<vmem>> -> memref<64xi32, #tpu.memory_space<vmem>>
        %dma_wait3A_829 = tpu.memref_slice %arg2[%add3A_824] : memref<320000xi32, #tpu.memory_space<hbm>> -> memref<64xi32, #tpu.memory_space<hbm>>
        %dma_wait3A_830 = arith.constant 0 : i32
        %dma_wait3A_831 = tpu.memref_slice %arg6[%dma_wait3A_825, %dma_wait3A_830] : memref<5x64xi32, #tpu.memory_space<vmem>> -> memref<1x64xi32, #tpu.memory_space<vmem>>
        %dma_wait3A_832 = tpu.memref_squeeze %dma_wait3A_831 : memref<1x64xi32, #tpu.memory_space<vmem>> -> memref<64xi32, #tpu.memory_space<vmem>>
        %dma_wait3A_833 = tpu.memref_slice %arg2[%add3A_824] : memref<320000xi32, #tpu.memory_space<hbm>> -> memref<64xi32, #tpu.memory_space<hbm>>
        tpu.wait_dma2 semaphore(%arg13 : memref<!tpu.dma_semaphore, #tpu.memory_space<semaphore_mem>>) src(%dma_wait3A_833 : memref<64xi32, #tpu.memory_space<hbm>>) dst(%dma_wait3A_832 : memref<64xi32, #tpu.memory_space<vmem>>)
        %dma_start3A_834 = arith.constant 3 : i32
        %dma_start3A_835 = arith.constant 3 : i32
        %dma_start3A_836 = arith.constant 0 : i32
        %dma_start3A_837 = arith.constant 0 : i32
        %dma_start3A_838 = tpu.memref_slice %arg8[%dma_start3A_835, %dma_start3A_836, %dma_start3A_837] : memref<5x64x128xf32, #tpu.memory_space<vmem>> -> memref<1x64x128xf32, #tpu.memory_space<vmem>>
        %dma_start3A_839 = tpu.memref_squeeze %dma_start3A_838 : memref<1x64x128xf32, #tpu.memory_space<vmem>> -> memref<64x128xf32, #tpu.memory_space<vmem>>
        %dma_start3A_840 = arith.constant 0 : i32
        %dma_start3A_841 = tpu.memref_slice %arg6[%dma_start3A_834, %dma_start3A_840] : memref<5x64xi32, #tpu.memory_space<vmem>> -> memref<1x64xi32, #tpu.memory_space<vmem>>
        %dma_start3A_842 = tpu.memref_squeeze %dma_start3A_841 : memref<1x64xi32, #tpu.memory_space<vmem>> -> memref<64xi32, #tpu.memory_space<vmem>>
        %dma_start3A_843 = arith.constant 0 : i32
        %dma_start3A_844 = arith.constant 0 : i32
        %dma_start3A_845 = tpu.memref_slice %arg4[%dma_start3A_843, %dma_start3A_844] : memref<10000x128xf32, #tpu.memory_space<hbm>> -> memref<10000x128xf32, #tpu.memory_space<hbm>>
        tpu.enqueue_indirect_dma source(%dma_start3A_845 : memref<10000x128xf32, #tpu.memory_space<hbm>>) target(%dma_start3A_839 : memref<64x128xf32, #tpu.memory_space<vmem>>) offsets(%dma_start3A_842 : memref<64xi32, #tpu.memory_space<vmem>>) semaphore(%arg23 : memref<!tpu.dma_semaphore, #tpu.memory_space<semaphore_mem>>)
      } else {
      }
      %add3A_572 = arith.constant 1 : i32
      %add3A_573 = arith.addi %add3A_512, %add3A_572 : i32
      %dma_wait3A_574 = arith.constant 1 : i32
      %dma_wait3A_575 = arith.constant 1 : i32
      %dma_wait3A_576 = arith.constant 0 : i32
      %dma_wait3A_577 = arith.constant 0 : i32
      %dma_wait3A_578 = tpu.memref_slice %arg8[%dma_wait3A_575, %dma_wait3A_576, %dma_wait3A_577] : memref<5x64x128xf32, #tpu.memory_space<vmem>> -> memref<1x64x128xf32, #tpu.memory_space<vmem>>
      %dma_wait3A_579 = tpu.memref_squeeze %dma_wait3A_578 : memref<1x64x128xf32, #tpu.memory_space<vmem>> -> memref<64x128xf32, #tpu.memory_space<vmem>>
      %dma_wait3A_580 = arith.constant 0 : i32
      %dma_wait3A_581 = tpu.memref_slice %arg6[%dma_wait3A_574, %dma_wait3A_580] : memref<5x64xi32, #tpu.memory_space<vmem>> -> memref<1x64xi32, #tpu.memory_space<vmem>>
      %dma_wait3A_582 = tpu.memref_squeeze %dma_wait3A_581 : memref<1x64xi32, #tpu.memory_space<vmem>> -> memref<64xi32, #tpu.memory_space<vmem>>
      %dma_wait3A_583 = arith.constant 0 : i32
      %dma_wait3A_584 = arith.constant 0 : i32
      %dma_wait3A_585 = tpu.memref_slice %arg4[%dma_wait3A_583, %dma_wait3A_584] : memref<10000x128xf32, #tpu.memory_space<hbm>> -> memref<10000x128xf32, #tpu.memory_space<hbm>>
      tpu.wait_indirect_dma semaphore(%arg21 : memref<!tpu.dma_semaphore, #tpu.memory_space<semaphore_mem>>) src(%dma_wait3A_585 : memref<10000x128xf32, #tpu.memory_space<hbm>>) dst(%dma_wait3A_579 : memref<64x128xf32, #tpu.memory_space<vmem>>)
      %mul3A_586 = arith.constant 64 : i32
      %mul3A_587 = arith.muli %add3A_573, %mul3A_586 : i32
      %add3A_588 = arith.addi %add3A, %mul3A_587 : i32
      %dma_wait3A_589 = arith.constant 1 : i32
      %dma_wait3A_590 = arith.constant 0 : i32
      %dma_wait3A_591 = tpu.memref_slice %arg7[%dma_wait3A_589, %dma_wait3A_590] : memref<5x64xi32, #tpu.memory_space<vmem>> -> memref<1x64xi32, #tpu.memory_space<vmem>>
      %dma_wait3A_592 = tpu.memref_squeeze %dma_wait3A_591 : memref<1x64xi32, #tpu.memory_space<vmem>> -> memref<64xi32, #tpu.memory_space<vmem>>
      %dma_wait3A_593 = tpu.memref_slice %arg3[%add3A_588] : memref<320000xi32, #tpu.memory_space<hbm>> -> memref<64xi32, #tpu.memory_space<hbm>>
      %dma_wait3A_594 = arith.constant 0 : i32
      %dma_wait3A_595 = tpu.memref_slice %arg7[%dma_wait3A_589, %dma_wait3A_594] : memref<5x64xi32, #tpu.memory_space<vmem>> -> memref<1x64xi32, #tpu.memory_space<vmem>>
      %dma_wait3A_596 = tpu.memref_squeeze %dma_wait3A_595 : memref<1x64xi32, #tpu.memory_space<vmem>> -> memref<64xi32, #tpu.memory_space<vmem>>
      %dma_wait3A_597 = tpu.memref_slice %arg3[%add3A_588] : memref<320000xi32, #tpu.memory_space<hbm>> -> memref<64xi32, #tpu.memory_space<hbm>>
      tpu.wait_dma2 semaphore(%arg16 : memref<!tpu.dma_semaphore, #tpu.memory_space<semaphore_mem>>) src(%dma_wait3A_597 : memref<64xi32, #tpu.memory_space<hbm>>) dst(%dma_wait3A_596 : memref<64xi32, #tpu.memory_space<vmem>>)
      %dma_start3A_598 = arith.constant 1 : i32
      %dma_start3A_599 = arith.constant 1 : i32
      %dma_start3A_600 = arith.constant 0 : i32
      %dma_start3A_601 = arith.constant 0 : i32
      %dma_start3A_602 = tpu.memref_slice %arg8[%dma_start3A_598, %dma_start3A_600, %dma_start3A_601] : memref<5x64x128xf32, #tpu.memory_space<vmem>> -> memref<1x64x128xf32, #tpu.memory_space<vmem>>
      %dma_start3A_603 = tpu.memref_squeeze %dma_start3A_602 : memref<1x64x128xf32, #tpu.memory_space<vmem>> -> memref<64x128xf32, #tpu.memory_space<vmem>>
      %dma_start3A_604 = arith.constant 0 : i32
      %dma_start3A_605 = tpu.memref_slice %arg7[%dma_start3A_599, %dma_start3A_604] : memref<5x64xi32, #tpu.memory_space<vmem>> -> memref<1x64xi32, #tpu.memory_space<vmem>>
      %dma_start3A_606 = tpu.memref_squeeze %dma_start3A_605 : memref<1x64xi32, #tpu.memory_space<vmem>> -> memref<64xi32, #tpu.memory_space<vmem>>
      %dma_start3A_607 = arith.constant 0 : i32
      %dma_start3A_608 = arith.constant 0 : i32
      %dma_start3A_609 = tpu.memref_slice %arg9[%dma_start3A_607, %dma_start3A_608] : memref<10240x128xf32, #tpu.memory_space<vmem_shared>> -> memref<10240x128xf32, #tpu.memory_space<vmem_shared>>
      tpu.enqueue_indirect_dma source(%dma_start3A_603 : memref<64x128xf32, #tpu.memory_space<vmem>>) target(%dma_start3A_609 : memref<10240x128xf32, #tpu.memory_space<vmem_shared>>) offsets(%dma_start3A_606 : memref<64xi32, #tpu.memory_space<vmem>>) semaphore(%arg26 : memref<!tpu.dma_semaphore, #tpu.memory_space<semaphore_mem>>) {add = true}
      %add3A_610 = arith.constant 5 : i32
      %add3A_611 = arith.addi %add3A_573, %add3A_610 : i32
      %lt3A_612 = arith.constant 155 : i32
      %lt3A_613 = arith.cmpi slt, %add3A_611, %lt3A_612 : i32
      %convert_element_type3A_614 = arith.extui %lt3A_613 : i1 to i32
      %cond3A_615 = arith.constant 0 : i32
      %cond3A_616 = arith.cmpi ne, %convert_element_type3A_614, %cond3A_615 : i32
      scf.if %cond3A_616 {
        %add3A_820 = arith.constant 5 : i32
        %add3A_821 = arith.addi %add3A_573, %add3A_820 : i32
        %mul3A_822 = arith.constant 64 : i32
        %mul3A_823 = arith.muli %add3A_821, %mul3A_822 : i32
        %add3A_824 = arith.addi %add3A_7, %mul3A_823 : i32
        %dma_start3A_825 = arith.constant 1 : i32
        %dma_start3A_826 = arith.constant 0 : i32
        %dma_start3A_827 = tpu.memref_slice %arg6[%dma_start3A_825, %dma_start3A_826] : memref<5x64xi32, #tpu.memory_space<vmem>> -> memref<1x64xi32, #tpu.memory_space<vmem>>
        %dma_start3A_828 = tpu.memref_squeeze %dma_start3A_827 : memref<1x64xi32, #tpu.memory_space<vmem>> -> memref<64xi32, #tpu.memory_space<vmem>>
        %dma_start3A_829 = tpu.memref_slice %arg2[%add3A_824] : memref<320000xi32, #tpu.memory_space<hbm>> -> memref<64xi32, #tpu.memory_space<hbm>>
        %dma_start3A_830 = arith.constant 0 : i32
        %dma_start3A_831 = tpu.memref_slice %arg6[%dma_start3A_825, %dma_start3A_830] : memref<5x64xi32, #tpu.memory_space<vmem>> -> memref<1x64xi32, #tpu.memory_space<vmem>>
        %dma_start3A_832 = tpu.memref_squeeze %dma_start3A_831 : memref<1x64xi32, #tpu.memory_space<vmem>> -> memref<64xi32, #tpu.memory_space<vmem>>
        %dma_start3A_833 = tpu.memref_slice %arg2[%add3A_824] : memref<320000xi32, #tpu.memory_space<hbm>> -> memref<64xi32, #tpu.memory_space<hbm>>
        tpu.enqueue_dma source(%dma_start3A_833 : memref<64xi32, #tpu.memory_space<hbm>>) target(%dma_start3A_832 : memref<64xi32, #tpu.memory_space<vmem>>) target_semaphore(%arg11 : memref<!tpu.dma_semaphore, #tpu.memory_space<semaphore_mem>>)
      } else {
      }
      %ge3A_617 = arith.constant 2 : i32
      %ge3A_618 = arith.cmpi sge, %add3A_573, %ge3A_617 : i32
      %add3A_619 = arith.constant 3 : i32
      %add3A_620 = arith.addi %add3A_573, %add3A_619 : i32
      %lt3A_621 = arith.constant 155 : i32
      %lt3A_622 = arith.cmpi slt, %add3A_620, %lt3A_621 : i32
      %and3A_623 = arith.andi %ge3A_618, %lt3A_622 : i1
      %convert_element_type3A_624 = arith.extui %and3A_623 : i1 to i32
      %cond3A_625 = arith.constant 0 : i32
      %cond3A_626 = arith.cmpi ne, %convert_element_type3A_624, %cond3A_625 : i32
      scf.if %cond3A_626 {
        %dma_wait3A_820 = arith.constant 4 : i32
        %dma_wait3A_821 = arith.constant 4 : i32
        %dma_wait3A_822 = arith.constant 0 : i32
        %dma_wait3A_823 = arith.constant 0 : i32
        %dma_wait3A_824 = tpu.memref_slice %arg8[%dma_wait3A_820, %dma_wait3A_822, %dma_wait3A_823] : memref<5x64x128xf32, #tpu.memory_space<vmem>> -> memref<1x64x128xf32, #tpu.memory_space<vmem>>
        %dma_wait3A_825 = tpu.memref_squeeze %dma_wait3A_824 : memref<1x64x128xf32, #tpu.memory_space<vmem>> -> memref<64x128xf32, #tpu.memory_space<vmem>>
        %dma_wait3A_826 = arith.constant 0 : i32
        %dma_wait3A_827 = tpu.memref_slice %arg7[%dma_wait3A_821, %dma_wait3A_826] : memref<5x64xi32, #tpu.memory_space<vmem>> -> memref<1x64xi32, #tpu.memory_space<vmem>>
        %dma_wait3A_828 = tpu.memref_squeeze %dma_wait3A_827 : memref<1x64xi32, #tpu.memory_space<vmem>> -> memref<64xi32, #tpu.memory_space<vmem>>
        %dma_wait3A_829 = arith.constant 0 : i32
        %dma_wait3A_830 = arith.constant 0 : i32
        %dma_wait3A_831 = tpu.memref_slice %arg9[%dma_wait3A_829, %dma_wait3A_830] : memref<10240x128xf32, #tpu.memory_space<vmem_shared>> -> memref<10240x128xf32, #tpu.memory_space<vmem_shared>>
        tpu.wait_indirect_dma semaphore(%arg29 : memref<!tpu.dma_semaphore, #tpu.memory_space<semaphore_mem>>) src(%dma_wait3A_825 : memref<64x128xf32, #tpu.memory_space<vmem>>) dst(%dma_wait3A_831 : memref<10240x128xf32, #tpu.memory_space<vmem_shared>>)
        %add3A_832 = arith.constant 3 : i32
        %add3A_833 = arith.addi %add3A_573, %add3A_832 : i32
        %mul3A_834 = arith.constant 64 : i32
        %mul3A_835 = arith.muli %add3A_833, %mul3A_834 : i32
        %add3A_836 = arith.addi %add3A, %mul3A_835 : i32
        %dma_start3A_837 = arith.constant 4 : i32
        %dma_start3A_838 = arith.constant 0 : i32
        %dma_start3A_839 = tpu.memref_slice %arg7[%dma_start3A_837, %dma_start3A_838] : memref<5x64xi32, #tpu.memory_space<vmem>> -> memref<1x64xi32, #tpu.memory_space<vmem>>
        %dma_start3A_840 = tpu.memref_squeeze %dma_start3A_839 : memref<1x64xi32, #tpu.memory_space<vmem>> -> memref<64xi32, #tpu.memory_space<vmem>>
        %dma_start3A_841 = tpu.memref_slice %arg3[%add3A_836] : memref<320000xi32, #tpu.memory_space<hbm>> -> memref<64xi32, #tpu.memory_space<hbm>>
        %dma_start3A_842 = arith.constant 0 : i32
        %dma_start3A_843 = tpu.memref_slice %arg7[%dma_start3A_837, %dma_start3A_842] : memref<5x64xi32, #tpu.memory_space<vmem>> -> memref<1x64xi32, #tpu.memory_space<vmem>>
        %dma_start3A_844 = tpu.memref_squeeze %dma_start3A_843 : memref<1x64xi32, #tpu.memory_space<vmem>> -> memref<64xi32, #tpu.memory_space<vmem>>
        %dma_start3A_845 = tpu.memref_slice %arg3[%add3A_836] : memref<320000xi32, #tpu.memory_space<hbm>> -> memref<64xi32, #tpu.memory_space<hbm>>
        tpu.enqueue_dma source(%dma_start3A_845 : memref<64xi32, #tpu.memory_space<hbm>>) target(%dma_start3A_844 : memref<64xi32, #tpu.memory_space<vmem>>) target_semaphore(%arg19 : memref<!tpu.dma_semaphore, #tpu.memory_space<semaphore_mem>>)
      } else {
      }
      %add3A_627 = arith.constant 3 : i32
      %add3A_628 = arith.addi %add3A_573, %add3A_627 : i32
      %lt3A_629 = arith.constant 155 : i32
      %lt3A_630 = arith.cmpi slt, %add3A_628, %lt3A_629 : i32
      %convert_element_type3A_631 = arith.extui %lt3A_630 : i1 to i32
      %cond3A_632 = arith.constant 0 : i32
      %cond3A_633 = arith.cmpi ne, %convert_element_type3A_631, %cond3A_632 : i32
      scf.if %cond3A_633 {
        %add3A_820 = arith.constant 3 : i32
        %add3A_821 = arith.addi %add3A_573, %add3A_820 : i32
        %mul3A_822 = arith.constant 64 : i32
        %mul3A_823 = arith.muli %add3A_821, %mul3A_822 : i32
        %add3A_824 = arith.addi %add3A_7, %mul3A_823 : i32
        %dma_wait3A_825 = arith.constant 4 : i32
        %dma_wait3A_826 = arith.constant 0 : i32
        %dma_wait3A_827 = tpu.memref_slice %arg6[%dma_wait3A_825, %dma_wait3A_826] : memref<5x64xi32, #tpu.memory_space<vmem>> -> memref<1x64xi32, #tpu.memory_space<vmem>>
        %dma_wait3A_828 = tpu.memref_squeeze %dma_wait3A_827 : memref<1x64xi32, #tpu.memory_space<vmem>> -> memref<64xi32, #tpu.memory_space<vmem>>
        %dma_wait3A_829 = tpu.memref_slice %arg2[%add3A_824] : memref<320000xi32, #tpu.memory_space<hbm>> -> memref<64xi32, #tpu.memory_space<hbm>>
        %dma_wait3A_830 = arith.constant 0 : i32
        %dma_wait3A_831 = tpu.memref_slice %arg6[%dma_wait3A_825, %dma_wait3A_830] : memref<5x64xi32, #tpu.memory_space<vmem>> -> memref<1x64xi32, #tpu.memory_space<vmem>>
        %dma_wait3A_832 = tpu.memref_squeeze %dma_wait3A_831 : memref<1x64xi32, #tpu.memory_space<vmem>> -> memref<64xi32, #tpu.memory_space<vmem>>
        %dma_wait3A_833 = tpu.memref_slice %arg2[%add3A_824] : memref<320000xi32, #tpu.memory_space<hbm>> -> memref<64xi32, #tpu.memory_space<hbm>>
        tpu.wait_dma2 semaphore(%arg14 : memref<!tpu.dma_semaphore, #tpu.memory_space<semaphore_mem>>) src(%dma_wait3A_833 : memref<64xi32, #tpu.memory_space<hbm>>) dst(%dma_wait3A_832 : memref<64xi32, #tpu.memory_space<vmem>>)
        %dma_start3A_834 = arith.constant 4 : i32
        %dma_start3A_835 = arith.constant 4 : i32
        %dma_start3A_836 = arith.constant 0 : i32
        %dma_start3A_837 = arith.constant 0 : i32
        %dma_start3A_838 = tpu.memref_slice %arg8[%dma_start3A_835, %dma_start3A_836, %dma_start3A_837] : memref<5x64x128xf32, #tpu.memory_space<vmem>> -> memref<1x64x128xf32, #tpu.memory_space<vmem>>
        %dma_start3A_839 = tpu.memref_squeeze %dma_start3A_838 : memref<1x64x128xf32, #tpu.memory_space<vmem>> -> memref<64x128xf32, #tpu.memory_space<vmem>>
        %dma_start3A_840 = arith.constant 0 : i32
        %dma_start3A_841 = tpu.memref_slice %arg6[%dma_start3A_834, %dma_start3A_840] : memref<5x64xi32, #tpu.memory_space<vmem>> -> memref<1x64xi32, #tpu.memory_space<vmem>>
        %dma_start3A_842 = tpu.memref_squeeze %dma_start3A_841 : memref<1x64xi32, #tpu.memory_space<vmem>> -> memref<64xi32, #tpu.memory_space<vmem>>
        %dma_start3A_843 = arith.constant 0 : i32
        %dma_start3A_844 = arith.constant 0 : i32
        %dma_start3A_845 = tpu.memref_slice %arg4[%dma_start3A_843, %dma_start3A_844] : memref<10000x128xf32, #tpu.memory_space<hbm>> -> memref<10000x128xf32, #tpu.memory_space<hbm>>
        tpu.enqueue_indirect_dma source(%dma_start3A_845 : memref<10000x128xf32, #tpu.memory_space<hbm>>) target(%dma_start3A_839 : memref<64x128xf32, #tpu.memory_space<vmem>>) offsets(%dma_start3A_842 : memref<64xi32, #tpu.memory_space<vmem>>) semaphore(%arg24 : memref<!tpu.dma_semaphore, #tpu.memory_space<semaphore_mem>>)
      } else {
      }
      %add3A_634 = arith.constant 2 : i32
      %add3A_635 = arith.addi %add3A_512, %add3A_634 : i32
      %dma_wait3A_636 = arith.constant 2 : i32
      %dma_wait3A_637 = arith.constant 2 : i32
      %dma_wait3A_638 = arith.constant 0 : i32
      %dma_wait3A_639 = arith.constant 0 : i32
      %dma_wait3A_640 = tpu.memref_slice %arg8[%dma_wait3A_637, %dma_wait3A_638, %dma_wait3A_639] : memref<5x64x128xf32, #tpu.memory_space<vmem>> -> memref<1x64x128xf32, #tpu.memory_space<vmem>>
      %dma_wait3A_641 = tpu.memref_squeeze %dma_wait3A_640 : memref<1x64x128xf32, #tpu.memory_space<vmem>> -> memref<64x128xf32, #tpu.memory_space<vmem>>
      %dma_wait3A_642 = arith.constant 0 : i32
      %dma_wait3A_643 = tpu.memref_slice %arg6[%dma_wait3A_636, %dma_wait3A_642] : memref<5x64xi32, #tpu.memory_space<vmem>> -> memref<1x64xi32, #tpu.memory_space<vmem>>
      %dma_wait3A_644 = tpu.memref_squeeze %dma_wait3A_643 : memref<1x64xi32, #tpu.memory_space<vmem>> -> memref<64xi32, #tpu.memory_space<vmem>>
      %dma_wait3A_645 = arith.constant 0 : i32
      %dma_wait3A_646 = arith.constant 0 : i32
      %dma_wait3A_647 = tpu.memref_slice %arg4[%dma_wait3A_645, %dma_wait3A_646] : memref<10000x128xf32, #tpu.memory_space<hbm>> -> memref<10000x128xf32, #tpu.memory_space<hbm>>
      tpu.wait_indirect_dma semaphore(%arg22 : memref<!tpu.dma_semaphore, #tpu.memory_space<semaphore_mem>>) src(%dma_wait3A_647 : memref<10000x128xf32, #tpu.memory_space<hbm>>) dst(%dma_wait3A_641 : memref<64x128xf32, #tpu.memory_space<vmem>>)
      %mul3A_648 = arith.constant 64 : i32
      %mul3A_649 = arith.muli %add3A_635, %mul3A_648 : i32
      %add3A_650 = arith.addi %add3A, %mul3A_649 : i32
      %dma_wait3A_651 = arith.constant 2 : i32
      %dma_wait3A_652 = arith.constant 0 : i32
      %dma_wait3A_653 = tpu.memref_slice %arg7[%dma_wait3A_651, %dma_wait3A_652] : memref<5x64xi32, #tpu.memory_space<vmem>> -> memref<1x64xi32, #tpu.memory_space<vmem>>
      %dma_wait3A_654 = tpu.memref_squeeze %dma_wait3A_653 : memref<1x64xi32, #tpu.memory_space<vmem>> -> memref<64xi32, #tpu.memory_space<vmem>>
      %dma_wait3A_655 = tpu.memref_slice %arg3[%add3A_650] : memref<320000xi32, #tpu.memory_space<hbm>> -> memref<64xi32, #tpu.memory_space<hbm>>
      %dma_wait3A_656 = arith.constant 0 : i32
      %dma_wait3A_657 = tpu.memref_slice %arg7[%dma_wait3A_651, %dma_wait3A_656] : memref<5x64xi32, #tpu.memory_space<vmem>> -> memref<1x64xi32, #tpu.memory_space<vmem>>
      %dma_wait3A_658 = tpu.memref_squeeze %dma_wait3A_657 : memref<1x64xi32, #tpu.memory_space<vmem>> -> memref<64xi32, #tpu.memory_space<vmem>>
      %dma_wait3A_659 = tpu.memref_slice %arg3[%add3A_650] : memref<320000xi32, #tpu.memory_space<hbm>> -> memref<64xi32, #tpu.memory_space<hbm>>
      tpu.wait_dma2 semaphore(%arg17 : memref<!tpu.dma_semaphore, #tpu.memory_space<semaphore_mem>>) src(%dma_wait3A_659 : memref<64xi32, #tpu.memory_space<hbm>>) dst(%dma_wait3A_658 : memref<64xi32, #tpu.memory_space<vmem>>)
      %dma_start3A_660 = arith.constant 2 : i32
      %dma_start3A_661 = arith.constant 2 : i32
      %dma_start3A_662 = arith.constant 0 : i32
      %dma_start3A_663 = arith.constant 0 : i32
      %dma_start3A_664 = tpu.memref_slice %arg8[%dma_start3A_660, %dma_start3A_662, %dma_start3A_663] : memref<5x64x128xf32, #tpu.memory_space<vmem>> -> memref<1x64x128xf32, #tpu.memory_space<vmem>>
      %dma_start3A_665 = tpu.memref_squeeze %dma_start3A_664 : memref<1x64x128xf32, #tpu.memory_space<vmem>> -> memref<64x128xf32, #tpu.memory_space<vmem>>
      %dma_start3A_666 = arith.constant 0 : i32
      %dma_start3A_667 = tpu.memref_slice %arg7[%dma_start3A_661, %dma_start3A_666] : memref<5x64xi32, #tpu.memory_space<vmem>> -> memref<1x64xi32, #tpu.memory_space<vmem>>
      %dma_start3A_668 = tpu.memref_squeeze %dma_start3A_667 : memref<1x64xi32, #tpu.memory_space<vmem>> -> memref<64xi32, #tpu.memory_space<vmem>>
      %dma_start3A_669 = arith.constant 0 : i32
      %dma_start3A_670 = arith.constant 0 : i32
      %dma_start3A_671 = tpu.memref_slice %arg9[%dma_start3A_669, %dma_start3A_670] : memref<10240x128xf32, #tpu.memory_space<vmem_shared>> -> memref<10240x128xf32, #tpu.memory_space<vmem_shared>>
      tpu.enqueue_indirect_dma source(%dma_start3A_665 : memref<64x128xf32, #tpu.memory_space<vmem>>) target(%dma_start3A_671 : memref<10240x128xf32, #tpu.memory_space<vmem_shared>>) offsets(%dma_start3A_668 : memref<64xi32, #tpu.memory_space<vmem>>) semaphore(%arg27 : memref<!tpu.dma_semaphore, #tpu.memory_space<semaphore_mem>>) {add = true}
      %add3A_672 = arith.constant 5 : i32
      %add3A_673 = arith.addi %add3A_635, %add3A_672 : i32
      %lt3A_674 = arith.constant 155 : i32
      %lt3A_675 = arith.cmpi slt, %add3A_673, %lt3A_674 : i32
      %convert_element_type3A_676 = arith.extui %lt3A_675 : i1 to i32
      %cond3A_677 = arith.constant 0 : i32
      %cond3A_678 = arith.cmpi ne, %convert_element_type3A_676, %cond3A_677 : i32
      scf.if %cond3A_678 {
        %add3A_820 = arith.constant 5 : i32
        %add3A_821 = arith.addi %add3A_635, %add3A_820 : i32
        %mul3A_822 = arith.constant 64 : i32
        %mul3A_823 = arith.muli %add3A_821, %mul3A_822 : i32
        %add3A_824 = arith.addi %add3A_7, %mul3A_823 : i32
        %dma_start3A_825 = arith.constant 2 : i32
        %dma_start3A_826 = arith.constant 0 : i32
        %dma_start3A_827 = tpu.memref_slice %arg6[%dma_start3A_825, %dma_start3A_826] : memref<5x64xi32, #tpu.memory_space<vmem>> -> memref<1x64xi32, #tpu.memory_space<vmem>>
        %dma_start3A_828 = tpu.memref_squeeze %dma_start3A_827 : memref<1x64xi32, #tpu.memory_space<vmem>> -> memref<64xi32, #tpu.memory_space<vmem>>
        %dma_start3A_829 = tpu.memref_slice %arg2[%add3A_824] : memref<320000xi32, #tpu.memory_space<hbm>> -> memref<64xi32, #tpu.memory_space<hbm>>
        %dma_start3A_830 = arith.constant 0 : i32
        %dma_start3A_831 = tpu.memref_slice %arg6[%dma_start3A_825, %dma_start3A_830] : memref<5x64xi32, #tpu.memory_space<vmem>> -> memref<1x64xi32, #tpu.memory_space<vmem>>
        %dma_start3A_832 = tpu.memref_squeeze %dma_start3A_831 : memref<1x64xi32, #tpu.memory_space<vmem>> -> memref<64xi32, #tpu.memory_space<vmem>>
        %dma_start3A_833 = tpu.memref_slice %arg2[%add3A_824] : memref<320000xi32, #tpu.memory_space<hbm>> -> memref<64xi32, #tpu.memory_space<hbm>>
        tpu.enqueue_dma source(%dma_start3A_833 : memref<64xi32, #tpu.memory_space<hbm>>) target(%dma_start3A_832 : memref<64xi32, #tpu.memory_space<vmem>>) target_semaphore(%arg12 : memref<!tpu.dma_semaphore, #tpu.memory_space<semaphore_mem>>)
      } else {
      }
      %ge3A_679 = arith.constant 2 : i32
      %ge3A_680 = arith.cmpi sge, %add3A_635, %ge3A_679 : i32
      %add3A_681 = arith.constant 3 : i32
      %add3A_682 = arith.addi %add3A_635, %add3A_681 : i32
      %lt3A_683 = arith.constant 155 : i32
      %lt3A_684 = arith.cmpi slt, %add3A_682, %lt3A_683 : i32
      %and3A_685 = arith.andi %ge3A_680, %lt3A_684 : i1
      %convert_element_type3A_686 = arith.extui %and3A_685 : i1 to i32
      %cond3A_687 = arith.constant 0 : i32
      %cond3A_688 = arith.cmpi ne, %convert_element_type3A_686, %cond3A_687 : i32
      scf.if %cond3A_688 {
        %dma_wait3A_820 = arith.constant 0 : i32
        %dma_wait3A_821 = arith.constant 0 : i32
        %dma_wait3A_822 = arith.constant 0 : i32
        %dma_wait3A_823 = arith.constant 0 : i32
        %dma_wait3A_824 = tpu.memref_slice %arg8[%dma_wait3A_820, %dma_wait3A_822, %dma_wait3A_823] : memref<5x64x128xf32, #tpu.memory_space<vmem>> -> memref<1x64x128xf32, #tpu.memory_space<vmem>>
        %dma_wait3A_825 = tpu.memref_squeeze %dma_wait3A_824 : memref<1x64x128xf32, #tpu.memory_space<vmem>> -> memref<64x128xf32, #tpu.memory_space<vmem>>
        %dma_wait3A_826 = arith.constant 0 : i32
        %dma_wait3A_827 = tpu.memref_slice %arg7[%dma_wait3A_821, %dma_wait3A_826] : memref<5x64xi32, #tpu.memory_space<vmem>> -> memref<1x64xi32, #tpu.memory_space<vmem>>
        %dma_wait3A_828 = tpu.memref_squeeze %dma_wait3A_827 : memref<1x64xi32, #tpu.memory_space<vmem>> -> memref<64xi32, #tpu.memory_space<vmem>>
        %dma_wait3A_829 = arith.constant 0 : i32
        %dma_wait3A_830 = arith.constant 0 : i32
        %dma_wait3A_831 = tpu.memref_slice %arg9[%dma_wait3A_829, %dma_wait3A_830] : memref<10240x128xf32, #tpu.memory_space<vmem_shared>> -> memref<10240x128xf32, #tpu.memory_space<vmem_shared>>
        tpu.wait_indirect_dma semaphore(%arg25 : memref<!tpu.dma_semaphore, #tpu.memory_space<semaphore_mem>>) src(%dma_wait3A_825 : memref<64x128xf32, #tpu.memory_space<vmem>>) dst(%dma_wait3A_831 : memref<10240x128xf32, #tpu.memory_space<vmem_shared>>)
        %add3A_832 = arith.constant 3 : i32
        %add3A_833 = arith.addi %add3A_635, %add3A_832 : i32
        %mul3A_834 = arith.constant 64 : i32
        %mul3A_835 = arith.muli %add3A_833, %mul3A_834 : i32
        %add3A_836 = arith.addi %add3A, %mul3A_835 : i32
        %dma_start3A_837 = arith.constant 0 : i32
        %dma_start3A_838 = arith.constant 0 : i32
        %dma_start3A_839 = tpu.memref_slice %arg7[%dma_start3A_837, %dma_start3A_838] : memref<5x64xi32, #tpu.memory_space<vmem>> -> memref<1x64xi32, #tpu.memory_space<vmem>>
        %dma_start3A_840 = tpu.memref_squeeze %dma_start3A_839 : memref<1x64xi32, #tpu.memory_space<vmem>> -> memref<64xi32, #tpu.memory_space<vmem>>
        %dma_start3A_841 = tpu.memref_slice %arg3[%add3A_836] : memref<320000xi32, #tpu.memory_space<hbm>> -> memref<64xi32, #tpu.memory_space<hbm>>
        %dma_start3A_842 = arith.constant 0 : i32
        %dma_start3A_843 = tpu.memref_slice %arg7[%dma_start3A_837, %dma_start3A_842] : memref<5x64xi32, #tpu.memory_space<vmem>> -> memref<1x64xi32, #tpu.memory_space<vmem>>
        %dma_start3A_844 = tpu.memref_squeeze %dma_start3A_843 : memref<1x64xi32, #tpu.memory_space<vmem>> -> memref<64xi32, #tpu.memory_space<vmem>>
        %dma_start3A_845 = tpu.memref_slice %arg3[%add3A_836] : memref<320000xi32, #tpu.memory_space<hbm>> -> memref<64xi32, #tpu.memory_space<hbm>>
        tpu.enqueue_dma source(%dma_start3A_845 : memref<64xi32, #tpu.memory_space<hbm>>) target(%dma_start3A_844 : memref<64xi32, #tpu.memory_space<vmem>>) target_semaphore(%arg15 : memref<!tpu.dma_semaphore, #tpu.memory_space<semaphore_mem>>)
      } else {
      }
      %add3A_689 = arith.constant 3 : i32
      %add3A_690 = arith.addi %add3A_635, %add3A_689 : i32
      %lt3A_691 = arith.constant 155 : i32
      %lt3A_692 = arith.cmpi slt, %add3A_690, %lt3A_691 : i32
      %convert_element_type3A_693 = arith.extui %lt3A_692 : i1 to i32
      %cond3A_694 = arith.constant 0 : i32
      %cond3A_695 = arith.cmpi ne, %convert_element_type3A_693, %cond3A_694 : i32
      scf.if %cond3A_695 {
        %add3A_820 = arith.constant 3 : i32
        %add3A_821 = arith.addi %add3A_635, %add3A_820 : i32
        %mul3A_822 = arith.constant 64 : i32
        %mul3A_823 = arith.muli %add3A_821, %mul3A_822 : i32
        %add3A_824 = arith.addi %add3A_7, %mul3A_823 : i32
        %dma_wait3A_825 = arith.constant 0 : i32
        %dma_wait3A_826 = arith.constant 0 : i32
        %dma_wait3A_827 = tpu.memref_slice %arg6[%dma_wait3A_825, %dma_wait3A_826] : memref<5x64xi32, #tpu.memory_space<vmem>> -> memref<1x64xi32, #tpu.memory_space<vmem>>
        %dma_wait3A_828 = tpu.memref_squeeze %dma_wait3A_827 : memref<1x64xi32, #tpu.memory_space<vmem>> -> memref<64xi32, #tpu.memory_space<vmem>>
        %dma_wait3A_829 = tpu.memref_slice %arg2[%add3A_824] : memref<320000xi32, #tpu.memory_space<hbm>> -> memref<64xi32, #tpu.memory_space<hbm>>
        %dma_wait3A_830 = arith.constant 0 : i32
        %dma_wait3A_831 = tpu.memref_slice %arg6[%dma_wait3A_825, %dma_wait3A_830] : memref<5x64xi32, #tpu.memory_space<vmem>> -> memref<1x64xi32, #tpu.memory_space<vmem>>
        %dma_wait3A_832 = tpu.memref_squeeze %dma_wait3A_831 : memref<1x64xi32, #tpu.memory_space<vmem>> -> memref<64xi32, #tpu.memory_space<vmem>>
        %dma_wait3A_833 = tpu.memref_slice %arg2[%add3A_824] : memref<320000xi32, #tpu.memory_space<hbm>> -> memref<64xi32, #tpu.memory_space<hbm>>
        tpu.wait_dma2 semaphore(%arg10 : memref<!tpu.dma_semaphore, #tpu.memory_space<semaphore_mem>>) src(%dma_wait3A_833 : memref<64xi32, #tpu.memory_space<hbm>>) dst(%dma_wait3A_832 : memref<64xi32, #tpu.memory_space<vmem>>)
        %dma_start3A_834 = arith.constant 0 : i32
        %dma_start3A_835 = arith.constant 0 : i32
        %dma_start3A_836 = arith.constant 0 : i32
        %dma_start3A_837 = arith.constant 0 : i32
        %dma_start3A_838 = tpu.memref_slice %arg8[%dma_start3A_835, %dma_start3A_836, %dma_start3A_837] : memref<5x64x128xf32, #tpu.memory_space<vmem>> -> memref<1x64x128xf32, #tpu.memory_space<vmem>>
        %dma_start3A_839 = tpu.memref_squeeze %dma_start3A_838 : memref<1x64x128xf32, #tpu.memory_space<vmem>> -> memref<64x128xf32, #tpu.memory_space<vmem>>
        %dma_start3A_840 = arith.constant 0 : i32
        %dma_start3A_841 = tpu.memref_slice %arg6[%dma_start3A_834, %dma_start3A_840] : memref<5x64xi32, #tpu.memory_space<vmem>> -> memref<1x64xi32, #tpu.memory_space<vmem>>
        %dma_start3A_842 = tpu.memref_squeeze %dma_start3A_841 : memref<1x64xi32, #tpu.memory_space<vmem>> -> memref<64xi32, #tpu.memory_space<vmem>>
        %dma_start3A_843 = arith.constant 0 : i32
        %dma_start3A_844 = arith.constant 0 : i32
        %dma_start3A_845 = tpu.memref_slice %arg4[%dma_start3A_843, %dma_start3A_844] : memref<10000x128xf32, #tpu.memory_space<hbm>> -> memref<10000x128xf32, #tpu.memory_space<hbm>>
        tpu.enqueue_indirect_dma source(%dma_start3A_845 : memref<10000x128xf32, #tpu.memory_space<hbm>>) target(%dma_start3A_839 : memref<64x128xf32, #tpu.memory_space<vmem>>) offsets(%dma_start3A_842 : memref<64xi32, #tpu.memory_space<vmem>>) semaphore(%arg20 : memref<!tpu.dma_semaphore, #tpu.memory_space<semaphore_mem>>)
      } else {
      }
      %add3A_696 = arith.constant 3 : i32
      %add3A_697 = arith.addi %add3A_512, %add3A_696 : i32
      %dma_wait3A_698 = arith.constant 3 : i32
      %dma_wait3A_699 = arith.constant 3 : i32
      %dma_wait3A_700 = arith.constant 0 : i32
      %dma_wait3A_701 = arith.constant 0 : i32
      %dma_wait3A_702 = tpu.memref_slice %arg8[%dma_wait3A_699, %dma_wait3A_700, %dma_wait3A_701] : memref<5x64x128xf32, #tpu.memory_space<vmem>> -> memref<1x64x128xf32, #tpu.memory_space<vmem>>
      %dma_wait3A_703 = tpu.memref_squeeze %dma_wait3A_702 : memref<1x64x128xf32, #tpu.memory_space<vmem>> -> memref<64x128xf32, #tpu.memory_space<vmem>>
      %dma_wait3A_704 = arith.constant 0 : i32
      %dma_wait3A_705 = tpu.memref_slice %arg6[%dma_wait3A_698, %dma_wait3A_704] : memref<5x64xi32, #tpu.memory_space<vmem>> -> memref<1x64xi32, #tpu.memory_space<vmem>>
      %dma_wait3A_706 = tpu.memref_squeeze %dma_wait3A_705 : memref<1x64xi32, #tpu.memory_space<vmem>> -> memref<64xi32, #tpu.memory_space<vmem>>
      %dma_wait3A_707 = arith.constant 0 : i32
      %dma_wait3A_708 = arith.constant 0 : i32
      %dma_wait3A_709 = tpu.memref_slice %arg4[%dma_wait3A_707, %dma_wait3A_708] : memref<10000x128xf32, #tpu.memory_space<hbm>> -> memref<10000x128xf32, #tpu.memory_space<hbm>>
      tpu.wait_indirect_dma semaphore(%arg23 : memref<!tpu.dma_semaphore, #tpu.memory_space<semaphore_mem>>) src(%dma_wait3A_709 : memref<10000x128xf32, #tpu.memory_space<hbm>>) dst(%dma_wait3A_703 : memref<64x128xf32, #tpu.memory_space<vmem>>)
      %mul3A_710 = arith.constant 64 : i32
      %mul3A_711 = arith.muli %add3A_697, %mul3A_710 : i32
      %add3A_712 = arith.addi %add3A, %mul3A_711 : i32
      %dma_wait3A_713 = arith.constant 3 : i32
      %dma_wait3A_714 = arith.constant 0 : i32
      %dma_wait3A_715 = tpu.memref_slice %arg7[%dma_wait3A_713, %dma_wait3A_714] : memref<5x64xi32, #tpu.memory_space<vmem>> -> memref<1x64xi32, #tpu.memory_space<vmem>>
      %dma_wait3A_716 = tpu.memref_squeeze %dma_wait3A_715 : memref<1x64xi32, #tpu.memory_space<vmem>> -> memref<64xi32, #tpu.memory_space<vmem>>
      %dma_wait3A_717 = tpu.memref_slice %arg3[%add3A_712] : memref<320000xi32, #tpu.memory_space<hbm>> -> memref<64xi32, #tpu.memory_space<hbm>>
      %dma_wait3A_718 = arith.constant 0 : i32
      %dma_wait3A_719 = tpu.memref_slice %arg7[%dma_wait3A_713, %dma_wait3A_718] : memref<5x64xi32, #tpu.memory_space<vmem>> -> memref<1x64xi32, #tpu.memory_space<vmem>>
      %dma_wait3A_720 = tpu.memref_squeeze %dma_wait3A_719 : memref<1x64xi32, #tpu.memory_space<vmem>> -> memref<64xi32, #tpu.memory_space<vmem>>
      %dma_wait3A_721 = tpu.memref_slice %arg3[%add3A_712] : memref<320000xi32, #tpu.memory_space<hbm>> -> memref<64xi32, #tpu.memory_space<hbm>>
      tpu.wait_dma2 semaphore(%arg18 : memref<!tpu.dma_semaphore, #tpu.memory_space<semaphore_mem>>) src(%dma_wait3A_721 : memref<64xi32, #tpu.memory_space<hbm>>) dst(%dma_wait3A_720 : memref<64xi32, #tpu.memory_space<vmem>>)
      %dma_start3A_722 = arith.constant 3 : i32
      %dma_start3A_723 = arith.constant 3 : i32
      %dma_start3A_724 = arith.constant 0 : i32
      %dma_start3A_725 = arith.constant 0 : i32
      %dma_start3A_726 = tpu.memref_slice %arg8[%dma_start3A_722, %dma_start3A_724, %dma_start3A_725] : memref<5x64x128xf32, #tpu.memory_space<vmem>> -> memref<1x64x128xf32, #tpu.memory_space<vmem>>
      %dma_start3A_727 = tpu.memref_squeeze %dma_start3A_726 : memref<1x64x128xf32, #tpu.memory_space<vmem>> -> memref<64x128xf32, #tpu.memory_space<vmem>>
      %dma_start3A_728 = arith.constant 0 : i32
      %dma_start3A_729 = tpu.memref_slice %arg7[%dma_start3A_723, %dma_start3A_728] : memref<5x64xi32, #tpu.memory_space<vmem>> -> memref<1x64xi32, #tpu.memory_space<vmem>>
      %dma_start3A_730 = tpu.memref_squeeze %dma_start3A_729 : memref<1x64xi32, #tpu.memory_space<vmem>> -> memref<64xi32, #tpu.memory_space<vmem>>
      %dma_start3A_731 = arith.constant 0 : i32
      %dma_start3A_732 = arith.constant 0 : i32
      %dma_start3A_733 = tpu.memref_slice %arg9[%dma_start3A_731, %dma_start3A_732] : memref<10240x128xf32, #tpu.memory_space<vmem_shared>> -> memref<10240x128xf32, #tpu.memory_space<vmem_shared>>
      tpu.enqueue_indirect_dma source(%dma_start3A_727 : memref<64x128xf32, #tpu.memory_space<vmem>>) target(%dma_start3A_733 : memref<10240x128xf32, #tpu.memory_space<vmem_shared>>) offsets(%dma_start3A_730 : memref<64xi32, #tpu.memory_space<vmem>>) semaphore(%arg28 : memref<!tpu.dma_semaphore, #tpu.memory_space<semaphore_mem>>) {add = true}
      %add3A_734 = arith.constant 5 : i32
      %add3A_735 = arith.addi %add3A_697, %add3A_734 : i32
      %lt3A_736 = arith.constant 155 : i32
      %lt3A_737 = arith.cmpi slt, %add3A_735, %lt3A_736 : i32
      %convert_element_type3A_738 = arith.extui %lt3A_737 : i1 to i32
      %cond3A_739 = arith.constant 0 : i32
      %cond3A_740 = arith.cmpi ne, %convert_element_type3A_738, %cond3A_739 : i32
      scf.if %cond3A_740 {
        %add3A_820 = arith.constant 5 : i32
        %add3A_821 = arith.addi %add3A_697, %add3A_820 : i32
        %mul3A_822 = arith.constant 64 : i32
        %mul3A_823 = arith.muli %add3A_821, %mul3A_822 : i32
        %add3A_824 = arith.addi %add3A_7, %mul3A_823 : i32
        %dma_start3A_825 = arith.constant 3 : i32
        %dma_start3A_826 = arith.constant 0 : i32
        %dma_start3A_827 = tpu.memref_slice %arg6[%dma_start3A_825, %dma_start3A_826] : memref<5x64xi32, #tpu.memory_space<vmem>> -> memref<1x64xi32, #tpu.memory_space<vmem>>
        %dma_start3A_828 = tpu.memref_squeeze %dma_start3A_827 : memref<1x64xi32, #tpu.memory_space<vmem>> -> memref<64xi32, #tpu.memory_space<vmem>>
        %dma_start3A_829 = tpu.memref_slice %arg2[%add3A_824] : memref<320000xi32, #tpu.memory_space<hbm>> -> memref<64xi32, #tpu.memory_space<hbm>>
        %dma_start3A_830 = arith.constant 0 : i32
        %dma_start3A_831 = tpu.memref_slice %arg6[%dma_start3A_825, %dma_start3A_830] : memref<5x64xi32, #tpu.memory_space<vmem>> -> memref<1x64xi32, #tpu.memory_space<vmem>>
        %dma_start3A_832 = tpu.memref_squeeze %dma_start3A_831 : memref<1x64xi32, #tpu.memory_space<vmem>> -> memref<64xi32, #tpu.memory_space<vmem>>
        %dma_start3A_833 = tpu.memref_slice %arg2[%add3A_824] : memref<320000xi32, #tpu.memory_space<hbm>> -> memref<64xi32, #tpu.memory_space<hbm>>
        tpu.enqueue_dma source(%dma_start3A_833 : memref<64xi32, #tpu.memory_space<hbm>>) target(%dma_start3A_832 : memref<64xi32, #tpu.memory_space<vmem>>) target_semaphore(%arg13 : memref<!tpu.dma_semaphore, #tpu.memory_space<semaphore_mem>>)
      } else {
      }
      %ge3A_741 = arith.constant 2 : i32
      %ge3A_742 = arith.cmpi sge, %add3A_697, %ge3A_741 : i32
      %add3A_743 = arith.constant 3 : i32
      %add3A_744 = arith.addi %add3A_697, %add3A_743 : i32
      %lt3A_745 = arith.constant 155 : i32
      %lt3A_746 = arith.cmpi slt, %add3A_744, %lt3A_745 : i32
      %and3A_747 = arith.andi %ge3A_742, %lt3A_746 : i1
      %convert_element_type3A_748 = arith.extui %and3A_747 : i1 to i32
      %cond3A_749 = arith.constant 0 : i32
      %cond3A_750 = arith.cmpi ne, %convert_element_type3A_748, %cond3A_749 : i32
      scf.if %cond3A_750 {
        %dma_wait3A_820 = arith.constant 1 : i32
        %dma_wait3A_821 = arith.constant 1 : i32
        %dma_wait3A_822 = arith.constant 0 : i32
        %dma_wait3A_823 = arith.constant 0 : i32
        %dma_wait3A_824 = tpu.memref_slice %arg8[%dma_wait3A_820, %dma_wait3A_822, %dma_wait3A_823] : memref<5x64x128xf32, #tpu.memory_space<vmem>> -> memref<1x64x128xf32, #tpu.memory_space<vmem>>
        %dma_wait3A_825 = tpu.memref_squeeze %dma_wait3A_824 : memref<1x64x128xf32, #tpu.memory_space<vmem>> -> memref<64x128xf32, #tpu.memory_space<vmem>>
        %dma_wait3A_826 = arith.constant 0 : i32
        %dma_wait3A_827 = tpu.memref_slice %arg7[%dma_wait3A_821, %dma_wait3A_826] : memref<5x64xi32, #tpu.memory_space<vmem>> -> memref<1x64xi32, #tpu.memory_space<vmem>>
        %dma_wait3A_828 = tpu.memref_squeeze %dma_wait3A_827 : memref<1x64xi32, #tpu.memory_space<vmem>> -> memref<64xi32, #tpu.memory_space<vmem>>
        %dma_wait3A_829 = arith.constant 0 : i32
        %dma_wait3A_830 = arith.constant 0 : i32
        %dma_wait3A_831 = tpu.memref_slice %arg9[%dma_wait3A_829, %dma_wait3A_830] : memref<10240x128xf32, #tpu.memory_space<vmem_shared>> -> memref<10240x128xf32, #tpu.memory_space<vmem_shared>>
        tpu.wait_indirect_dma semaphore(%arg26 : memref<!tpu.dma_semaphore, #tpu.memory_space<semaphore_mem>>) src(%dma_wait3A_825 : memref<64x128xf32, #tpu.memory_space<vmem>>) dst(%dma_wait3A_831 : memref<10240x128xf32, #tpu.memory_space<vmem_shared>>)
        %add3A_832 = arith.constant 3 : i32
        %add3A_833 = arith.addi %add3A_697, %add3A_832 : i32
        %mul3A_834 = arith.constant 64 : i32
        %mul3A_835 = arith.muli %add3A_833, %mul3A_834 : i32
        %add3A_836 = arith.addi %add3A, %mul3A_835 : i32
        %dma_start3A_837 = arith.constant 1 : i32
        %dma_start3A_838 = arith.constant 0 : i32
        %dma_start3A_839 = tpu.memref_slice %arg7[%dma_start3A_837, %dma_start3A_838] : memref<5x64xi32, #tpu.memory_space<vmem>> -> memref<1x64xi32, #tpu.memory_space<vmem>>
        %dma_start3A_840 = tpu.memref_squeeze %dma_start3A_839 : memref<1x64xi32, #tpu.memory_space<vmem>> -> memref<64xi32, #tpu.memory_space<vmem>>
        %dma_start3A_841 = tpu.memref_slice %arg3[%add3A_836] : memref<320000xi32, #tpu.memory_space<hbm>> -> memref<64xi32, #tpu.memory_space<hbm>>
        %dma_start3A_842 = arith.constant 0 : i32
        %dma_start3A_843 = tpu.memref_slice %arg7[%dma_start3A_837, %dma_start3A_842] : memref<5x64xi32, #tpu.memory_space<vmem>> -> memref<1x64xi32, #tpu.memory_space<vmem>>
        %dma_start3A_844 = tpu.memref_squeeze %dma_start3A_843 : memref<1x64xi32, #tpu.memory_space<vmem>> -> memref<64xi32, #tpu.memory_space<vmem>>
        %dma_start3A_845 = tpu.memref_slice %arg3[%add3A_836] : memref<320000xi32, #tpu.memory_space<hbm>> -> memref<64xi32, #tpu.memory_space<hbm>>
        tpu.enqueue_dma source(%dma_start3A_845 : memref<64xi32, #tpu.memory_space<hbm>>) target(%dma_start3A_844 : memref<64xi32, #tpu.memory_space<vmem>>) target_semaphore(%arg16 : memref<!tpu.dma_semaphore, #tpu.memory_space<semaphore_mem>>)
      } else {
      }
      %add3A_751 = arith.constant 3 : i32
      %add3A_752 = arith.addi %add3A_697, %add3A_751 : i32
      %lt3A_753 = arith.constant 155 : i32
      %lt3A_754 = arith.cmpi slt, %add3A_752, %lt3A_753 : i32
      %convert_element_type3A_755 = arith.extui %lt3A_754 : i1 to i32
      %cond3A_756 = arith.constant 0 : i32
      %cond3A_757 = arith.cmpi ne, %convert_element_type3A_755, %cond3A_756 : i32
      scf.if %cond3A_757 {
        %add3A_820 = arith.constant 3 : i32
        %add3A_821 = arith.addi %add3A_697, %add3A_820 : i32
        %mul3A_822 = arith.constant 64 : i32
        %mul3A_823 = arith.muli %add3A_821, %mul3A_822 : i32
        %add3A_824 = arith.addi %add3A_7, %mul3A_823 : i32
        %dma_wait3A_825 = arith.constant 1 : i32
        %dma_wait3A_826 = arith.constant 0 : i32
        %dma_wait3A_827 = tpu.memref_slice %arg6[%dma_wait3A_825, %dma_wait3A_826] : memref<5x64xi32, #tpu.memory_space<vmem>> -> memref<1x64xi32, #tpu.memory_space<vmem>>
        %dma_wait3A_828 = tpu.memref_squeeze %dma_wait3A_827 : memref<1x64xi32, #tpu.memory_space<vmem>> -> memref<64xi32, #tpu.memory_space<vmem>>
        %dma_wait3A_829 = tpu.memref_slice %arg2[%add3A_824] : memref<320000xi32, #tpu.memory_space<hbm>> -> memref<64xi32, #tpu.memory_space<hbm>>
        %dma_wait3A_830 = arith.constant 0 : i32
        %dma_wait3A_831 = tpu.memref_slice %arg6[%dma_wait3A_825, %dma_wait3A_830] : memref<5x64xi32, #tpu.memory_space<vmem>> -> memref<1x64xi32, #tpu.memory_space<vmem>>
        %dma_wait3A_832 = tpu.memref_squeeze %dma_wait3A_831 : memref<1x64xi32, #tpu.memory_space<vmem>> -> memref<64xi32, #tpu.memory_space<vmem>>
        %dma_wait3A_833 = tpu.memref_slice %arg2[%add3A_824] : memref<320000xi32, #tpu.memory_space<hbm>> -> memref<64xi32, #tpu.memory_space<hbm>>
        tpu.wait_dma2 semaphore(%arg11 : memref<!tpu.dma_semaphore, #tpu.memory_space<semaphore_mem>>) src(%dma_wait3A_833 : memref<64xi32, #tpu.memory_space<hbm>>) dst(%dma_wait3A_832 : memref<64xi32, #tpu.memory_space<vmem>>)
        %dma_start3A_834 = arith.constant 1 : i32
        %dma_start3A_835 = arith.constant 1 : i32
        %dma_start3A_836 = arith.constant 0 : i32
        %dma_start3A_837 = arith.constant 0 : i32
        %dma_start3A_838 = tpu.memref_slice %arg8[%dma_start3A_835, %dma_start3A_836, %dma_start3A_837] : memref<5x64x128xf32, #tpu.memory_space<vmem>> -> memref<1x64x128xf32, #tpu.memory_space<vmem>>
        %dma_start3A_839 = tpu.memref_squeeze %dma_start3A_838 : memref<1x64x128xf32, #tpu.memory_space<vmem>> -> memref<64x128xf32, #tpu.memory_space<vmem>>
        %dma_start3A_840 = arith.constant 0 : i32
        %dma_start3A_841 = tpu.memref_slice %arg6[%dma_start3A_834, %dma_start3A_840] : memref<5x64xi32, #tpu.memory_space<vmem>> -> memref<1x64xi32, #tpu.memory_space<vmem>>
        %dma_start3A_842 = tpu.memref_squeeze %dma_start3A_841 : memref<1x64xi32, #tpu.memory_space<vmem>> -> memref<64xi32, #tpu.memory_space<vmem>>
        %dma_start3A_843 = arith.constant 0 : i32
        %dma_start3A_844 = arith.constant 0 : i32
        %dma_start3A_845 = tpu.memref_slice %arg4[%dma_start3A_843, %dma_start3A_844] : memref<10000x128xf32, #tpu.memory_space<hbm>> -> memref<10000x128xf32, #tpu.memory_space<hbm>>
        tpu.enqueue_indirect_dma source(%dma_start3A_845 : memref<10000x128xf32, #tpu.memory_space<hbm>>) target(%dma_start3A_839 : memref<64x128xf32, #tpu.memory_space<vmem>>) offsets(%dma_start3A_842 : memref<64xi32, #tpu.memory_space<vmem>>) semaphore(%arg21 : memref<!tpu.dma_semaphore, #tpu.memory_space<semaphore_mem>>)
      } else {
      }
      %add3A_758 = arith.constant 4 : i32
      %add3A_759 = arith.addi %add3A_512, %add3A_758 : i32
      %dma_wait3A_760 = arith.constant 4 : i32
      %dma_wait3A_761 = arith.constant 4 : i32
      %dma_wait3A_762 = arith.constant 0 : i32
      %dma_wait3A_763 = arith.constant 0 : i32
      %dma_wait3A_764 = tpu.memref_slice %arg8[%dma_wait3A_761, %dma_wait3A_762, %dma_wait3A_763] : memref<5x64x128xf32, #tpu.memory_space<vmem>> -> memref<1x64x128xf32, #tpu.memory_space<vmem>>
      %dma_wait3A_765 = tpu.memref_squeeze %dma_wait3A_764 : memref<1x64x128xf32, #tpu.memory_space<vmem>> -> memref<64x128xf32, #tpu.memory_space<vmem>>
      %dma_wait3A_766 = arith.constant 0 : i32
      %dma_wait3A_767 = tpu.memref_slice %arg6[%dma_wait3A_760, %dma_wait3A_766] : memref<5x64xi32, #tpu.memory_space<vmem>> -> memref<1x64xi32, #tpu.memory_space<vmem>>
      %dma_wait3A_768 = tpu.memref_squeeze %dma_wait3A_767 : memref<1x64xi32, #tpu.memory_space<vmem>> -> memref<64xi32, #tpu.memory_space<vmem>>
      %dma_wait3A_769 = arith.constant 0 : i32
      %dma_wait3A_770 = arith.constant 0 : i32
      %dma_wait3A_771 = tpu.memref_slice %arg4[%dma_wait3A_769, %dma_wait3A_770] : memref<10000x128xf32, #tpu.memory_space<hbm>> -> memref<10000x128xf32, #tpu.memory_space<hbm>>
      tpu.wait_indirect_dma semaphore(%arg24 : memref<!tpu.dma_semaphore, #tpu.memory_space<semaphore_mem>>) src(%dma_wait3A_771 : memref<10000x128xf32, #tpu.memory_space<hbm>>) dst(%dma_wait3A_765 : memref<64x128xf32, #tpu.memory_space<vmem>>)
      %mul3A_772 = arith.constant 64 : i32
      %mul3A_773 = arith.muli %add3A_759, %mul3A_772 : i32
      %add3A_774 = arith.addi %add3A, %mul3A_773 : i32
      %dma_wait3A_775 = arith.constant 4 : i32
      %dma_wait3A_776 = arith.constant 0 : i32
      %dma_wait3A_777 = tpu.memref_slice %arg7[%dma_wait3A_775, %dma_wait3A_776] : memref<5x64xi32, #tpu.memory_space<vmem>> -> memref<1x64xi32, #tpu.memory_space<vmem>>
      %dma_wait3A_778 = tpu.memref_squeeze %dma_wait3A_777 : memref<1x64xi32, #tpu.memory_space<vmem>> -> memref<64xi32, #tpu.memory_space<vmem>>
      %dma_wait3A_779 = tpu.memref_slice %arg3[%add3A_774] : memref<320000xi32, #tpu.memory_space<hbm>> -> memref<64xi32, #tpu.memory_space<hbm>>
      %dma_wait3A_780 = arith.constant 0 : i32
      %dma_wait3A_781 = tpu.memref_slice %arg7[%dma_wait3A_775, %dma_wait3A_780] : memref<5x64xi32, #tpu.memory_space<vmem>> -> memref<1x64xi32, #tpu.memory_space<vmem>>
      %dma_wait3A_782 = tpu.memref_squeeze %dma_wait3A_781 : memref<1x64xi32, #tpu.memory_space<vmem>> -> memref<64xi32, #tpu.memory_space<vmem>>
      %dma_wait3A_783 = tpu.memref_slice %arg3[%add3A_774] : memref<320000xi32, #tpu.memory_space<hbm>> -> memref<64xi32, #tpu.memory_space<hbm>>
      tpu.wait_dma2 semaphore(%arg19 : memref<!tpu.dma_semaphore, #tpu.memory_space<semaphore_mem>>) src(%dma_wait3A_783 : memref<64xi32, #tpu.memory_space<hbm>>) dst(%dma_wait3A_782 : memref<64xi32, #tpu.memory_space<vmem>>)
      %dma_start3A_784 = arith.constant 4 : i32
      %dma_start3A_785 = arith.constant 4 : i32
      %dma_start3A_786 = arith.constant 0 : i32
      %dma_start3A_787 = arith.constant 0 : i32
      %dma_start3A_788 = tpu.memref_slice %arg8[%dma_start3A_784, %dma_start3A_786, %dma_start3A_787] : memref<5x64x128xf32, #tpu.memory_space<vmem>> -> memref<1x64x128xf32, #tpu.memory_space<vmem>>
      %dma_start3A_789 = tpu.memref_squeeze %dma_start3A_788 : memref<1x64x128xf32, #tpu.memory_space<vmem>> -> memref<64x128xf32, #tpu.memory_space<vmem>>
      %dma_start3A_790 = arith.constant 0 : i32
      %dma_start3A_791 = tpu.memref_slice %arg7[%dma_start3A_785, %dma_start3A_790] : memref<5x64xi32, #tpu.memory_space<vmem>> -> memref<1x64xi32, #tpu.memory_space<vmem>>
      %dma_start3A_792 = tpu.memref_squeeze %dma_start3A_791 : memref<1x64xi32, #tpu.memory_space<vmem>> -> memref<64xi32, #tpu.memory_space<vmem>>
      %dma_start3A_793 = arith.constant 0 : i32
      %dma_start3A_794 = arith.constant 0 : i32
      %dma_start3A_795 = tpu.memref_slice %arg9[%dma_start3A_793, %dma_start3A_794] : memref<10240x128xf32, #tpu.memory_space<vmem_shared>> -> memref<10240x128xf32, #tpu.memory_space<vmem_shared>>
      tpu.enqueue_indirect_dma source(%dma_start3A_789 : memref<64x128xf32, #tpu.memory_space<vmem>>) target(%dma_start3A_795 : memref<10240x128xf32, #tpu.memory_space<vmem_shared>>) offsets(%dma_start3A_792 : memref<64xi32, #tpu.memory_space<vmem>>) semaphore(%arg29 : memref<!tpu.dma_semaphore, #tpu.memory_space<semaphore_mem>>) {add = true}
      %add3A_796 = arith.constant 5 : i32
      %add3A_797 = arith.addi %add3A_759, %add3A_796 : i32
      %lt3A_798 = arith.constant 155 : i32
      %lt3A_799 = arith.cmpi slt, %add3A_797, %lt3A_798 : i32
      %convert_element_type3A_800 = arith.extui %lt3A_799 : i1 to i32
      %cond3A_801 = arith.constant 0 : i32
      %cond3A_802 = arith.cmpi ne, %convert_element_type3A_800, %cond3A_801 : i32
      scf.if %cond3A_802 {
        %add3A_820 = arith.constant 5 : i32
        %add3A_821 = arith.addi %add3A_759, %add3A_820 : i32
        %mul3A_822 = arith.constant 64 : i32
        %mul3A_823 = arith.muli %add3A_821, %mul3A_822 : i32
        %add3A_824 = arith.addi %add3A_7, %mul3A_823 : i32
        %dma_start3A_825 = arith.constant 4 : i32
        %dma_start3A_826 = arith.constant 0 : i32
        %dma_start3A_827 = tpu.memref_slice %arg6[%dma_start3A_825, %dma_start3A_826] : memref<5x64xi32, #tpu.memory_space<vmem>> -> memref<1x64xi32, #tpu.memory_space<vmem>>
        %dma_start3A_828 = tpu.memref_squeeze %dma_start3A_827 : memref<1x64xi32, #tpu.memory_space<vmem>> -> memref<64xi32, #tpu.memory_space<vmem>>
        %dma_start3A_829 = tpu.memref_slice %arg2[%add3A_824] : memref<320000xi32, #tpu.memory_space<hbm>> -> memref<64xi32, #tpu.memory_space<hbm>>
        %dma_start3A_830 = arith.constant 0 : i32
        %dma_start3A_831 = tpu.memref_slice %arg6[%dma_start3A_825, %dma_start3A_830] : memref<5x64xi32, #tpu.memory_space<vmem>> -> memref<1x64xi32, #tpu.memory_space<vmem>>
        %dma_start3A_832 = tpu.memref_squeeze %dma_start3A_831 : memref<1x64xi32, #tpu.memory_space<vmem>> -> memref<64xi32, #tpu.memory_space<vmem>>
        %dma_start3A_833 = tpu.memref_slice %arg2[%add3A_824] : memref<320000xi32, #tpu.memory_space<hbm>> -> memref<64xi32, #tpu.memory_space<hbm>>
        tpu.enqueue_dma source(%dma_start3A_833 : memref<64xi32, #tpu.memory_space<hbm>>) target(%dma_start3A_832 : memref<64xi32, #tpu.memory_space<vmem>>) target_semaphore(%arg14 : memref<!tpu.dma_semaphore, #tpu.memory_space<semaphore_mem>>)
      } else {
      }
      %ge3A_803 = arith.constant 2 : i32
      %ge3A_804 = arith.cmpi sge, %add3A_759, %ge3A_803 : i32
      %add3A_805 = arith.constant 3 : i32
      %add3A_806 = arith.addi %add3A_759, %add3A_805 : i32
      %lt3A_807 = arith.constant 155 : i32
      %lt3A_808 = arith.cmpi slt, %add3A_806, %lt3A_807 : i32
      %and3A_809 = arith.andi %ge3A_804, %lt3A_808 : i1
      %convert_element_type3A_810 = arith.extui %and3A_809 : i1 to i32
      %cond3A_811 = arith.constant 0 : i32
      %cond3A_812 = arith.cmpi ne, %convert_element_type3A_810, %cond3A_811 : i32
      scf.if %cond3A_812 {
        %dma_wait3A_820 = arith.constant 2 : i32
        %dma_wait3A_821 = arith.constant 2 : i32
        %dma_wait3A_822 = arith.constant 0 : i32
        %dma_wait3A_823 = arith.constant 0 : i32
        %dma_wait3A_824 = tpu.memref_slice %arg8[%dma_wait3A_820, %dma_wait3A_822, %dma_wait3A_823] : memref<5x64x128xf32, #tpu.memory_space<vmem>> -> memref<1x64x128xf32, #tpu.memory_space<vmem>>
        %dma_wait3A_825 = tpu.memref_squeeze %dma_wait3A_824 : memref<1x64x128xf32, #tpu.memory_space<vmem>> -> memref<64x128xf32, #tpu.memory_space<vmem>>
        %dma_wait3A_826 = arith.constant 0 : i32
        %dma_wait3A_827 = tpu.memref_slice %arg7[%dma_wait3A_821, %dma_wait3A_826] : memref<5x64xi32, #tpu.memory_space<vmem>> -> memref<1x64xi32, #tpu.memory_space<vmem>>
        %dma_wait3A_828 = tpu.memref_squeeze %dma_wait3A_827 : memref<1x64xi32, #tpu.memory_space<vmem>> -> memref<64xi32, #tpu.memory_space<vmem>>
        %dma_wait3A_829 = arith.constant 0 : i32
        %dma_wait3A_830 = arith.constant 0 : i32
        %dma_wait3A_831 = tpu.memref_slice %arg9[%dma_wait3A_829, %dma_wait3A_830] : memref<10240x128xf32, #tpu.memory_space<vmem_shared>> -> memref<10240x128xf32, #tpu.memory_space<vmem_shared>>
        tpu.wait_indirect_dma semaphore(%arg27 : memref<!tpu.dma_semaphore, #tpu.memory_space<semaphore_mem>>) src(%dma_wait3A_825 : memref<64x128xf32, #tpu.memory_space<vmem>>) dst(%dma_wait3A_831 : memref<10240x128xf32, #tpu.memory_space<vmem_shared>>)
        %add3A_832 = arith.constant 3 : i32
        %add3A_833 = arith.addi %add3A_759, %add3A_832 : i32
        %mul3A_834 = arith.constant 64 : i32
        %mul3A_835 = arith.muli %add3A_833, %mul3A_834 : i32
        %add3A_836 = arith.addi %add3A, %mul3A_835 : i32
        %dma_start3A_837 = arith.constant 2 : i32
        %dma_start3A_838 = arith.constant 0 : i32
        %dma_start3A_839 = tpu.memref_slice %arg7[%dma_start3A_837, %dma_start3A_838] : memref<5x64xi32, #tpu.memory_space<vmem>> -> memref<1x64xi32, #tpu.memory_space<vmem>>
        %dma_start3A_840 = tpu.memref_squeeze %dma_start3A_839 : memref<1x64xi32, #tpu.memory_space<vmem>> -> memref<64xi32, #tpu.memory_space<vmem>>
        %dma_start3A_841 = tpu.memref_slice %arg3[%add3A_836] : memref<320000xi32, #tpu.memory_space<hbm>> -> memref<64xi32, #tpu.memory_space<hbm>>
        %dma_start3A_842 = arith.constant 0 : i32
        %dma_start3A_843 = tpu.memref_slice %arg7[%dma_start3A_837, %dma_start3A_842] : memref<5x64xi32, #tpu.memory_space<vmem>> -> memref<1x64xi32, #tpu.memory_space<vmem>>
        %dma_start3A_844 = tpu.memref_squeeze %dma_start3A_843 : memref<1x64xi32, #tpu.memory_space<vmem>> -> memref<64xi32, #tpu.memory_space<vmem>>
        %dma_start3A_845 = tpu.memref_slice %arg3[%add3A_836] : memref<320000xi32, #tpu.memory_space<hbm>> -> memref<64xi32, #tpu.memory_space<hbm>>
        tpu.enqueue_dma source(%dma_start3A_845 : memref<64xi32, #tpu.memory_space<hbm>>) target(%dma_start3A_844 : memref<64xi32, #tpu.memory_space<vmem>>) target_semaphore(%arg17 : memref<!tpu.dma_semaphore, #tpu.memory_space<semaphore_mem>>)
      } else {
      }
      %add3A_813 = arith.constant 3 : i32
      %add3A_814 = arith.addi %add3A_759, %add3A_813 : i32
      %lt3A_815 = arith.constant 155 : i32
      %lt3A_816 = arith.cmpi slt, %add3A_814, %lt3A_815 : i32
      %convert_element_type3A_817 = arith.extui %lt3A_816 : i1 to i32
      %cond3A_818 = arith.constant 0 : i32
      %cond3A_819 = arith.cmpi ne, %convert_element_type3A_817, %cond3A_818 : i32
      scf.if %cond3A_819 {
        %add3A_820 = arith.constant 3 : i32
        %add3A_821 = arith.addi %add3A_759, %add3A_820 : i32
        %mul3A_822 = arith.constant 64 : i32
        %mul3A_823 = arith.muli %add3A_821, %mul3A_822 : i32
        %add3A_824 = arith.addi %add3A_7, %mul3A_823 : i32
        %dma_wait3A_825 = arith.constant 2 : i32
        %dma_wait3A_826 = arith.constant 0 : i32
        %dma_wait3A_827 = tpu.memref_slice %arg6[%dma_wait3A_825, %dma_wait3A_826] : memref<5x64xi32, #tpu.memory_space<vmem>> -> memref<1x64xi32, #tpu.memory_space<vmem>>
        %dma_wait3A_828 = tpu.memref_squeeze %dma_wait3A_827 : memref<1x64xi32, #tpu.memory_space<vmem>> -> memref<64xi32, #tpu.memory_space<vmem>>
        %dma_wait3A_829 = tpu.memref_slice %arg2[%add3A_824] : memref<320000xi32, #tpu.memory_space<hbm>> -> memref<64xi32, #tpu.memory_space<hbm>>
        %dma_wait3A_830 = arith.constant 0 : i32
        %dma_wait3A_831 = tpu.memref_slice %arg6[%dma_wait3A_825, %dma_wait3A_830] : memref<5x64xi32, #tpu.memory_space<vmem>> -> memref<1x64xi32, #tpu.memory_space<vmem>>
        %dma_wait3A_832 = tpu.memref_squeeze %dma_wait3A_831 : memref<1x64xi32, #tpu.memory_space<vmem>> -> memref<64xi32, #tpu.memory_space<vmem>>
        %dma_wait3A_833 = tpu.memref_slice %arg2[%add3A_824] : memref<320000xi32, #tpu.memory_space<hbm>> -> memref<64xi32, #tpu.memory_space<hbm>>
        tpu.wait_dma2 semaphore(%arg12 : memref<!tpu.dma_semaphore, #tpu.memory_space<semaphore_mem>>) src(%dma_wait3A_833 : memref<64xi32, #tpu.memory_space<hbm>>) dst(%dma_wait3A_832 : memref<64xi32, #tpu.memory_space<vmem>>)
        %dma_start3A_834 = arith.constant 2 : i32
        %dma_start3A_835 = arith.constant 2 : i32
        %dma_start3A_836 = arith.constant 0 : i32
        %dma_start3A_837 = arith.constant 0 : i32
        %dma_start3A_838 = tpu.memref_slice %arg8[%dma_start3A_835, %dma_start3A_836, %dma_start3A_837] : memref<5x64x128xf32, #tpu.memory_space<vmem>> -> memref<1x64x128xf32, #tpu.memory_space<vmem>>
        %dma_start3A_839 = tpu.memref_squeeze %dma_start3A_838 : memref<1x64x128xf32, #tpu.memory_space<vmem>> -> memref<64x128xf32, #tpu.memory_space<vmem>>
        %dma_start3A_840 = arith.constant 0 : i32
        %dma_start3A_841 = tpu.memref_slice %arg6[%dma_start3A_834, %dma_start3A_840] : memref<5x64xi32, #tpu.memory_space<vmem>> -> memref<1x64xi32, #tpu.memory_space<vmem>>
        %dma_start3A_842 = tpu.memref_squeeze %dma_start3A_841 : memref<1x64xi32, #tpu.memory_space<vmem>> -> memref<64xi32, #tpu.memory_space<vmem>>
        %dma_start3A_843 = arith.constant 0 : i32
        %dma_start3A_844 = arith.constant 0 : i32
        %dma_start3A_845 = tpu.memref_slice %arg4[%dma_start3A_843, %dma_start3A_844] : memref<10000x128xf32, #tpu.memory_space<hbm>> -> memref<10000x128xf32, #tpu.memory_space<hbm>>
        tpu.enqueue_indirect_dma source(%dma_start3A_845 : memref<10000x128xf32, #tpu.memory_space<hbm>>) target(%dma_start3A_839 : memref<64x128xf32, #tpu.memory_space<vmem>>) offsets(%dma_start3A_842 : memref<64xi32, #tpu.memory_space<vmem>>) semaphore(%arg22 : memref<!tpu.dma_semaphore, #tpu.memory_space<semaphore_mem>>)
      } else {
      }
    }
    %scan3A_216 = arith.constant 31 : i32
    %dma_wait3A_217 = arith.constant 0 : i32
    %dma_wait3A_218 = arith.constant 0 : i32
    %dma_wait3A_219 = arith.constant 0 : i32
    %dma_wait3A_220 = arith.constant 0 : i32
    %dma_wait3A_221 = tpu.memref_slice %arg8[%dma_wait3A_217, %dma_wait3A_219, %dma_wait3A_220] : memref<5x64x128xf32, #tpu.memory_space<vmem>> -> memref<1x64x128xf32, #tpu.memory_space<vmem>>
    %dma_wait3A_222 = tpu.memref_squeeze %dma_wait3A_221 : memref<1x64x128xf32, #tpu.memory_space<vmem>> -> memref<64x128xf32, #tpu.memory_space<vmem>>
    %dma_wait3A_223 = arith.constant 0 : i32
    %dma_wait3A_224 = tpu.memref_slice %arg7[%dma_wait3A_218, %dma_wait3A_223] : memref<5x64xi32, #tpu.memory_space<vmem>> -> memref<1x64xi32, #tpu.memory_space<vmem>>
    %dma_wait3A_225 = tpu.memref_squeeze %dma_wait3A_224 : memref<1x64xi32, #tpu.memory_space<vmem>> -> memref<64xi32, #tpu.memory_space<vmem>>
    %dma_wait3A_226 = arith.constant 0 : i32
    %dma_wait3A_227 = arith.constant 0 : i32
    %dma_wait3A_228 = tpu.memref_slice %arg9[%dma_wait3A_226, %dma_wait3A_227] : memref<10240x128xf32, #tpu.memory_space<vmem_shared>> -> memref<10240x128xf32, #tpu.memory_space<vmem_shared>>
    tpu.wait_indirect_dma semaphore(%arg25 : memref<!tpu.dma_semaphore, #tpu.memory_space<semaphore_mem>>) src(%dma_wait3A_222 : memref<64x128xf32, #tpu.memory_space<vmem>>) dst(%dma_wait3A_228 : memref<10240x128xf32, #tpu.memory_space<vmem_shared>>)
    %dma_wait3A_229 = arith.constant 1 : i32
    %dma_wait3A_230 = arith.constant 1 : i32
    %dma_wait3A_231 = arith.constant 0 : i32
    %dma_wait3A_232 = arith.constant 0 : i32
    %dma_wait3A_233 = tpu.memref_slice %arg8[%dma_wait3A_229, %dma_wait3A_231, %dma_wait3A_232] : memref<5x64x128xf32, #tpu.memory_space<vmem>> -> memref<1x64x128xf32, #tpu.memory_space<vmem>>
    %dma_wait3A_234 = tpu.memref_squeeze %dma_wait3A_233 : memref<1x64x128xf32, #tpu.memory_space<vmem>> -> memref<64x128xf32, #tpu.memory_space<vmem>>
    %dma_wait3A_235 = arith.constant 0 : i32
    %dma_wait3A_236 = tpu.memref_slice %arg7[%dma_wait3A_230, %dma_wait3A_235] : memref<5x64xi32, #tpu.memory_space<vmem>> -> memref<1x64xi32, #tpu.memory_space<vmem>>
    %dma_wait3A_237 = tpu.memref_squeeze %dma_wait3A_236 : memref<1x64xi32, #tpu.memory_space<vmem>> -> memref<64xi32, #tpu.memory_space<vmem>>
    %dma_wait3A_238 = arith.constant 0 : i32
    %dma_wait3A_239 = arith.constant 0 : i32
    %dma_wait3A_240 = tpu.memref_slice %arg9[%dma_wait3A_238, %dma_wait3A_239] : memref<10240x128xf32, #tpu.memory_space<vmem_shared>> -> memref<10240x128xf32, #tpu.memory_space<vmem_shared>>
    tpu.wait_indirect_dma semaphore(%arg26 : memref<!tpu.dma_semaphore, #tpu.memory_space<semaphore_mem>>) src(%dma_wait3A_234 : memref<64x128xf32, #tpu.memory_space<vmem>>) dst(%dma_wait3A_240 : memref<10240x128xf32, #tpu.memory_space<vmem_shared>>)
    %dma_wait3A_241 = arith.constant 2 : i32
    %dma_wait3A_242 = arith.constant 2 : i32
    %dma_wait3A_243 = arith.constant 0 : i32
    %dma_wait3A_244 = arith.constant 0 : i32
    %dma_wait3A_245 = tpu.memref_slice %arg8[%dma_wait3A_241, %dma_wait3A_243, %dma_wait3A_244] : memref<5x64x128xf32, #tpu.memory_space<vmem>> -> memref<1x64x128xf32, #tpu.memory_space<vmem>>
    %dma_wait3A_246 = tpu.memref_squeeze %dma_wait3A_245 : memref<1x64x128xf32, #tpu.memory_space<vmem>> -> memref<64x128xf32, #tpu.memory_space<vmem>>
    %dma_wait3A_247 = arith.constant 0 : i32
    %dma_wait3A_248 = tpu.memref_slice %arg7[%dma_wait3A_242, %dma_wait3A_247] : memref<5x64xi32, #tpu.memory_space<vmem>> -> memref<1x64xi32, #tpu.memory_space<vmem>>
    %dma_wait3A_249 = tpu.memref_squeeze %dma_wait3A_248 : memref<1x64xi32, #tpu.memory_space<vmem>> -> memref<64xi32, #tpu.memory_space<vmem>>
    %dma_wait3A_250 = arith.constant 0 : i32
    %dma_wait3A_251 = arith.constant 0 : i32
    %dma_wait3A_252 = tpu.memref_slice %arg9[%dma_wait3A_250, %dma_wait3A_251] : memref<10240x128xf32, #tpu.memory_space<vmem_shared>> -> memref<10240x128xf32, #tpu.memory_space<vmem_shared>>
    tpu.wait_indirect_dma semaphore(%arg27 : memref<!tpu.dma_semaphore, #tpu.memory_space<semaphore_mem>>) src(%dma_wait3A_246 : memref<64x128xf32, #tpu.memory_space<vmem>>) dst(%dma_wait3A_252 : memref<10240x128xf32, #tpu.memory_space<vmem_shared>>)
    %dma_wait3A_253 = arith.constant 3 : i32
    %dma_wait3A_254 = arith.constant 3 : i32
    %dma_wait3A_255 = arith.constant 0 : i32
    %dma_wait3A_256 = arith.constant 0 : i32
    %dma_wait3A_257 = tpu.memref_slice %arg8[%dma_wait3A_253, %dma_wait3A_255, %dma_wait3A_256] : memref<5x64x128xf32, #tpu.memory_space<vmem>> -> memref<1x64x128xf32, #tpu.memory_space<vmem>>
    %dma_wait3A_258 = tpu.memref_squeeze %dma_wait3A_257 : memref<1x64x128xf32, #tpu.memory_space<vmem>> -> memref<64x128xf32, #tpu.memory_space<vmem>>
    %dma_wait3A_259 = arith.constant 0 : i32
    %dma_wait3A_260 = tpu.memref_slice %arg7[%dma_wait3A_254, %dma_wait3A_259] : memref<5x64xi32, #tpu.memory_space<vmem>> -> memref<1x64xi32, #tpu.memory_space<vmem>>
    %dma_wait3A_261 = tpu.memref_squeeze %dma_wait3A_260 : memref<1x64xi32, #tpu.memory_space<vmem>> -> memref<64xi32, #tpu.memory_space<vmem>>
    %dma_wait3A_262 = arith.constant 0 : i32
    %dma_wait3A_263 = arith.constant 0 : i32
    %dma_wait3A_264 = tpu.memref_slice %arg9[%dma_wait3A_262, %dma_wait3A_263] : memref<10240x128xf32, #tpu.memory_space<vmem_shared>> -> memref<10240x128xf32, #tpu.memory_space<vmem_shared>>
    tpu.wait_indirect_dma semaphore(%arg28 : memref<!tpu.dma_semaphore, #tpu.memory_space<semaphore_mem>>) src(%dma_wait3A_258 : memref<64x128xf32, #tpu.memory_space<vmem>>) dst(%dma_wait3A_264 : memref<10240x128xf32, #tpu.memory_space<vmem_shared>>)
    %dma_wait3A_265 = arith.constant 4 : i32
    %dma_wait3A_266 = arith.constant 4 : i32
    %dma_wait3A_267 = arith.constant 0 : i32
    %dma_wait3A_268 = arith.constant 0 : i32
    %dma_wait3A_269 = tpu.memref_slice %arg8[%dma_wait3A_265, %dma_wait3A_267, %dma_wait3A_268] : memref<5x64x128xf32, #tpu.memory_space<vmem>> -> memref<1x64x128xf32, #tpu.memory_space<vmem>>
    %dma_wait3A_270 = tpu.memref_squeeze %dma_wait3A_269 : memref<1x64x128xf32, #tpu.memory_space<vmem>> -> memref<64x128xf32, #tpu.memory_space<vmem>>
    %dma_wait3A_271 = arith.constant 0 : i32
    %dma_wait3A_272 = tpu.memref_slice %arg7[%dma_wait3A_266, %dma_wait3A_271] : memref<5x64xi32, #tpu.memory_space<vmem>> -> memref<1x64xi32, #tpu.memory_space<vmem>>
    %dma_wait3A_273 = tpu.memref_squeeze %dma_wait3A_272 : memref<1x64xi32, #tpu.memory_space<vmem>> -> memref<64xi32, #tpu.memory_space<vmem>>
    %dma_wait3A_274 = arith.constant 0 : i32
    %dma_wait3A_275 = arith.constant 0 : i32
    %dma_wait3A_276 = tpu.memref_slice %arg9[%dma_wait3A_274, %dma_wait3A_275] : memref<10240x128xf32, #tpu.memory_space<vmem_shared>> -> memref<10240x128xf32, #tpu.memory_space<vmem_shared>>
    tpu.wait_indirect_dma semaphore(%arg29 : memref<!tpu.dma_semaphore, #tpu.memory_space<semaphore_mem>>) src(%dma_wait3A_270 : memref<64x128xf32, #tpu.memory_space<vmem>>) dst(%dma_wait3A_276 : memref<10240x128xf32, #tpu.memory_space<vmem_shared>>)
    %add3A_277 = arith.constant 9920 : i32
    %add3A_278 = arith.addi %add3A_7, %add3A_277 : i32
    %dma_start3A_279 = arith.constant 0 : i32
    %dma_start3A_280 = arith.constant 0 : i32
    %dma_start3A_281 = tpu.memref_slice %arg6[%dma_start3A_279, %dma_start3A_280] : memref<5x64xi32, #tpu.memory_space<vmem>> -> memref<1x64xi32, #tpu.memory_space<vmem>>
    %dma_start3A_282 = tpu.memref_squeeze %dma_start3A_281 : memref<1x64xi32, #tpu.memory_space<vmem>> -> memref<64xi32, #tpu.memory_space<vmem>>
    %dma_start3A_283 = tpu.memref_slice %arg2[%add3A_278] : memref<320000xi32, #tpu.memory_space<hbm>> -> memref<64xi32, #tpu.memory_space<hbm>>
    %dma_start3A_284 = arith.constant 0 : i32
    %dma_start3A_285 = tpu.memref_slice %arg6[%dma_start3A_279, %dma_start3A_284] : memref<5x64xi32, #tpu.memory_space<vmem>> -> memref<1x64xi32, #tpu.memory_space<vmem>>
    %dma_start3A_286 = tpu.memref_squeeze %dma_start3A_285 : memref<1x64xi32, #tpu.memory_space<vmem>> -> memref<64xi32, #tpu.memory_space<vmem>>
    %dma_start3A_287 = tpu.memref_slice %arg2[%add3A_278] : memref<320000xi32, #tpu.memory_space<hbm>> -> memref<64xi32, #tpu.memory_space<hbm>>
    tpu.enqueue_dma source(%dma_start3A_287 : memref<64xi32, #tpu.memory_space<hbm>>) target(%dma_start3A_286 : memref<64xi32, #tpu.memory_space<vmem>>) target_semaphore(%arg10 : memref<!tpu.dma_semaphore, #tpu.memory_space<semaphore_mem>>)
    %add3A_288 = arith.constant 9920 : i32
    %add3A_289 = arith.addi %add3A, %add3A_288 : i32
    %dma_start3A_290 = arith.constant 0 : i32
    %dma_start3A_291 = arith.constant 0 : i32
    %dma_start3A_292 = tpu.memref_slice %arg7[%dma_start3A_290, %dma_start3A_291] : memref<5x64xi32, #tpu.memory_space<vmem>> -> memref<1x64xi32, #tpu.memory_space<vmem>>
    %dma_start3A_293 = tpu.memref_squeeze %dma_start3A_292 : memref<1x64xi32, #tpu.memory_space<vmem>> -> memref<64xi32, #tpu.memory_space<vmem>>
    %dma_start3A_294 = tpu.memref_slice %arg3[%add3A_289] : memref<320000xi32, #tpu.memory_space<hbm>> -> memref<64xi32, #tpu.memory_space<hbm>>
    %dma_start3A_295 = arith.constant 0 : i32
    %dma_start3A_296 = tpu.memref_slice %arg7[%dma_start3A_290, %dma_start3A_295] : memref<5x64xi32, #tpu.memory_space<vmem>> -> memref<1x64xi32, #tpu.memory_space<vmem>>
    %dma_start3A_297 = tpu.memref_squeeze %dma_start3A_296 : memref<1x64xi32, #tpu.memory_space<vmem>> -> memref<64xi32, #tpu.memory_space<vmem>>
    %dma_start3A_298 = tpu.memref_slice %arg3[%add3A_289] : memref<320000xi32, #tpu.memory_space<hbm>> -> memref<64xi32, #tpu.memory_space<hbm>>
    tpu.enqueue_dma source(%dma_start3A_298 : memref<64xi32, #tpu.memory_space<hbm>>) target(%dma_start3A_297 : memref<64xi32, #tpu.memory_space<vmem>>) target_semaphore(%arg15 : memref<!tpu.dma_semaphore, #tpu.memory_space<semaphore_mem>>)
    %add3A_299 = arith.constant 9920 : i32
    %add3A_300 = arith.addi %add3A_7, %add3A_299 : i32
    %dma_wait3A_301 = arith.constant 0 : i32
    %dma_wait3A_302 = arith.constant 0 : i32
    %dma_wait3A_303 = tpu.memref_slice %arg6[%dma_wait3A_301, %dma_wait3A_302] : memref<5x64xi32, #tpu.memory_space<vmem>> -> memref<1x64xi32, #tpu.memory_space<vmem>>
    %dma_wait3A_304 = tpu.memref_squeeze %dma_wait3A_303 : memref<1x64xi32, #tpu.memory_space<vmem>> -> memref<64xi32, #tpu.memory_space<vmem>>
    %dma_wait3A_305 = tpu.memref_slice %arg2[%add3A_300] : memref<320000xi32, #tpu.memory_space<hbm>> -> memref<64xi32, #tpu.memory_space<hbm>>
    %dma_wait3A_306 = arith.constant 0 : i32
    %dma_wait3A_307 = tpu.memref_slice %arg6[%dma_wait3A_301, %dma_wait3A_306] : memref<5x64xi32, #tpu.memory_space<vmem>> -> memref<1x64xi32, #tpu.memory_space<vmem>>
    %dma_wait3A_308 = tpu.memref_squeeze %dma_wait3A_307 : memref<1x64xi32, #tpu.memory_space<vmem>> -> memref<64xi32, #tpu.memory_space<vmem>>
    %dma_wait3A_309 = tpu.memref_slice %arg2[%add3A_300] : memref<320000xi32, #tpu.memory_space<hbm>> -> memref<64xi32, #tpu.memory_space<hbm>>
    tpu.wait_dma2 semaphore(%arg10 : memref<!tpu.dma_semaphore, #tpu.memory_space<semaphore_mem>>) src(%dma_wait3A_309 : memref<64xi32, #tpu.memory_space<hbm>>) dst(%dma_wait3A_308 : memref<64xi32, #tpu.memory_space<vmem>>)
    %add3A_310 = arith.constant 9920 : i32
    %add3A_311 = arith.addi %add3A, %add3A_310 : i32
    %dma_wait3A_312 = arith.constant 0 : i32
    %dma_wait3A_313 = arith.constant 0 : i32
    %dma_wait3A_314 = tpu.memref_slice %arg7[%dma_wait3A_312, %dma_wait3A_313] : memref<5x64xi32, #tpu.memory_space<vmem>> -> memref<1x64xi32, #tpu.memory_space<vmem>>
    %dma_wait3A_315 = tpu.memref_squeeze %dma_wait3A_314 : memref<1x64xi32, #tpu.memory_space<vmem>> -> memref<64xi32, #tpu.memory_space<vmem>>
    %dma_wait3A_316 = tpu.memref_slice %arg3[%add3A_311] : memref<320000xi32, #tpu.memory_space<hbm>> -> memref<64xi32, #tpu.memory_space<hbm>>
    %dma_wait3A_317 = arith.constant 0 : i32
    %dma_wait3A_318 = tpu.memref_slice %arg7[%dma_wait3A_312, %dma_wait3A_317] : memref<5x64xi32, #tpu.memory_space<vmem>> -> memref<1x64xi32, #tpu.memory_space<vmem>>
    %dma_wait3A_319 = tpu.memref_squeeze %dma_wait3A_318 : memref<1x64xi32, #tpu.memory_space<vmem>> -> memref<64xi32, #tpu.memory_space<vmem>>
    %dma_wait3A_320 = tpu.memref_slice %arg3[%add3A_311] : memref<320000xi32, #tpu.memory_space<hbm>> -> memref<64xi32, #tpu.memory_space<hbm>>
    tpu.wait_dma2 semaphore(%arg15 : memref<!tpu.dma_semaphore, #tpu.memory_space<semaphore_mem>>) src(%dma_wait3A_320 : memref<64xi32, #tpu.memory_space<hbm>>) dst(%dma_wait3A_319 : memref<64xi32, #tpu.memory_space<vmem>>)
    %dma_start3A_321 = arith.constant 0 : i32
    %dma_start3A_322 = arith.constant 0 : i32
    %dma_start3A_323 = arith.constant 0 : i32
    %dma_start3A_324 = arith.constant 0 : i32
    %dma_start3A_325 = tpu.memref_slice %arg8[%dma_start3A_322, %dma_start3A_323, %dma_start3A_324] : memref<5x64x128xf32, #tpu.memory_space<vmem>> -> memref<1x64x128xf32, #tpu.memory_space<vmem>>
    %dma_start3A_326 = tpu.memref_squeeze %dma_start3A_325 : memref<1x64x128xf32, #tpu.memory_space<vmem>> -> memref<64x128xf32, #tpu.memory_space<vmem>>
    %dma_start3A_327 = arith.constant 0 : i32
    %dma_start3A_328 = tpu.memref_slice %arg6[%dma_start3A_321, %dma_start3A_327] : memref<5x64xi32, #tpu.memory_space<vmem>> -> memref<1x64xi32, #tpu.memory_space<vmem>>
    %dma_start3A_329 = tpu.memref_squeeze %dma_start3A_328 : memref<1x64xi32, #tpu.memory_space<vmem>> -> memref<64xi32, #tpu.memory_space<vmem>>
    %dma_start3A_330 = arith.constant 0 : i32
    %dma_start3A_331 = arith.constant 0 : i32
    %dma_start3A_332 = tpu.memref_slice %arg4[%dma_start3A_330, %dma_start3A_331] : memref<10000x128xf32, #tpu.memory_space<hbm>> -> memref<10000x128xf32, #tpu.memory_space<hbm>>
    tpu.enqueue_indirect_dma source(%dma_start3A_332 : memref<10000x128xf32, #tpu.memory_space<hbm>>) target(%dma_start3A_326 : memref<64x128xf32, #tpu.memory_space<vmem>>) offsets(%dma_start3A_329 : memref<64xi32, #tpu.memory_space<vmem>>) semaphore(%arg20 : memref<!tpu.dma_semaphore, #tpu.memory_space<semaphore_mem>>)
    %dma_wait3A_333 = arith.constant 0 : i32
    %dma_wait3A_334 = arith.constant 0 : i32
    %dma_wait3A_335 = arith.constant 0 : i32
    %dma_wait3A_336 = arith.constant 0 : i32
    %dma_wait3A_337 = tpu.memref_slice %arg8[%dma_wait3A_334, %dma_wait3A_335, %dma_wait3A_336] : memref<5x64x128xf32, #tpu.memory_space<vmem>> -> memref<1x64x128xf32, #tpu.memory_space<vmem>>
    %dma_wait3A_338 = tpu.memref_squeeze %dma_wait3A_337 : memref<1x64x128xf32, #tpu.memory_space<vmem>> -> memref<64x128xf32, #tpu.memory_space<vmem>>
    %dma_wait3A_339 = arith.constant 0 : i32
    %dma_wait3A_340 = tpu.memref_slice %arg6[%dma_wait3A_333, %dma_wait3A_339] : memref<5x64xi32, #tpu.memory_space<vmem>> -> memref<1x64xi32, #tpu.memory_space<vmem>>
    %dma_wait3A_341 = tpu.memref_squeeze %dma_wait3A_340 : memref<1x64xi32, #tpu.memory_space<vmem>> -> memref<64xi32, #tpu.memory_space<vmem>>
    %dma_wait3A_342 = arith.constant 0 : i32
    %dma_wait3A_343 = arith.constant 0 : i32
    %dma_wait3A_344 = tpu.memref_slice %arg4[%dma_wait3A_342, %dma_wait3A_343] : memref<10000x128xf32, #tpu.memory_space<hbm>> -> memref<10000x128xf32, #tpu.memory_space<hbm>>
    tpu.wait_indirect_dma semaphore(%arg20 : memref<!tpu.dma_semaphore, #tpu.memory_space<semaphore_mem>>) src(%dma_wait3A_344 : memref<10000x128xf32, #tpu.memory_space<hbm>>) dst(%dma_wait3A_338 : memref<64x128xf32, #tpu.memory_space<vmem>>)
    %dma_start3A_345 = arith.constant 0 : i32
    %dma_start3A_346 = arith.constant 0 : i32
    %dma_start3A_347 = arith.constant 0 : i32
    %dma_start3A_348 = arith.constant 0 : i32
    %dma_start3A_349 = tpu.memref_slice %arg8[%dma_start3A_345, %dma_start3A_347, %dma_start3A_348] : memref<5x64x128xf32, #tpu.memory_space<vmem>> -> memref<1x64x128xf32, #tpu.memory_space<vmem>>
    %dma_start3A_350 = tpu.memref_squeeze %dma_start3A_349 : memref<1x64x128xf32, #tpu.memory_space<vmem>> -> memref<64x128xf32, #tpu.memory_space<vmem>>
    %dma_start3A_351 = arith.constant 0 : i32
    %dma_start3A_352 = tpu.memref_slice %arg7[%dma_start3A_346, %dma_start3A_351] : memref<5x64xi32, #tpu.memory_space<vmem>> -> memref<1x64xi32, #tpu.memory_space<vmem>>
    %dma_start3A_353 = tpu.memref_squeeze %dma_start3A_352 : memref<1x64xi32, #tpu.memory_space<vmem>> -> memref<64xi32, #tpu.memory_space<vmem>>
    %dma_start3A_354 = arith.constant 0 : i32
    %dma_start3A_355 = arith.constant 0 : i32
    %dma_start3A_356 = tpu.memref_slice %arg9[%dma_start3A_354, %dma_start3A_355] : memref<10240x128xf32, #tpu.memory_space<vmem_shared>> -> memref<10240x128xf32, #tpu.memory_space<vmem_shared>>
    tpu.enqueue_indirect_dma source(%dma_start3A_350 : memref<64x128xf32, #tpu.memory_space<vmem>>) target(%dma_start3A_356 : memref<10240x128xf32, #tpu.memory_space<vmem_shared>>) offsets(%dma_start3A_353 : memref<64xi32, #tpu.memory_space<vmem>>) semaphore(%arg25 : memref<!tpu.dma_semaphore, #tpu.memory_space<semaphore_mem>>) {add = true}
    %dma_wait3A_357 = arith.constant 0 : i32
    %dma_wait3A_358 = arith.constant 0 : i32
    %dma_wait3A_359 = arith.constant 0 : i32
    %dma_wait3A_360 = arith.constant 0 : i32
    %dma_wait3A_361 = tpu.memref_slice %arg8[%dma_wait3A_357, %dma_wait3A_359, %dma_wait3A_360] : memref<5x64x128xf32, #tpu.memory_space<vmem>> -> memref<1x64x128xf32, #tpu.memory_space<vmem>>
    %dma_wait3A_362 = tpu.memref_squeeze %dma_wait3A_361 : memref<1x64x128xf32, #tpu.memory_space<vmem>> -> memref<64x128xf32, #tpu.memory_space<vmem>>
    %dma_wait3A_363 = arith.constant 0 : i32
    %dma_wait3A_364 = tpu.memref_slice %arg7[%dma_wait3A_358, %dma_wait3A_363] : memref<5x64xi32, #tpu.memory_space<vmem>> -> memref<1x64xi32, #tpu.memory_space<vmem>>
    %dma_wait3A_365 = tpu.memref_squeeze %dma_wait3A_364 : memref<1x64xi32, #tpu.memory_space<vmem>> -> memref<64xi32, #tpu.memory_space<vmem>>
    %dma_wait3A_366 = arith.constant 0 : i32
    %dma_wait3A_367 = arith.constant 0 : i32
    %dma_wait3A_368 = tpu.memref_slice %arg9[%dma_wait3A_366, %dma_wait3A_367] : memref<10240x128xf32, #tpu.memory_space<vmem_shared>> -> memref<10240x128xf32, #tpu.memory_space<vmem_shared>>
    tpu.wait_indirect_dma semaphore(%arg25 : memref<!tpu.dma_semaphore, #tpu.memory_space<semaphore_mem>>) src(%dma_wait3A_362 : memref<64x128xf32, #tpu.memory_space<vmem>>) dst(%dma_wait3A_368 : memref<10240x128xf32, #tpu.memory_space<vmem_shared>>)
    %broadcast_in_dim3A = arith.constant 0 : i32
    %broadcast_in_dim3A_369 = vector.broadcast %broadcast_in_dim3A : i32 to vector<16xi32>
    %broadcast_in_dim3A_370 = arith.constant 10000 : i32
    %broadcast_in_dim3A_371 = vector.broadcast %broadcast_in_dim3A_370 : i32 to vector<16xi32>
    %swap3A = arith.constant 0 : i32
    %swap3A_372 = arith.index_cast %swap3A : i32 to index
    %swap3A_373 = arith.constant 0 : index
    %swap3A_374 = tpu.vector_load %arg6[%swap3A_372, %swap3A_373] {strides = array<i32>} : memref<5x64xi32, #tpu.memory_space<vmem>>, vector<1x16xi32>,
    %swap3A_375 = vector.shape_cast %swap3A_374 : vector<1x16xi32> to vector<16xi32>
    %swap3A_376 = vector.shape_cast %broadcast_in_dim3A_369 : vector<16xi32> to vector<1x16xi32>
    tpu.vector_store %arg6[%swap3A_372, %swap3A_373], %swap3A_376 {strides = array<i32>} : memref<5x64xi32, #tpu.memory_space<vmem>>, vector<1x16xi32>,
    %swap3A_377 = arith.constant 0 : i32
    %swap3A_378 = arith.index_cast %swap3A_377 : i32 to index
    %swap3A_379 = arith.constant 0 : index
    %swap3A_380 = tpu.vector_load %arg7[%swap3A_378, %swap3A_379] {strides = array<i32>} : memref<5x64xi32, #tpu.memory_space<vmem>>, vector<1x16xi32>,
    %swap3A_381 = vector.shape_cast %swap3A_380 : vector<1x16xi32> to vector<16xi32>
    %swap3A_382 = vector.shape_cast %broadcast_in_dim3A_371 : vector<16xi32> to vector<1x16xi32>
    tpu.vector_store %arg7[%swap3A_378, %swap3A_379], %swap3A_382 {strides = array<i32>} : memref<5x64xi32, #tpu.memory_space<vmem>>, vector<1x16xi32>,
    %swap3A_383 = arith.constant 0 : i32
    %swap3A_384 = arith.index_cast %swap3A_383 : i32 to index
    %swap3A_385 = arith.constant 16 : index
    %swap3A_386 = tpu.vector_load %arg6[%swap3A_384, %swap3A_385] {strides = array<i32>} : memref<5x64xi32, #tpu.memory_space<vmem>>, vector<1x16xi32>,
    %swap3A_387 = vector.shape_cast %swap3A_386 : vector<1x16xi32> to vector<16xi32>
    %swap3A_388 = vector.shape_cast %broadcast_in_dim3A_369 : vector<16xi32> to vector<1x16xi32>
    tpu.vector_store %arg6[%swap3A_384, %swap3A_385], %swap3A_388 {strides = array<i32>} : memref<5x64xi32, #tpu.memory_space<vmem>>, vector<1x16xi32>,
    %swap3A_389 = arith.constant 0 : i32
    %swap3A_390 = arith.index_cast %swap3A_389 : i32 to index
    %swap3A_391 = arith.constant 16 : index
    %swap3A_392 = tpu.vector_load %arg7[%swap3A_390, %swap3A_391] {strides = array<i32>} : memref<5x64xi32, #tpu.memory_space<vmem>>, vector<1x16xi32>,
    %swap3A_393 = vector.shape_cast %swap3A_392 : vector<1x16xi32> to vector<16xi32>
    %swap3A_394 = vector.shape_cast %broadcast_in_dim3A_371 : vector<16xi32> to vector<1x16xi32>
    tpu.vector_store %arg7[%swap3A_390, %swap3A_391], %swap3A_394 {strides = array<i32>} : memref<5x64xi32, #tpu.memory_space<vmem>>, vector<1x16xi32>,
    %swap3A_395 = arith.constant 0 : i32
    %swap3A_396 = arith.index_cast %swap3A_395 : i32 to index
    %swap3A_397 = arith.constant 32 : index
    %swap3A_398 = tpu.vector_load %arg6[%swap3A_396, %swap3A_397] {strides = array<i32>} : memref<5x64xi32, #tpu.memory_space<vmem>>, vector<1x16xi32>,
    %swap3A_399 = vector.shape_cast %swap3A_398 : vector<1x16xi32> to vector<16xi32>
    %swap3A_400 = vector.shape_cast %broadcast_in_dim3A_369 : vector<16xi32> to vector<1x16xi32>
    tpu.vector_store %arg6[%swap3A_396, %swap3A_397], %swap3A_400 {strides = array<i32>} : memref<5x64xi32, #tpu.memory_space<vmem>>, vector<1x16xi32>,
    %swap3A_401 = arith.constant 0 : i32
    %swap3A_402 = arith.index_cast %swap3A_401 : i32 to index
    %swap3A_403 = arith.constant 32 : index
    %swap3A_404 = tpu.vector_load %arg7[%swap3A_402, %swap3A_403] {strides = array<i32>} : memref<5x64xi32, #tpu.memory_space<vmem>>, vector<1x16xi32>,
    %swap3A_405 = vector.shape_cast %swap3A_404 : vector<1x16xi32> to vector<16xi32>
    %swap3A_406 = vector.shape_cast %broadcast_in_dim3A_371 : vector<16xi32> to vector<1x16xi32>
    tpu.vector_store %arg7[%swap3A_402, %swap3A_403], %swap3A_406 {strides = array<i32>} : memref<5x64xi32, #tpu.memory_space<vmem>>, vector<1x16xi32>,
    %swap3A_407 = arith.constant 0 : i32
    %swap3A_408 = arith.index_cast %swap3A_407 : i32 to index
    %swap3A_409 = arith.constant 48 : index
    %swap3A_410 = tpu.vector_load %arg6[%swap3A_408, %swap3A_409] {strides = array<i32>} : memref<5x64xi32, #tpu.memory_space<vmem>>, vector<1x16xi32>,
    %swap3A_411 = vector.shape_cast %swap3A_410 : vector<1x16xi32> to vector<16xi32>
    %swap3A_412 = vector.shape_cast %broadcast_in_dim3A_369 : vector<16xi32> to vector<1x16xi32>
    tpu.vector_store %arg6[%swap3A_408, %swap3A_409], %swap3A_412 {strides = array<i32>} : memref<5x64xi32, #tpu.memory_space<vmem>>, vector<1x16xi32>,
    %swap3A_413 = arith.constant 0 : i32
    %swap3A_414 = arith.index_cast %swap3A_413 : i32 to index
    %swap3A_415 = arith.constant 48 : index
    %swap3A_416 = tpu.vector_load %arg7[%swap3A_414, %swap3A_415] {strides = array<i32>} : memref<5x64xi32, #tpu.memory_space<vmem>>, vector<1x16xi32>,
    %swap3A_417 = vector.shape_cast %swap3A_416 : vector<1x16xi32> to vector<16xi32>
    %swap3A_418 = vector.shape_cast %broadcast_in_dim3A_371 : vector<16xi32> to vector<1x16xi32>
    tpu.vector_store %arg7[%swap3A_414, %swap3A_415], %swap3A_418 {strides = array<i32>} : memref<5x64xi32, #tpu.memory_space<vmem>>, vector<1x16xi32>,
    %add3A_419 = arith.constant 9984 : i32
    %add3A_420 = arith.addi %add3A_7, %add3A_419 : i32
    %add3A_421 = arith.constant 9984 : i32
    %add3A_422 = arith.addi %add3A, %add3A_421 : i32
    %dma_start3A_423 = arith.constant 0 : i32
    %dma_start3A_424 = arith.constant 0 : i32
    %dma_start3A_425 = tpu.memref_slice %arg6[%dma_start3A_423, %dma_start3A_424] : memref<5x64xi32, #tpu.memory_space<vmem>> -> memref<1x16xi32, #tpu.memory_space<vmem>>
    %dma_start3A_426 = tpu.memref_squeeze %dma_start3A_425 : memref<1x16xi32, #tpu.memory_space<vmem>> -> memref<16xi32, #tpu.memory_space<vmem>>
    %dma_start3A_427 = tpu.memref_slice %arg2[%add3A_420] : memref<320000xi32, #tpu.memory_space<hbm>> -> memref<16xi32, #tpu.memory_space<hbm>>
    %dma_start3A_428 = arith.constant 0 : i32
    %dma_start3A_429 = tpu.memref_slice %arg6[%dma_start3A_423, %dma_start3A_428] : memref<5x64xi32, #tpu.memory_space<vmem>> -> memref<1x16xi32, #tpu.memory_space<vmem>>
    %dma_start3A_430 = tpu.memref_squeeze %dma_start3A_429 : memref<1x16xi32, #tpu.memory_space<vmem>> -> memref<16xi32, #tpu.memory_space<vmem>>
    %dma_start3A_431 = tpu.memref_slice %arg2[%add3A_420] : memref<320000xi32, #tpu.memory_space<hbm>> -> memref<16xi32, #tpu.memory_space<hbm>>
    tpu.enqueue_dma source(%dma_start3A_431 : memref<16xi32, #tpu.memory_space<hbm>>) target(%dma_start3A_430 : memref<16xi32, #tpu.memory_space<vmem>>) target_semaphore(%arg10 : memref<!tpu.dma_semaphore, #tpu.memory_space<semaphore_mem>>)
    %dma_start3A_432 = arith.constant 0 : i32
    %dma_start3A_433 = arith.constant 0 : i32
    %dma_start3A_434 = tpu.memref_slice %arg7[%dma_start3A_432, %dma_start3A_433] : memref<5x64xi32, #tpu.memory_space<vmem>> -> memref<1x16xi32, #tpu.memory_space<vmem>>
    %dma_start3A_435 = tpu.memref_squeeze %dma_start3A_434 : memref<1x16xi32, #tpu.memory_space<vmem>> -> memref<16xi32, #tpu.memory_space<vmem>>
    %dma_start3A_436 = tpu.memref_slice %arg3[%add3A_422] : memref<320000xi32, #tpu.memory_space<hbm>> -> memref<16xi32, #tpu.memory_space<hbm>>
    %dma_start3A_437 = arith.constant 0 : i32
    %dma_start3A_438 = tpu.memref_slice %arg7[%dma_start3A_432, %dma_start3A_437] : memref<5x64xi32, #tpu.memory_space<vmem>> -> memref<1x16xi32, #tpu.memory_space<vmem>>
    %dma_start3A_439 = tpu.memref_squeeze %dma_start3A_438 : memref<1x16xi32, #tpu.memory_space<vmem>> -> memref<16xi32, #tpu.memory_space<vmem>>
    %dma_start3A_440 = tpu.memref_slice %arg3[%add3A_422] : memref<320000xi32, #tpu.memory_space<hbm>> -> memref<16xi32, #tpu.memory_space<hbm>>
    tpu.enqueue_dma source(%dma_start3A_440 : memref<16xi32, #tpu.memory_space<hbm>>) target(%dma_start3A_439 : memref<16xi32, #tpu.memory_space<vmem>>) target_semaphore(%arg15 : memref<!tpu.dma_semaphore, #tpu.memory_space<semaphore_mem>>)
    %dma_wait3A_441 = arith.constant 0 : i32
    %dma_wait3A_442 = arith.constant 0 : i32
    %dma_wait3A_443 = tpu.memref_slice %arg6[%dma_wait3A_441, %dma_wait3A_442] : memref<5x64xi32, #tpu.memory_space<vmem>> -> memref<1x16xi32, #tpu.memory_space<vmem>>
    %dma_wait3A_444 = tpu.memref_squeeze %dma_wait3A_443 : memref<1x16xi32, #tpu.memory_space<vmem>> -> memref<16xi32, #tpu.memory_space<vmem>>
    %dma_wait3A_445 = tpu.memref_slice %arg2[%add3A_420] : memref<320000xi32, #tpu.memory_space<hbm>> -> memref<16xi32, #tpu.memory_space<hbm>>
    %dma_wait3A_446 = arith.constant 0 : i32
    %dma_wait3A_447 = tpu.memref_slice %arg6[%dma_wait3A_441, %dma_wait3A_446] : memref<5x64xi32, #tpu.memory_space<vmem>> -> memref<1x16xi32, #tpu.memory_space<vmem>>
    %dma_wait3A_448 = tpu.memref_squeeze %dma_wait3A_447 : memref<1x16xi32, #tpu.memory_space<vmem>> -> memref<16xi32, #tpu.memory_space<vmem>>
    %dma_wait3A_449 = tpu.memref_slice %arg2[%add3A_420] : memref<320000xi32, #tpu.memory_space<hbm>> -> memref<16xi32, #tpu.memory_space<hbm>>
    tpu.wait_dma2 semaphore(%arg10 : memref<!tpu.dma_semaphore, #tpu.memory_space<semaphore_mem>>) src(%dma_wait3A_449 : memref<16xi32, #tpu.memory_space<hbm>>) dst(%dma_wait3A_448 : memref<16xi32, #tpu.memory_space<vmem>>)
    %dma_wait3A_450 = arith.constant 0 : i32
    %dma_wait3A_451 = arith.constant 0 : i32
    %dma_wait3A_452 = tpu.memref_slice %arg7[%dma_wait3A_450, %dma_wait3A_451] : memref<5x64xi32, #tpu.memory_space<vmem>> -> memref<1x16xi32, #tpu.memory_space<vmem>>
    %dma_wait3A_453 = tpu.memref_squeeze %dma_wait3A_452 : memref<1x16xi32, #tpu.memory_space<vmem>> -> memref<16xi32, #tpu.memory_space<vmem>>
    %dma_wait3A_454 = tpu.memref_slice %arg3[%add3A_422] : memref<320000xi32, #tpu.memory_space<hbm>> -> memref<16xi32, #tpu.memory_space<hbm>>
    %dma_wait3A_455 = arith.constant 0 : i32
    %dma_wait3A_456 = tpu.memref_slice %arg7[%dma_wait3A_450, %dma_wait3A_455] : memref<5x64xi32, #tpu.memory_space<vmem>> -> memref<1x16xi32, #tpu.memory_space<vmem>>
    %dma_wait3A_457 = tpu.memref_squeeze %dma_wait3A_456 : memref<1x16xi32, #tpu.memory_space<vmem>> -> memref<16xi32, #tpu.memory_space<vmem>>
    %dma_wait3A_458 = tpu.memref_slice %arg3[%add3A_422] : memref<320000xi32, #tpu.memory_space<hbm>> -> memref<16xi32, #tpu.memory_space<hbm>>
    tpu.wait_dma2 semaphore(%arg15 : memref<!tpu.dma_semaphore, #tpu.memory_space<semaphore_mem>>) src(%dma_wait3A_458 : memref<16xi32, #tpu.memory_space<hbm>>) dst(%dma_wait3A_457 : memref<16xi32, #tpu.memory_space<vmem>>)
    %dma_start3A_459 = arith.constant 0 : i32
    %dma_start3A_460 = arith.constant 0 : i32
    %dma_start3A_461 = arith.constant 0 : i32
    %dma_start3A_462 = arith.constant 0 : i32
    %dma_start3A_463 = tpu.memref_slice %arg8[%dma_start3A_460, %dma_start3A_461, %dma_start3A_462] : memref<5x64x128xf32, #tpu.memory_space<vmem>> -> memref<1x64x128xf32, #tpu.memory_space<vmem>>
    %dma_start3A_464 = tpu.memref_squeeze %dma_start3A_463 : memref<1x64x128xf32, #tpu.memory_space<vmem>> -> memref<64x128xf32, #tpu.memory_space<vmem>>
    %dma_start3A_465 = arith.constant 0 : i32
    %dma_start3A_466 = tpu.memref_slice %arg6[%dma_start3A_459, %dma_start3A_465] : memref<5x64xi32, #tpu.memory_space<vmem>> -> memref<1x64xi32, #tpu.memory_space<vmem>>
    %dma_start3A_467 = tpu.memref_squeeze %dma_start3A_466 : memref<1x64xi32, #tpu.memory_space<vmem>> -> memref<64xi32, #tpu.memory_space<vmem>>
    %dma_start3A_468 = arith.constant 0 : i32
    %dma_start3A_469 = arith.constant 0 : i32
    %dma_start3A_470 = tpu.memref_slice %arg4[%dma_start3A_468, %dma_start3A_469] : memref<10000x128xf32, #tpu.memory_space<hbm>> -> memref<10000x128xf32, #tpu.memory_space<hbm>>
    tpu.enqueue_indirect_dma source(%dma_start3A_470 : memref<10000x128xf32, #tpu.memory_space<hbm>>) target(%dma_start3A_464 : memref<64x128xf32, #tpu.memory_space<vmem>>) offsets(%dma_start3A_467 : memref<64xi32, #tpu.memory_space<vmem>>) semaphore(%arg20 : memref<!tpu.dma_semaphore, #tpu.memory_space<semaphore_mem>>)
    %dma_wait3A_471 = arith.constant 0 : i32
    %dma_wait3A_472 = arith.constant 0 : i32
    %dma_wait3A_473 = arith.constant 0 : i32
    %dma_wait3A_474 = arith.constant 0 : i32
    %dma_wait3A_475 = tpu.memref_slice %arg8[%dma_wait3A_472, %dma_wait3A_473, %dma_wait3A_474] : memref<5x64x128xf32, #tpu.memory_space<vmem>> -> memref<1x64x128xf32, #tpu.memory_space<vmem>>
    %dma_wait3A_476 = tpu.memref_squeeze %dma_wait3A_475 : memref<1x64x128xf32, #tpu.memory_space<vmem>> -> memref<64x128xf32, #tpu.memory_space<vmem>>
    %dma_wait3A_477 = arith.constant 0 : i32
    %dma_wait3A_478 = tpu.memref_slice %arg6[%dma_wait3A_471, %dma_wait3A_477] : memref<5x64xi32, #tpu.memory_space<vmem>> -> memref<1x64xi32, #tpu.memory_space<vmem>>
    %dma_wait3A_479 = tpu.memref_squeeze %dma_wait3A_478 : memref<1x64xi32, #tpu.memory_space<vmem>> -> memref<64xi32, #tpu.memory_space<vmem>>
    %dma_wait3A_480 = arith.constant 0 : i32
    %dma_wait3A_481 = arith.constant 0 : i32
    %dma_wait3A_482 = tpu.memref_slice %arg4[%dma_wait3A_480, %dma_wait3A_481] : memref<10000x128xf32, #tpu.memory_space<hbm>> -> memref<10000x128xf32, #tpu.memory_space<hbm>>
    tpu.wait_indirect_dma semaphore(%arg20 : memref<!tpu.dma_semaphore, #tpu.memory_space<semaphore_mem>>) src(%dma_wait3A_482 : memref<10000x128xf32, #tpu.memory_space<hbm>>) dst(%dma_wait3A_476 : memref<64x128xf32, #tpu.memory_space<vmem>>)
    %dma_start3A_483 = arith.constant 0 : i32
    %dma_start3A_484 = arith.constant 0 : i32
    %dma_start3A_485 = arith.constant 0 : i32
    %dma_start3A_486 = arith.constant 0 : i32
    %dma_start3A_487 = tpu.memref_slice %arg8[%dma_start3A_483, %dma_start3A_485, %dma_start3A_486] : memref<5x64x128xf32, #tpu.memory_space<vmem>> -> memref<1x64x128xf32, #tpu.memory_space<vmem>>
    %dma_start3A_488 = tpu.memref_squeeze %dma_start3A_487 : memref<1x64x128xf32, #tpu.memory_space<vmem>> -> memref<64x128xf32, #tpu.memory_space<vmem>>
    %dma_start3A_489 = arith.constant 0 : i32
    %dma_start3A_490 = tpu.memref_slice %arg7[%dma_start3A_484, %dma_start3A_489] : memref<5x64xi32, #tpu.memory_space<vmem>> -> memref<1x64xi32, #tpu.memory_space<vmem>>
    %dma_start3A_491 = tpu.memref_squeeze %dma_start3A_490 : memref<1x64xi32, #tpu.memory_space<vmem>> -> memref<64xi32, #tpu.memory_space<vmem>>
    %dma_start3A_492 = arith.constant 0 : i32
    %dma_start3A_493 = arith.constant 0 : i32
    %dma_start3A_494 = tpu.memref_slice %arg9[%dma_start3A_492, %dma_start3A_493] : memref<10240x128xf32, #tpu.memory_space<vmem_shared>> -> memref<10240x128xf32, #tpu.memory_space<vmem_shared>>
    tpu.enqueue_indirect_dma source(%dma_start3A_488 : memref<64x128xf32, #tpu.memory_space<vmem>>) target(%dma_start3A_494 : memref<10240x128xf32, #tpu.memory_space<vmem_shared>>) offsets(%dma_start3A_491 : memref<64xi32, #tpu.memory_space<vmem>>) semaphore(%arg25 : memref<!tpu.dma_semaphore, #tpu.memory_space<semaphore_mem>>) {add = true}
    %dma_wait3A_495 = arith.constant 0 : i32
    %dma_wait3A_496 = arith.constant 0 : i32
    %dma_wait3A_497 = arith.constant 0 : i32
    %dma_wait3A_498 = arith.constant 0 : i32
    %dma_wait3A_499 = tpu.memref_slice %arg8[%dma_wait3A_495, %dma_wait3A_497, %dma_wait3A_498] : memref<5x64x128xf32, #tpu.memory_space<vmem>> -> memref<1x64x128xf32, #tpu.memory_space<vmem>>
    %dma_wait3A_500 = tpu.memref_squeeze %dma_wait3A_499 : memref<1x64x128xf32, #tpu.memory_space<vmem>> -> memref<64x128xf32, #tpu.memory_space<vmem>>
    %dma_wait3A_501 = arith.constant 0 : i32
    %dma_wait3A_502 = tpu.memref_slice %arg7[%dma_wait3A_496, %dma_wait3A_501] : memref<5x64xi32, #tpu.memory_space<vmem>> -> memref<1x64xi32, #tpu.memory_space<vmem>>
    %dma_wait3A_503 = tpu.memref_squeeze %dma_wait3A_502 : memref<1x64xi32, #tpu.memory_space<vmem>> -> memref<64xi32, #tpu.memory_space<vmem>>
    %dma_wait3A_504 = arith.constant 0 : i32
    %dma_wait3A_505 = arith.constant 0 : i32
    %dma_wait3A_506 = tpu.memref_slice %arg9[%dma_wait3A_504, %dma_wait3A_505] : memref<10240x128xf32, #tpu.memory_space<vmem_shared>> -> memref<10240x128xf32, #tpu.memory_space<vmem_shared>>
    tpu.wait_indirect_dma semaphore(%arg25 : memref<!tpu.dma_semaphore, #tpu.memory_space<semaphore_mem>>) src(%dma_wait3A_500 : memref<64x128xf32, #tpu.memory_space<vmem>>) dst(%dma_wait3A_506 : memref<10240x128xf32, #tpu.memory_space<vmem_shared>>)
    %barrier3A_507 = arith.constant 0 : index
    tpu.barrier barrier_id(%barrier3A_507)
    "tpu.region"() ({
      %run_scoped3A = tpu.sem_alloc : memref<!tpu.dma_semaphore, #tpu.memory_space<semaphore_mem>>
      %dma_start3A_508 = arith.constant 0 : i32
      %dma_start3A_509 = tpu.memref_slice %arg5[%arg0, %mul3A_9, %dma_start3A_508] : memref<2x10240x128xf32, #tpu.memory_space<hbm>> -> memref<1x640x128xf32, #tpu.memory_space<hbm>>
      %dma_start3A_510 = tpu.memref_squeeze %dma_start3A_509 : memref<1x640x128xf32, #tpu.memory_space<hbm>> -> memref<640x128xf32, #tpu.memory_space<hbm>>
      %dma_start3A_511 = arith.constant 0 : i32
      %dma_start3A_512 = tpu.memref_slice %arg9[%mul3A_9, %dma_start3A_511] : memref<10240x128xf32, #tpu.memory_space<vmem_shared>> -> memref<640x128xf32, #tpu.memory_space<vmem_shared>>
      tpu.enqueue_dma source(%dma_start3A_512 : memref<640x128xf32, #tpu.memory_space<vmem_shared>>) target(%dma_start3A_510 : memref<640x128xf32, #tpu.memory_space<hbm>>) target_semaphore(%run_scoped3A : memref<!tpu.dma_semaphore, #tpu.memory_space<semaphore_mem>>)
      %dma_wait3A_513 = arith.constant 0 : i32
      %dma_wait3A_514 = tpu.memref_slice %arg5[%arg0, %mul3A_9, %dma_wait3A_513] : memref<2x10240x128xf32, #tpu.memory_space<hbm>> -> memref<1x640x128xf32, #tpu.memory_space<hbm>>
      %dma_wait3A_515 = tpu.memref_squeeze %dma_wait3A_514 : memref<1x640x128xf32, #tpu.memory_space<hbm>> -> memref<640x128xf32, #tpu.memory_space<hbm>>
      %dma_wait3A_516 = arith.constant 0 : i32
      %dma_wait3A_517 = tpu.memref_slice %arg9[%mul3A_9, %dma_wait3A_516] : memref<10240x128xf32, #tpu.memory_space<vmem_shared>> -> memref<640x128xf32, #tpu.memory_space<vmem_shared>>
      tpu.wait_dma2 semaphore(%run_scoped3A : memref<!tpu.dma_semaphore, #tpu.memory_space<semaphore_mem>>) src(%dma_wait3A_517 : memref<640x128xf32, #tpu.memory_space<vmem_shared>>) dst(%dma_wait3A_515 : memref<640x128xf32, #tpu.memory_space<hbm>>)
      tpu.yield
    }) : () -> ()
    return
  }
}

#map = affine_map<(d0, d1) -> (0)>
#map1 = affine_map<(d0, d1) -> (0, 0)>
#map2 = affine_map<(d0, d1) -> (0, 0, 0)>
module attributes {stable_mosaic.version = 14 : i64} {
  func.func @aggr(%arg0: i32, %arg1: i32, %arg2: memref<640000xi32, #tpu.memory_space<hbm>>, %arg3: memref<320000xi32, #tpu.memory_space<hbm>>, %arg4: memref<20000x128xf32, #tpu.memory_space<hbm>>, %arg5: memref<2x10240x128xf32, #tpu.memory_space<hbm>>, %arg6: memref<5x64xi32, #tpu.memory_space<vmem>>, %arg7: memref<5x64xi32, #tpu.memory_space<vmem>>, %arg8: memref<5x64x128xf32, #tpu.memory_space<vmem>>, %arg9: memref<10240x128xf32, #tpu.memory_space<vmem_shared>>, %arg10: memref<!tpu.dma_semaphore, #tpu.memory_space<semaphore_mem>>, %arg11: memref<!tpu.dma_semaphore, #tpu.memory_space<semaphore_mem>>, %arg12: memref<!tpu.dma_semaphore, #tpu.memory_space<semaphore_mem>>, %arg13: memref<!tpu.dma_semaphore, #tpu.memory_space<semaphore_mem>>, %arg14: memref<!tpu.dma_semaphore, #tpu.memory_space<semaphore_mem>>, %arg15: memref<!tpu.dma_semaphore, #tpu.memory_space<semaphore_mem>>, %arg16: memref<!tpu.dma_semaphore, #tpu.memory_space<semaphore_mem>>, %arg17: memref<!tpu.dma_semaphore, #tpu.memory_space<semaphore_mem>>, %arg18: memref<!tpu.dma_semaphore, #tpu.memory_space<semaphore_mem>>, %arg19: memref<!tpu.dma_semaphore, #tpu.memory_space<semaphore_mem>>, %arg20: memref<!tpu.dma_semaphore, #tpu.memory_space<semaphore_mem>>, %arg21: memref<!tpu.dma_semaphore, #tpu.memory_space<semaphore_mem>>, %arg22: memref<!tpu.dma_semaphore, #tpu.memory_space<semaphore_mem>>, %arg23: memref<!tpu.dma_semaphore, #tpu.memory_space<semaphore_mem>>, %arg24: memref<!tpu.dma_semaphore, #tpu.memory_space<semaphore_mem>>, %arg25: memref<!tpu.dma_semaphore, #tpu.memory_space<semaphore_mem>>, %arg26: memref<!tpu.dma_semaphore, #tpu.memory_space<semaphore_mem>>, %arg27: memref<!tpu.dma_semaphore, #tpu.memory_space<semaphore_mem>>, %arg28: memref<!tpu.dma_semaphore, #tpu.memory_space<semaphore_mem>>, %arg29: memref<!tpu.dma_semaphore, #tpu.memory_space<semaphore_mem>>, %arg30: memref<!tpu.dma_semaphore, #tpu.memory_space<semaphore_mem>>) attributes {dimension_semantics = [#tpu.dimension_semantics<core_parallel>, #tpu.dimension_semantics<subcore_parallel>], iteration_bounds = array<i64: 2, 16>, scalar_prefetch = 0 : i64, scratch_operands = 25 : i64, tpu.core_type = #tpu.core_type<sc_vector_subcore>, window_params = [{transform_indices = #map}, {transform_indices = #map}, {transform_indices = #map1}, {transform_indices = #map2}]} {
    %mul3A = arith.constant 0 : i32
    %mul3A_0 = arith.muli %arg0, %mul3A : i32
    %mul3A_1 = arith.constant 20000 : i32
    %mul3A_2 = arith.muli %arg1, %mul3A_1 : i32
    %add3A = arith.addi %mul3A_0, %mul3A_2 : i32
    %mul3A_3 = arith.constant 320000 : i32
    %mul3A_4 = arith.muli %arg0, %mul3A_3 : i32
    %mul3A_5 = arith.constant 20000 : i32
    %mul3A_6 = arith.muli %arg1, %mul3A_5 : i32
    %add3A_7 = arith.addi %mul3A_4, %mul3A_6 : i32
    %mul3A_8 = arith.constant 640 : i32
    %mul3A_9 = arith.muli %arg1, %mul3A_8 : i32
    %mul3A_10 = arith.constant 10000 : i32
    %mul3A_11 = arith.muli %arg0, %mul3A_10 : i32
    %mul3A_12 = arith.constant 624 : i32
    %mul3A_13 = arith.muli %arg1, %mul3A_12 : i32
    %add3A_14 = arith.addi %mul3A_11, %mul3A_13 : i32
    %mul3A_15 = arith.constant 624 : i32
    %mul3A_16 = arith.muli %arg1, %mul3A_15 : i32
    %dma_start3A = arith.constant 0 : i32
    %dma_start3A_17 = tpu.memref_slice %arg9[%mul3A_16, %dma_start3A] : memref<10240x128xf32, #tpu.memory_space<vmem_shared>> -> memref<624x128xf32, #tpu.memory_space<vmem_shared>>
    %dma_start3A_18 = arith.constant 0 : i32
    %dma_start3A_19 = tpu.memref_slice %arg4[%add3A_14, %dma_start3A_18] : memref<20000x128xf32, #tpu.memory_space<hbm>> -> memref<624x128xf32, #tpu.memory_space<hbm>>
    tpu.enqueue_dma source(%dma_start3A_19 : memref<624x128xf32, #tpu.memory_space<hbm>>) target(%dma_start3A_17 : memref<624x128xf32, #tpu.memory_space<vmem_shared>>) target_semaphore(%arg30 : memref<!tpu.dma_semaphore, #tpu.memory_space<semaphore_mem>>)
    %mul3A_20 = arith.constant 10000 : i32
    %mul3A_21 = arith.muli %arg0, %mul3A_20 : i32
    %add3A_22 = arith.constant 9984 : i32
    %add3A_23 = arith.addi %mul3A_21, %add3A_22 : i32
    %eq3A = arith.constant 0 : i32
    %eq3A_24 = arith.cmpi eq, %arg1, %eq3A : i32
    %convert_element_type3A = arith.extui %eq3A_24 : i1 to i32
    %cond3A = arith.constant 0 : i32
    %cond3A_25 = arith.cmpi ne, %convert_element_type3A, %cond3A : i32
    scf.if %cond3A_25 {
      %dma_start3A_600 = arith.constant 9984 : i32
      %dma_start3A_601 = arith.constant 0 : i32
      %dma_start3A_602 = tpu.memref_slice %arg9[%dma_start3A_600, %dma_start3A_601] : memref<10240x128xf32, #tpu.memory_space<vmem_shared>> -> memref<16x128xf32, #tpu.memory_space<vmem_shared>>
      %dma_start3A_603 = arith.constant 0 : i32
      %dma_start3A_604 = tpu.memref_slice %arg4[%add3A_23, %dma_start3A_603] : memref<20000x128xf32, #tpu.memory_space<hbm>> -> memref<16x128xf32, #tpu.memory_space<hbm>>
      tpu.enqueue_dma source(%dma_start3A_604 : memref<16x128xf32, #tpu.memory_space<hbm>>) target(%dma_start3A_602 : memref<16x128xf32, #tpu.memory_space<vmem_shared>>) target_semaphore(%arg30 : memref<!tpu.dma_semaphore, #tpu.memory_space<semaphore_mem>>)
    } else {
    }
    %add3A_26 = arith.constant 0 : i32
    %add3A_27 = arith.addi %add3A_7, %add3A_26 : i32
    %dma_start3A_28 = arith.constant 0 : i32
    %dma_start3A_29 = arith.constant 0 : i32
    %dma_start3A_30 = tpu.memref_slice %arg6[%dma_start3A_28, %dma_start3A_29] : memref<5x64xi32, #tpu.memory_space<vmem>> -> memref<1x64xi32, #tpu.memory_space<vmem>>
    %dma_start3A_31 = tpu.memref_squeeze %dma_start3A_30 : memref<1x64xi32, #tpu.memory_space<vmem>> -> memref<64xi32, #tpu.memory_space<vmem>>
    %dma_start3A_32 = tpu.memref_slice %arg2[%add3A_27] : memref<640000xi32, #tpu.memory_space<hbm>> -> memref<64xi32, #tpu.memory_space<hbm>>
    %dma_start3A_33 = arith.constant 0 : i32
    %dma_start3A_34 = tpu.memref_slice %arg6[%dma_start3A_28, %dma_start3A_33] : memref<5x64xi32, #tpu.memory_space<vmem>> -> memref<1x64xi32, #tpu.memory_space<vmem>>
    %dma_start3A_35 = tpu.memref_squeeze %dma_start3A_34 : memref<1x64xi32, #tpu.memory_space<vmem>> -> memref<64xi32, #tpu.memory_space<vmem>>
    %dma_start3A_36 = tpu.memref_slice %arg2[%add3A_27] : memref<640000xi32, #tpu.memory_space<hbm>> -> memref<64xi32, #tpu.memory_space<hbm>>
    tpu.enqueue_dma source(%dma_start3A_36 : memref<64xi32, #tpu.memory_space<hbm>>) target(%dma_start3A_35 : memref<64xi32, #tpu.memory_space<vmem>>) target_semaphore(%arg10 : memref<!tpu.dma_semaphore, #tpu.memory_space<semaphore_mem>>)
    %add3A_37 = arith.constant 0 : i32
    %add3A_38 = arith.addi %add3A, %add3A_37 : i32
    %dma_start3A_39 = arith.constant 0 : i32
    %dma_start3A_40 = arith.constant 0 : i32
    %dma_start3A_41 = tpu.memref_slice %arg7[%dma_start3A_39, %dma_start3A_40] : memref<5x64xi32, #tpu.memory_space<vmem>> -> memref<1x64xi32, #tpu.memory_space<vmem>>
    %dma_start3A_42 = tpu.memref_squeeze %dma_start3A_41 : memref<1x64xi32, #tpu.memory_space<vmem>> -> memref<64xi32, #tpu.memory_space<vmem>>
    %dma_start3A_43 = tpu.memref_slice %arg3[%add3A_38] : memref<320000xi32, #tpu.memory_space<hbm>> -> memref<64xi32, #tpu.memory_space<hbm>>
    %dma_start3A_44 = arith.constant 0 : i32
    %dma_start3A_45 = tpu.memref_slice %arg7[%dma_start3A_39, %dma_start3A_44] : memref<5x64xi32, #tpu.memory_space<vmem>> -> memref<1x64xi32, #tpu.memory_space<vmem>>
    %dma_start3A_46 = tpu.memref_squeeze %dma_start3A_45 : memref<1x64xi32, #tpu.memory_space<vmem>> -> memref<64xi32, #tpu.memory_space<vmem>>
    %dma_start3A_47 = tpu.memref_slice %arg3[%add3A_38] : memref<320000xi32, #tpu.memory_space<hbm>> -> memref<64xi32, #tpu.memory_space<hbm>>
    tpu.enqueue_dma source(%dma_start3A_47 : memref<64xi32, #tpu.memory_space<hbm>>) target(%dma_start3A_46 : memref<64xi32, #tpu.memory_space<vmem>>) target_semaphore(%arg15 : memref<!tpu.dma_semaphore, #tpu.memory_space<semaphore_mem>>)
    %add3A_48 = arith.constant 64 : i32
    %add3A_49 = arith.addi %add3A_7, %add3A_48 : i32
    %dma_start3A_50 = arith.constant 1 : i32
    %dma_start3A_51 = arith.constant 0 : i32
    %dma_start3A_52 = tpu.memref_slice %arg6[%dma_start3A_50, %dma_start3A_51] : memref<5x64xi32, #tpu.memory_space<vmem>> -> memref<1x64xi32, #tpu.memory_space<vmem>>
    %dma_start3A_53 = tpu.memref_squeeze %dma_start3A_52 : memref<1x64xi32, #tpu.memory_space<vmem>> -> memref<64xi32, #tpu.memory_space<vmem>>
    %dma_start3A_54 = tpu.memref_slice %arg2[%add3A_49] : memref<640000xi32, #tpu.memory_space<hbm>> -> memref<64xi32, #tpu.memory_space<hbm>>
    %dma_start3A_55 = arith.constant 0 : i32
    %dma_start3A_56 = tpu.memref_slice %arg6[%dma_start3A_50, %dma_start3A_55] : memref<5x64xi32, #tpu.memory_space<vmem>> -> memref<1x64xi32, #tpu.memory_space<vmem>>
    %dma_start3A_57 = tpu.memref_squeeze %dma_start3A_56 : memref<1x64xi32, #tpu.memory_space<vmem>> -> memref<64xi32, #tpu.memory_space<vmem>>
    %dma_start3A_58 = tpu.memref_slice %arg2[%add3A_49] : memref<640000xi32, #tpu.memory_space<hbm>> -> memref<64xi32, #tpu.memory_space<hbm>>
    tpu.enqueue_dma source(%dma_start3A_58 : memref<64xi32, #tpu.memory_space<hbm>>) target(%dma_start3A_57 : memref<64xi32, #tpu.memory_space<vmem>>) target_semaphore(%arg11 : memref<!tpu.dma_semaphore, #tpu.memory_space<semaphore_mem>>)
    %add3A_59 = arith.constant 64 : i32
    %add3A_60 = arith.addi %add3A, %add3A_59 : i32
    %dma_start3A_61 = arith.constant 1 : i32
    %dma_start3A_62 = arith.constant 0 : i32
    %dma_start3A_63 = tpu.memref_slice %arg7[%dma_start3A_61, %dma_start3A_62] : memref<5x64xi32, #tpu.memory_space<vmem>> -> memref<1x64xi32, #tpu.memory_space<vmem>>
    %dma_start3A_64 = tpu.memref_squeeze %dma_start3A_63 : memref<1x64xi32, #tpu.memory_space<vmem>> -> memref<64xi32, #tpu.memory_space<vmem>>
    %dma_start3A_65 = tpu.memref_slice %arg3[%add3A_60] : memref<320000xi32, #tpu.memory_space<hbm>> -> memref<64xi32, #tpu.memory_space<hbm>>
    %dma_start3A_66 = arith.constant 0 : i32
    %dma_start3A_67 = tpu.memref_slice %arg7[%dma_start3A_61, %dma_start3A_66] : memref<5x64xi32, #tpu.memory_space<vmem>> -> memref<1x64xi32, #tpu.memory_space<vmem>>
    %dma_start3A_68 = tpu.memref_squeeze %dma_start3A_67 : memref<1x64xi32, #tpu.memory_space<vmem>> -> memref<64xi32, #tpu.memory_space<vmem>>
    %dma_start3A_69 = tpu.memref_slice %arg3[%add3A_60] : memref<320000xi32, #tpu.memory_space<hbm>> -> memref<64xi32, #tpu.memory_space<hbm>>
    tpu.enqueue_dma source(%dma_start3A_69 : memref<64xi32, #tpu.memory_space<hbm>>) target(%dma_start3A_68 : memref<64xi32, #tpu.memory_space<vmem>>) target_semaphore(%arg16 : memref<!tpu.dma_semaphore, #tpu.memory_space<semaphore_mem>>)
    %add3A_70 = arith.constant 128 : i32
    %add3A_71 = arith.addi %add3A_7, %add3A_70 : i32
    %dma_start3A_72 = arith.constant 2 : i32
    %dma_start3A_73 = arith.constant 0 : i32
    %dma_start3A_74 = tpu.memref_slice %arg6[%dma_start3A_72, %dma_start3A_73] : memref<5x64xi32, #tpu.memory_space<vmem>> -> memref<1x64xi32, #tpu.memory_space<vmem>>
    %dma_start3A_75 = tpu.memref_squeeze %dma_start3A_74 : memref<1x64xi32, #tpu.memory_space<vmem>> -> memref<64xi32, #tpu.memory_space<vmem>>
    %dma_start3A_76 = tpu.memref_slice %arg2[%add3A_71] : memref<640000xi32, #tpu.memory_space<hbm>> -> memref<64xi32, #tpu.memory_space<hbm>>
    %dma_start3A_77 = arith.constant 0 : i32
    %dma_start3A_78 = tpu.memref_slice %arg6[%dma_start3A_72, %dma_start3A_77] : memref<5x64xi32, #tpu.memory_space<vmem>> -> memref<1x64xi32, #tpu.memory_space<vmem>>
    %dma_start3A_79 = tpu.memref_squeeze %dma_start3A_78 : memref<1x64xi32, #tpu.memory_space<vmem>> -> memref<64xi32, #tpu.memory_space<vmem>>
    %dma_start3A_80 = tpu.memref_slice %arg2[%add3A_71] : memref<640000xi32, #tpu.memory_space<hbm>> -> memref<64xi32, #tpu.memory_space<hbm>>
    tpu.enqueue_dma source(%dma_start3A_80 : memref<64xi32, #tpu.memory_space<hbm>>) target(%dma_start3A_79 : memref<64xi32, #tpu.memory_space<vmem>>) target_semaphore(%arg12 : memref<!tpu.dma_semaphore, #tpu.memory_space<semaphore_mem>>)
    %add3A_81 = arith.constant 128 : i32
    %add3A_82 = arith.addi %add3A, %add3A_81 : i32
    %dma_start3A_83 = arith.constant 2 : i32
    %dma_start3A_84 = arith.constant 0 : i32
    %dma_start3A_85 = tpu.memref_slice %arg7[%dma_start3A_83, %dma_start3A_84] : memref<5x64xi32, #tpu.memory_space<vmem>> -> memref<1x64xi32, #tpu.memory_space<vmem>>
    %dma_start3A_86 = tpu.memref_squeeze %dma_start3A_85 : memref<1x64xi32, #tpu.memory_space<vmem>> -> memref<64xi32, #tpu.memory_space<vmem>>
    %dma_start3A_87 = tpu.memref_slice %arg3[%add3A_82] : memref<320000xi32, #tpu.memory_space<hbm>> -> memref<64xi32, #tpu.memory_space<hbm>>
    %dma_start3A_88 = arith.constant 0 : i32
    %dma_start3A_89 = tpu.memref_slice %arg7[%dma_start3A_83, %dma_start3A_88] : memref<5x64xi32, #tpu.memory_space<vmem>> -> memref<1x64xi32, #tpu.memory_space<vmem>>
    %dma_start3A_90 = tpu.memref_squeeze %dma_start3A_89 : memref<1x64xi32, #tpu.memory_space<vmem>> -> memref<64xi32, #tpu.memory_space<vmem>>
    %dma_start3A_91 = tpu.memref_slice %arg3[%add3A_82] : memref<320000xi32, #tpu.memory_space<hbm>> -> memref<64xi32, #tpu.memory_space<hbm>>
    tpu.enqueue_dma source(%dma_start3A_91 : memref<64xi32, #tpu.memory_space<hbm>>) target(%dma_start3A_90 : memref<64xi32, #tpu.memory_space<vmem>>) target_semaphore(%arg17 : memref<!tpu.dma_semaphore, #tpu.memory_space<semaphore_mem>>)
    %add3A_92 = arith.constant 192 : i32
    %add3A_93 = arith.addi %add3A_7, %add3A_92 : i32
    %dma_start3A_94 = arith.constant 3 : i32
    %dma_start3A_95 = arith.constant 0 : i32
    %dma_start3A_96 = tpu.memref_slice %arg6[%dma_start3A_94, %dma_start3A_95] : memref<5x64xi32, #tpu.memory_space<vmem>> -> memref<1x64xi32, #tpu.memory_space<vmem>>
    %dma_start3A_97 = tpu.memref_squeeze %dma_start3A_96 : memref<1x64xi32, #tpu.memory_space<vmem>> -> memref<64xi32, #tpu.memory_space<vmem>>
    %dma_start3A_98 = tpu.memref_slice %arg2[%add3A_93] : memref<640000xi32, #tpu.memory_space<hbm>> -> memref<64xi32, #tpu.memory_space<hbm>>
    %dma_start3A_99 = arith.constant 0 : i32
    %dma_start3A_100 = tpu.memref_slice %arg6[%dma_start3A_94, %dma_start3A_99] : memref<5x64xi32, #tpu.memory_space<vmem>> -> memref<1x64xi32, #tpu.memory_space<vmem>>
    %dma_start3A_101 = tpu.memref_squeeze %dma_start3A_100 : memref<1x64xi32, #tpu.memory_space<vmem>> -> memref<64xi32, #tpu.memory_space<vmem>>
    %dma_start3A_102 = tpu.memref_slice %arg2[%add3A_93] : memref<640000xi32, #tpu.memory_space<hbm>> -> memref<64xi32, #tpu.memory_space<hbm>>
    tpu.enqueue_dma source(%dma_start3A_102 : memref<64xi32, #tpu.memory_space<hbm>>) target(%dma_start3A_101 : memref<64xi32, #tpu.memory_space<vmem>>) target_semaphore(%arg13 : memref<!tpu.dma_semaphore, #tpu.memory_space<semaphore_mem>>)
    %add3A_103 = arith.constant 192 : i32
    %add3A_104 = arith.addi %add3A, %add3A_103 : i32
    %dma_start3A_105 = arith.constant 3 : i32
    %dma_start3A_106 = arith.constant 0 : i32
    %dma_start3A_107 = tpu.memref_slice %arg7[%dma_start3A_105, %dma_start3A_106] : memref<5x64xi32, #tpu.memory_space<vmem>> -> memref<1x64xi32, #tpu.memory_space<vmem>>
    %dma_start3A_108 = tpu.memref_squeeze %dma_start3A_107 : memref<1x64xi32, #tpu.memory_space<vmem>> -> memref<64xi32, #tpu.memory_space<vmem>>
    %dma_start3A_109 = tpu.memref_slice %arg3[%add3A_104] : memref<320000xi32, #tpu.memory_space<hbm>> -> memref<64xi32, #tpu.memory_space<hbm>>
    %dma_start3A_110 = arith.constant 0 : i32
    %dma_start3A_111 = tpu.memref_slice %arg7[%dma_start3A_105, %dma_start3A_110] : memref<5x64xi32, #tpu.memory_space<vmem>> -> memref<1x64xi32, #tpu.memory_space<vmem>>
    %dma_start3A_112 = tpu.memref_squeeze %dma_start3A_111 : memref<1x64xi32, #tpu.memory_space<vmem>> -> memref<64xi32, #tpu.memory_space<vmem>>
    %dma_start3A_113 = tpu.memref_slice %arg3[%add3A_104] : memref<320000xi32, #tpu.memory_space<hbm>> -> memref<64xi32, #tpu.memory_space<hbm>>
    tpu.enqueue_dma source(%dma_start3A_113 : memref<64xi32, #tpu.memory_space<hbm>>) target(%dma_start3A_112 : memref<64xi32, #tpu.memory_space<vmem>>) target_semaphore(%arg18 : memref<!tpu.dma_semaphore, #tpu.memory_space<semaphore_mem>>)
    %add3A_114 = arith.constant 256 : i32
    %add3A_115 = arith.addi %add3A_7, %add3A_114 : i32
    %dma_start3A_116 = arith.constant 4 : i32
    %dma_start3A_117 = arith.constant 0 : i32
    %dma_start3A_118 = tpu.memref_slice %arg6[%dma_start3A_116, %dma_start3A_117] : memref<5x64xi32, #tpu.memory_space<vmem>> -> memref<1x64xi32, #tpu.memory_space<vmem>>
    %dma_start3A_119 = tpu.memref_squeeze %dma_start3A_118 : memref<1x64xi32, #tpu.memory_space<vmem>> -> memref<64xi32, #tpu.memory_space<vmem>>
    %dma_start3A_120 = tpu.memref_slice %arg2[%add3A_115] : memref<640000xi32, #tpu.memory_space<hbm>> -> memref<64xi32, #tpu.memory_space<hbm>>
    %dma_start3A_121 = arith.constant 0 : i32
    %dma_start3A_122 = tpu.memref_slice %arg6[%dma_start3A_116, %dma_start3A_121] : memref<5x64xi32, #tpu.memory_space<vmem>> -> memref<1x64xi32, #tpu.memory_space<vmem>>
    %dma_start3A_123 = tpu.memref_squeeze %dma_start3A_122 : memref<1x64xi32, #tpu.memory_space<vmem>> -> memref<64xi32, #tpu.memory_space<vmem>>
    %dma_start3A_124 = tpu.memref_slice %arg2[%add3A_115] : memref<640000xi32, #tpu.memory_space<hbm>> -> memref<64xi32, #tpu.memory_space<hbm>>
    tpu.enqueue_dma source(%dma_start3A_124 : memref<64xi32, #tpu.memory_space<hbm>>) target(%dma_start3A_123 : memref<64xi32, #tpu.memory_space<vmem>>) target_semaphore(%arg14 : memref<!tpu.dma_semaphore, #tpu.memory_space<semaphore_mem>>)
    %add3A_125 = arith.constant 256 : i32
    %add3A_126 = arith.addi %add3A, %add3A_125 : i32
    %dma_start3A_127 = arith.constant 4 : i32
    %dma_start3A_128 = arith.constant 0 : i32
    %dma_start3A_129 = tpu.memref_slice %arg7[%dma_start3A_127, %dma_start3A_128] : memref<5x64xi32, #tpu.memory_space<vmem>> -> memref<1x64xi32, #tpu.memory_space<vmem>>
    %dma_start3A_130 = tpu.memref_squeeze %dma_start3A_129 : memref<1x64xi32, #tpu.memory_space<vmem>> -> memref<64xi32, #tpu.memory_space<vmem>>
    %dma_start3A_131 = tpu.memref_slice %arg3[%add3A_126] : memref<320000xi32, #tpu.memory_space<hbm>> -> memref<64xi32, #tpu.memory_space<hbm>>
    %dma_start3A_132 = arith.constant 0 : i32
    %dma_start3A_133 = tpu.memref_slice %arg7[%dma_start3A_127, %dma_start3A_132] : memref<5x64xi32, #tpu.memory_space<vmem>> -> memref<1x64xi32, #tpu.memory_space<vmem>>
    %dma_start3A_134 = tpu.memref_squeeze %dma_start3A_133 : memref<1x64xi32, #tpu.memory_space<vmem>> -> memref<64xi32, #tpu.memory_space<vmem>>
    %dma_start3A_135 = tpu.memref_slice %arg3[%add3A_126] : memref<320000xi32, #tpu.memory_space<hbm>> -> memref<64xi32, #tpu.memory_space<hbm>>
    tpu.enqueue_dma source(%dma_start3A_135 : memref<64xi32, #tpu.memory_space<hbm>>) target(%dma_start3A_134 : memref<64xi32, #tpu.memory_space<vmem>>) target_semaphore(%arg19 : memref<!tpu.dma_semaphore, #tpu.memory_space<semaphore_mem>>)
    %dma_wait3A = arith.constant 0 : i32
    %dma_wait3A_136 = tpu.memref_slice %arg9[%mul3A_16, %dma_wait3A] : memref<10240x128xf32, #tpu.memory_space<vmem_shared>> -> memref<624x128xf32, #tpu.memory_space<vmem_shared>>
    %dma_wait3A_137 = arith.constant 0 : i32
    %dma_wait3A_138 = tpu.memref_slice %arg4[%add3A_14, %dma_wait3A_137] : memref<20000x128xf32, #tpu.memory_space<hbm>> -> memref<624x128xf32, #tpu.memory_space<hbm>>
    tpu.wait_dma2 semaphore(%arg30 : memref<!tpu.dma_semaphore, #tpu.memory_space<semaphore_mem>>) src(%dma_wait3A_138 : memref<624x128xf32, #tpu.memory_space<hbm>>) dst(%dma_wait3A_136 : memref<624x128xf32, #tpu.memory_space<vmem_shared>>)
    %eq3A_139 = arith.constant 0 : i32
    %eq3A_140 = arith.cmpi eq, %arg1, %eq3A_139 : i32
    %convert_element_type3A_141 = arith.extui %eq3A_140 : i1 to i32
    %cond3A_142 = arith.constant 0 : i32
    %cond3A_143 = arith.cmpi ne, %convert_element_type3A_141, %cond3A_142 : i32
    scf.if %cond3A_143 {
      %dma_wait3A_600 = arith.constant 9984 : i32
      %dma_wait3A_601 = arith.constant 0 : i32
      %dma_wait3A_602 = tpu.memref_slice %arg9[%dma_wait3A_600, %dma_wait3A_601] : memref<10240x128xf32, #tpu.memory_space<vmem_shared>> -> memref<16x128xf32, #tpu.memory_space<vmem_shared>>
      %dma_wait3A_603 = arith.constant 0 : i32
      %dma_wait3A_604 = tpu.memref_slice %arg4[%add3A_23, %dma_wait3A_603] : memref<20000x128xf32, #tpu.memory_space<hbm>> -> memref<16x128xf32, #tpu.memory_space<hbm>>
      tpu.wait_dma2 semaphore(%arg30 : memref<!tpu.dma_semaphore, #tpu.memory_space<semaphore_mem>>) src(%dma_wait3A_604 : memref<16x128xf32, #tpu.memory_space<hbm>>) dst(%dma_wait3A_602 : memref<16x128xf32, #tpu.memory_space<vmem_shared>>)
    } else {
    }
    %barrier3A = arith.constant 0 : index
    tpu.barrier barrier_id(%barrier3A)
    %add3A_144 = arith.constant 0 : i32
    %add3A_145 = arith.addi %add3A_7, %add3A_144 : i32
    %dma_wait3A_146 = arith.constant 0 : i32
    %dma_wait3A_147 = arith.constant 0 : i32
    %dma_wait3A_148 = tpu.memref_slice %arg6[%dma_wait3A_146, %dma_wait3A_147] : memref<5x64xi32, #tpu.memory_space<vmem>> -> memref<1x64xi32, #tpu.memory_space<vmem>>
    %dma_wait3A_149 = tpu.memref_squeeze %dma_wait3A_148 : memref<1x64xi32, #tpu.memory_space<vmem>> -> memref<64xi32, #tpu.memory_space<vmem>>
    %dma_wait3A_150 = tpu.memref_slice %arg2[%add3A_145] : memref<640000xi32, #tpu.memory_space<hbm>> -> memref<64xi32, #tpu.memory_space<hbm>>
    %dma_wait3A_151 = arith.constant 0 : i32
    %dma_wait3A_152 = tpu.memref_slice %arg6[%dma_wait3A_146, %dma_wait3A_151] : memref<5x64xi32, #tpu.memory_space<vmem>> -> memref<1x64xi32, #tpu.memory_space<vmem>>
    %dma_wait3A_153 = tpu.memref_squeeze %dma_wait3A_152 : memref<1x64xi32, #tpu.memory_space<vmem>> -> memref<64xi32, #tpu.memory_space<vmem>>
    %dma_wait3A_154 = tpu.memref_slice %arg2[%add3A_145] : memref<640000xi32, #tpu.memory_space<hbm>> -> memref<64xi32, #tpu.memory_space<hbm>>
    tpu.wait_dma2 semaphore(%arg10 : memref<!tpu.dma_semaphore, #tpu.memory_space<semaphore_mem>>) src(%dma_wait3A_154 : memref<64xi32, #tpu.memory_space<hbm>>) dst(%dma_wait3A_153 : memref<64xi32, #tpu.memory_space<vmem>>)
    %dma_start3A_155 = arith.constant 0 : i32
    %dma_start3A_156 = arith.constant 0 : i32
    %dma_start3A_157 = arith.constant 0 : i32
    %dma_start3A_158 = arith.constant 0 : i32
    %dma_start3A_159 = tpu.memref_slice %arg8[%dma_start3A_156, %dma_start3A_157, %dma_start3A_158] : memref<5x64x128xf32, #tpu.memory_space<vmem>> -> memref<1x64x128xf32, #tpu.memory_space<vmem>>
    %dma_start3A_160 = tpu.memref_squeeze %dma_start3A_159 : memref<1x64x128xf32, #tpu.memory_space<vmem>> -> memref<64x128xf32, #tpu.memory_space<vmem>>
    %dma_start3A_161 = arith.constant 0 : i32
    %dma_start3A_162 = tpu.memref_slice %arg6[%dma_start3A_155, %dma_start3A_161] : memref<5x64xi32, #tpu.memory_space<vmem>> -> memref<1x64xi32, #tpu.memory_space<vmem>>
    %dma_start3A_163 = tpu.memref_squeeze %dma_start3A_162 : memref<1x64xi32, #tpu.memory_space<vmem>> -> memref<64xi32, #tpu.memory_space<vmem>>
    %dma_start3A_164 = arith.constant 0 : i32
    %dma_start3A_165 = arith.constant 0 : i32
    %dma_start3A_166 = tpu.memref_slice %arg4[%dma_start3A_164, %dma_start3A_165] : memref<20000x128xf32, #tpu.memory_space<hbm>> -> memref<20000x128xf32, #tpu.memory_space<hbm>>
    tpu.enqueue_indirect_dma source(%dma_start3A_166 : memref<20000x128xf32, #tpu.memory_space<hbm>>) target(%dma_start3A_160 : memref<64x128xf32, #tpu.memory_space<vmem>>) offsets(%dma_start3A_163 : memref<64xi32, #tpu.memory_space<vmem>>) semaphore(%arg20 : memref<!tpu.dma_semaphore, #tpu.memory_space<semaphore_mem>>)
    %add3A_167 = arith.constant 64 : i32
    %add3A_168 = arith.addi %add3A_7, %add3A_167 : i32
    %dma_wait3A_169 = arith.constant 1 : i32
    %dma_wait3A_170 = arith.constant 0 : i32
    %dma_wait3A_171 = tpu.memref_slice %arg6[%dma_wait3A_169, %dma_wait3A_170] : memref<5x64xi32, #tpu.memory_space<vmem>> -> memref<1x64xi32, #tpu.memory_space<vmem>>
    %dma_wait3A_172 = tpu.memref_squeeze %dma_wait3A_171 : memref<1x64xi32, #tpu.memory_space<vmem>> -> memref<64xi32, #tpu.memory_space<vmem>>
    %dma_wait3A_173 = tpu.memref_slice %arg2[%add3A_168] : memref<640000xi32, #tpu.memory_space<hbm>> -> memref<64xi32, #tpu.memory_space<hbm>>
    %dma_wait3A_174 = arith.constant 0 : i32
    %dma_wait3A_175 = tpu.memref_slice %arg6[%dma_wait3A_169, %dma_wait3A_174] : memref<5x64xi32, #tpu.memory_space<vmem>> -> memref<1x64xi32, #tpu.memory_space<vmem>>
    %dma_wait3A_176 = tpu.memref_squeeze %dma_wait3A_175 : memref<1x64xi32, #tpu.memory_space<vmem>> -> memref<64xi32, #tpu.memory_space<vmem>>
    %dma_wait3A_177 = tpu.memref_slice %arg2[%add3A_168] : memref<640000xi32, #tpu.memory_space<hbm>> -> memref<64xi32, #tpu.memory_space<hbm>>
    tpu.wait_dma2 semaphore(%arg11 : memref<!tpu.dma_semaphore, #tpu.memory_space<semaphore_mem>>) src(%dma_wait3A_177 : memref<64xi32, #tpu.memory_space<hbm>>) dst(%dma_wait3A_176 : memref<64xi32, #tpu.memory_space<vmem>>)
    %dma_start3A_178 = arith.constant 1 : i32
    %dma_start3A_179 = arith.constant 1 : i32
    %dma_start3A_180 = arith.constant 0 : i32
    %dma_start3A_181 = arith.constant 0 : i32
    %dma_start3A_182 = tpu.memref_slice %arg8[%dma_start3A_179, %dma_start3A_180, %dma_start3A_181] : memref<5x64x128xf32, #tpu.memory_space<vmem>> -> memref<1x64x128xf32, #tpu.memory_space<vmem>>
    %dma_start3A_183 = tpu.memref_squeeze %dma_start3A_182 : memref<1x64x128xf32, #tpu.memory_space<vmem>> -> memref<64x128xf32, #tpu.memory_space<vmem>>
    %dma_start3A_184 = arith.constant 0 : i32
    %dma_start3A_185 = tpu.memref_slice %arg6[%dma_start3A_178, %dma_start3A_184] : memref<5x64xi32, #tpu.memory_space<vmem>> -> memref<1x64xi32, #tpu.memory_space<vmem>>
    %dma_start3A_186 = tpu.memref_squeeze %dma_start3A_185 : memref<1x64xi32, #tpu.memory_space<vmem>> -> memref<64xi32, #tpu.memory_space<vmem>>
    %dma_start3A_187 = arith.constant 0 : i32
    %dma_start3A_188 = arith.constant 0 : i32
    %dma_start3A_189 = tpu.memref_slice %arg4[%dma_start3A_187, %dma_start3A_188] : memref<20000x128xf32, #tpu.memory_space<hbm>> -> memref<20000x128xf32, #tpu.memory_space<hbm>>
    tpu.enqueue_indirect_dma source(%dma_start3A_189 : memref<20000x128xf32, #tpu.memory_space<hbm>>) target(%dma_start3A_183 : memref<64x128xf32, #tpu.memory_space<vmem>>) offsets(%dma_start3A_186 : memref<64xi32, #tpu.memory_space<vmem>>) semaphore(%arg21 : memref<!tpu.dma_semaphore, #tpu.memory_space<semaphore_mem>>)
    %add3A_190 = arith.constant 128 : i32
    %add3A_191 = arith.addi %add3A_7, %add3A_190 : i32
    %dma_wait3A_192 = arith.constant 2 : i32
    %dma_wait3A_193 = arith.constant 0 : i32
    %dma_wait3A_194 = tpu.memref_slice %arg6[%dma_wait3A_192, %dma_wait3A_193] : memref<5x64xi32, #tpu.memory_space<vmem>> -> memref<1x64xi32, #tpu.memory_space<vmem>>
    %dma_wait3A_195 = tpu.memref_squeeze %dma_wait3A_194 : memref<1x64xi32, #tpu.memory_space<vmem>> -> memref<64xi32, #tpu.memory_space<vmem>>
    %dma_wait3A_196 = tpu.memref_slice %arg2[%add3A_191] : memref<640000xi32, #tpu.memory_space<hbm>> -> memref<64xi32, #tpu.memory_space<hbm>>
    %dma_wait3A_197 = arith.constant 0 : i32
    %dma_wait3A_198 = tpu.memref_slice %arg6[%dma_wait3A_192, %dma_wait3A_197] : memref<5x64xi32, #tpu.memory_space<vmem>> -> memref<1x64xi32, #tpu.memory_space<vmem>>
    %dma_wait3A_199 = tpu.memref_squeeze %dma_wait3A_198 : memref<1x64xi32, #tpu.memory_space<vmem>> -> memref<64xi32, #tpu.memory_space<vmem>>
    %dma_wait3A_200 = tpu.memref_slice %arg2[%add3A_191] : memref<640000xi32, #tpu.memory_space<hbm>> -> memref<64xi32, #tpu.memory_space<hbm>>
    tpu.wait_dma2 semaphore(%arg12 : memref<!tpu.dma_semaphore, #tpu.memory_space<semaphore_mem>>) src(%dma_wait3A_200 : memref<64xi32, #tpu.memory_space<hbm>>) dst(%dma_wait3A_199 : memref<64xi32, #tpu.memory_space<vmem>>)
    %dma_start3A_201 = arith.constant 2 : i32
    %dma_start3A_202 = arith.constant 2 : i32
    %dma_start3A_203 = arith.constant 0 : i32
    %dma_start3A_204 = arith.constant 0 : i32
    %dma_start3A_205 = tpu.memref_slice %arg8[%dma_start3A_202, %dma_start3A_203, %dma_start3A_204] : memref<5x64x128xf32, #tpu.memory_space<vmem>> -> memref<1x64x128xf32, #tpu.memory_space<vmem>>
    %dma_start3A_206 = tpu.memref_squeeze %dma_start3A_205 : memref<1x64x128xf32, #tpu.memory_space<vmem>> -> memref<64x128xf32, #tpu.memory_space<vmem>>
    %dma_start3A_207 = arith.constant 0 : i32
    %dma_start3A_208 = tpu.memref_slice %arg6[%dma_start3A_201, %dma_start3A_207] : memref<5x64xi32, #tpu.memory_space<vmem>> -> memref<1x64xi32, #tpu.memory_space<vmem>>
    %dma_start3A_209 = tpu.memref_squeeze %dma_start3A_208 : memref<1x64xi32, #tpu.memory_space<vmem>> -> memref<64xi32, #tpu.memory_space<vmem>>
    %dma_start3A_210 = arith.constant 0 : i32
    %dma_start3A_211 = arith.constant 0 : i32
    %dma_start3A_212 = tpu.memref_slice %arg4[%dma_start3A_210, %dma_start3A_211] : memref<20000x128xf32, #tpu.memory_space<hbm>> -> memref<20000x128xf32, #tpu.memory_space<hbm>>
    tpu.enqueue_indirect_dma source(%dma_start3A_212 : memref<20000x128xf32, #tpu.memory_space<hbm>>) target(%dma_start3A_206 : memref<64x128xf32, #tpu.memory_space<vmem>>) offsets(%dma_start3A_209 : memref<64xi32, #tpu.memory_space<vmem>>) semaphore(%arg22 : memref<!tpu.dma_semaphore, #tpu.memory_space<semaphore_mem>>)
    %scan3A = arith.constant 0 : i32
    %scan3A_213 = arith.constant 62 : i32
    %scan3A_214 = arith.addi %scan3A, %scan3A_213 : i32
    %scan3A_215 = arith.constant 1 : i32
    scf.for %scan3A_600 = %scan3A to %scan3A_214 step %scan3A_215  : i32 {
      %mul3A_601 = arith.constant 5 : i32
      %mul3A_602 = arith.muli %scan3A_600, %mul3A_601 : i32
      %add3A_603 = arith.constant 0 : i32
      %add3A_604 = arith.addi %add3A_603, %mul3A_602 : i32
      %add3A_605 = arith.constant 0 : i32
      %add3A_606 = arith.addi %add3A_604, %add3A_605 : i32
      %dma_wait3A_607 = arith.constant 0 : i32
      %dma_wait3A_608 = arith.constant 0 : i32
      %dma_wait3A_609 = arith.constant 0 : i32
      %dma_wait3A_610 = arith.constant 0 : i32
      %dma_wait3A_611 = tpu.memref_slice %arg8[%dma_wait3A_608, %dma_wait3A_609, %dma_wait3A_610] : memref<5x64x128xf32, #tpu.memory_space<vmem>> -> memref<1x64x128xf32, #tpu.memory_space<vmem>>
      %dma_wait3A_612 = tpu.memref_squeeze %dma_wait3A_611 : memref<1x64x128xf32, #tpu.memory_space<vmem>> -> memref<64x128xf32, #tpu.memory_space<vmem>>
      %dma_wait3A_613 = arith.constant 0 : i32
      %dma_wait3A_614 = tpu.memref_slice %arg6[%dma_wait3A_607, %dma_wait3A_613] : memref<5x64xi32, #tpu.memory_space<vmem>> -> memref<1x64xi32, #tpu.memory_space<vmem>>
      %dma_wait3A_615 = tpu.memref_squeeze %dma_wait3A_614 : memref<1x64xi32, #tpu.memory_space<vmem>> -> memref<64xi32, #tpu.memory_space<vmem>>
      %dma_wait3A_616 = arith.constant 0 : i32
      %dma_wait3A_617 = arith.constant 0 : i32
      %dma_wait3A_618 = tpu.memref_slice %arg4[%dma_wait3A_616, %dma_wait3A_617] : memref<20000x128xf32, #tpu.memory_space<hbm>> -> memref<20000x128xf32, #tpu.memory_space<hbm>>
      tpu.wait_indirect_dma semaphore(%arg20 : memref<!tpu.dma_semaphore, #tpu.memory_space<semaphore_mem>>) src(%dma_wait3A_618 : memref<20000x128xf32, #tpu.memory_space<hbm>>) dst(%dma_wait3A_612 : memref<64x128xf32, #tpu.memory_space<vmem>>)
      %mul3A_619 = arith.constant 64 : i32
      %mul3A_620 = arith.muli %add3A_606, %mul3A_619 : i32
      %add3A_621 = arith.addi %add3A, %mul3A_620 : i32
      %dma_wait3A_622 = arith.constant 0 : i32
      %dma_wait3A_623 = arith.constant 0 : i32
      %dma_wait3A_624 = tpu.memref_slice %arg7[%dma_wait3A_622, %dma_wait3A_623] : memref<5x64xi32, #tpu.memory_space<vmem>> -> memref<1x64xi32, #tpu.memory_space<vmem>>
      %dma_wait3A_625 = tpu.memref_squeeze %dma_wait3A_624 : memref<1x64xi32, #tpu.memory_space<vmem>> -> memref<64xi32, #tpu.memory_space<vmem>>
      %dma_wait3A_626 = tpu.memref_slice %arg3[%add3A_621] : memref<320000xi32, #tpu.memory_space<hbm>> -> memref<64xi32, #tpu.memory_space<hbm>>
      %dma_wait3A_627 = arith.constant 0 : i32
      %dma_wait3A_628 = tpu.memref_slice %arg7[%dma_wait3A_622, %dma_wait3A_627] : memref<5x64xi32, #tpu.memory_space<vmem>> -> memref<1x64xi32, #tpu.memory_space<vmem>>
      %dma_wait3A_629 = tpu.memref_squeeze %dma_wait3A_628 : memref<1x64xi32, #tpu.memory_space<vmem>> -> memref<64xi32, #tpu.memory_space<vmem>>
      %dma_wait3A_630 = tpu.memref_slice %arg3[%add3A_621] : memref<320000xi32, #tpu.memory_space<hbm>> -> memref<64xi32, #tpu.memory_space<hbm>>
      tpu.wait_dma2 semaphore(%arg15 : memref<!tpu.dma_semaphore, #tpu.memory_space<semaphore_mem>>) src(%dma_wait3A_630 : memref<64xi32, #tpu.memory_space<hbm>>) dst(%dma_wait3A_629 : memref<64xi32, #tpu.memory_space<vmem>>)
      %dma_start3A_631 = arith.constant 0 : i32
      %dma_start3A_632 = arith.constant 0 : i32
      %dma_start3A_633 = arith.constant 0 : i32
      %dma_start3A_634 = arith.constant 0 : i32
      %dma_start3A_635 = tpu.memref_slice %arg8[%dma_start3A_631, %dma_start3A_633, %dma_start3A_634] : memref<5x64x128xf32, #tpu.memory_space<vmem>> -> memref<1x64x128xf32, #tpu.memory_space<vmem>>
      %dma_start3A_636 = tpu.memref_squeeze %dma_start3A_635 : memref<1x64x128xf32, #tpu.memory_space<vmem>> -> memref<64x128xf32, #tpu.memory_space<vmem>>
      %dma_start3A_637 = arith.constant 0 : i32
      %dma_start3A_638 = tpu.memref_slice %arg7[%dma_start3A_632, %dma_start3A_637] : memref<5x64xi32, #tpu.memory_space<vmem>> -> memref<1x64xi32, #tpu.memory_space<vmem>>
      %dma_start3A_639 = tpu.memref_squeeze %dma_start3A_638 : memref<1x64xi32, #tpu.memory_space<vmem>> -> memref<64xi32, #tpu.memory_space<vmem>>
      %dma_start3A_640 = arith.constant 0 : i32
      %dma_start3A_641 = arith.constant 0 : i32
      %dma_start3A_642 = tpu.memref_slice %arg9[%dma_start3A_640, %dma_start3A_641] : memref<10240x128xf32, #tpu.memory_space<vmem_shared>> -> memref<10240x128xf32, #tpu.memory_space<vmem_shared>>
      tpu.enqueue_indirect_dma source(%dma_start3A_636 : memref<64x128xf32, #tpu.memory_space<vmem>>) target(%dma_start3A_642 : memref<10240x128xf32, #tpu.memory_space<vmem_shared>>) offsets(%dma_start3A_639 : memref<64xi32, #tpu.memory_space<vmem>>) semaphore(%arg25 : memref<!tpu.dma_semaphore, #tpu.memory_space<semaphore_mem>>) {add = true}
      %add3A_643 = arith.constant 5 : i32
      %add3A_644 = arith.addi %add3A_606, %add3A_643 : i32
      %lt3A = arith.constant 310 : i32
      %lt3A_645 = arith.cmpi slt, %add3A_644, %lt3A : i32
      %convert_element_type3A_646 = arith.extui %lt3A_645 : i1 to i32
      %cond3A_647 = arith.constant 0 : i32
      %cond3A_648 = arith.cmpi ne, %convert_element_type3A_646, %cond3A_647 : i32
      scf.if %cond3A_648 {
        %add3A_912 = arith.constant 5 : i32
        %add3A_913 = arith.addi %add3A_606, %add3A_912 : i32
        %mul3A_914 = arith.constant 64 : i32
        %mul3A_915 = arith.muli %add3A_913, %mul3A_914 : i32
        %add3A_916 = arith.addi %add3A_7, %mul3A_915 : i32
        %dma_start3A_917 = arith.constant 0 : i32
        %dma_start3A_918 = arith.constant 0 : i32
        %dma_start3A_919 = tpu.memref_slice %arg6[%dma_start3A_917, %dma_start3A_918] : memref<5x64xi32, #tpu.memory_space<vmem>> -> memref<1x64xi32, #tpu.memory_space<vmem>>
        %dma_start3A_920 = tpu.memref_squeeze %dma_start3A_919 : memref<1x64xi32, #tpu.memory_space<vmem>> -> memref<64xi32, #tpu.memory_space<vmem>>
        %dma_start3A_921 = tpu.memref_slice %arg2[%add3A_916] : memref<640000xi32, #tpu.memory_space<hbm>> -> memref<64xi32, #tpu.memory_space<hbm>>
        %dma_start3A_922 = arith.constant 0 : i32
        %dma_start3A_923 = tpu.memref_slice %arg6[%dma_start3A_917, %dma_start3A_922] : memref<5x64xi32, #tpu.memory_space<vmem>> -> memref<1x64xi32, #tpu.memory_space<vmem>>
        %dma_start3A_924 = tpu.memref_squeeze %dma_start3A_923 : memref<1x64xi32, #tpu.memory_space<vmem>> -> memref<64xi32, #tpu.memory_space<vmem>>
        %dma_start3A_925 = tpu.memref_slice %arg2[%add3A_916] : memref<640000xi32, #tpu.memory_space<hbm>> -> memref<64xi32, #tpu.memory_space<hbm>>
        tpu.enqueue_dma source(%dma_start3A_925 : memref<64xi32, #tpu.memory_space<hbm>>) target(%dma_start3A_924 : memref<64xi32, #tpu.memory_space<vmem>>) target_semaphore(%arg10 : memref<!tpu.dma_semaphore, #tpu.memory_space<semaphore_mem>>)
      } else {
      }
      %ge3A = arith.constant 2 : i32
      %ge3A_649 = arith.cmpi sge, %add3A_606, %ge3A : i32
      %add3A_650 = arith.constant 3 : i32
      %add3A_651 = arith.addi %add3A_606, %add3A_650 : i32
      %lt3A_652 = arith.constant 310 : i32
      %lt3A_653 = arith.cmpi slt, %add3A_651, %lt3A_652 : i32
      %and3A = arith.andi %ge3A_649, %lt3A_653 : i1
      %convert_element_type3A_654 = arith.extui %and3A : i1 to i32
      %cond3A_655 = arith.constant 0 : i32
      %cond3A_656 = arith.cmpi ne, %convert_element_type3A_654, %cond3A_655 : i32
      scf.if %cond3A_656 {
        %dma_wait3A_912 = arith.constant 3 : i32
        %dma_wait3A_913 = arith.constant 3 : i32
        %dma_wait3A_914 = arith.constant 0 : i32
        %dma_wait3A_915 = arith.constant 0 : i32
        %dma_wait3A_916 = tpu.memref_slice %arg8[%dma_wait3A_912, %dma_wait3A_914, %dma_wait3A_915] : memref<5x64x128xf32, #tpu.memory_space<vmem>> -> memref<1x64x128xf32, #tpu.memory_space<vmem>>
        %dma_wait3A_917 = tpu.memref_squeeze %dma_wait3A_916 : memref<1x64x128xf32, #tpu.memory_space<vmem>> -> memref<64x128xf32, #tpu.memory_space<vmem>>
        %dma_wait3A_918 = arith.constant 0 : i32
        %dma_wait3A_919 = tpu.memref_slice %arg7[%dma_wait3A_913, %dma_wait3A_918] : memref<5x64xi32, #tpu.memory_space<vmem>> -> memref<1x64xi32, #tpu.memory_space<vmem>>
        %dma_wait3A_920 = tpu.memref_squeeze %dma_wait3A_919 : memref<1x64xi32, #tpu.memory_space<vmem>> -> memref<64xi32, #tpu.memory_space<vmem>>
        %dma_wait3A_921 = arith.constant 0 : i32
        %dma_wait3A_922 = arith.constant 0 : i32
        %dma_wait3A_923 = tpu.memref_slice %arg9[%dma_wait3A_921, %dma_wait3A_922] : memref<10240x128xf32, #tpu.memory_space<vmem_shared>> -> memref<10240x128xf32, #tpu.memory_space<vmem_shared>>
        tpu.wait_indirect_dma semaphore(%arg28 : memref<!tpu.dma_semaphore, #tpu.memory_space<semaphore_mem>>) src(%dma_wait3A_917 : memref<64x128xf32, #tpu.memory_space<vmem>>) dst(%dma_wait3A_923 : memref<10240x128xf32, #tpu.memory_space<vmem_shared>>)
        %add3A_924 = arith.constant 3 : i32
        %add3A_925 = arith.addi %add3A_606, %add3A_924 : i32
        %mul3A_926 = arith.constant 64 : i32
        %mul3A_927 = arith.muli %add3A_925, %mul3A_926 : i32
        %add3A_928 = arith.addi %add3A, %mul3A_927 : i32
        %dma_start3A_929 = arith.constant 3 : i32
        %dma_start3A_930 = arith.constant 0 : i32
        %dma_start3A_931 = tpu.memref_slice %arg7[%dma_start3A_929, %dma_start3A_930] : memref<5x64xi32, #tpu.memory_space<vmem>> -> memref<1x64xi32, #tpu.memory_space<vmem>>
        %dma_start3A_932 = tpu.memref_squeeze %dma_start3A_931 : memref<1x64xi32, #tpu.memory_space<vmem>> -> memref<64xi32, #tpu.memory_space<vmem>>
        %dma_start3A_933 = tpu.memref_slice %arg3[%add3A_928] : memref<320000xi32, #tpu.memory_space<hbm>> -> memref<64xi32, #tpu.memory_space<hbm>>
        %dma_start3A_934 = arith.constant 0 : i32
        %dma_start3A_935 = tpu.memref_slice %arg7[%dma_start3A_929, %dma_start3A_934] : memref<5x64xi32, #tpu.memory_space<vmem>> -> memref<1x64xi32, #tpu.memory_space<vmem>>
        %dma_start3A_936 = tpu.memref_squeeze %dma_start3A_935 : memref<1x64xi32, #tpu.memory_space<vmem>> -> memref<64xi32, #tpu.memory_space<vmem>>
        %dma_start3A_937 = tpu.memref_slice %arg3[%add3A_928] : memref<320000xi32, #tpu.memory_space<hbm>> -> memref<64xi32, #tpu.memory_space<hbm>>
        tpu.enqueue_dma source(%dma_start3A_937 : memref<64xi32, #tpu.memory_space<hbm>>) target(%dma_start3A_936 : memref<64xi32, #tpu.memory_space<vmem>>) target_semaphore(%arg18 : memref<!tpu.dma_semaphore, #tpu.memory_space<semaphore_mem>>)
      } else {
      }
      %add3A_657 = arith.constant 3 : i32
      %add3A_658 = arith.addi %add3A_606, %add3A_657 : i32
      %lt3A_659 = arith.constant 310 : i32
      %lt3A_660 = arith.cmpi slt, %add3A_658, %lt3A_659 : i32
      %convert_element_type3A_661 = arith.extui %lt3A_660 : i1 to i32
      %cond3A_662 = arith.constant 0 : i32
      %cond3A_663 = arith.cmpi ne, %convert_element_type3A_661, %cond3A_662 : i32
      scf.if %cond3A_663 {
        %add3A_912 = arith.constant 3 : i32
        %add3A_913 = arith.addi %add3A_606, %add3A_912 : i32
        %mul3A_914 = arith.constant 64 : i32
        %mul3A_915 = arith.muli %add3A_913, %mul3A_914 : i32
        %add3A_916 = arith.addi %add3A_7, %mul3A_915 : i32
        %dma_wait3A_917 = arith.constant 3 : i32
        %dma_wait3A_918 = arith.constant 0 : i32
        %dma_wait3A_919 = tpu.memref_slice %arg6[%dma_wait3A_917, %dma_wait3A_918] : memref<5x64xi32, #tpu.memory_space<vmem>> -> memref<1x64xi32, #tpu.memory_space<vmem>>
        %dma_wait3A_920 = tpu.memref_squeeze %dma_wait3A_919 : memref<1x64xi32, #tpu.memory_space<vmem>> -> memref<64xi32, #tpu.memory_space<vmem>>
        %dma_wait3A_921 = tpu.memref_slice %arg2[%add3A_916] : memref<640000xi32, #tpu.memory_space<hbm>> -> memref<64xi32, #tpu.memory_space<hbm>>
        %dma_wait3A_922 = arith.constant 0 : i32
        %dma_wait3A_923 = tpu.memref_slice %arg6[%dma_wait3A_917, %dma_wait3A_922] : memref<5x64xi32, #tpu.memory_space<vmem>> -> memref<1x64xi32, #tpu.memory_space<vmem>>
        %dma_wait3A_924 = tpu.memref_squeeze %dma_wait3A_923 : memref<1x64xi32, #tpu.memory_space<vmem>> -> memref<64xi32, #tpu.memory_space<vmem>>
        %dma_wait3A_925 = tpu.memref_slice %arg2[%add3A_916] : memref<640000xi32, #tpu.memory_space<hbm>> -> memref<64xi32, #tpu.memory_space<hbm>>
        tpu.wait_dma2 semaphore(%arg13 : memref<!tpu.dma_semaphore, #tpu.memory_space<semaphore_mem>>) src(%dma_wait3A_925 : memref<64xi32, #tpu.memory_space<hbm>>) dst(%dma_wait3A_924 : memref<64xi32, #tpu.memory_space<vmem>>)
        %dma_start3A_926 = arith.constant 3 : i32
        %dma_start3A_927 = arith.constant 3 : i32
        %dma_start3A_928 = arith.constant 0 : i32
        %dma_start3A_929 = arith.constant 0 : i32
        %dma_start3A_930 = tpu.memref_slice %arg8[%dma_start3A_927, %dma_start3A_928, %dma_start3A_929] : memref<5x64x128xf32, #tpu.memory_space<vmem>> -> memref<1x64x128xf32, #tpu.memory_space<vmem>>
        %dma_start3A_931 = tpu.memref_squeeze %dma_start3A_930 : memref<1x64x128xf32, #tpu.memory_space<vmem>> -> memref<64x128xf32, #tpu.memory_space<vmem>>
        %dma_start3A_932 = arith.constant 0 : i32
        %dma_start3A_933 = tpu.memref_slice %arg6[%dma_start3A_926, %dma_start3A_932] : memref<5x64xi32, #tpu.memory_space<vmem>> -> memref<1x64xi32, #tpu.memory_space<vmem>>
        %dma_start3A_934 = tpu.memref_squeeze %dma_start3A_933 : memref<1x64xi32, #tpu.memory_space<vmem>> -> memref<64xi32, #tpu.memory_space<vmem>>
        %dma_start3A_935 = arith.constant 0 : i32
        %dma_start3A_936 = arith.constant 0 : i32
        %dma_start3A_937 = tpu.memref_slice %arg4[%dma_start3A_935, %dma_start3A_936] : memref<20000x128xf32, #tpu.memory_space<hbm>> -> memref<20000x128xf32, #tpu.memory_space<hbm>>
        tpu.enqueue_indirect_dma source(%dma_start3A_937 : memref<20000x128xf32, #tpu.memory_space<hbm>>) target(%dma_start3A_931 : memref<64x128xf32, #tpu.memory_space<vmem>>) offsets(%dma_start3A_934 : memref<64xi32, #tpu.memory_space<vmem>>) semaphore(%arg23 : memref<!tpu.dma_semaphore, #tpu.memory_space<semaphore_mem>>)
      } else {
      }
      %add3A_664 = arith.constant 1 : i32
      %add3A_665 = arith.addi %add3A_604, %add3A_664 : i32
      %dma_wait3A_666 = arith.constant 1 : i32
      %dma_wait3A_667 = arith.constant 1 : i32
      %dma_wait3A_668 = arith.constant 0 : i32
      %dma_wait3A_669 = arith.constant 0 : i32
      %dma_wait3A_670 = tpu.memref_slice %arg8[%dma_wait3A_667, %dma_wait3A_668, %dma_wait3A_669] : memref<5x64x128xf32, #tpu.memory_space<vmem>> -> memref<1x64x128xf32, #tpu.memory_space<vmem>>
      %dma_wait3A_671 = tpu.memref_squeeze %dma_wait3A_670 : memref<1x64x128xf32, #tpu.memory_space<vmem>> -> memref<64x128xf32, #tpu.memory_space<vmem>>
      %dma_wait3A_672 = arith.constant 0 : i32
      %dma_wait3A_673 = tpu.memref_slice %arg6[%dma_wait3A_666, %dma_wait3A_672] : memref<5x64xi32, #tpu.memory_space<vmem>> -> memref<1x64xi32, #tpu.memory_space<vmem>>
      %dma_wait3A_674 = tpu.memref_squeeze %dma_wait3A_673 : memref<1x64xi32, #tpu.memory_space<vmem>> -> memref<64xi32, #tpu.memory_space<vmem>>
      %dma_wait3A_675 = arith.constant 0 : i32
      %dma_wait3A_676 = arith.constant 0 : i32
      %dma_wait3A_677 = tpu.memref_slice %arg4[%dma_wait3A_675, %dma_wait3A_676] : memref<20000x128xf32, #tpu.memory_space<hbm>> -> memref<20000x128xf32, #tpu.memory_space<hbm>>
      tpu.wait_indirect_dma semaphore(%arg21 : memref<!tpu.dma_semaphore, #tpu.memory_space<semaphore_mem>>) src(%dma_wait3A_677 : memref<20000x128xf32, #tpu.memory_space<hbm>>) dst(%dma_wait3A_671 : memref<64x128xf32, #tpu.memory_space<vmem>>)
      %mul3A_678 = arith.constant 64 : i32
      %mul3A_679 = arith.muli %add3A_665, %mul3A_678 : i32
      %add3A_680 = arith.addi %add3A, %mul3A_679 : i32
      %dma_wait3A_681 = arith.constant 1 : i32
      %dma_wait3A_682 = arith.constant 0 : i32
      %dma_wait3A_683 = tpu.memref_slice %arg7[%dma_wait3A_681, %dma_wait3A_682] : memref<5x64xi32, #tpu.memory_space<vmem>> -> memref<1x64xi32, #tpu.memory_space<vmem>>
      %dma_wait3A_684 = tpu.memref_squeeze %dma_wait3A_683 : memref<1x64xi32, #tpu.memory_space<vmem>> -> memref<64xi32, #tpu.memory_space<vmem>>
      %dma_wait3A_685 = tpu.memref_slice %arg3[%add3A_680] : memref<320000xi32, #tpu.memory_space<hbm>> -> memref<64xi32, #tpu.memory_space<hbm>>
      %dma_wait3A_686 = arith.constant 0 : i32
      %dma_wait3A_687 = tpu.memref_slice %arg7[%dma_wait3A_681, %dma_wait3A_686] : memref<5x64xi32, #tpu.memory_space<vmem>> -> memref<1x64xi32, #tpu.memory_space<vmem>>
      %dma_wait3A_688 = tpu.memref_squeeze %dma_wait3A_687 : memref<1x64xi32, #tpu.memory_space<vmem>> -> memref<64xi32, #tpu.memory_space<vmem>>
      %dma_wait3A_689 = tpu.memref_slice %arg3[%add3A_680] : memref<320000xi32, #tpu.memory_space<hbm>> -> memref<64xi32, #tpu.memory_space<hbm>>
      tpu.wait_dma2 semaphore(%arg16 : memref<!tpu.dma_semaphore, #tpu.memory_space<semaphore_mem>>) src(%dma_wait3A_689 : memref<64xi32, #tpu.memory_space<hbm>>) dst(%dma_wait3A_688 : memref<64xi32, #tpu.memory_space<vmem>>)
      %dma_start3A_690 = arith.constant 1 : i32
      %dma_start3A_691 = arith.constant 1 : i32
      %dma_start3A_692 = arith.constant 0 : i32
      %dma_start3A_693 = arith.constant 0 : i32
      %dma_start3A_694 = tpu.memref_slice %arg8[%dma_start3A_690, %dma_start3A_692, %dma_start3A_693] : memref<5x64x128xf32, #tpu.memory_space<vmem>> -> memref<1x64x128xf32, #tpu.memory_space<vmem>>
      %dma_start3A_695 = tpu.memref_squeeze %dma_start3A_694 : memref<1x64x128xf32, #tpu.memory_space<vmem>> -> memref<64x128xf32, #tpu.memory_space<vmem>>
      %dma_start3A_696 = arith.constant 0 : i32
      %dma_start3A_697 = tpu.memref_slice %arg7[%dma_start3A_691, %dma_start3A_696] : memref<5x64xi32, #tpu.memory_space<vmem>> -> memref<1x64xi32, #tpu.memory_space<vmem>>
      %dma_start3A_698 = tpu.memref_squeeze %dma_start3A_697 : memref<1x64xi32, #tpu.memory_space<vmem>> -> memref<64xi32, #tpu.memory_space<vmem>>
      %dma_start3A_699 = arith.constant 0 : i32
      %dma_start3A_700 = arith.constant 0 : i32
      %dma_start3A_701 = tpu.memref_slice %arg9[%dma_start3A_699, %dma_start3A_700] : memref<10240x128xf32, #tpu.memory_space<vmem_shared>> -> memref<10240x128xf32, #tpu.memory_space<vmem_shared>>
      tpu.enqueue_indirect_dma source(%dma_start3A_695 : memref<64x128xf32, #tpu.memory_space<vmem>>) target(%dma_start3A_701 : memref<10240x128xf32, #tpu.memory_space<vmem_shared>>) offsets(%dma_start3A_698 : memref<64xi32, #tpu.memory_space<vmem>>) semaphore(%arg26 : memref<!tpu.dma_semaphore, #tpu.memory_space<semaphore_mem>>) {add = true}
      %add3A_702 = arith.constant 5 : i32
      %add3A_703 = arith.addi %add3A_665, %add3A_702 : i32
      %lt3A_704 = arith.constant 310 : i32
      %lt3A_705 = arith.cmpi slt, %add3A_703, %lt3A_704 : i32
      %convert_element_type3A_706 = arith.extui %lt3A_705 : i1 to i32
      %cond3A_707 = arith.constant 0 : i32
      %cond3A_708 = arith.cmpi ne, %convert_element_type3A_706, %cond3A_707 : i32
      scf.if %cond3A_708 {
        %add3A_912 = arith.constant 5 : i32
        %add3A_913 = arith.addi %add3A_665, %add3A_912 : i32
        %mul3A_914 = arith.constant 64 : i32
        %mul3A_915 = arith.muli %add3A_913, %mul3A_914 : i32
        %add3A_916 = arith.addi %add3A_7, %mul3A_915 : i32
        %dma_start3A_917 = arith.constant 1 : i32
        %dma_start3A_918 = arith.constant 0 : i32
        %dma_start3A_919 = tpu.memref_slice %arg6[%dma_start3A_917, %dma_start3A_918] : memref<5x64xi32, #tpu.memory_space<vmem>> -> memref<1x64xi32, #tpu.memory_space<vmem>>
        %dma_start3A_920 = tpu.memref_squeeze %dma_start3A_919 : memref<1x64xi32, #tpu.memory_space<vmem>> -> memref<64xi32, #tpu.memory_space<vmem>>
        %dma_start3A_921 = tpu.memref_slice %arg2[%add3A_916] : memref<640000xi32, #tpu.memory_space<hbm>> -> memref<64xi32, #tpu.memory_space<hbm>>
        %dma_start3A_922 = arith.constant 0 : i32
        %dma_start3A_923 = tpu.memref_slice %arg6[%dma_start3A_917, %dma_start3A_922] : memref<5x64xi32, #tpu.memory_space<vmem>> -> memref<1x64xi32, #tpu.memory_space<vmem>>
        %dma_start3A_924 = tpu.memref_squeeze %dma_start3A_923 : memref<1x64xi32, #tpu.memory_space<vmem>> -> memref<64xi32, #tpu.memory_space<vmem>>
        %dma_start3A_925 = tpu.memref_slice %arg2[%add3A_916] : memref<640000xi32, #tpu.memory_space<hbm>> -> memref<64xi32, #tpu.memory_space<hbm>>
        tpu.enqueue_dma source(%dma_start3A_925 : memref<64xi32, #tpu.memory_space<hbm>>) target(%dma_start3A_924 : memref<64xi32, #tpu.memory_space<vmem>>) target_semaphore(%arg11 : memref<!tpu.dma_semaphore, #tpu.memory_space<semaphore_mem>>)
      } else {
      }
      %ge3A_709 = arith.constant 2 : i32
      %ge3A_710 = arith.cmpi sge, %add3A_665, %ge3A_709 : i32
      %add3A_711 = arith.constant 3 : i32
      %add3A_712 = arith.addi %add3A_665, %add3A_711 : i32
      %lt3A_713 = arith.constant 310 : i32
      %lt3A_714 = arith.cmpi slt, %add3A_712, %lt3A_713 : i32
      %and3A_715 = arith.andi %ge3A_710, %lt3A_714 : i1
      %convert_element_type3A_716 = arith.extui %and3A_715 : i1 to i32
      %cond3A_717 = arith.constant 0 : i32
      %cond3A_718 = arith.cmpi ne, %convert_element_type3A_716, %cond3A_717 : i32
      scf.if %cond3A_718 {
        %dma_wait3A_912 = arith.constant 4 : i32
        %dma_wait3A_913 = arith.constant 4 : i32
        %dma_wait3A_914 = arith.constant 0 : i32
        %dma_wait3A_915 = arith.constant 0 : i32
        %dma_wait3A_916 = tpu.memref_slice %arg8[%dma_wait3A_912, %dma_wait3A_914, %dma_wait3A_915] : memref<5x64x128xf32, #tpu.memory_space<vmem>> -> memref<1x64x128xf32, #tpu.memory_space<vmem>>
        %dma_wait3A_917 = tpu.memref_squeeze %dma_wait3A_916 : memref<1x64x128xf32, #tpu.memory_space<vmem>> -> memref<64x128xf32, #tpu.memory_space<vmem>>
        %dma_wait3A_918 = arith.constant 0 : i32
        %dma_wait3A_919 = tpu.memref_slice %arg7[%dma_wait3A_913, %dma_wait3A_918] : memref<5x64xi32, #tpu.memory_space<vmem>> -> memref<1x64xi32, #tpu.memory_space<vmem>>
        %dma_wait3A_920 = tpu.memref_squeeze %dma_wait3A_919 : memref<1x64xi32, #tpu.memory_space<vmem>> -> memref<64xi32, #tpu.memory_space<vmem>>
        %dma_wait3A_921 = arith.constant 0 : i32
        %dma_wait3A_922 = arith.constant 0 : i32
        %dma_wait3A_923 = tpu.memref_slice %arg9[%dma_wait3A_921, %dma_wait3A_922] : memref<10240x128xf32, #tpu.memory_space<vmem_shared>> -> memref<10240x128xf32, #tpu.memory_space<vmem_shared>>
        tpu.wait_indirect_dma semaphore(%arg29 : memref<!tpu.dma_semaphore, #tpu.memory_space<semaphore_mem>>) src(%dma_wait3A_917 : memref<64x128xf32, #tpu.memory_space<vmem>>) dst(%dma_wait3A_923 : memref<10240x128xf32, #tpu.memory_space<vmem_shared>>)
        %add3A_924 = arith.constant 3 : i32
        %add3A_925 = arith.addi %add3A_665, %add3A_924 : i32
        %mul3A_926 = arith.constant 64 : i32
        %mul3A_927 = arith.muli %add3A_925, %mul3A_926 : i32
        %add3A_928 = arith.addi %add3A, %mul3A_927 : i32
        %dma_start3A_929 = arith.constant 4 : i32
        %dma_start3A_930 = arith.constant 0 : i32
        %dma_start3A_931 = tpu.memref_slice %arg7[%dma_start3A_929, %dma_start3A_930] : memref<5x64xi32, #tpu.memory_space<vmem>> -> memref<1x64xi32, #tpu.memory_space<vmem>>
        %dma_start3A_932 = tpu.memref_squeeze %dma_start3A_931 : memref<1x64xi32, #tpu.memory_space<vmem>> -> memref<64xi32, #tpu.memory_space<vmem>>
        %dma_start3A_933 = tpu.memref_slice %arg3[%add3A_928] : memref<320000xi32, #tpu.memory_space<hbm>> -> memref<64xi32, #tpu.memory_space<hbm>>
        %dma_start3A_934 = arith.constant 0 : i32
        %dma_start3A_935 = tpu.memref_slice %arg7[%dma_start3A_929, %dma_start3A_934] : memref<5x64xi32, #tpu.memory_space<vmem>> -> memref<1x64xi32, #tpu.memory_space<vmem>>
        %dma_start3A_936 = tpu.memref_squeeze %dma_start3A_935 : memref<1x64xi32, #tpu.memory_space<vmem>> -> memref<64xi32, #tpu.memory_space<vmem>>
        %dma_start3A_937 = tpu.memref_slice %arg3[%add3A_928] : memref<320000xi32, #tpu.memory_space<hbm>> -> memref<64xi32, #tpu.memory_space<hbm>>
        tpu.enqueue_dma source(%dma_start3A_937 : memref<64xi32, #tpu.memory_space<hbm>>) target(%dma_start3A_936 : memref<64xi32, #tpu.memory_space<vmem>>) target_semaphore(%arg19 : memref<!tpu.dma_semaphore, #tpu.memory_space<semaphore_mem>>)
      } else {
      }
      %add3A_719 = arith.constant 3 : i32
      %add3A_720 = arith.addi %add3A_665, %add3A_719 : i32
      %lt3A_721 = arith.constant 310 : i32
      %lt3A_722 = arith.cmpi slt, %add3A_720, %lt3A_721 : i32
      %convert_element_type3A_723 = arith.extui %lt3A_722 : i1 to i32
      %cond3A_724 = arith.constant 0 : i32
      %cond3A_725 = arith.cmpi ne, %convert_element_type3A_723, %cond3A_724 : i32
      scf.if %cond3A_725 {
        %add3A_912 = arith.constant 3 : i32
        %add3A_913 = arith.addi %add3A_665, %add3A_912 : i32
        %mul3A_914 = arith.constant 64 : i32
        %mul3A_915 = arith.muli %add3A_913, %mul3A_914 : i32
        %add3A_916 = arith.addi %add3A_7, %mul3A_915 : i32
        %dma_wait3A_917 = arith.constant 4 : i32
        %dma_wait3A_918 = arith.constant 0 : i32
        %dma_wait3A_919 = tpu.memref_slice %arg6[%dma_wait3A_917, %dma_wait3A_918] : memref<5x64xi32, #tpu.memory_space<vmem>> -> memref<1x64xi32, #tpu.memory_space<vmem>>
        %dma_wait3A_920 = tpu.memref_squeeze %dma_wait3A_919 : memref<1x64xi32, #tpu.memory_space<vmem>> -> memref<64xi32, #tpu.memory_space<vmem>>
        %dma_wait3A_921 = tpu.memref_slice %arg2[%add3A_916] : memref<640000xi32, #tpu.memory_space<hbm>> -> memref<64xi32, #tpu.memory_space<hbm>>
        %dma_wait3A_922 = arith.constant 0 : i32
        %dma_wait3A_923 = tpu.memref_slice %arg6[%dma_wait3A_917, %dma_wait3A_922] : memref<5x64xi32, #tpu.memory_space<vmem>> -> memref<1x64xi32, #tpu.memory_space<vmem>>
        %dma_wait3A_924 = tpu.memref_squeeze %dma_wait3A_923 : memref<1x64xi32, #tpu.memory_space<vmem>> -> memref<64xi32, #tpu.memory_space<vmem>>
        %dma_wait3A_925 = tpu.memref_slice %arg2[%add3A_916] : memref<640000xi32, #tpu.memory_space<hbm>> -> memref<64xi32, #tpu.memory_space<hbm>>
        tpu.wait_dma2 semaphore(%arg14 : memref<!tpu.dma_semaphore, #tpu.memory_space<semaphore_mem>>) src(%dma_wait3A_925 : memref<64xi32, #tpu.memory_space<hbm>>) dst(%dma_wait3A_924 : memref<64xi32, #tpu.memory_space<vmem>>)
        %dma_start3A_926 = arith.constant 4 : i32
        %dma_start3A_927 = arith.constant 4 : i32
        %dma_start3A_928 = arith.constant 0 : i32
        %dma_start3A_929 = arith.constant 0 : i32
        %dma_start3A_930 = tpu.memref_slice %arg8[%dma_start3A_927, %dma_start3A_928, %dma_start3A_929] : memref<5x64x128xf32, #tpu.memory_space<vmem>> -> memref<1x64x128xf32, #tpu.memory_space<vmem>>
        %dma_start3A_931 = tpu.memref_squeeze %dma_start3A_930 : memref<1x64x128xf32, #tpu.memory_space<vmem>> -> memref<64x128xf32, #tpu.memory_space<vmem>>
        %dma_start3A_932 = arith.constant 0 : i32
        %dma_start3A_933 = tpu.memref_slice %arg6[%dma_start3A_926, %dma_start3A_932] : memref<5x64xi32, #tpu.memory_space<vmem>> -> memref<1x64xi32, #tpu.memory_space<vmem>>
        %dma_start3A_934 = tpu.memref_squeeze %dma_start3A_933 : memref<1x64xi32, #tpu.memory_space<vmem>> -> memref<64xi32, #tpu.memory_space<vmem>>
        %dma_start3A_935 = arith.constant 0 : i32
        %dma_start3A_936 = arith.constant 0 : i32
        %dma_start3A_937 = tpu.memref_slice %arg4[%dma_start3A_935, %dma_start3A_936] : memref<20000x128xf32, #tpu.memory_space<hbm>> -> memref<20000x128xf32, #tpu.memory_space<hbm>>
        tpu.enqueue_indirect_dma source(%dma_start3A_937 : memref<20000x128xf32, #tpu.memory_space<hbm>>) target(%dma_start3A_931 : memref<64x128xf32, #tpu.memory_space<vmem>>) offsets(%dma_start3A_934 : memref<64xi32, #tpu.memory_space<vmem>>) semaphore(%arg24 : memref<!tpu.dma_semaphore, #tpu.memory_space<semaphore_mem>>)
      } else {
      }
      %add3A_726 = arith.constant 2 : i32
      %add3A_727 = arith.addi %add3A_604, %add3A_726 : i32
      %dma_wait3A_728 = arith.constant 2 : i32
      %dma_wait3A_729 = arith.constant 2 : i32
      %dma_wait3A_730 = arith.constant 0 : i32
      %dma_wait3A_731 = arith.constant 0 : i32
      %dma_wait3A_732 = tpu.memref_slice %arg8[%dma_wait3A_729, %dma_wait3A_730, %dma_wait3A_731] : memref<5x64x128xf32, #tpu.memory_space<vmem>> -> memref<1x64x128xf32, #tpu.memory_space<vmem>>
      %dma_wait3A_733 = tpu.memref_squeeze %dma_wait3A_732 : memref<1x64x128xf32, #tpu.memory_space<vmem>> -> memref<64x128xf32, #tpu.memory_space<vmem>>
      %dma_wait3A_734 = arith.constant 0 : i32
      %dma_wait3A_735 = tpu.memref_slice %arg6[%dma_wait3A_728, %dma_wait3A_734] : memref<5x64xi32, #tpu.memory_space<vmem>> -> memref<1x64xi32, #tpu.memory_space<vmem>>
      %dma_wait3A_736 = tpu.memref_squeeze %dma_wait3A_735 : memref<1x64xi32, #tpu.memory_space<vmem>> -> memref<64xi32, #tpu.memory_space<vmem>>
      %dma_wait3A_737 = arith.constant 0 : i32
      %dma_wait3A_738 = arith.constant 0 : i32
      %dma_wait3A_739 = tpu.memref_slice %arg4[%dma_wait3A_737, %dma_wait3A_738] : memref<20000x128xf32, #tpu.memory_space<hbm>> -> memref<20000x128xf32, #tpu.memory_space<hbm>>
      tpu.wait_indirect_dma semaphore(%arg22 : memref<!tpu.dma_semaphore, #tpu.memory_space<semaphore_mem>>) src(%dma_wait3A_739 : memref<20000x128xf32, #tpu.memory_space<hbm>>) dst(%dma_wait3A_733 : memref<64x128xf32, #tpu.memory_space<vmem>>)
      %mul3A_740 = arith.constant 64 : i32
      %mul3A_741 = arith.muli %add3A_727, %mul3A_740 : i32
      %add3A_742 = arith.addi %add3A, %mul3A_741 : i32
      %dma_wait3A_743 = arith.constant 2 : i32
      %dma_wait3A_744 = arith.constant 0 : i32
      %dma_wait3A_745 = tpu.memref_slice %arg7[%dma_wait3A_743, %dma_wait3A_744] : memref<5x64xi32, #tpu.memory_space<vmem>> -> memref<1x64xi32, #tpu.memory_space<vmem>>
      %dma_wait3A_746 = tpu.memref_squeeze %dma_wait3A_745 : memref<1x64xi32, #tpu.memory_space<vmem>> -> memref<64xi32, #tpu.memory_space<vmem>>
      %dma_wait3A_747 = tpu.memref_slice %arg3[%add3A_742] : memref<320000xi32, #tpu.memory_space<hbm>> -> memref<64xi32, #tpu.memory_space<hbm>>
      %dma_wait3A_748 = arith.constant 0 : i32
      %dma_wait3A_749 = tpu.memref_slice %arg7[%dma_wait3A_743, %dma_wait3A_748] : memref<5x64xi32, #tpu.memory_space<vmem>> -> memref<1x64xi32, #tpu.memory_space<vmem>>
      %dma_wait3A_750 = tpu.memref_squeeze %dma_wait3A_749 : memref<1x64xi32, #tpu.memory_space<vmem>> -> memref<64xi32, #tpu.memory_space<vmem>>
      %dma_wait3A_751 = tpu.memref_slice %arg3[%add3A_742] : memref<320000xi32, #tpu.memory_space<hbm>> -> memref<64xi32, #tpu.memory_space<hbm>>
      tpu.wait_dma2 semaphore(%arg17 : memref<!tpu.dma_semaphore, #tpu.memory_space<semaphore_mem>>) src(%dma_wait3A_751 : memref<64xi32, #tpu.memory_space<hbm>>) dst(%dma_wait3A_750 : memref<64xi32, #tpu.memory_space<vmem>>)
      %dma_start3A_752 = arith.constant 2 : i32
      %dma_start3A_753 = arith.constant 2 : i32
      %dma_start3A_754 = arith.constant 0 : i32
      %dma_start3A_755 = arith.constant 0 : i32
      %dma_start3A_756 = tpu.memref_slice %arg8[%dma_start3A_752, %dma_start3A_754, %dma_start3A_755] : memref<5x64x128xf32, #tpu.memory_space<vmem>> -> memref<1x64x128xf32, #tpu.memory_space<vmem>>
      %dma_start3A_757 = tpu.memref_squeeze %dma_start3A_756 : memref<1x64x128xf32, #tpu.memory_space<vmem>> -> memref<64x128xf32, #tpu.memory_space<vmem>>
      %dma_start3A_758 = arith.constant 0 : i32
      %dma_start3A_759 = tpu.memref_slice %arg7[%dma_start3A_753, %dma_start3A_758] : memref<5x64xi32, #tpu.memory_space<vmem>> -> memref<1x64xi32, #tpu.memory_space<vmem>>
      %dma_start3A_760 = tpu.memref_squeeze %dma_start3A_759 : memref<1x64xi32, #tpu.memory_space<vmem>> -> memref<64xi32, #tpu.memory_space<vmem>>
      %dma_start3A_761 = arith.constant 0 : i32
      %dma_start3A_762 = arith.constant 0 : i32
      %dma_start3A_763 = tpu.memref_slice %arg9[%dma_start3A_761, %dma_start3A_762] : memref<10240x128xf32, #tpu.memory_space<vmem_shared>> -> memref<10240x128xf32, #tpu.memory_space<vmem_shared>>
      tpu.enqueue_indirect_dma source(%dma_start3A_757 : memref<64x128xf32, #tpu.memory_space<vmem>>) target(%dma_start3A_763 : memref<10240x128xf32, #tpu.memory_space<vmem_shared>>) offsets(%dma_start3A_760 : memref<64xi32, #tpu.memory_space<vmem>>) semaphore(%arg27 : memref<!tpu.dma_semaphore, #tpu.memory_space<semaphore_mem>>) {add = true}
      %add3A_764 = arith.constant 5 : i32
      %add3A_765 = arith.addi %add3A_727, %add3A_764 : i32
      %lt3A_766 = arith.constant 310 : i32
      %lt3A_767 = arith.cmpi slt, %add3A_765, %lt3A_766 : i32
      %convert_element_type3A_768 = arith.extui %lt3A_767 : i1 to i32
      %cond3A_769 = arith.constant 0 : i32
      %cond3A_770 = arith.cmpi ne, %convert_element_type3A_768, %cond3A_769 : i32
      scf.if %cond3A_770 {
        %add3A_912 = arith.constant 5 : i32
        %add3A_913 = arith.addi %add3A_727, %add3A_912 : i32
        %mul3A_914 = arith.constant 64 : i32
        %mul3A_915 = arith.muli %add3A_913, %mul3A_914 : i32
        %add3A_916 = arith.addi %add3A_7, %mul3A_915 : i32
        %dma_start3A_917 = arith.constant 2 : i32
        %dma_start3A_918 = arith.constant 0 : i32
        %dma_start3A_919 = tpu.memref_slice %arg6[%dma_start3A_917, %dma_start3A_918] : memref<5x64xi32, #tpu.memory_space<vmem>> -> memref<1x64xi32, #tpu.memory_space<vmem>>
        %dma_start3A_920 = tpu.memref_squeeze %dma_start3A_919 : memref<1x64xi32, #tpu.memory_space<vmem>> -> memref<64xi32, #tpu.memory_space<vmem>>
        %dma_start3A_921 = tpu.memref_slice %arg2[%add3A_916] : memref<640000xi32, #tpu.memory_space<hbm>> -> memref<64xi32, #tpu.memory_space<hbm>>
        %dma_start3A_922 = arith.constant 0 : i32
        %dma_start3A_923 = tpu.memref_slice %arg6[%dma_start3A_917, %dma_start3A_922] : memref<5x64xi32, #tpu.memory_space<vmem>> -> memref<1x64xi32, #tpu.memory_space<vmem>>
        %dma_start3A_924 = tpu.memref_squeeze %dma_start3A_923 : memref<1x64xi32, #tpu.memory_space<vmem>> -> memref<64xi32, #tpu.memory_space<vmem>>
        %dma_start3A_925 = tpu.memref_slice %arg2[%add3A_916] : memref<640000xi32, #tpu.memory_space<hbm>> -> memref<64xi32, #tpu.memory_space<hbm>>
        tpu.enqueue_dma source(%dma_start3A_925 : memref<64xi32, #tpu.memory_space<hbm>>) target(%dma_start3A_924 : memref<64xi32, #tpu.memory_space<vmem>>) target_semaphore(%arg12 : memref<!tpu.dma_semaphore, #tpu.memory_space<semaphore_mem>>)
      } else {
      }
      %ge3A_771 = arith.constant 2 : i32
      %ge3A_772 = arith.cmpi sge, %add3A_727, %ge3A_771 : i32
      %add3A_773 = arith.constant 3 : i32
      %add3A_774 = arith.addi %add3A_727, %add3A_773 : i32
      %lt3A_775 = arith.constant 310 : i32
      %lt3A_776 = arith.cmpi slt, %add3A_774, %lt3A_775 : i32
      %and3A_777 = arith.andi %ge3A_772, %lt3A_776 : i1
      %convert_element_type3A_778 = arith.extui %and3A_777 : i1 to i32
      %cond3A_779 = arith.constant 0 : i32
      %cond3A_780 = arith.cmpi ne, %convert_element_type3A_778, %cond3A_779 : i32
      scf.if %cond3A_780 {
        %dma_wait3A_912 = arith.constant 0 : i32
        %dma_wait3A_913 = arith.constant 0 : i32
        %dma_wait3A_914 = arith.constant 0 : i32
        %dma_wait3A_915 = arith.constant 0 : i32
        %dma_wait3A_916 = tpu.memref_slice %arg8[%dma_wait3A_912, %dma_wait3A_914, %dma_wait3A_915] : memref<5x64x128xf32, #tpu.memory_space<vmem>> -> memref<1x64x128xf32, #tpu.memory_space<vmem>>
        %dma_wait3A_917 = tpu.memref_squeeze %dma_wait3A_916 : memref<1x64x128xf32, #tpu.memory_space<vmem>> -> memref<64x128xf32, #tpu.memory_space<vmem>>
        %dma_wait3A_918 = arith.constant 0 : i32
        %dma_wait3A_919 = tpu.memref_slice %arg7[%dma_wait3A_913, %dma_wait3A_918] : memref<5x64xi32, #tpu.memory_space<vmem>> -> memref<1x64xi32, #tpu.memory_space<vmem>>
        %dma_wait3A_920 = tpu.memref_squeeze %dma_wait3A_919 : memref<1x64xi32, #tpu.memory_space<vmem>> -> memref<64xi32, #tpu.memory_space<vmem>>
        %dma_wait3A_921 = arith.constant 0 : i32
        %dma_wait3A_922 = arith.constant 0 : i32
        %dma_wait3A_923 = tpu.memref_slice %arg9[%dma_wait3A_921, %dma_wait3A_922] : memref<10240x128xf32, #tpu.memory_space<vmem_shared>> -> memref<10240x128xf32, #tpu.memory_space<vmem_shared>>
        tpu.wait_indirect_dma semaphore(%arg25 : memref<!tpu.dma_semaphore, #tpu.memory_space<semaphore_mem>>) src(%dma_wait3A_917 : memref<64x128xf32, #tpu.memory_space<vmem>>) dst(%dma_wait3A_923 : memref<10240x128xf32, #tpu.memory_space<vmem_shared>>)
        %add3A_924 = arith.constant 3 : i32
        %add3A_925 = arith.addi %add3A_727, %add3A_924 : i32
        %mul3A_926 = arith.constant 64 : i32
        %mul3A_927 = arith.muli %add3A_925, %mul3A_926 : i32
        %add3A_928 = arith.addi %add3A, %mul3A_927 : i32
        %dma_start3A_929 = arith.constant 0 : i32
        %dma_start3A_930 = arith.constant 0 : i32
        %dma_start3A_931 = tpu.memref_slice %arg7[%dma_start3A_929, %dma_start3A_930] : memref<5x64xi32, #tpu.memory_space<vmem>> -> memref<1x64xi32, #tpu.memory_space<vmem>>
        %dma_start3A_932 = tpu.memref_squeeze %dma_start3A_931 : memref<1x64xi32, #tpu.memory_space<vmem>> -> memref<64xi32, #tpu.memory_space<vmem>>
        %dma_start3A_933 = tpu.memref_slice %arg3[%add3A_928] : memref<320000xi32, #tpu.memory_space<hbm>> -> memref<64xi32, #tpu.memory_space<hbm>>
        %dma_start3A_934 = arith.constant 0 : i32
        %dma_start3A_935 = tpu.memref_slice %arg7[%dma_start3A_929, %dma_start3A_934] : memref<5x64xi32, #tpu.memory_space<vmem>> -> memref<1x64xi32, #tpu.memory_space<vmem>>
        %dma_start3A_936 = tpu.memref_squeeze %dma_start3A_935 : memref<1x64xi32, #tpu.memory_space<vmem>> -> memref<64xi32, #tpu.memory_space<vmem>>
        %dma_start3A_937 = tpu.memref_slice %arg3[%add3A_928] : memref<320000xi32, #tpu.memory_space<hbm>> -> memref<64xi32, #tpu.memory_space<hbm>>
        tpu.enqueue_dma source(%dma_start3A_937 : memref<64xi32, #tpu.memory_space<hbm>>) target(%dma_start3A_936 : memref<64xi32, #tpu.memory_space<vmem>>) target_semaphore(%arg15 : memref<!tpu.dma_semaphore, #tpu.memory_space<semaphore_mem>>)
      } else {
      }
      %add3A_781 = arith.constant 3 : i32
      %add3A_782 = arith.addi %add3A_727, %add3A_781 : i32
      %lt3A_783 = arith.constant 310 : i32
      %lt3A_784 = arith.cmpi slt, %add3A_782, %lt3A_783 : i32
      %convert_element_type3A_785 = arith.extui %lt3A_784 : i1 to i32
      %cond3A_786 = arith.constant 0 : i32
      %cond3A_787 = arith.cmpi ne, %convert_element_type3A_785, %cond3A_786 : i32
      scf.if %cond3A_787 {
        %add3A_912 = arith.constant 3 : i32
        %add3A_913 = arith.addi %add3A_727, %add3A_912 : i32
        %mul3A_914 = arith.constant 64 : i32
        %mul3A_915 = arith.muli %add3A_913, %mul3A_914 : i32
        %add3A_916 = arith.addi %add3A_7, %mul3A_915 : i32
        %dma_wait3A_917 = arith.constant 0 : i32
        %dma_wait3A_918 = arith.constant 0 : i32
        %dma_wait3A_919 = tpu.memref_slice %arg6[%dma_wait3A_917, %dma_wait3A_918] : memref<5x64xi32, #tpu.memory_space<vmem>> -> memref<1x64xi32, #tpu.memory_space<vmem>>
        %dma_wait3A_920 = tpu.memref_squeeze %dma_wait3A_919 : memref<1x64xi32, #tpu.memory_space<vmem>> -> memref<64xi32, #tpu.memory_space<vmem>>
        %dma_wait3A_921 = tpu.memref_slice %arg2[%add3A_916] : memref<640000xi32, #tpu.memory_space<hbm>> -> memref<64xi32, #tpu.memory_space<hbm>>
        %dma_wait3A_922 = arith.constant 0 : i32
        %dma_wait3A_923 = tpu.memref_slice %arg6[%dma_wait3A_917, %dma_wait3A_922] : memref<5x64xi32, #tpu.memory_space<vmem>> -> memref<1x64xi32, #tpu.memory_space<vmem>>
        %dma_wait3A_924 = tpu.memref_squeeze %dma_wait3A_923 : memref<1x64xi32, #tpu.memory_space<vmem>> -> memref<64xi32, #tpu.memory_space<vmem>>
        %dma_wait3A_925 = tpu.memref_slice %arg2[%add3A_916] : memref<640000xi32, #tpu.memory_space<hbm>> -> memref<64xi32, #tpu.memory_space<hbm>>
        tpu.wait_dma2 semaphore(%arg10 : memref<!tpu.dma_semaphore, #tpu.memory_space<semaphore_mem>>) src(%dma_wait3A_925 : memref<64xi32, #tpu.memory_space<hbm>>) dst(%dma_wait3A_924 : memref<64xi32, #tpu.memory_space<vmem>>)
        %dma_start3A_926 = arith.constant 0 : i32
        %dma_start3A_927 = arith.constant 0 : i32
        %dma_start3A_928 = arith.constant 0 : i32
        %dma_start3A_929 = arith.constant 0 : i32
        %dma_start3A_930 = tpu.memref_slice %arg8[%dma_start3A_927, %dma_start3A_928, %dma_start3A_929] : memref<5x64x128xf32, #tpu.memory_space<vmem>> -> memref<1x64x128xf32, #tpu.memory_space<vmem>>
        %dma_start3A_931 = tpu.memref_squeeze %dma_start3A_930 : memref<1x64x128xf32, #tpu.memory_space<vmem>> -> memref<64x128xf32, #tpu.memory_space<vmem>>
        %dma_start3A_932 = arith.constant 0 : i32
        %dma_start3A_933 = tpu.memref_slice %arg6[%dma_start3A_926, %dma_start3A_932] : memref<5x64xi32, #tpu.memory_space<vmem>> -> memref<1x64xi32, #tpu.memory_space<vmem>>
        %dma_start3A_934 = tpu.memref_squeeze %dma_start3A_933 : memref<1x64xi32, #tpu.memory_space<vmem>> -> memref<64xi32, #tpu.memory_space<vmem>>
        %dma_start3A_935 = arith.constant 0 : i32
        %dma_start3A_936 = arith.constant 0 : i32
        %dma_start3A_937 = tpu.memref_slice %arg4[%dma_start3A_935, %dma_start3A_936] : memref<20000x128xf32, #tpu.memory_space<hbm>> -> memref<20000x128xf32, #tpu.memory_space<hbm>>
        tpu.enqueue_indirect_dma source(%dma_start3A_937 : memref<20000x128xf32, #tpu.memory_space<hbm>>) target(%dma_start3A_931 : memref<64x128xf32, #tpu.memory_space<vmem>>) offsets(%dma_start3A_934 : memref<64xi32, #tpu.memory_space<vmem>>) semaphore(%arg20 : memref<!tpu.dma_semaphore, #tpu.memory_space<semaphore_mem>>)
      } else {
      }
      %add3A_788 = arith.constant 3 : i32
      %add3A_789 = arith.addi %add3A_604, %add3A_788 : i32
      %dma_wait3A_790 = arith.constant 3 : i32
      %dma_wait3A_791 = arith.constant 3 : i32
      %dma_wait3A_792 = arith.constant 0 : i32
      %dma_wait3A_793 = arith.constant 0 : i32
      %dma_wait3A_794 = tpu.memref_slice %arg8[%dma_wait3A_791, %dma_wait3A_792, %dma_wait3A_793] : memref<5x64x128xf32, #tpu.memory_space<vmem>> -> memref<1x64x128xf32, #tpu.memory_space<vmem>>
      %dma_wait3A_795 = tpu.memref_squeeze %dma_wait3A_794 : memref<1x64x128xf32, #tpu.memory_space<vmem>> -> memref<64x128xf32, #tpu.memory_space<vmem>>
      %dma_wait3A_796 = arith.constant 0 : i32
      %dma_wait3A_797 = tpu.memref_slice %arg6[%dma_wait3A_790, %dma_wait3A_796] : memref<5x64xi32, #tpu.memory_space<vmem>> -> memref<1x64xi32, #tpu.memory_space<vmem>>
      %dma_wait3A_798 = tpu.memref_squeeze %dma_wait3A_797 : memref<1x64xi32, #tpu.memory_space<vmem>> -> memref<64xi32, #tpu.memory_space<vmem>>
      %dma_wait3A_799 = arith.constant 0 : i32
      %dma_wait3A_800 = arith.constant 0 : i32
      %dma_wait3A_801 = tpu.memref_slice %arg4[%dma_wait3A_799, %dma_wait3A_800] : memref<20000x128xf32, #tpu.memory_space<hbm>> -> memref<20000x128xf32, #tpu.memory_space<hbm>>
      tpu.wait_indirect_dma semaphore(%arg23 : memref<!tpu.dma_semaphore, #tpu.memory_space<semaphore_mem>>) src(%dma_wait3A_801 : memref<20000x128xf32, #tpu.memory_space<hbm>>) dst(%dma_wait3A_795 : memref<64x128xf32, #tpu.memory_space<vmem>>)
      %mul3A_802 = arith.constant 64 : i32
      %mul3A_803 = arith.muli %add3A_789, %mul3A_802 : i32
      %add3A_804 = arith.addi %add3A, %mul3A_803 : i32
      %dma_wait3A_805 = arith.constant 3 : i32
      %dma_wait3A_806 = arith.constant 0 : i32
      %dma_wait3A_807 = tpu.memref_slice %arg7[%dma_wait3A_805, %dma_wait3A_806] : memref<5x64xi32, #tpu.memory_space<vmem>> -> memref<1x64xi32, #tpu.memory_space<vmem>>
      %dma_wait3A_808 = tpu.memref_squeeze %dma_wait3A_807 : memref<1x64xi32, #tpu.memory_space<vmem>> -> memref<64xi32, #tpu.memory_space<vmem>>
      %dma_wait3A_809 = tpu.memref_slice %arg3[%add3A_804] : memref<320000xi32, #tpu.memory_space<hbm>> -> memref<64xi32, #tpu.memory_space<hbm>>
      %dma_wait3A_810 = arith.constant 0 : i32
      %dma_wait3A_811 = tpu.memref_slice %arg7[%dma_wait3A_805, %dma_wait3A_810] : memref<5x64xi32, #tpu.memory_space<vmem>> -> memref<1x64xi32, #tpu.memory_space<vmem>>
      %dma_wait3A_812 = tpu.memref_squeeze %dma_wait3A_811 : memref<1x64xi32, #tpu.memory_space<vmem>> -> memref<64xi32, #tpu.memory_space<vmem>>
      %dma_wait3A_813 = tpu.memref_slice %arg3[%add3A_804] : memref<320000xi32, #tpu.memory_space<hbm>> -> memref<64xi32, #tpu.memory_space<hbm>>
      tpu.wait_dma2 semaphore(%arg18 : memref<!tpu.dma_semaphore, #tpu.memory_space<semaphore_mem>>) src(%dma_wait3A_813 : memref<64xi32, #tpu.memory_space<hbm>>) dst(%dma_wait3A_812 : memref<64xi32, #tpu.memory_space<vmem>>)
      %dma_start3A_814 = arith.constant 3 : i32
      %dma_start3A_815 = arith.constant 3 : i32
      %dma_start3A_816 = arith.constant 0 : i32
      %dma_start3A_817 = arith.constant 0 : i32
      %dma_start3A_818 = tpu.memref_slice %arg8[%dma_start3A_814, %dma_start3A_816, %dma_start3A_817] : memref<5x64x128xf32, #tpu.memory_space<vmem>> -> memref<1x64x128xf32, #tpu.memory_space<vmem>>
      %dma_start3A_819 = tpu.memref_squeeze %dma_start3A_818 : memref<1x64x128xf32, #tpu.memory_space<vmem>> -> memref<64x128xf32, #tpu.memory_space<vmem>>
      %dma_start3A_820 = arith.constant 0 : i32
      %dma_start3A_821 = tpu.memref_slice %arg7[%dma_start3A_815, %dma_start3A_820] : memref<5x64xi32, #tpu.memory_space<vmem>> -> memref<1x64xi32, #tpu.memory_space<vmem>>
      %dma_start3A_822 = tpu.memref_squeeze %dma_start3A_821 : memref<1x64xi32, #tpu.memory_space<vmem>> -> memref<64xi32, #tpu.memory_space<vmem>>
      %dma_start3A_823 = arith.constant 0 : i32
      %dma_start3A_824 = arith.constant 0 : i32
      %dma_start3A_825 = tpu.memref_slice %arg9[%dma_start3A_823, %dma_start3A_824] : memref<10240x128xf32, #tpu.memory_space<vmem_shared>> -> memref<10240x128xf32, #tpu.memory_space<vmem_shared>>
      tpu.enqueue_indirect_dma source(%dma_start3A_819 : memref<64x128xf32, #tpu.memory_space<vmem>>) target(%dma_start3A_825 : memref<10240x128xf32, #tpu.memory_space<vmem_shared>>) offsets(%dma_start3A_822 : memref<64xi32, #tpu.memory_space<vmem>>) semaphore(%arg28 : memref<!tpu.dma_semaphore, #tpu.memory_space<semaphore_mem>>) {add = true}
      %add3A_826 = arith.constant 5 : i32
      %add3A_827 = arith.addi %add3A_789, %add3A_826 : i32
      %lt3A_828 = arith.constant 310 : i32
      %lt3A_829 = arith.cmpi slt, %add3A_827, %lt3A_828 : i32
      %convert_element_type3A_830 = arith.extui %lt3A_829 : i1 to i32
      %cond3A_831 = arith.constant 0 : i32
      %cond3A_832 = arith.cmpi ne, %convert_element_type3A_830, %cond3A_831 : i32
      scf.if %cond3A_832 {
        %add3A_912 = arith.constant 5 : i32
        %add3A_913 = arith.addi %add3A_789, %add3A_912 : i32
        %mul3A_914 = arith.constant 64 : i32
        %mul3A_915 = arith.muli %add3A_913, %mul3A_914 : i32
        %add3A_916 = arith.addi %add3A_7, %mul3A_915 : i32
        %dma_start3A_917 = arith.constant 3 : i32
        %dma_start3A_918 = arith.constant 0 : i32
        %dma_start3A_919 = tpu.memref_slice %arg6[%dma_start3A_917, %dma_start3A_918] : memref<5x64xi32, #tpu.memory_space<vmem>> -> memref<1x64xi32, #tpu.memory_space<vmem>>
        %dma_start3A_920 = tpu.memref_squeeze %dma_start3A_919 : memref<1x64xi32, #tpu.memory_space<vmem>> -> memref<64xi32, #tpu.memory_space<vmem>>
        %dma_start3A_921 = tpu.memref_slice %arg2[%add3A_916] : memref<640000xi32, #tpu.memory_space<hbm>> -> memref<64xi32, #tpu.memory_space<hbm>>
        %dma_start3A_922 = arith.constant 0 : i32
        %dma_start3A_923 = tpu.memref_slice %arg6[%dma_start3A_917, %dma_start3A_922] : memref<5x64xi32, #tpu.memory_space<vmem>> -> memref<1x64xi32, #tpu.memory_space<vmem>>
        %dma_start3A_924 = tpu.memref_squeeze %dma_start3A_923 : memref<1x64xi32, #tpu.memory_space<vmem>> -> memref<64xi32, #tpu.memory_space<vmem>>
        %dma_start3A_925 = tpu.memref_slice %arg2[%add3A_916] : memref<640000xi32, #tpu.memory_space<hbm>> -> memref<64xi32, #tpu.memory_space<hbm>>
        tpu.enqueue_dma source(%dma_start3A_925 : memref<64xi32, #tpu.memory_space<hbm>>) target(%dma_start3A_924 : memref<64xi32, #tpu.memory_space<vmem>>) target_semaphore(%arg13 : memref<!tpu.dma_semaphore, #tpu.memory_space<semaphore_mem>>)
      } else {
      }
      %ge3A_833 = arith.constant 2 : i32
      %ge3A_834 = arith.cmpi sge, %add3A_789, %ge3A_833 : i32
      %add3A_835 = arith.constant 3 : i32
      %add3A_836 = arith.addi %add3A_789, %add3A_835 : i32
      %lt3A_837 = arith.constant 310 : i32
      %lt3A_838 = arith.cmpi slt, %add3A_836, %lt3A_837 : i32
      %and3A_839 = arith.andi %ge3A_834, %lt3A_838 : i1
      %convert_element_type3A_840 = arith.extui %and3A_839 : i1 to i32
      %cond3A_841 = arith.constant 0 : i32
      %cond3A_842 = arith.cmpi ne, %convert_element_type3A_840, %cond3A_841 : i32
      scf.if %cond3A_842 {
        %dma_wait3A_912 = arith.constant 1 : i32
        %dma_wait3A_913 = arith.constant 1 : i32
        %dma_wait3A_914 = arith.constant 0 : i32
        %dma_wait3A_915 = arith.constant 0 : i32
        %dma_wait3A_916 = tpu.memref_slice %arg8[%dma_wait3A_912, %dma_wait3A_914, %dma_wait3A_915] : memref<5x64x128xf32, #tpu.memory_space<vmem>> -> memref<1x64x128xf32, #tpu.memory_space<vmem>>
        %dma_wait3A_917 = tpu.memref_squeeze %dma_wait3A_916 : memref<1x64x128xf32, #tpu.memory_space<vmem>> -> memref<64x128xf32, #tpu.memory_space<vmem>>
        %dma_wait3A_918 = arith.constant 0 : i32
        %dma_wait3A_919 = tpu.memref_slice %arg7[%dma_wait3A_913, %dma_wait3A_918] : memref<5x64xi32, #tpu.memory_space<vmem>> -> memref<1x64xi32, #tpu.memory_space<vmem>>
        %dma_wait3A_920 = tpu.memref_squeeze %dma_wait3A_919 : memref<1x64xi32, #tpu.memory_space<vmem>> -> memref<64xi32, #tpu.memory_space<vmem>>
        %dma_wait3A_921 = arith.constant 0 : i32
        %dma_wait3A_922 = arith.constant 0 : i32
        %dma_wait3A_923 = tpu.memref_slice %arg9[%dma_wait3A_921, %dma_wait3A_922] : memref<10240x128xf32, #tpu.memory_space<vmem_shared>> -> memref<10240x128xf32, #tpu.memory_space<vmem_shared>>
        tpu.wait_indirect_dma semaphore(%arg26 : memref<!tpu.dma_semaphore, #tpu.memory_space<semaphore_mem>>) src(%dma_wait3A_917 : memref<64x128xf32, #tpu.memory_space<vmem>>) dst(%dma_wait3A_923 : memref<10240x128xf32, #tpu.memory_space<vmem_shared>>)
        %add3A_924 = arith.constant 3 : i32
        %add3A_925 = arith.addi %add3A_789, %add3A_924 : i32
        %mul3A_926 = arith.constant 64 : i32
        %mul3A_927 = arith.muli %add3A_925, %mul3A_926 : i32
        %add3A_928 = arith.addi %add3A, %mul3A_927 : i32
        %dma_start3A_929 = arith.constant 1 : i32
        %dma_start3A_930 = arith.constant 0 : i32
        %dma_start3A_931 = tpu.memref_slice %arg7[%dma_start3A_929, %dma_start3A_930] : memref<5x64xi32, #tpu.memory_space<vmem>> -> memref<1x64xi32, #tpu.memory_space<vmem>>
        %dma_start3A_932 = tpu.memref_squeeze %dma_start3A_931 : memref<1x64xi32, #tpu.memory_space<vmem>> -> memref<64xi32, #tpu.memory_space<vmem>>
        %dma_start3A_933 = tpu.memref_slice %arg3[%add3A_928] : memref<320000xi32, #tpu.memory_space<hbm>> -> memref<64xi32, #tpu.memory_space<hbm>>
        %dma_start3A_934 = arith.constant 0 : i32
        %dma_start3A_935 = tpu.memref_slice %arg7[%dma_start3A_929, %dma_start3A_934] : memref<5x64xi32, #tpu.memory_space<vmem>> -> memref<1x64xi32, #tpu.memory_space<vmem>>
        %dma_start3A_936 = tpu.memref_squeeze %dma_start3A_935 : memref<1x64xi32, #tpu.memory_space<vmem>> -> memref<64xi32, #tpu.memory_space<vmem>>
        %dma_start3A_937 = tpu.memref_slice %arg3[%add3A_928] : memref<320000xi32, #tpu.memory_space<hbm>> -> memref<64xi32, #tpu.memory_space<hbm>>
        tpu.enqueue_dma source(%dma_start3A_937 : memref<64xi32, #tpu.memory_space<hbm>>) target(%dma_start3A_936 : memref<64xi32, #tpu.memory_space<vmem>>) target_semaphore(%arg16 : memref<!tpu.dma_semaphore, #tpu.memory_space<semaphore_mem>>)
      } else {
      }
      %add3A_843 = arith.constant 3 : i32
      %add3A_844 = arith.addi %add3A_789, %add3A_843 : i32
      %lt3A_845 = arith.constant 310 : i32
      %lt3A_846 = arith.cmpi slt, %add3A_844, %lt3A_845 : i32
      %convert_element_type3A_847 = arith.extui %lt3A_846 : i1 to i32
      %cond3A_848 = arith.constant 0 : i32
      %cond3A_849 = arith.cmpi ne, %convert_element_type3A_847, %cond3A_848 : i32
      scf.if %cond3A_849 {
        %add3A_912 = arith.constant 3 : i32
        %add3A_913 = arith.addi %add3A_789, %add3A_912 : i32
        %mul3A_914 = arith.constant 64 : i32
        %mul3A_915 = arith.muli %add3A_913, %mul3A_914 : i32
        %add3A_916 = arith.addi %add3A_7, %mul3A_915 : i32
        %dma_wait3A_917 = arith.constant 1 : i32
        %dma_wait3A_918 = arith.constant 0 : i32
        %dma_wait3A_919 = tpu.memref_slice %arg6[%dma_wait3A_917, %dma_wait3A_918] : memref<5x64xi32, #tpu.memory_space<vmem>> -> memref<1x64xi32, #tpu.memory_space<vmem>>
        %dma_wait3A_920 = tpu.memref_squeeze %dma_wait3A_919 : memref<1x64xi32, #tpu.memory_space<vmem>> -> memref<64xi32, #tpu.memory_space<vmem>>
        %dma_wait3A_921 = tpu.memref_slice %arg2[%add3A_916] : memref<640000xi32, #tpu.memory_space<hbm>> -> memref<64xi32, #tpu.memory_space<hbm>>
        %dma_wait3A_922 = arith.constant 0 : i32
        %dma_wait3A_923 = tpu.memref_slice %arg6[%dma_wait3A_917, %dma_wait3A_922] : memref<5x64xi32, #tpu.memory_space<vmem>> -> memref<1x64xi32, #tpu.memory_space<vmem>>
        %dma_wait3A_924 = tpu.memref_squeeze %dma_wait3A_923 : memref<1x64xi32, #tpu.memory_space<vmem>> -> memref<64xi32, #tpu.memory_space<vmem>>
        %dma_wait3A_925 = tpu.memref_slice %arg2[%add3A_916] : memref<640000xi32, #tpu.memory_space<hbm>> -> memref<64xi32, #tpu.memory_space<hbm>>
        tpu.wait_dma2 semaphore(%arg11 : memref<!tpu.dma_semaphore, #tpu.memory_space<semaphore_mem>>) src(%dma_wait3A_925 : memref<64xi32, #tpu.memory_space<hbm>>) dst(%dma_wait3A_924 : memref<64xi32, #tpu.memory_space<vmem>>)
        %dma_start3A_926 = arith.constant 1 : i32
        %dma_start3A_927 = arith.constant 1 : i32
        %dma_start3A_928 = arith.constant 0 : i32
        %dma_start3A_929 = arith.constant 0 : i32
        %dma_start3A_930 = tpu.memref_slice %arg8[%dma_start3A_927, %dma_start3A_928, %dma_start3A_929] : memref<5x64x128xf32, #tpu.memory_space<vmem>> -> memref<1x64x128xf32, #tpu.memory_space<vmem>>
        %dma_start3A_931 = tpu.memref_squeeze %dma_start3A_930 : memref<1x64x128xf32, #tpu.memory_space<vmem>> -> memref<64x128xf32, #tpu.memory_space<vmem>>
        %dma_start3A_932 = arith.constant 0 : i32
        %dma_start3A_933 = tpu.memref_slice %arg6[%dma_start3A_926, %dma_start3A_932] : memref<5x64xi32, #tpu.memory_space<vmem>> -> memref<1x64xi32, #tpu.memory_space<vmem>>
        %dma_start3A_934 = tpu.memref_squeeze %dma_start3A_933 : memref<1x64xi32, #tpu.memory_space<vmem>> -> memref<64xi32, #tpu.memory_space<vmem>>
        %dma_start3A_935 = arith.constant 0 : i32
        %dma_start3A_936 = arith.constant 0 : i32
        %dma_start3A_937 = tpu.memref_slice %arg4[%dma_start3A_935, %dma_start3A_936] : memref<20000x128xf32, #tpu.memory_space<hbm>> -> memref<20000x128xf32, #tpu.memory_space<hbm>>
        tpu.enqueue_indirect_dma source(%dma_start3A_937 : memref<20000x128xf32, #tpu.memory_space<hbm>>) target(%dma_start3A_931 : memref<64x128xf32, #tpu.memory_space<vmem>>) offsets(%dma_start3A_934 : memref<64xi32, #tpu.memory_space<vmem>>) semaphore(%arg21 : memref<!tpu.dma_semaphore, #tpu.memory_space<semaphore_mem>>)
      } else {
      }
      %add3A_850 = arith.constant 4 : i32
      %add3A_851 = arith.addi %add3A_604, %add3A_850 : i32
      %dma_wait3A_852 = arith.constant 4 : i32
      %dma_wait3A_853 = arith.constant 4 : i32
      %dma_wait3A_854 = arith.constant 0 : i32
      %dma_wait3A_855 = arith.constant 0 : i32
      %dma_wait3A_856 = tpu.memref_slice %arg8[%dma_wait3A_853, %dma_wait3A_854, %dma_wait3A_855] : memref<5x64x128xf32, #tpu.memory_space<vmem>> -> memref<1x64x128xf32, #tpu.memory_space<vmem>>
      %dma_wait3A_857 = tpu.memref_squeeze %dma_wait3A_856 : memref<1x64x128xf32, #tpu.memory_space<vmem>> -> memref<64x128xf32, #tpu.memory_space<vmem>>
      %dma_wait3A_858 = arith.constant 0 : i32
      %dma_wait3A_859 = tpu.memref_slice %arg6[%dma_wait3A_852, %dma_wait3A_858] : memref<5x64xi32, #tpu.memory_space<vmem>> -> memref<1x64xi32, #tpu.memory_space<vmem>>
      %dma_wait3A_860 = tpu.memref_squeeze %dma_wait3A_859 : memref<1x64xi32, #tpu.memory_space<vmem>> -> memref<64xi32, #tpu.memory_space<vmem>>
      %dma_wait3A_861 = arith.constant 0 : i32
      %dma_wait3A_862 = arith.constant 0 : i32
      %dma_wait3A_863 = tpu.memref_slice %arg4[%dma_wait3A_861, %dma_wait3A_862] : memref<20000x128xf32, #tpu.memory_space<hbm>> -> memref<20000x128xf32, #tpu.memory_space<hbm>>
      tpu.wait_indirect_dma semaphore(%arg24 : memref<!tpu.dma_semaphore, #tpu.memory_space<semaphore_mem>>) src(%dma_wait3A_863 : memref<20000x128xf32, #tpu.memory_space<hbm>>) dst(%dma_wait3A_857 : memref<64x128xf32, #tpu.memory_space<vmem>>)
      %mul3A_864 = arith.constant 64 : i32
      %mul3A_865 = arith.muli %add3A_851, %mul3A_864 : i32
      %add3A_866 = arith.addi %add3A, %mul3A_865 : i32
      %dma_wait3A_867 = arith.constant 4 : i32
      %dma_wait3A_868 = arith.constant 0 : i32
      %dma_wait3A_869 = tpu.memref_slice %arg7[%dma_wait3A_867, %dma_wait3A_868] : memref<5x64xi32, #tpu.memory_space<vmem>> -> memref<1x64xi32, #tpu.memory_space<vmem>>
      %dma_wait3A_870 = tpu.memref_squeeze %dma_wait3A_869 : memref<1x64xi32, #tpu.memory_space<vmem>> -> memref<64xi32, #tpu.memory_space<vmem>>
      %dma_wait3A_871 = tpu.memref_slice %arg3[%add3A_866] : memref<320000xi32, #tpu.memory_space<hbm>> -> memref<64xi32, #tpu.memory_space<hbm>>
      %dma_wait3A_872 = arith.constant 0 : i32
      %dma_wait3A_873 = tpu.memref_slice %arg7[%dma_wait3A_867, %dma_wait3A_872] : memref<5x64xi32, #tpu.memory_space<vmem>> -> memref<1x64xi32, #tpu.memory_space<vmem>>
      %dma_wait3A_874 = tpu.memref_squeeze %dma_wait3A_873 : memref<1x64xi32, #tpu.memory_space<vmem>> -> memref<64xi32, #tpu.memory_space<vmem>>
      %dma_wait3A_875 = tpu.memref_slice %arg3[%add3A_866] : memref<320000xi32, #tpu.memory_space<hbm>> -> memref<64xi32, #tpu.memory_space<hbm>>
      tpu.wait_dma2 semaphore(%arg19 : memref<!tpu.dma_semaphore, #tpu.memory_space<semaphore_mem>>) src(%dma_wait3A_875 : memref<64xi32, #tpu.memory_space<hbm>>) dst(%dma_wait3A_874 : memref<64xi32, #tpu.memory_space<vmem>>)
      %dma_start3A_876 = arith.constant 4 : i32
      %dma_start3A_877 = arith.constant 4 : i32
      %dma_start3A_878 = arith.constant 0 : i32
      %dma_start3A_879 = arith.constant 0 : i32
      %dma_start3A_880 = tpu.memref_slice %arg8[%dma_start3A_876, %dma_start3A_878, %dma_start3A_879] : memref<5x64x128xf32, #tpu.memory_space<vmem>> -> memref<1x64x128xf32, #tpu.memory_space<vmem>>
      %dma_start3A_881 = tpu.memref_squeeze %dma_start3A_880 : memref<1x64x128xf32, #tpu.memory_space<vmem>> -> memref<64x128xf32, #tpu.memory_space<vmem>>
      %dma_start3A_882 = arith.constant 0 : i32
      %dma_start3A_883 = tpu.memref_slice %arg7[%dma_start3A_877, %dma_start3A_882] : memref<5x64xi32, #tpu.memory_space<vmem>> -> memref<1x64xi32, #tpu.memory_space<vmem>>
      %dma_start3A_884 = tpu.memref_squeeze %dma_start3A_883 : memref<1x64xi32, #tpu.memory_space<vmem>> -> memref<64xi32, #tpu.memory_space<vmem>>
      %dma_start3A_885 = arith.constant 0 : i32
      %dma_start3A_886 = arith.constant 0 : i32
      %dma_start3A_887 = tpu.memref_slice %arg9[%dma_start3A_885, %dma_start3A_886] : memref<10240x128xf32, #tpu.memory_space<vmem_shared>> -> memref<10240x128xf32, #tpu.memory_space<vmem_shared>>
      tpu.enqueue_indirect_dma source(%dma_start3A_881 : memref<64x128xf32, #tpu.memory_space<vmem>>) target(%dma_start3A_887 : memref<10240x128xf32, #tpu.memory_space<vmem_shared>>) offsets(%dma_start3A_884 : memref<64xi32, #tpu.memory_space<vmem>>) semaphore(%arg29 : memref<!tpu.dma_semaphore, #tpu.memory_space<semaphore_mem>>) {add = true}
      %add3A_888 = arith.constant 5 : i32
      %add3A_889 = arith.addi %add3A_851, %add3A_888 : i32
      %lt3A_890 = arith.constant 310 : i32
      %lt3A_891 = arith.cmpi slt, %add3A_889, %lt3A_890 : i32
      %convert_element_type3A_892 = arith.extui %lt3A_891 : i1 to i32
      %cond3A_893 = arith.constant 0 : i32
      %cond3A_894 = arith.cmpi ne, %convert_element_type3A_892, %cond3A_893 : i32
      scf.if %cond3A_894 {
        %add3A_912 = arith.constant 5 : i32
        %add3A_913 = arith.addi %add3A_851, %add3A_912 : i32
        %mul3A_914 = arith.constant 64 : i32
        %mul3A_915 = arith.muli %add3A_913, %mul3A_914 : i32
        %add3A_916 = arith.addi %add3A_7, %mul3A_915 : i32
        %dma_start3A_917 = arith.constant 4 : i32
        %dma_start3A_918 = arith.constant 0 : i32
        %dma_start3A_919 = tpu.memref_slice %arg6[%dma_start3A_917, %dma_start3A_918] : memref<5x64xi32, #tpu.memory_space<vmem>> -> memref<1x64xi32, #tpu.memory_space<vmem>>
        %dma_start3A_920 = tpu.memref_squeeze %dma_start3A_919 : memref<1x64xi32, #tpu.memory_space<vmem>> -> memref<64xi32, #tpu.memory_space<vmem>>
        %dma_start3A_921 = tpu.memref_slice %arg2[%add3A_916] : memref<640000xi32, #tpu.memory_space<hbm>> -> memref<64xi32, #tpu.memory_space<hbm>>
        %dma_start3A_922 = arith.constant 0 : i32
        %dma_start3A_923 = tpu.memref_slice %arg6[%dma_start3A_917, %dma_start3A_922] : memref<5x64xi32, #tpu.memory_space<vmem>> -> memref<1x64xi32, #tpu.memory_space<vmem>>
        %dma_start3A_924 = tpu.memref_squeeze %dma_start3A_923 : memref<1x64xi32, #tpu.memory_space<vmem>> -> memref<64xi32, #tpu.memory_space<vmem>>
        %dma_start3A_925 = tpu.memref_slice %arg2[%add3A_916] : memref<640000xi32, #tpu.memory_space<hbm>> -> memref<64xi32, #tpu.memory_space<hbm>>
        tpu.enqueue_dma source(%dma_start3A_925 : memref<64xi32, #tpu.memory_space<hbm>>) target(%dma_start3A_924 : memref<64xi32, #tpu.memory_space<vmem>>) target_semaphore(%arg14 : memref<!tpu.dma_semaphore, #tpu.memory_space<semaphore_mem>>)
      } else {
      }
      %ge3A_895 = arith.constant 2 : i32
      %ge3A_896 = arith.cmpi sge, %add3A_851, %ge3A_895 : i32
      %add3A_897 = arith.constant 3 : i32
      %add3A_898 = arith.addi %add3A_851, %add3A_897 : i32
      %lt3A_899 = arith.constant 310 : i32
      %lt3A_900 = arith.cmpi slt, %add3A_898, %lt3A_899 : i32
      %and3A_901 = arith.andi %ge3A_896, %lt3A_900 : i1
      %convert_element_type3A_902 = arith.extui %and3A_901 : i1 to i32
      %cond3A_903 = arith.constant 0 : i32
      %cond3A_904 = arith.cmpi ne, %convert_element_type3A_902, %cond3A_903 : i32
      scf.if %cond3A_904 {
        %dma_wait3A_912 = arith.constant 2 : i32
        %dma_wait3A_913 = arith.constant 2 : i32
        %dma_wait3A_914 = arith.constant 0 : i32
        %dma_wait3A_915 = arith.constant 0 : i32
        %dma_wait3A_916 = tpu.memref_slice %arg8[%dma_wait3A_912, %dma_wait3A_914, %dma_wait3A_915] : memref<5x64x128xf32, #tpu.memory_space<vmem>> -> memref<1x64x128xf32, #tpu.memory_space<vmem>>
        %dma_wait3A_917 = tpu.memref_squeeze %dma_wait3A_916 : memref<1x64x128xf32, #tpu.memory_space<vmem>> -> memref<64x128xf32, #tpu.memory_space<vmem>>
        %dma_wait3A_918 = arith.constant 0 : i32
        %dma_wait3A_919 = tpu.memref_slice %arg7[%dma_wait3A_913, %dma_wait3A_918] : memref<5x64xi32, #tpu.memory_space<vmem>> -> memref<1x64xi32, #tpu.memory_space<vmem>>
        %dma_wait3A_920 = tpu.memref_squeeze %dma_wait3A_919 : memref<1x64xi32, #tpu.memory_space<vmem>> -> memref<64xi32, #tpu.memory_space<vmem>>
        %dma_wait3A_921 = arith.constant 0 : i32
        %dma_wait3A_922 = arith.constant 0 : i32
        %dma_wait3A_923 = tpu.memref_slice %arg9[%dma_wait3A_921, %dma_wait3A_922] : memref<10240x128xf32, #tpu.memory_space<vmem_shared>> -> memref<10240x128xf32, #tpu.memory_space<vmem_shared>>
        tpu.wait_indirect_dma semaphore(%arg27 : memref<!tpu.dma_semaphore, #tpu.memory_space<semaphore_mem>>) src(%dma_wait3A_917 : memref<64x128xf32, #tpu.memory_space<vmem>>) dst(%dma_wait3A_923 : memref<10240x128xf32, #tpu.memory_space<vmem_shared>>)
        %add3A_924 = arith.constant 3 : i32
        %add3A_925 = arith.addi %add3A_851, %add3A_924 : i32
        %mul3A_926 = arith.constant 64 : i32
        %mul3A_927 = arith.muli %add3A_925, %mul3A_926 : i32
        %add3A_928 = arith.addi %add3A, %mul3A_927 : i32
        %dma_start3A_929 = arith.constant 2 : i32
        %dma_start3A_930 = arith.constant 0 : i32
        %dma_start3A_931 = tpu.memref_slice %arg7[%dma_start3A_929, %dma_start3A_930] : memref<5x64xi32, #tpu.memory_space<vmem>> -> memref<1x64xi32, #tpu.memory_space<vmem>>
        %dma_start3A_932 = tpu.memref_squeeze %dma_start3A_931 : memref<1x64xi32, #tpu.memory_space<vmem>> -> memref<64xi32, #tpu.memory_space<vmem>>
        %dma_start3A_933 = tpu.memref_slice %arg3[%add3A_928] : memref<320000xi32, #tpu.memory_space<hbm>> -> memref<64xi32, #tpu.memory_space<hbm>>
        %dma_start3A_934 = arith.constant 0 : i32
        %dma_start3A_935 = tpu.memref_slice %arg7[%dma_start3A_929, %dma_start3A_934] : memref<5x64xi32, #tpu.memory_space<vmem>> -> memref<1x64xi32, #tpu.memory_space<vmem>>
        %dma_start3A_936 = tpu.memref_squeeze %dma_start3A_935 : memref<1x64xi32, #tpu.memory_space<vmem>> -> memref<64xi32, #tpu.memory_space<vmem>>
        %dma_start3A_937 = tpu.memref_slice %arg3[%add3A_928] : memref<320000xi32, #tpu.memory_space<hbm>> -> memref<64xi32, #tpu.memory_space<hbm>>
        tpu.enqueue_dma source(%dma_start3A_937 : memref<64xi32, #tpu.memory_space<hbm>>) target(%dma_start3A_936 : memref<64xi32, #tpu.memory_space<vmem>>) target_semaphore(%arg17 : memref<!tpu.dma_semaphore, #tpu.memory_space<semaphore_mem>>)
      } else {
      }
      %add3A_905 = arith.constant 3 : i32
      %add3A_906 = arith.addi %add3A_851, %add3A_905 : i32
      %lt3A_907 = arith.constant 310 : i32
      %lt3A_908 = arith.cmpi slt, %add3A_906, %lt3A_907 : i32
      %convert_element_type3A_909 = arith.extui %lt3A_908 : i1 to i32
      %cond3A_910 = arith.constant 0 : i32
      %cond3A_911 = arith.cmpi ne, %convert_element_type3A_909, %cond3A_910 : i32
      scf.if %cond3A_911 {
        %add3A_912 = arith.constant 3 : i32
        %add3A_913 = arith.addi %add3A_851, %add3A_912 : i32
        %mul3A_914 = arith.constant 64 : i32
        %mul3A_915 = arith.muli %add3A_913, %mul3A_914 : i32
        %add3A_916 = arith.addi %add3A_7, %mul3A_915 : i32
        %dma_wait3A_917 = arith.constant 2 : i32
        %dma_wait3A_918 = arith.constant 0 : i32
        %dma_wait3A_919 = tpu.memref_slice %arg6[%dma_wait3A_917, %dma_wait3A_918] : memref<5x64xi32, #tpu.memory_space<vmem>> -> memref<1x64xi32, #tpu.memory_space<vmem>>
        %dma_wait3A_920 = tpu.memref_squeeze %dma_wait3A_919 : memref<1x64xi32, #tpu.memory_space<vmem>> -> memref<64xi32, #tpu.memory_space<vmem>>
        %dma_wait3A_921 = tpu.memref_slice %arg2[%add3A_916] : memref<640000xi32, #tpu.memory_space<hbm>> -> memref<64xi32, #tpu.memory_space<hbm>>
        %dma_wait3A_922 = arith.constant 0 : i32
        %dma_wait3A_923 = tpu.memref_slice %arg6[%dma_wait3A_917, %dma_wait3A_922] : memref<5x64xi32, #tpu.memory_space<vmem>> -> memref<1x64xi32, #tpu.memory_space<vmem>>
        %dma_wait3A_924 = tpu.memref_squeeze %dma_wait3A_923 : memref<1x64xi32, #tpu.memory_space<vmem>> -> memref<64xi32, #tpu.memory_space<vmem>>
        %dma_wait3A_925 = tpu.memref_slice %arg2[%add3A_916] : memref<640000xi32, #tpu.memory_space<hbm>> -> memref<64xi32, #tpu.memory_space<hbm>>
        tpu.wait_dma2 semaphore(%arg12 : memref<!tpu.dma_semaphore, #tpu.memory_space<semaphore_mem>>) src(%dma_wait3A_925 : memref<64xi32, #tpu.memory_space<hbm>>) dst(%dma_wait3A_924 : memref<64xi32, #tpu.memory_space<vmem>>)
        %dma_start3A_926 = arith.constant 2 : i32
        %dma_start3A_927 = arith.constant 2 : i32
        %dma_start3A_928 = arith.constant 0 : i32
        %dma_start3A_929 = arith.constant 0 : i32
        %dma_start3A_930 = tpu.memref_slice %arg8[%dma_start3A_927, %dma_start3A_928, %dma_start3A_929] : memref<5x64x128xf32, #tpu.memory_space<vmem>> -> memref<1x64x128xf32, #tpu.memory_space<vmem>>
        %dma_start3A_931 = tpu.memref_squeeze %dma_start3A_930 : memref<1x64x128xf32, #tpu.memory_space<vmem>> -> memref<64x128xf32, #tpu.memory_space<vmem>>
        %dma_start3A_932 = arith.constant 0 : i32
        %dma_start3A_933 = tpu.memref_slice %arg6[%dma_start3A_926, %dma_start3A_932] : memref<5x64xi32, #tpu.memory_space<vmem>> -> memref<1x64xi32, #tpu.memory_space<vmem>>
        %dma_start3A_934 = tpu.memref_squeeze %dma_start3A_933 : memref<1x64xi32, #tpu.memory_space<vmem>> -> memref<64xi32, #tpu.memory_space<vmem>>
        %dma_start3A_935 = arith.constant 0 : i32
        %dma_start3A_936 = arith.constant 0 : i32
        %dma_start3A_937 = tpu.memref_slice %arg4[%dma_start3A_935, %dma_start3A_936] : memref<20000x128xf32, #tpu.memory_space<hbm>> -> memref<20000x128xf32, #tpu.memory_space<hbm>>
        tpu.enqueue_indirect_dma source(%dma_start3A_937 : memref<20000x128xf32, #tpu.memory_space<hbm>>) target(%dma_start3A_931 : memref<64x128xf32, #tpu.memory_space<vmem>>) offsets(%dma_start3A_934 : memref<64xi32, #tpu.memory_space<vmem>>) semaphore(%arg22 : memref<!tpu.dma_semaphore, #tpu.memory_space<semaphore_mem>>)
      } else {
      }
    }
    %scan3A_216 = arith.constant 62 : i32
    %dma_wait3A_217 = arith.constant 0 : i32
    %dma_wait3A_218 = arith.constant 0 : i32
    %dma_wait3A_219 = arith.constant 0 : i32
    %dma_wait3A_220 = arith.constant 0 : i32
    %dma_wait3A_221 = tpu.memref_slice %arg8[%dma_wait3A_217, %dma_wait3A_219, %dma_wait3A_220] : memref<5x64x128xf32, #tpu.memory_space<vmem>> -> memref<1x64x128xf32, #tpu.memory_space<vmem>>
    %dma_wait3A_222 = tpu.memref_squeeze %dma_wait3A_221 : memref<1x64x128xf32, #tpu.memory_space<vmem>> -> memref<64x128xf32, #tpu.memory_space<vmem>>
    %dma_wait3A_223 = arith.constant 0 : i32
    %dma_wait3A_224 = tpu.memref_slice %arg7[%dma_wait3A_218, %dma_wait3A_223] : memref<5x64xi32, #tpu.memory_space<vmem>> -> memref<1x64xi32, #tpu.memory_space<vmem>>
    %dma_wait3A_225 = tpu.memref_squeeze %dma_wait3A_224 : memref<1x64xi32, #tpu.memory_space<vmem>> -> memref<64xi32, #tpu.memory_space<vmem>>
    %dma_wait3A_226 = arith.constant 0 : i32
    %dma_wait3A_227 = arith.constant 0 : i32
    %dma_wait3A_228 = tpu.memref_slice %arg9[%dma_wait3A_226, %dma_wait3A_227] : memref<10240x128xf32, #tpu.memory_space<vmem_shared>> -> memref<10240x128xf32, #tpu.memory_space<vmem_shared>>
    tpu.wait_indirect_dma semaphore(%arg25 : memref<!tpu.dma_semaphore, #tpu.memory_space<semaphore_mem>>) src(%dma_wait3A_222 : memref<64x128xf32, #tpu.memory_space<vmem>>) dst(%dma_wait3A_228 : memref<10240x128xf32, #tpu.memory_space<vmem_shared>>)
    %dma_wait3A_229 = arith.constant 1 : i32
    %dma_wait3A_230 = arith.constant 1 : i32
    %dma_wait3A_231 = arith.constant 0 : i32
    %dma_wait3A_232 = arith.constant 0 : i32
    %dma_wait3A_233 = tpu.memref_slice %arg8[%dma_wait3A_229, %dma_wait3A_231, %dma_wait3A_232] : memref<5x64x128xf32, #tpu.memory_space<vmem>> -> memref<1x64x128xf32, #tpu.memory_space<vmem>>
    %dma_wait3A_234 = tpu.memref_squeeze %dma_wait3A_233 : memref<1x64x128xf32, #tpu.memory_space<vmem>> -> memref<64x128xf32, #tpu.memory_space<vmem>>
    %dma_wait3A_235 = arith.constant 0 : i32
    %dma_wait3A_236 = tpu.memref_slice %arg7[%dma_wait3A_230, %dma_wait3A_235] : memref<5x64xi32, #tpu.memory_space<vmem>> -> memref<1x64xi32, #tpu.memory_space<vmem>>
    %dma_wait3A_237 = tpu.memref_squeeze %dma_wait3A_236 : memref<1x64xi32, #tpu.memory_space<vmem>> -> memref<64xi32, #tpu.memory_space<vmem>>
    %dma_wait3A_238 = arith.constant 0 : i32
    %dma_wait3A_239 = arith.constant 0 : i32
    %dma_wait3A_240 = tpu.memref_slice %arg9[%dma_wait3A_238, %dma_wait3A_239] : memref<10240x128xf32, #tpu.memory_space<vmem_shared>> -> memref<10240x128xf32, #tpu.memory_space<vmem_shared>>
    tpu.wait_indirect_dma semaphore(%arg26 : memref<!tpu.dma_semaphore, #tpu.memory_space<semaphore_mem>>) src(%dma_wait3A_234 : memref<64x128xf32, #tpu.memory_space<vmem>>) dst(%dma_wait3A_240 : memref<10240x128xf32, #tpu.memory_space<vmem_shared>>)
    %dma_wait3A_241 = arith.constant 2 : i32
    %dma_wait3A_242 = arith.constant 2 : i32
    %dma_wait3A_243 = arith.constant 0 : i32
    %dma_wait3A_244 = arith.constant 0 : i32
    %dma_wait3A_245 = tpu.memref_slice %arg8[%dma_wait3A_241, %dma_wait3A_243, %dma_wait3A_244] : memref<5x64x128xf32, #tpu.memory_space<vmem>> -> memref<1x64x128xf32, #tpu.memory_space<vmem>>
    %dma_wait3A_246 = tpu.memref_squeeze %dma_wait3A_245 : memref<1x64x128xf32, #tpu.memory_space<vmem>> -> memref<64x128xf32, #tpu.memory_space<vmem>>
    %dma_wait3A_247 = arith.constant 0 : i32
    %dma_wait3A_248 = tpu.memref_slice %arg7[%dma_wait3A_242, %dma_wait3A_247] : memref<5x64xi32, #tpu.memory_space<vmem>> -> memref<1x64xi32, #tpu.memory_space<vmem>>
    %dma_wait3A_249 = tpu.memref_squeeze %dma_wait3A_248 : memref<1x64xi32, #tpu.memory_space<vmem>> -> memref<64xi32, #tpu.memory_space<vmem>>
    %dma_wait3A_250 = arith.constant 0 : i32
    %dma_wait3A_251 = arith.constant 0 : i32
    %dma_wait3A_252 = tpu.memref_slice %arg9[%dma_wait3A_250, %dma_wait3A_251] : memref<10240x128xf32, #tpu.memory_space<vmem_shared>> -> memref<10240x128xf32, #tpu.memory_space<vmem_shared>>
    tpu.wait_indirect_dma semaphore(%arg27 : memref<!tpu.dma_semaphore, #tpu.memory_space<semaphore_mem>>) src(%dma_wait3A_246 : memref<64x128xf32, #tpu.memory_space<vmem>>) dst(%dma_wait3A_252 : memref<10240x128xf32, #tpu.memory_space<vmem_shared>>)
    %dma_wait3A_253 = arith.constant 3 : i32
    %dma_wait3A_254 = arith.constant 3 : i32
    %dma_wait3A_255 = arith.constant 0 : i32
    %dma_wait3A_256 = arith.constant 0 : i32
    %dma_wait3A_257 = tpu.memref_slice %arg8[%dma_wait3A_253, %dma_wait3A_255, %dma_wait3A_256] : memref<5x64x128xf32, #tpu.memory_space<vmem>> -> memref<1x64x128xf32, #tpu.memory_space<vmem>>
    %dma_wait3A_258 = tpu.memref_squeeze %dma_wait3A_257 : memref<1x64x128xf32, #tpu.memory_space<vmem>> -> memref<64x128xf32, #tpu.memory_space<vmem>>
    %dma_wait3A_259 = arith.constant 0 : i32
    %dma_wait3A_260 = tpu.memref_slice %arg7[%dma_wait3A_254, %dma_wait3A_259] : memref<5x64xi32, #tpu.memory_space<vmem>> -> memref<1x64xi32, #tpu.memory_space<vmem>>
    %dma_wait3A_261 = tpu.memref_squeeze %dma_wait3A_260 : memref<1x64xi32, #tpu.memory_space<vmem>> -> memref<64xi32, #tpu.memory_space<vmem>>
    %dma_wait3A_262 = arith.constant 0 : i32
    %dma_wait3A_263 = arith.constant 0 : i32
    %dma_wait3A_264 = tpu.memref_slice %arg9[%dma_wait3A_262, %dma_wait3A_263] : memref<10240x128xf32, #tpu.memory_space<vmem_shared>> -> memref<10240x128xf32, #tpu.memory_space<vmem_shared>>
    tpu.wait_indirect_dma semaphore(%arg28 : memref<!tpu.dma_semaphore, #tpu.memory_space<semaphore_mem>>) src(%dma_wait3A_258 : memref<64x128xf32, #tpu.memory_space<vmem>>) dst(%dma_wait3A_264 : memref<10240x128xf32, #tpu.memory_space<vmem_shared>>)
    %dma_wait3A_265 = arith.constant 4 : i32
    %dma_wait3A_266 = arith.constant 4 : i32
    %dma_wait3A_267 = arith.constant 0 : i32
    %dma_wait3A_268 = arith.constant 0 : i32
    %dma_wait3A_269 = tpu.memref_slice %arg8[%dma_wait3A_265, %dma_wait3A_267, %dma_wait3A_268] : memref<5x64x128xf32, #tpu.memory_space<vmem>> -> memref<1x64x128xf32, #tpu.memory_space<vmem>>
    %dma_wait3A_270 = tpu.memref_squeeze %dma_wait3A_269 : memref<1x64x128xf32, #tpu.memory_space<vmem>> -> memref<64x128xf32, #tpu.memory_space<vmem>>
    %dma_wait3A_271 = arith.constant 0 : i32
    %dma_wait3A_272 = tpu.memref_slice %arg7[%dma_wait3A_266, %dma_wait3A_271] : memref<5x64xi32, #tpu.memory_space<vmem>> -> memref<1x64xi32, #tpu.memory_space<vmem>>
    %dma_wait3A_273 = tpu.memref_squeeze %dma_wait3A_272 : memref<1x64xi32, #tpu.memory_space<vmem>> -> memref<64xi32, #tpu.memory_space<vmem>>
    %dma_wait3A_274 = arith.constant 0 : i32
    %dma_wait3A_275 = arith.constant 0 : i32
    %dma_wait3A_276 = tpu.memref_slice %arg9[%dma_wait3A_274, %dma_wait3A_275] : memref<10240x128xf32, #tpu.memory_space<vmem_shared>> -> memref<10240x128xf32, #tpu.memory_space<vmem_shared>>
    tpu.wait_indirect_dma semaphore(%arg29 : memref<!tpu.dma_semaphore, #tpu.memory_space<semaphore_mem>>) src(%dma_wait3A_270 : memref<64x128xf32, #tpu.memory_space<vmem>>) dst(%dma_wait3A_276 : memref<10240x128xf32, #tpu.memory_space<vmem_shared>>)
    %add3A_277 = arith.constant 19840 : i32
    %add3A_278 = arith.addi %add3A_7, %add3A_277 : i32
    %dma_start3A_279 = arith.constant 0 : i32
    %dma_start3A_280 = arith.constant 0 : i32
    %dma_start3A_281 = tpu.memref_slice %arg6[%dma_start3A_279, %dma_start3A_280] : memref<5x64xi32, #tpu.memory_space<vmem>> -> memref<1x64xi32, #tpu.memory_space<vmem>>
    %dma_start3A_282 = tpu.memref_squeeze %dma_start3A_281 : memref<1x64xi32, #tpu.memory_space<vmem>> -> memref<64xi32, #tpu.memory_space<vmem>>
    %dma_start3A_283 = tpu.memref_slice %arg2[%add3A_278] : memref<640000xi32, #tpu.memory_space<hbm>> -> memref<64xi32, #tpu.memory_space<hbm>>
    %dma_start3A_284 = arith.constant 0 : i32
    %dma_start3A_285 = tpu.memref_slice %arg6[%dma_start3A_279, %dma_start3A_284] : memref<5x64xi32, #tpu.memory_space<vmem>> -> memref<1x64xi32, #tpu.memory_space<vmem>>
    %dma_start3A_286 = tpu.memref_squeeze %dma_start3A_285 : memref<1x64xi32, #tpu.memory_space<vmem>> -> memref<64xi32, #tpu.memory_space<vmem>>
    %dma_start3A_287 = tpu.memref_slice %arg2[%add3A_278] : memref<640000xi32, #tpu.memory_space<hbm>> -> memref<64xi32, #tpu.memory_space<hbm>>
    tpu.enqueue_dma source(%dma_start3A_287 : memref<64xi32, #tpu.memory_space<hbm>>) target(%dma_start3A_286 : memref<64xi32, #tpu.memory_space<vmem>>) target_semaphore(%arg10 : memref<!tpu.dma_semaphore, #tpu.memory_space<semaphore_mem>>)
    %add3A_288 = arith.constant 19840 : i32
    %add3A_289 = arith.addi %add3A, %add3A_288 : i32
    %dma_start3A_290 = arith.constant 0 : i32
    %dma_start3A_291 = arith.constant 0 : i32
    %dma_start3A_292 = tpu.memref_slice %arg7[%dma_start3A_290, %dma_start3A_291] : memref<5x64xi32, #tpu.memory_space<vmem>> -> memref<1x64xi32, #tpu.memory_space<vmem>>
    %dma_start3A_293 = tpu.memref_squeeze %dma_start3A_292 : memref<1x64xi32, #tpu.memory_space<vmem>> -> memref<64xi32, #tpu.memory_space<vmem>>
    %dma_start3A_294 = tpu.memref_slice %arg3[%add3A_289] : memref<320000xi32, #tpu.memory_space<hbm>> -> memref<64xi32, #tpu.memory_space<hbm>>
    %dma_start3A_295 = arith.constant 0 : i32
    %dma_start3A_296 = tpu.memref_slice %arg7[%dma_start3A_290, %dma_start3A_295] : memref<5x64xi32, #tpu.memory_space<vmem>> -> memref<1x64xi32, #tpu.memory_space<vmem>>
    %dma_start3A_297 = tpu.memref_squeeze %dma_start3A_296 : memref<1x64xi32, #tpu.memory_space<vmem>> -> memref<64xi32, #tpu.memory_space<vmem>>
    %dma_start3A_298 = tpu.memref_slice %arg3[%add3A_289] : memref<320000xi32, #tpu.memory_space<hbm>> -> memref<64xi32, #tpu.memory_space<hbm>>
    tpu.enqueue_dma source(%dma_start3A_298 : memref<64xi32, #tpu.memory_space<hbm>>) target(%dma_start3A_297 : memref<64xi32, #tpu.memory_space<vmem>>) target_semaphore(%arg15 : memref<!tpu.dma_semaphore, #tpu.memory_space<semaphore_mem>>)
    %add3A_299 = arith.constant 19840 : i32
    %add3A_300 = arith.addi %add3A_7, %add3A_299 : i32
    %dma_wait3A_301 = arith.constant 0 : i32
    %dma_wait3A_302 = arith.constant 0 : i32
    %dma_wait3A_303 = tpu.memref_slice %arg6[%dma_wait3A_301, %dma_wait3A_302] : memref<5x64xi32, #tpu.memory_space<vmem>> -> memref<1x64xi32, #tpu.memory_space<vmem>>
    %dma_wait3A_304 = tpu.memref_squeeze %dma_wait3A_303 : memref<1x64xi32, #tpu.memory_space<vmem>> -> memref<64xi32, #tpu.memory_space<vmem>>
    %dma_wait3A_305 = tpu.memref_slice %arg2[%add3A_300] : memref<640000xi32, #tpu.memory_space<hbm>> -> memref<64xi32, #tpu.memory_space<hbm>>
    %dma_wait3A_306 = arith.constant 0 : i32
    %dma_wait3A_307 = tpu.memref_slice %arg6[%dma_wait3A_301, %dma_wait3A_306] : memref<5x64xi32, #tpu.memory_space<vmem>> -> memref<1x64xi32, #tpu.memory_space<vmem>>
    %dma_wait3A_308 = tpu.memref_squeeze %dma_wait3A_307 : memref<1x64xi32, #tpu.memory_space<vmem>> -> memref<64xi32, #tpu.memory_space<vmem>>
    %dma_wait3A_309 = tpu.memref_slice %arg2[%add3A_300] : memref<640000xi32, #tpu.memory_space<hbm>> -> memref<64xi32, #tpu.memory_space<hbm>>
    tpu.wait_dma2 semaphore(%arg10 : memref<!tpu.dma_semaphore, #tpu.memory_space<semaphore_mem>>) src(%dma_wait3A_309 : memref<64xi32, #tpu.memory_space<hbm>>) dst(%dma_wait3A_308 : memref<64xi32, #tpu.memory_space<vmem>>)
    %add3A_310 = arith.constant 19840 : i32
    %add3A_311 = arith.addi %add3A, %add3A_310 : i32
    %dma_wait3A_312 = arith.constant 0 : i32
    %dma_wait3A_313 = arith.constant 0 : i32
    %dma_wait3A_314 = tpu.memref_slice %arg7[%dma_wait3A_312, %dma_wait3A_313] : memref<5x64xi32, #tpu.memory_space<vmem>> -> memref<1x64xi32, #tpu.memory_space<vmem>>
    %dma_wait3A_315 = tpu.memref_squeeze %dma_wait3A_314 : memref<1x64xi32, #tpu.memory_space<vmem>> -> memref<64xi32, #tpu.memory_space<vmem>>
    %dma_wait3A_316 = tpu.memref_slice %arg3[%add3A_311] : memref<320000xi32, #tpu.memory_space<hbm>> -> memref<64xi32, #tpu.memory_space<hbm>>
    %dma_wait3A_317 = arith.constant 0 : i32
    %dma_wait3A_318 = tpu.memref_slice %arg7[%dma_wait3A_312, %dma_wait3A_317] : memref<5x64xi32, #tpu.memory_space<vmem>> -> memref<1x64xi32, #tpu.memory_space<vmem>>
    %dma_wait3A_319 = tpu.memref_squeeze %dma_wait3A_318 : memref<1x64xi32, #tpu.memory_space<vmem>> -> memref<64xi32, #tpu.memory_space<vmem>>
    %dma_wait3A_320 = tpu.memref_slice %arg3[%add3A_311] : memref<320000xi32, #tpu.memory_space<hbm>> -> memref<64xi32, #tpu.memory_space<hbm>>
    tpu.wait_dma2 semaphore(%arg15 : memref<!tpu.dma_semaphore, #tpu.memory_space<semaphore_mem>>) src(%dma_wait3A_320 : memref<64xi32, #tpu.memory_space<hbm>>) dst(%dma_wait3A_319 : memref<64xi32, #tpu.memory_space<vmem>>)
    %dma_start3A_321 = arith.constant 0 : i32
    %dma_start3A_322 = arith.constant 0 : i32
    %dma_start3A_323 = arith.constant 0 : i32
    %dma_start3A_324 = arith.constant 0 : i32
    %dma_start3A_325 = tpu.memref_slice %arg8[%dma_start3A_322, %dma_start3A_323, %dma_start3A_324] : memref<5x64x128xf32, #tpu.memory_space<vmem>> -> memref<1x64x128xf32, #tpu.memory_space<vmem>>
    %dma_start3A_326 = tpu.memref_squeeze %dma_start3A_325 : memref<1x64x128xf32, #tpu.memory_space<vmem>> -> memref<64x128xf32, #tpu.memory_space<vmem>>
    %dma_start3A_327 = arith.constant 0 : i32
    %dma_start3A_328 = tpu.memref_slice %arg6[%dma_start3A_321, %dma_start3A_327] : memref<5x64xi32, #tpu.memory_space<vmem>> -> memref<1x64xi32, #tpu.memory_space<vmem>>
    %dma_start3A_329 = tpu.memref_squeeze %dma_start3A_328 : memref<1x64xi32, #tpu.memory_space<vmem>> -> memref<64xi32, #tpu.memory_space<vmem>>
    %dma_start3A_330 = arith.constant 0 : i32
    %dma_start3A_331 = arith.constant 0 : i32
    %dma_start3A_332 = tpu.memref_slice %arg4[%dma_start3A_330, %dma_start3A_331] : memref<20000x128xf32, #tpu.memory_space<hbm>> -> memref<20000x128xf32, #tpu.memory_space<hbm>>
    tpu.enqueue_indirect_dma source(%dma_start3A_332 : memref<20000x128xf32, #tpu.memory_space<hbm>>) target(%dma_start3A_326 : memref<64x128xf32, #tpu.memory_space<vmem>>) offsets(%dma_start3A_329 : memref<64xi32, #tpu.memory_space<vmem>>) semaphore(%arg20 : memref<!tpu.dma_semaphore, #tpu.memory_space<semaphore_mem>>)
    %dma_wait3A_333 = arith.constant 0 : i32
    %dma_wait3A_334 = arith.constant 0 : i32
    %dma_wait3A_335 = arith.constant 0 : i32
    %dma_wait3A_336 = arith.constant 0 : i32
    %dma_wait3A_337 = tpu.memref_slice %arg8[%dma_wait3A_334, %dma_wait3A_335, %dma_wait3A_336] : memref<5x64x128xf32, #tpu.memory_space<vmem>> -> memref<1x64x128xf32, #tpu.memory_space<vmem>>
    %dma_wait3A_338 = tpu.memref_squeeze %dma_wait3A_337 : memref<1x64x128xf32, #tpu.memory_space<vmem>> -> memref<64x128xf32, #tpu.memory_space<vmem>>
    %dma_wait3A_339 = arith.constant 0 : i32
    %dma_wait3A_340 = tpu.memref_slice %arg6[%dma_wait3A_333, %dma_wait3A_339] : memref<5x64xi32, #tpu.memory_space<vmem>> -> memref<1x64xi32, #tpu.memory_space<vmem>>
    %dma_wait3A_341 = tpu.memref_squeeze %dma_wait3A_340 : memref<1x64xi32, #tpu.memory_space<vmem>> -> memref<64xi32, #tpu.memory_space<vmem>>
    %dma_wait3A_342 = arith.constant 0 : i32
    %dma_wait3A_343 = arith.constant 0 : i32
    %dma_wait3A_344 = tpu.memref_slice %arg4[%dma_wait3A_342, %dma_wait3A_343] : memref<20000x128xf32, #tpu.memory_space<hbm>> -> memref<20000x128xf32, #tpu.memory_space<hbm>>
    tpu.wait_indirect_dma semaphore(%arg20 : memref<!tpu.dma_semaphore, #tpu.memory_space<semaphore_mem>>) src(%dma_wait3A_344 : memref<20000x128xf32, #tpu.memory_space<hbm>>) dst(%dma_wait3A_338 : memref<64x128xf32, #tpu.memory_space<vmem>>)
    %dma_start3A_345 = arith.constant 0 : i32
    %dma_start3A_346 = arith.constant 0 : i32
    %dma_start3A_347 = arith.constant 0 : i32
    %dma_start3A_348 = arith.constant 0 : i32
    %dma_start3A_349 = tpu.memref_slice %arg8[%dma_start3A_345, %dma_start3A_347, %dma_start3A_348] : memref<5x64x128xf32, #tpu.memory_space<vmem>> -> memref<1x64x128xf32, #tpu.memory_space<vmem>>
    %dma_start3A_350 = tpu.memref_squeeze %dma_start3A_349 : memref<1x64x128xf32, #tpu.memory_space<vmem>> -> memref<64x128xf32, #tpu.memory_space<vmem>>
    %dma_start3A_351 = arith.constant 0 : i32
    %dma_start3A_352 = tpu.memref_slice %arg7[%dma_start3A_346, %dma_start3A_351] : memref<5x64xi32, #tpu.memory_space<vmem>> -> memref<1x64xi32, #tpu.memory_space<vmem>>
    %dma_start3A_353 = tpu.memref_squeeze %dma_start3A_352 : memref<1x64xi32, #tpu.memory_space<vmem>> -> memref<64xi32, #tpu.memory_space<vmem>>
    %dma_start3A_354 = arith.constant 0 : i32
    %dma_start3A_355 = arith.constant 0 : i32
    %dma_start3A_356 = tpu.memref_slice %arg9[%dma_start3A_354, %dma_start3A_355] : memref<10240x128xf32, #tpu.memory_space<vmem_shared>> -> memref<10240x128xf32, #tpu.memory_space<vmem_shared>>
    tpu.enqueue_indirect_dma source(%dma_start3A_350 : memref<64x128xf32, #tpu.memory_space<vmem>>) target(%dma_start3A_356 : memref<10240x128xf32, #tpu.memory_space<vmem_shared>>) offsets(%dma_start3A_353 : memref<64xi32, #tpu.memory_space<vmem>>) semaphore(%arg25 : memref<!tpu.dma_semaphore, #tpu.memory_space<semaphore_mem>>) {add = true}
    %dma_wait3A_357 = arith.constant 0 : i32
    %dma_wait3A_358 = arith.constant 0 : i32
    %dma_wait3A_359 = arith.constant 0 : i32
    %dma_wait3A_360 = arith.constant 0 : i32
    %dma_wait3A_361 = tpu.memref_slice %arg8[%dma_wait3A_357, %dma_wait3A_359, %dma_wait3A_360] : memref<5x64x128xf32, #tpu.memory_space<vmem>> -> memref<1x64x128xf32, #tpu.memory_space<vmem>>
    %dma_wait3A_362 = tpu.memref_squeeze %dma_wait3A_361 : memref<1x64x128xf32, #tpu.memory_space<vmem>> -> memref<64x128xf32, #tpu.memory_space<vmem>>
    %dma_wait3A_363 = arith.constant 0 : i32
    %dma_wait3A_364 = tpu.memref_slice %arg7[%dma_wait3A_358, %dma_wait3A_363] : memref<5x64xi32, #tpu.memory_space<vmem>> -> memref<1x64xi32, #tpu.memory_space<vmem>>
    %dma_wait3A_365 = tpu.memref_squeeze %dma_wait3A_364 : memref<1x64xi32, #tpu.memory_space<vmem>> -> memref<64xi32, #tpu.memory_space<vmem>>
    %dma_wait3A_366 = arith.constant 0 : i32
    %dma_wait3A_367 = arith.constant 0 : i32
    %dma_wait3A_368 = tpu.memref_slice %arg9[%dma_wait3A_366, %dma_wait3A_367] : memref<10240x128xf32, #tpu.memory_space<vmem_shared>> -> memref<10240x128xf32, #tpu.memory_space<vmem_shared>>
    tpu.wait_indirect_dma semaphore(%arg25 : memref<!tpu.dma_semaphore, #tpu.memory_space<semaphore_mem>>) src(%dma_wait3A_362 : memref<64x128xf32, #tpu.memory_space<vmem>>) dst(%dma_wait3A_368 : memref<10240x128xf32, #tpu.memory_space<vmem_shared>>)
    %add3A_369 = arith.constant 19904 : i32
    %add3A_370 = arith.addi %add3A_7, %add3A_369 : i32
    %dma_start3A_371 = arith.constant 0 : i32
    %dma_start3A_372 = arith.constant 0 : i32
    %dma_start3A_373 = tpu.memref_slice %arg6[%dma_start3A_371, %dma_start3A_372] : memref<5x64xi32, #tpu.memory_space<vmem>> -> memref<1x64xi32, #tpu.memory_space<vmem>>
    %dma_start3A_374 = tpu.memref_squeeze %dma_start3A_373 : memref<1x64xi32, #tpu.memory_space<vmem>> -> memref<64xi32, #tpu.memory_space<vmem>>
    %dma_start3A_375 = tpu.memref_slice %arg2[%add3A_370] : memref<640000xi32, #tpu.memory_space<hbm>> -> memref<64xi32, #tpu.memory_space<hbm>>
    %dma_start3A_376 = arith.constant 0 : i32
    %dma_start3A_377 = tpu.memref_slice %arg6[%dma_start3A_371, %dma_start3A_376] : memref<5x64xi32, #tpu.memory_space<vmem>> -> memref<1x64xi32, #tpu.memory_space<vmem>>
    %dma_start3A_378 = tpu.memref_squeeze %dma_start3A_377 : memref<1x64xi32, #tpu.memory_space<vmem>> -> memref<64xi32, #tpu.memory_space<vmem>>
    %dma_start3A_379 = tpu.memref_slice %arg2[%add3A_370] : memref<640000xi32, #tpu.memory_space<hbm>> -> memref<64xi32, #tpu.memory_space<hbm>>
    tpu.enqueue_dma source(%dma_start3A_379 : memref<64xi32, #tpu.memory_space<hbm>>) target(%dma_start3A_378 : memref<64xi32, #tpu.memory_space<vmem>>) target_semaphore(%arg10 : memref<!tpu.dma_semaphore, #tpu.memory_space<semaphore_mem>>)
    %add3A_380 = arith.constant 19904 : i32
    %add3A_381 = arith.addi %add3A, %add3A_380 : i32
    %dma_start3A_382 = arith.constant 0 : i32
    %dma_start3A_383 = arith.constant 0 : i32
    %dma_start3A_384 = tpu.memref_slice %arg7[%dma_start3A_382, %dma_start3A_383] : memref<5x64xi32, #tpu.memory_space<vmem>> -> memref<1x64xi32, #tpu.memory_space<vmem>>
    %dma_start3A_385 = tpu.memref_squeeze %dma_start3A_384 : memref<1x64xi32, #tpu.memory_space<vmem>> -> memref<64xi32, #tpu.memory_space<vmem>>
    %dma_start3A_386 = tpu.memref_slice %arg3[%add3A_381] : memref<320000xi32, #tpu.memory_space<hbm>> -> memref<64xi32, #tpu.memory_space<hbm>>
    %dma_start3A_387 = arith.constant 0 : i32
    %dma_start3A_388 = tpu.memref_slice %arg7[%dma_start3A_382, %dma_start3A_387] : memref<5x64xi32, #tpu.memory_space<vmem>> -> memref<1x64xi32, #tpu.memory_space<vmem>>
    %dma_start3A_389 = tpu.memref_squeeze %dma_start3A_388 : memref<1x64xi32, #tpu.memory_space<vmem>> -> memref<64xi32, #tpu.memory_space<vmem>>
    %dma_start3A_390 = tpu.memref_slice %arg3[%add3A_381] : memref<320000xi32, #tpu.memory_space<hbm>> -> memref<64xi32, #tpu.memory_space<hbm>>
    tpu.enqueue_dma source(%dma_start3A_390 : memref<64xi32, #tpu.memory_space<hbm>>) target(%dma_start3A_389 : memref<64xi32, #tpu.memory_space<vmem>>) target_semaphore(%arg15 : memref<!tpu.dma_semaphore, #tpu.memory_space<semaphore_mem>>)
    %add3A_391 = arith.constant 19904 : i32
    %add3A_392 = arith.addi %add3A_7, %add3A_391 : i32
    %dma_wait3A_393 = arith.constant 0 : i32
    %dma_wait3A_394 = arith.constant 0 : i32
    %dma_wait3A_395 = tpu.memref_slice %arg6[%dma_wait3A_393, %dma_wait3A_394] : memref<5x64xi32, #tpu.memory_space<vmem>> -> memref<1x64xi32, #tpu.memory_space<vmem>>
    %dma_wait3A_396 = tpu.memref_squeeze %dma_wait3A_395 : memref<1x64xi32, #tpu.memory_space<vmem>> -> memref<64xi32, #tpu.memory_space<vmem>>
    %dma_wait3A_397 = tpu.memref_slice %arg2[%add3A_392] : memref<640000xi32, #tpu.memory_space<hbm>> -> memref<64xi32, #tpu.memory_space<hbm>>
    %dma_wait3A_398 = arith.constant 0 : i32
    %dma_wait3A_399 = tpu.memref_slice %arg6[%dma_wait3A_393, %dma_wait3A_398] : memref<5x64xi32, #tpu.memory_space<vmem>> -> memref<1x64xi32, #tpu.memory_space<vmem>>
    %dma_wait3A_400 = tpu.memref_squeeze %dma_wait3A_399 : memref<1x64xi32, #tpu.memory_space<vmem>> -> memref<64xi32, #tpu.memory_space<vmem>>
    %dma_wait3A_401 = tpu.memref_slice %arg2[%add3A_392] : memref<640000xi32, #tpu.memory_space<hbm>> -> memref<64xi32, #tpu.memory_space<hbm>>
    tpu.wait_dma2 semaphore(%arg10 : memref<!tpu.dma_semaphore, #tpu.memory_space<semaphore_mem>>) src(%dma_wait3A_401 : memref<64xi32, #tpu.memory_space<hbm>>) dst(%dma_wait3A_400 : memref<64xi32, #tpu.memory_space<vmem>>)
    %add3A_402 = arith.constant 19904 : i32
    %add3A_403 = arith.addi %add3A, %add3A_402 : i32
    %dma_wait3A_404 = arith.constant 0 : i32
    %dma_wait3A_405 = arith.constant 0 : i32
    %dma_wait3A_406 = tpu.memref_slice %arg7[%dma_wait3A_404, %dma_wait3A_405] : memref<5x64xi32, #tpu.memory_space<vmem>> -> memref<1x64xi32, #tpu.memory_space<vmem>>
    %dma_wait3A_407 = tpu.memref_squeeze %dma_wait3A_406 : memref<1x64xi32, #tpu.memory_space<vmem>> -> memref<64xi32, #tpu.memory_space<vmem>>
    %dma_wait3A_408 = tpu.memref_slice %arg3[%add3A_403] : memref<320000xi32, #tpu.memory_space<hbm>> -> memref<64xi32, #tpu.memory_space<hbm>>
    %dma_wait3A_409 = arith.constant 0 : i32
    %dma_wait3A_410 = tpu.memref_slice %arg7[%dma_wait3A_404, %dma_wait3A_409] : memref<5x64xi32, #tpu.memory_space<vmem>> -> memref<1x64xi32, #tpu.memory_space<vmem>>
    %dma_wait3A_411 = tpu.memref_squeeze %dma_wait3A_410 : memref<1x64xi32, #tpu.memory_space<vmem>> -> memref<64xi32, #tpu.memory_space<vmem>>
    %dma_wait3A_412 = tpu.memref_slice %arg3[%add3A_403] : memref<320000xi32, #tpu.memory_space<hbm>> -> memref<64xi32, #tpu.memory_space<hbm>>
    tpu.wait_dma2 semaphore(%arg15 : memref<!tpu.dma_semaphore, #tpu.memory_space<semaphore_mem>>) src(%dma_wait3A_412 : memref<64xi32, #tpu.memory_space<hbm>>) dst(%dma_wait3A_411 : memref<64xi32, #tpu.memory_space<vmem>>)
    %dma_start3A_413 = arith.constant 0 : i32
    %dma_start3A_414 = arith.constant 0 : i32
    %dma_start3A_415 = arith.constant 0 : i32
    %dma_start3A_416 = arith.constant 0 : i32
    %dma_start3A_417 = tpu.memref_slice %arg8[%dma_start3A_414, %dma_start3A_415, %dma_start3A_416] : memref<5x64x128xf32, #tpu.memory_space<vmem>> -> memref<1x64x128xf32, #tpu.memory_space<vmem>>
    %dma_start3A_418 = tpu.memref_squeeze %dma_start3A_417 : memref<1x64x128xf32, #tpu.memory_space<vmem>> -> memref<64x128xf32, #tpu.memory_space<vmem>>
    %dma_start3A_419 = arith.constant 0 : i32
    %dma_start3A_420 = tpu.memref_slice %arg6[%dma_start3A_413, %dma_start3A_419] : memref<5x64xi32, #tpu.memory_space<vmem>> -> memref<1x64xi32, #tpu.memory_space<vmem>>
    %dma_start3A_421 = tpu.memref_squeeze %dma_start3A_420 : memref<1x64xi32, #tpu.memory_space<vmem>> -> memref<64xi32, #tpu.memory_space<vmem>>
    %dma_start3A_422 = arith.constant 0 : i32
    %dma_start3A_423 = arith.constant 0 : i32
    %dma_start3A_424 = tpu.memref_slice %arg4[%dma_start3A_422, %dma_start3A_423] : memref<20000x128xf32, #tpu.memory_space<hbm>> -> memref<20000x128xf32, #tpu.memory_space<hbm>>
    tpu.enqueue_indirect_dma source(%dma_start3A_424 : memref<20000x128xf32, #tpu.memory_space<hbm>>) target(%dma_start3A_418 : memref<64x128xf32, #tpu.memory_space<vmem>>) offsets(%dma_start3A_421 : memref<64xi32, #tpu.memory_space<vmem>>) semaphore(%arg20 : memref<!tpu.dma_semaphore, #tpu.memory_space<semaphore_mem>>)
    %dma_wait3A_425 = arith.constant 0 : i32
    %dma_wait3A_426 = arith.constant 0 : i32
    %dma_wait3A_427 = arith.constant 0 : i32
    %dma_wait3A_428 = arith.constant 0 : i32
    %dma_wait3A_429 = tpu.memref_slice %arg8[%dma_wait3A_426, %dma_wait3A_427, %dma_wait3A_428] : memref<5x64x128xf32, #tpu.memory_space<vmem>> -> memref<1x64x128xf32, #tpu.memory_space<vmem>>
    %dma_wait3A_430 = tpu.memref_squeeze %dma_wait3A_429 : memref<1x64x128xf32, #tpu.memory_space<vmem>> -> memref<64x128xf32, #tpu.memory_space<vmem>>
    %dma_wait3A_431 = arith.constant 0 : i32
    %dma_wait3A_432 = tpu.memref_slice %arg6[%dma_wait3A_425, %dma_wait3A_431] : memref<5x64xi32, #tpu.memory_space<vmem>> -> memref<1x64xi32, #tpu.memory_space<vmem>>
    %dma_wait3A_433 = tpu.memref_squeeze %dma_wait3A_432 : memref<1x64xi32, #tpu.memory_space<vmem>> -> memref<64xi32, #tpu.memory_space<vmem>>
    %dma_wait3A_434 = arith.constant 0 : i32
    %dma_wait3A_435 = arith.constant 0 : i32
    %dma_wait3A_436 = tpu.memref_slice %arg4[%dma_wait3A_434, %dma_wait3A_435] : memref<20000x128xf32, #tpu.memory_space<hbm>> -> memref<20000x128xf32, #tpu.memory_space<hbm>>
    tpu.wait_indirect_dma semaphore(%arg20 : memref<!tpu.dma_semaphore, #tpu.memory_space<semaphore_mem>>) src(%dma_wait3A_436 : memref<20000x128xf32, #tpu.memory_space<hbm>>) dst(%dma_wait3A_430 : memref<64x128xf32, #tpu.memory_space<vmem>>)
    %dma_start3A_437 = arith.constant 0 : i32
    %dma_start3A_438 = arith.constant 0 : i32
    %dma_start3A_439 = arith.constant 0 : i32
    %dma_start3A_440 = arith.constant 0 : i32
    %dma_start3A_441 = tpu.memref_slice %arg8[%dma_start3A_437, %dma_start3A_439, %dma_start3A_440] : memref<5x64x128xf32, #tpu.memory_space<vmem>> -> memref<1x64x128xf32, #tpu.memory_space<vmem>>
    %dma_start3A_442 = tpu.memref_squeeze %dma_start3A_441 : memref<1x64x128xf32, #tpu.memory_space<vmem>> -> memref<64x128xf32, #tpu.memory_space<vmem>>
    %dma_start3A_443 = arith.constant 0 : i32
    %dma_start3A_444 = tpu.memref_slice %arg7[%dma_start3A_438, %dma_start3A_443] : memref<5x64xi32, #tpu.memory_space<vmem>> -> memref<1x64xi32, #tpu.memory_space<vmem>>
    %dma_start3A_445 = tpu.memref_squeeze %dma_start3A_444 : memref<1x64xi32, #tpu.memory_space<vmem>> -> memref<64xi32, #tpu.memory_space<vmem>>
    %dma_start3A_446 = arith.constant 0 : i32
    %dma_start3A_447 = arith.constant 0 : i32
    %dma_start3A_448 = tpu.memref_slice %arg9[%dma_start3A_446, %dma_start3A_447] : memref<10240x128xf32, #tpu.memory_space<vmem_shared>> -> memref<10240x128xf32, #tpu.memory_space<vmem_shared>>
    tpu.enqueue_indirect_dma source(%dma_start3A_442 : memref<64x128xf32, #tpu.memory_space<vmem>>) target(%dma_start3A_448 : memref<10240x128xf32, #tpu.memory_space<vmem_shared>>) offsets(%dma_start3A_445 : memref<64xi32, #tpu.memory_space<vmem>>) semaphore(%arg25 : memref<!tpu.dma_semaphore, #tpu.memory_space<semaphore_mem>>) {add = true}
    %dma_wait3A_449 = arith.constant 0 : i32
    %dma_wait3A_450 = arith.constant 0 : i32
    %dma_wait3A_451 = arith.constant 0 : i32
    %dma_wait3A_452 = arith.constant 0 : i32
    %dma_wait3A_453 = tpu.memref_slice %arg8[%dma_wait3A_449, %dma_wait3A_451, %dma_wait3A_452] : memref<5x64x128xf32, #tpu.memory_space<vmem>> -> memref<1x64x128xf32, #tpu.memory_space<vmem>>
    %dma_wait3A_454 = tpu.memref_squeeze %dma_wait3A_453 : memref<1x64x128xf32, #tpu.memory_space<vmem>> -> memref<64x128xf32, #tpu.memory_space<vmem>>
    %dma_wait3A_455 = arith.constant 0 : i32
    %dma_wait3A_456 = tpu.memref_slice %arg7[%dma_wait3A_450, %dma_wait3A_455] : memref<5x64xi32, #tpu.memory_space<vmem>> -> memref<1x64xi32, #tpu.memory_space<vmem>>
    %dma_wait3A_457 = tpu.memref_squeeze %dma_wait3A_456 : memref<1x64xi32, #tpu.memory_space<vmem>> -> memref<64xi32, #tpu.memory_space<vmem>>
    %dma_wait3A_458 = arith.constant 0 : i32
    %dma_wait3A_459 = arith.constant 0 : i32
    %dma_wait3A_460 = tpu.memref_slice %arg9[%dma_wait3A_458, %dma_wait3A_459] : memref<10240x128xf32, #tpu.memory_space<vmem_shared>> -> memref<10240x128xf32, #tpu.memory_space<vmem_shared>>
    tpu.wait_indirect_dma semaphore(%arg25 : memref<!tpu.dma_semaphore, #tpu.memory_space<semaphore_mem>>) src(%dma_wait3A_454 : memref<64x128xf32, #tpu.memory_space<vmem>>) dst(%dma_wait3A_460 : memref<10240x128xf32, #tpu.memory_space<vmem_shared>>)
    %broadcast_in_dim3A = arith.constant 0 : i32
    %broadcast_in_dim3A_461 = vector.broadcast %broadcast_in_dim3A : i32 to vector<16xi32>
    %broadcast_in_dim3A_462 = arith.constant 10000 : i32
    %broadcast_in_dim3A_463 = vector.broadcast %broadcast_in_dim3A_462 : i32 to vector<16xi32>
    %swap3A = arith.constant 0 : i32
    %swap3A_464 = arith.index_cast %swap3A : i32 to index
    %swap3A_465 = arith.constant 0 : index
    %swap3A_466 = tpu.vector_load %arg6[%swap3A_464, %swap3A_465] {strides = array<i32>} : memref<5x64xi32, #tpu.memory_space<vmem>>, vector<1x16xi32>,
    %swap3A_467 = vector.shape_cast %swap3A_466 : vector<1x16xi32> to vector<16xi32>
    %swap3A_468 = vector.shape_cast %broadcast_in_dim3A_461 : vector<16xi32> to vector<1x16xi32>
    tpu.vector_store %arg6[%swap3A_464, %swap3A_465], %swap3A_468 {strides = array<i32>} : memref<5x64xi32, #tpu.memory_space<vmem>>, vector<1x16xi32>,
    %swap3A_469 = arith.constant 0 : i32
    %swap3A_470 = arith.index_cast %swap3A_469 : i32 to index
    %swap3A_471 = arith.constant 0 : index
    %swap3A_472 = tpu.vector_load %arg7[%swap3A_470, %swap3A_471] {strides = array<i32>} : memref<5x64xi32, #tpu.memory_space<vmem>>, vector<1x16xi32>,
    %swap3A_473 = vector.shape_cast %swap3A_472 : vector<1x16xi32> to vector<16xi32>
    %swap3A_474 = vector.shape_cast %broadcast_in_dim3A_463 : vector<16xi32> to vector<1x16xi32>
    tpu.vector_store %arg7[%swap3A_470, %swap3A_471], %swap3A_474 {strides = array<i32>} : memref<5x64xi32, #tpu.memory_space<vmem>>, vector<1x16xi32>,
    %swap3A_475 = arith.constant 0 : i32
    %swap3A_476 = arith.index_cast %swap3A_475 : i32 to index
    %swap3A_477 = arith.constant 16 : index
    %swap3A_478 = tpu.vector_load %arg6[%swap3A_476, %swap3A_477] {strides = array<i32>} : memref<5x64xi32, #tpu.memory_space<vmem>>, vector<1x16xi32>,
    %swap3A_479 = vector.shape_cast %swap3A_478 : vector<1x16xi32> to vector<16xi32>
    %swap3A_480 = vector.shape_cast %broadcast_in_dim3A_461 : vector<16xi32> to vector<1x16xi32>
    tpu.vector_store %arg6[%swap3A_476, %swap3A_477], %swap3A_480 {strides = array<i32>} : memref<5x64xi32, #tpu.memory_space<vmem>>, vector<1x16xi32>,
    %swap3A_481 = arith.constant 0 : i32
    %swap3A_482 = arith.index_cast %swap3A_481 : i32 to index
    %swap3A_483 = arith.constant 16 : index
    %swap3A_484 = tpu.vector_load %arg7[%swap3A_482, %swap3A_483] {strides = array<i32>} : memref<5x64xi32, #tpu.memory_space<vmem>>, vector<1x16xi32>,
    %swap3A_485 = vector.shape_cast %swap3A_484 : vector<1x16xi32> to vector<16xi32>
    %swap3A_486 = vector.shape_cast %broadcast_in_dim3A_463 : vector<16xi32> to vector<1x16xi32>
    tpu.vector_store %arg7[%swap3A_482, %swap3A_483], %swap3A_486 {strides = array<i32>} : memref<5x64xi32, #tpu.memory_space<vmem>>, vector<1x16xi32>,
    %swap3A_487 = arith.constant 0 : i32
    %swap3A_488 = arith.index_cast %swap3A_487 : i32 to index
    %swap3A_489 = arith.constant 32 : index
    %swap3A_490 = tpu.vector_load %arg6[%swap3A_488, %swap3A_489] {strides = array<i32>} : memref<5x64xi32, #tpu.memory_space<vmem>>, vector<1x16xi32>,
    %swap3A_491 = vector.shape_cast %swap3A_490 : vector<1x16xi32> to vector<16xi32>
    %swap3A_492 = vector.shape_cast %broadcast_in_dim3A_461 : vector<16xi32> to vector<1x16xi32>
    tpu.vector_store %arg6[%swap3A_488, %swap3A_489], %swap3A_492 {strides = array<i32>} : memref<5x64xi32, #tpu.memory_space<vmem>>, vector<1x16xi32>,
    %swap3A_493 = arith.constant 0 : i32
    %swap3A_494 = arith.index_cast %swap3A_493 : i32 to index
    %swap3A_495 = arith.constant 32 : index
    %swap3A_496 = tpu.vector_load %arg7[%swap3A_494, %swap3A_495] {strides = array<i32>} : memref<5x64xi32, #tpu.memory_space<vmem>>, vector<1x16xi32>,
    %swap3A_497 = vector.shape_cast %swap3A_496 : vector<1x16xi32> to vector<16xi32>
    %swap3A_498 = vector.shape_cast %broadcast_in_dim3A_463 : vector<16xi32> to vector<1x16xi32>
    tpu.vector_store %arg7[%swap3A_494, %swap3A_495], %swap3A_498 {strides = array<i32>} : memref<5x64xi32, #tpu.memory_space<vmem>>, vector<1x16xi32>,
    %swap3A_499 = arith.constant 0 : i32
    %swap3A_500 = arith.index_cast %swap3A_499 : i32 to index
    %swap3A_501 = arith.constant 48 : index
    %swap3A_502 = tpu.vector_load %arg6[%swap3A_500, %swap3A_501] {strides = array<i32>} : memref<5x64xi32, #tpu.memory_space<vmem>>, vector<1x16xi32>,
    %swap3A_503 = vector.shape_cast %swap3A_502 : vector<1x16xi32> to vector<16xi32>
    %swap3A_504 = vector.shape_cast %broadcast_in_dim3A_461 : vector<16xi32> to vector<1x16xi32>
    tpu.vector_store %arg6[%swap3A_500, %swap3A_501], %swap3A_504 {strides = array<i32>} : memref<5x64xi32, #tpu.memory_space<vmem>>, vector<1x16xi32>,
    %swap3A_505 = arith.constant 0 : i32
    %swap3A_506 = arith.index_cast %swap3A_505 : i32 to index
    %swap3A_507 = arith.constant 48 : index
    %swap3A_508 = tpu.vector_load %arg7[%swap3A_506, %swap3A_507] {strides = array<i32>} : memref<5x64xi32, #tpu.memory_space<vmem>>, vector<1x16xi32>,
    %swap3A_509 = vector.shape_cast %swap3A_508 : vector<1x16xi32> to vector<16xi32>
    %swap3A_510 = vector.shape_cast %broadcast_in_dim3A_463 : vector<16xi32> to vector<1x16xi32>
    tpu.vector_store %arg7[%swap3A_506, %swap3A_507], %swap3A_510 {strides = array<i32>} : memref<5x64xi32, #tpu.memory_space<vmem>>, vector<1x16xi32>,
    %add3A_511 = arith.constant 19968 : i32
    %add3A_512 = arith.addi %add3A_7, %add3A_511 : i32
    %add3A_513 = arith.constant 19968 : i32
    %add3A_514 = arith.addi %add3A, %add3A_513 : i32
    %dma_start3A_515 = arith.constant 0 : i32
    %dma_start3A_516 = arith.constant 0 : i32
    %dma_start3A_517 = tpu.memref_slice %arg6[%dma_start3A_515, %dma_start3A_516] : memref<5x64xi32, #tpu.memory_space<vmem>> -> memref<1x32xi32, #tpu.memory_space<vmem>>
    %dma_start3A_518 = tpu.memref_squeeze %dma_start3A_517 : memref<1x32xi32, #tpu.memory_space<vmem>> -> memref<32xi32, #tpu.memory_space<vmem>>
    %dma_start3A_519 = tpu.memref_slice %arg2[%add3A_512] : memref<640000xi32, #tpu.memory_space<hbm>> -> memref<32xi32, #tpu.memory_space<hbm>>
    %dma_start3A_520 = arith.constant 0 : i32
    %dma_start3A_521 = tpu.memref_slice %arg6[%dma_start3A_515, %dma_start3A_520] : memref<5x64xi32, #tpu.memory_space<vmem>> -> memref<1x32xi32, #tpu.memory_space<vmem>>
    %dma_start3A_522 = tpu.memref_squeeze %dma_start3A_521 : memref<1x32xi32, #tpu.memory_space<vmem>> -> memref<32xi32, #tpu.memory_space<vmem>>
    %dma_start3A_523 = tpu.memref_slice %arg2[%add3A_512] : memref<640000xi32, #tpu.memory_space<hbm>> -> memref<32xi32, #tpu.memory_space<hbm>>
    tpu.enqueue_dma source(%dma_start3A_523 : memref<32xi32, #tpu.memory_space<hbm>>) target(%dma_start3A_522 : memref<32xi32, #tpu.memory_space<vmem>>) target_semaphore(%arg10 : memref<!tpu.dma_semaphore, #tpu.memory_space<semaphore_mem>>)
    %dma_start3A_524 = arith.constant 0 : i32
    %dma_start3A_525 = arith.constant 0 : i32
    %dma_start3A_526 = tpu.memref_slice %arg7[%dma_start3A_524, %dma_start3A_525] : memref<5x64xi32, #tpu.memory_space<vmem>> -> memref<1x32xi32, #tpu.memory_space<vmem>>
    %dma_start3A_527 = tpu.memref_squeeze %dma_start3A_526 : memref<1x32xi32, #tpu.memory_space<vmem>> -> memref<32xi32, #tpu.memory_space<vmem>>
    %dma_start3A_528 = tpu.memref_slice %arg3[%add3A_514] : memref<320000xi32, #tpu.memory_space<hbm>> -> memref<32xi32, #tpu.memory_space<hbm>>
    %dma_start3A_529 = arith.constant 0 : i32
    %dma_start3A_530 = tpu.memref_slice %arg7[%dma_start3A_524, %dma_start3A_529] : memref<5x64xi32, #tpu.memory_space<vmem>> -> memref<1x32xi32, #tpu.memory_space<vmem>>
    %dma_start3A_531 = tpu.memref_squeeze %dma_start3A_530 : memref<1x32xi32, #tpu.memory_space<vmem>> -> memref<32xi32, #tpu.memory_space<vmem>>
    %dma_start3A_532 = tpu.memref_slice %arg3[%add3A_514] : memref<320000xi32, #tpu.memory_space<hbm>> -> memref<32xi32, #tpu.memory_space<hbm>>
    tpu.enqueue_dma source(%dma_start3A_532 : memref<32xi32, #tpu.memory_space<hbm>>) target(%dma_start3A_531 : memref<32xi32, #tpu.memory_space<vmem>>) target_semaphore(%arg15 : memref<!tpu.dma_semaphore, #tpu.memory_space<semaphore_mem>>)
    %dma_wait3A_533 = arith.constant 0 : i32
    %dma_wait3A_534 = arith.constant 0 : i32
    %dma_wait3A_535 = tpu.memref_slice %arg6[%dma_wait3A_533, %dma_wait3A_534] : memref<5x64xi32, #tpu.memory_space<vmem>> -> memref<1x32xi32, #tpu.memory_space<vmem>>
    %dma_wait3A_536 = tpu.memref_squeeze %dma_wait3A_535 : memref<1x32xi32, #tpu.memory_space<vmem>> -> memref<32xi32, #tpu.memory_space<vmem>>
    %dma_wait3A_537 = tpu.memref_slice %arg2[%add3A_512] : memref<640000xi32, #tpu.memory_space<hbm>> -> memref<32xi32, #tpu.memory_space<hbm>>
    %dma_wait3A_538 = arith.constant 0 : i32
    %dma_wait3A_539 = tpu.memref_slice %arg6[%dma_wait3A_533, %dma_wait3A_538] : memref<5x64xi32, #tpu.memory_space<vmem>> -> memref<1x32xi32, #tpu.memory_space<vmem>>
    %dma_wait3A_540 = tpu.memref_squeeze %dma_wait3A_539 : memref<1x32xi32, #tpu.memory_space<vmem>> -> memref<32xi32, #tpu.memory_space<vmem>>
    %dma_wait3A_541 = tpu.memref_slice %arg2[%add3A_512] : memref<640000xi32, #tpu.memory_space<hbm>> -> memref<32xi32, #tpu.memory_space<hbm>>
    tpu.wait_dma2 semaphore(%arg10 : memref<!tpu.dma_semaphore, #tpu.memory_space<semaphore_mem>>) src(%dma_wait3A_541 : memref<32xi32, #tpu.memory_space<hbm>>) dst(%dma_wait3A_540 : memref<32xi32, #tpu.memory_space<vmem>>)
    %dma_wait3A_542 = arith.constant 0 : i32
    %dma_wait3A_543 = arith.constant 0 : i32
    %dma_wait3A_544 = tpu.memref_slice %arg7[%dma_wait3A_542, %dma_wait3A_543] : memref<5x64xi32, #tpu.memory_space<vmem>> -> memref<1x32xi32, #tpu.memory_space<vmem>>
    %dma_wait3A_545 = tpu.memref_squeeze %dma_wait3A_544 : memref<1x32xi32, #tpu.memory_space<vmem>> -> memref<32xi32, #tpu.memory_space<vmem>>
    %dma_wait3A_546 = tpu.memref_slice %arg3[%add3A_514] : memref<320000xi32, #tpu.memory_space<hbm>> -> memref<32xi32, #tpu.memory_space<hbm>>
    %dma_wait3A_547 = arith.constant 0 : i32
    %dma_wait3A_548 = tpu.memref_slice %arg7[%dma_wait3A_542, %dma_wait3A_547] : memref<5x64xi32, #tpu.memory_space<vmem>> -> memref<1x32xi32, #tpu.memory_space<vmem>>
    %dma_wait3A_549 = tpu.memref_squeeze %dma_wait3A_548 : memref<1x32xi32, #tpu.memory_space<vmem>> -> memref<32xi32, #tpu.memory_space<vmem>>
    %dma_wait3A_550 = tpu.memref_slice %arg3[%add3A_514] : memref<320000xi32, #tpu.memory_space<hbm>> -> memref<32xi32, #tpu.memory_space<hbm>>
    tpu.wait_dma2 semaphore(%arg15 : memref<!tpu.dma_semaphore, #tpu.memory_space<semaphore_mem>>) src(%dma_wait3A_550 : memref<32xi32, #tpu.memory_space<hbm>>) dst(%dma_wait3A_549 : memref<32xi32, #tpu.memory_space<vmem>>)
    %dma_start3A_551 = arith.constant 0 : i32
    %dma_start3A_552 = arith.constant 0 : i32
    %dma_start3A_553 = arith.constant 0 : i32
    %dma_start3A_554 = arith.constant 0 : i32
    %dma_start3A_555 = tpu.memref_slice %arg8[%dma_start3A_552, %dma_start3A_553, %dma_start3A_554] : memref<5x64x128xf32, #tpu.memory_space<vmem>> -> memref<1x64x128xf32, #tpu.memory_space<vmem>>
    %dma_start3A_556 = tpu.memref_squeeze %dma_start3A_555 : memref<1x64x128xf32, #tpu.memory_space<vmem>> -> memref<64x128xf32, #tpu.memory_space<vmem>>
    %dma_start3A_557 = arith.constant 0 : i32
    %dma_start3A_558 = tpu.memref_slice %arg6[%dma_start3A_551, %dma_start3A_557] : memref<5x64xi32, #tpu.memory_space<vmem>> -> memref<1x64xi32, #tpu.memory_space<vmem>>
    %dma_start3A_559 = tpu.memref_squeeze %dma_start3A_558 : memref<1x64xi32, #tpu.memory_space<vmem>> -> memref<64xi32, #tpu.memory_space<vmem>>
    %dma_start3A_560 = arith.constant 0 : i32
    %dma_start3A_561 = arith.constant 0 : i32
    %dma_start3A_562 = tpu.memref_slice %arg4[%dma_start3A_560, %dma_start3A_561] : memref<20000x128xf32, #tpu.memory_space<hbm>> -> memref<20000x128xf32, #tpu.memory_space<hbm>>
    tpu.enqueue_indirect_dma source(%dma_start3A_562 : memref<20000x128xf32, #tpu.memory_space<hbm>>) target(%dma_start3A_556 : memref<64x128xf32, #tpu.memory_space<vmem>>) offsets(%dma_start3A_559 : memref<64xi32, #tpu.memory_space<vmem>>) semaphore(%arg20 : memref<!tpu.dma_semaphore, #tpu.memory_space<semaphore_mem>>)
    %dma_wait3A_563 = arith.constant 0 : i32
    %dma_wait3A_564 = arith.constant 0 : i32
    %dma_wait3A_565 = arith.constant 0 : i32
    %dma_wait3A_566 = arith.constant 0 : i32
    %dma_wait3A_567 = tpu.memref_slice %arg8[%dma_wait3A_564, %dma_wait3A_565, %dma_wait3A_566] : memref<5x64x128xf32, #tpu.memory_space<vmem>> -> memref<1x64x128xf32, #tpu.memory_space<vmem>>
    %dma_wait3A_568 = tpu.memref_squeeze %dma_wait3A_567 : memref<1x64x128xf32, #tpu.memory_space<vmem>> -> memref<64x128xf32, #tpu.memory_space<vmem>>
    %dma_wait3A_569 = arith.constant 0 : i32
    %dma_wait3A_570 = tpu.memref_slice %arg6[%dma_wait3A_563, %dma_wait3A_569] : memref<5x64xi32, #tpu.memory_space<vmem>> -> memref<1x64xi32, #tpu.memory_space<vmem>>
    %dma_wait3A_571 = tpu.memref_squeeze %dma_wait3A_570 : memref<1x64xi32, #tpu.memory_space<vmem>> -> memref<64xi32, #tpu.memory_space<vmem>>
    %dma_wait3A_572 = arith.constant 0 : i32
    %dma_wait3A_573 = arith.constant 0 : i32
    %dma_wait3A_574 = tpu.memref_slice %arg4[%dma_wait3A_572, %dma_wait3A_573] : memref<20000x128xf32, #tpu.memory_space<hbm>> -> memref<20000x128xf32, #tpu.memory_space<hbm>>
    tpu.wait_indirect_dma semaphore(%arg20 : memref<!tpu.dma_semaphore, #tpu.memory_space<semaphore_mem>>) src(%dma_wait3A_574 : memref<20000x128xf32, #tpu.memory_space<hbm>>) dst(%dma_wait3A_568 : memref<64x128xf32, #tpu.memory_space<vmem>>)
    %dma_start3A_575 = arith.constant 0 : i32
    %dma_start3A_576 = arith.constant 0 : i32
    %dma_start3A_577 = arith.constant 0 : i32
    %dma_start3A_578 = arith.constant 0 : i32
    %dma_start3A_579 = tpu.memref_slice %arg8[%dma_start3A_575, %dma_start3A_577, %dma_start3A_578] : memref<5x64x128xf32, #tpu.memory_space<vmem>> -> memref<1x64x128xf32, #tpu.memory_space<vmem>>
    %dma_start3A_580 = tpu.memref_squeeze %dma_start3A_579 : memref<1x64x128xf32, #tpu.memory_space<vmem>> -> memref<64x128xf32, #tpu.memory_space<vmem>>
    %dma_start3A_581 = arith.constant 0 : i32
    %dma_start3A_582 = tpu.memref_slice %arg7[%dma_start3A_576, %dma_start3A_581] : memref<5x64xi32, #tpu.memory_space<vmem>> -> memref<1x64xi32, #tpu.memory_space<vmem>>
    %dma_start3A_583 = tpu.memref_squeeze %dma_start3A_582 : memref<1x64xi32, #tpu.memory_space<vmem>> -> memref<64xi32, #tpu.memory_space<vmem>>
    %dma_start3A_584 = arith.constant 0 : i32
    %dma_start3A_585 = arith.constant 0 : i32
    %dma_start3A_586 = tpu.memref_slice %arg9[%dma_start3A_584, %dma_start3A_585] : memref<10240x128xf32, #tpu.memory_space<vmem_shared>> -> memref<10240x128xf32, #tpu.memory_space<vmem_shared>>
    tpu.enqueue_indirect_dma source(%dma_start3A_580 : memref<64x128xf32, #tpu.memory_space<vmem>>) target(%dma_start3A_586 : memref<10240x128xf32, #tpu.memory_space<vmem_shared>>) offsets(%dma_start3A_583 : memref<64xi32, #tpu.memory_space<vmem>>) semaphore(%arg25 : memref<!tpu.dma_semaphore, #tpu.memory_space<semaphore_mem>>) {add = true}
    %dma_wait3A_587 = arith.constant 0 : i32
    %dma_wait3A_588 = arith.constant 0 : i32
    %dma_wait3A_589 = arith.constant 0 : i32
    %dma_wait3A_590 = arith.constant 0 : i32
    %dma_wait3A_591 = tpu.memref_slice %arg8[%dma_wait3A_587, %dma_wait3A_589, %dma_wait3A_590] : memref<5x64x128xf32, #tpu.memory_space<vmem>> -> memref<1x64x128xf32, #tpu.memory_space<vmem>>
    %dma_wait3A_592 = tpu.memref_squeeze %dma_wait3A_591 : memref<1x64x128xf32, #tpu.memory_space<vmem>> -> memref<64x128xf32, #tpu.memory_space<vmem>>
    %dma_wait3A_593 = arith.constant 0 : i32
    %dma_wait3A_594 = tpu.memref_slice %arg7[%dma_wait3A_588, %dma_wait3A_593] : memref<5x64xi32, #tpu.memory_space<vmem>> -> memref<1x64xi32, #tpu.memory_space<vmem>>
    %dma_wait3A_595 = tpu.memref_squeeze %dma_wait3A_594 : memref<1x64xi32, #tpu.memory_space<vmem>> -> memref<64xi32, #tpu.memory_space<vmem>>
    %dma_wait3A_596 = arith.constant 0 : i32
    %dma_wait3A_597 = arith.constant 0 : i32
    %dma_wait3A_598 = tpu.memref_slice %arg9[%dma_wait3A_596, %dma_wait3A_597] : memref<10240x128xf32, #tpu.memory_space<vmem_shared>> -> memref<10240x128xf32, #tpu.memory_space<vmem_shared>>
    tpu.wait_indirect_dma semaphore(%arg25 : memref<!tpu.dma_semaphore, #tpu.memory_space<semaphore_mem>>) src(%dma_wait3A_592 : memref<64x128xf32, #tpu.memory_space<vmem>>) dst(%dma_wait3A_598 : memref<10240x128xf32, #tpu.memory_space<vmem_shared>>)
    %barrier3A_599 = arith.constant 0 : index
    tpu.barrier barrier_id(%barrier3A_599)
    "tpu.region"() ({
      %run_scoped3A = tpu.sem_alloc : memref<!tpu.dma_semaphore, #tpu.memory_space<semaphore_mem>>
      %dma_start3A_600 = arith.constant 0 : i32
      %dma_start3A_601 = tpu.memref_slice %arg5[%arg0, %mul3A_9, %dma_start3A_600] : memref<2x10240x128xf32, #tpu.memory_space<hbm>> -> memref<1x640x128xf32, #tpu.memory_space<hbm>>
      %dma_start3A_602 = tpu.memref_squeeze %dma_start3A_601 : memref<1x640x128xf32, #tpu.memory_space<hbm>> -> memref<640x128xf32, #tpu.memory_space<hbm>>
      %dma_start3A_603 = arith.constant 0 : i32
      %dma_start3A_604 = tpu.memref_slice %arg9[%mul3A_9, %dma_start3A_603] : memref<10240x128xf32, #tpu.memory_space<vmem_shared>> -> memref<640x128xf32, #tpu.memory_space<vmem_shared>>
      tpu.enqueue_dma source(%dma_start3A_604 : memref<640x128xf32, #tpu.memory_space<vmem_shared>>) target(%dma_start3A_602 : memref<640x128xf32, #tpu.memory_space<hbm>>) target_semaphore(%run_scoped3A : memref<!tpu.dma_semaphore, #tpu.memory_space<semaphore_mem>>)
      %dma_wait3A_605 = arith.constant 0 : i32
      %dma_wait3A_606 = tpu.memref_slice %arg5[%arg0, %mul3A_9, %dma_wait3A_605] : memref<2x10240x128xf32, #tpu.memory_space<hbm>> -> memref<1x640x128xf32, #tpu.memory_space<hbm>>
      %dma_wait3A_607 = tpu.memref_squeeze %dma_wait3A_606 : memref<1x640x128xf32, #tpu.memory_space<hbm>> -> memref<640x128xf32, #tpu.memory_space<hbm>>
      %dma_wait3A_608 = arith.constant 0 : i32
      %dma_wait3A_609 = tpu.memref_slice %arg9[%mul3A_9, %dma_wait3A_608] : memref<10240x128xf32, #tpu.memory_space<vmem_shared>> -> memref<640x128xf32, #tpu.memory_space<vmem_shared>>
      tpu.wait_dma2 semaphore(%run_scoped3A : memref<!tpu.dma_semaphore, #tpu.memory_space<semaphore_mem>>) src(%dma_wait3A_609 : memref<640x128xf32, #tpu.memory_space<vmem_shared>>) dst(%dma_wait3A_607 : memref<640x128xf32, #tpu.memory_space<hbm>>)
      tpu.yield
    }) : () -> ()
    return
  }
}

module attributes {stable_mosaic.version = 14 : i64} {
  func.func @body(%arg0: i32, %arg1: memref<2000x128xf32, #tpu.memory_space<vmem>>, %arg2: memref<2x2000x128xf32, #tpu.memory_space<vmem>>, %arg3: memref<2000x1xi32, #tpu.memory_space<vmem>>, %arg4: memref<128x256xf32, #tpu.memory_space<vmem>>, %arg5: memref<1x256xf32, #tpu.memory_space<vmem>>, %arg6: memref<256x256xf32, #tpu.memory_space<vmem>>, %arg7: memref<1x256xf32, #tpu.memory_space<vmem>>, %arg8: memref<2x2000x128xf32, #tpu.memory_space<vmem>>, %arg9: memref<64x128xf32, #tpu.memory_space<vmem>>, %arg10: memref<64x256xf32, #tpu.memory_space<vmem>>) attributes {dimension_semantics = [#tpu.dimension_semantics<arbitrary>], iteration_bounds = array<i64: 5>, scalar_prefetch = 0 : i64, scratch_operands = 0 : i64, tpu.core_type = #tpu.core_type<tc>, window_params = [{transform_indices = @transform_0, window_bounds = array<i64: 2000, 128>}, {transform_indices = @transform_1, window_bounds = array<i64: 2, 2000, 128>}, {transform_indices = @transform_2, window_bounds = array<i64: 2000, 1>}, {pipeline_mode = #tpu.pipeline_mode<synchronous>, transform_indices = @transform_3, window_bounds = array<i64: 128, 256>}, {pipeline_mode = #tpu.pipeline_mode<synchronous>, transform_indices = @transform_4, window_bounds = array<i64: 1, 256>}, {pipeline_mode = #tpu.pipeline_mode<synchronous>, transform_indices = @transform_5, window_bounds = array<i64: 256, 256>}, {pipeline_mode = #tpu.pipeline_mode<synchronous>, transform_indices = @transform_6, window_bounds = array<i64: 1, 256>}, {transform_indices = @transform_7, window_bounds = array<i64: 2, 2000, 128>}, {pipeline_mode = #tpu.pipeline_mode<synchronous>, transform_indices = @transform_8, window_bounds = array<i64: 64, 128>}, {pipeline_mode = #tpu.pipeline_mode<synchronous>, transform_indices = @transform_9, window_bounds = array<i64: 64, 256>}]} {
    %get3A = arith.constant 0 : index
    %get3A_0 = arith.constant 0 : index
    %get3A_1 = vector.load %arg1[%get3A, %get3A_0] : memref<2000x128xf32, #tpu.memory_space<vmem>>, vector<2000x128xf32>
    %get3A_2 = arith.constant 0 : index
    %get3A_3 = arith.constant 0 : index
    %get3A_4 = arith.constant 0 : index
    %get3A_5 = vector.load %arg2[%get3A_2, %get3A_3, %get3A_4] : memref<2x2000x128xf32, #tpu.memory_space<vmem>>, vector<1x2000x128xf32>
    %get3A_6 = vector.shape_cast %get3A_5 : vector<1x2000x128xf32> to vector<2000x128xf32>
    %get3A_7 = arith.constant 1 : index
    %get3A_8 = arith.constant 0 : index
    %get3A_9 = arith.constant 0 : index
    %get3A_10 = vector.load %arg2[%get3A_7, %get3A_8, %get3A_9] : memref<2x2000x128xf32, #tpu.memory_space<vmem>>, vector<1x2000x128xf32>
    %get3A_11 = vector.shape_cast %get3A_10 : vector<1x2000x128xf32> to vector<2000x128xf32>
    %add3A = arith.addf %get3A_6, %get3A_11 : vector<2000x128xf32>
    %sub3A = arith.subf %add3A, %get3A_1 : vector<2000x128xf32>
    %get3A_12 = arith.constant 0 : index
    %get3A_13 = arith.constant 0 : index
    %get3A_14 = vector.load %arg4[%get3A_12, %get3A_13] : memref<128x256xf32, #tpu.memory_space<vmem>>, vector<128x256xf32>
    %dot_general3A = arith.constant dense<0.000000e+00> : vector<2000x256xf32>
    %dot_general3A_15 = tpu.matmul %sub3A, %get3A_14, %dot_general3A {dimension_numbers = #tpu.dot_dimension_numbers<[1], [0], [0], [1], [0, 0, 1, 1], [], []>, transpose_lhs_hint = false} : vector<2000x128xf32>, vector<128x256xf32>, vector<2000x256xf32> -> vector<2000x256xf32>
    %get3A_16 = arith.constant 0 : index
    %get3A_17 = arith.constant 0 : index
    %get3A_18 = vector.load %arg5[%get3A_16, %get3A_17] : memref<1x256xf32, #tpu.memory_space<vmem>>, vector<1x256xf32>
    %add3A_19 = vector.broadcast %get3A_18 : vector<1x256xf32> to vector<2000x256xf32>
    %add3A_20 = arith.addf %dot_general3A_15, %add3A_19 : vector<2000x256xf32>
    %max3A = arith.constant 0.000000e+00 : f32
    %max3A_21 = vector.broadcast %max3A : f32 to vector<2000x256xf32>
    %max3A_22 = arith.maximumf %add3A_20, %max3A_21 : vector<2000x256xf32>
    %get3A_23 = arith.constant 0 : index
    %get3A_24 = arith.constant 0 : index
    %get3A_25 = vector.load %arg6[%get3A_23, %get3A_24] : memref<256x256xf32, #tpu.memory_space<vmem>>, vector<256x256xf32>
    %dot_general3A_26 = arith.constant dense<0.000000e+00> : vector<2000x256xf32>
    %dot_general3A_27 = tpu.matmul %max3A_22, %get3A_25, %dot_general3A_26 {dimension_numbers = #tpu.dot_dimension_numbers<[1], [0], [0], [1], [0, 0, 1, 1], [], []>, transpose_lhs_hint = false} : vector<2000x256xf32>, vector<256x256xf32>, vector<2000x256xf32> -> vector<2000x256xf32>
    %get3A_28 = arith.constant 0 : index
    %get3A_29 = arith.constant 0 : index
    %get3A_30 = vector.load %arg7[%get3A_28, %get3A_29] : memref<1x256xf32, #tpu.memory_space<vmem>>, vector<1x256xf32>
    %add3A_31 = vector.broadcast %get3A_30 : vector<1x256xf32> to vector<2000x256xf32>
    %add3A_32 = arith.addf %dot_general3A_27, %add3A_31 : vector<2000x256xf32>
    %max3A_33 = arith.constant 0.000000e+00 : f32
    %max3A_34 = vector.broadcast %max3A_33 : f32 to vector<2000x256xf32>
    %max3A_35 = arith.maximumf %add3A_32, %max3A_34 : vector<2000x256xf32>
    %slice3A = vector.extract_strided_slice %max3A_35 {offsets = [0, 0], sizes = [2000, 128], strides = [1, 1]} : vector<2000x256xf32> to vector<2000x128xf32>
    %swap3A = arith.constant 0 : index
    %swap3A_36 = arith.constant 0 : index
    %swap3A_37 = arith.constant 0 : index
    %swap3A_38 = vector.load %arg8[%swap3A, %swap3A_36, %swap3A_37] : memref<2x2000x128xf32, #tpu.memory_space<vmem>>, vector<1x2000x128xf32>
    %swap3A_39 = vector.shape_cast %swap3A_38 : vector<1x2000x128xf32> to vector<2000x128xf32>
    %swap3A_40 = vector.shape_cast %slice3A : vector<2000x128xf32> to vector<1x2000x128xf32>
    tpu.vector_store %arg8[%swap3A, %swap3A_36, %swap3A_37], %swap3A_40 {strides = array<i32>} : memref<2x2000x128xf32, #tpu.memory_space<vmem>>, vector<1x2000x128xf32>,
    %slice3A_41 = vector.extract_strided_slice %max3A_35 {offsets = [0, 128], sizes = [2000, 128], strides = [1, 1]} : vector<2000x256xf32> to vector<2000x128xf32>
    %swap3A_42 = arith.constant 1 : index
    %swap3A_43 = arith.constant 0 : index
    %swap3A_44 = arith.constant 0 : index
    %swap3A_45 = vector.load %arg8[%swap3A_42, %swap3A_43, %swap3A_44] : memref<2x2000x128xf32, #tpu.memory_space<vmem>>, vector<1x2000x128xf32>
    %swap3A_46 = vector.shape_cast %swap3A_45 : vector<1x2000x128xf32> to vector<2000x128xf32>
    %swap3A_47 = vector.shape_cast %slice3A_41 : vector<2000x128xf32> to vector<1x2000x128xf32>
    tpu.vector_store %arg8[%swap3A_42, %swap3A_43, %swap3A_44], %swap3A_47 {strides = array<i32>} : memref<2x2000x128xf32, #tpu.memory_space<vmem>>, vector<1x2000x128xf32>,
    %iota3A = tpu.iota {dimensions = array<i32: 1>} : vector<1x64xi32>
    %get3A_48 = arith.constant 0 : index
    %get3A_49 = arith.constant 0 : index
    %get3A_50 = vector.load %arg3[%get3A_48, %get3A_49] : memref<2000x1xi32, #tpu.memory_space<vmem>>, vector<2000x1xi32>
    %eq3A = vector.broadcast %get3A_50 : vector<2000x1xi32> to vector<2000x64xi32>
    %eq3A_51 = vector.broadcast %iota3A : vector<1x64xi32> to vector<2000x64xi32>
    %eq3A_52 = arith.cmpi eq, %eq3A, %eq3A_51 : vector<2000x64xi32>
    %convert_element_type3A = arith.extui %eq3A_52 : vector<2000x64xi1> to vector<2000x64xi32>
    %convert_element_type3A_53 = arith.sitofp %convert_element_type3A : vector<2000x64xi32> to vector<2000x64xf32>
    %dot_general3A_54 = arith.constant dense<0.000000e+00> : vector<64x128xf32>
    %dot_general3A_55 = tpu.matmul %convert_element_type3A_53, %get3A_1, %dot_general3A_54 {dimension_numbers = #tpu.dot_dimension_numbers<[0], [0], [1], [1], [0, 1, 1, 1], [], []>, transpose_lhs_hint = false} : vector<2000x64xf32>, vector<2000x128xf32>, vector<64x128xf32> -> vector<64x128xf32>
    %dot_general3A_56 = arith.constant dense<0.000000e+00> : vector<64x256xf32>
    %dot_general3A_57 = tpu.matmul %convert_element_type3A_53, %max3A_35, %dot_general3A_56 {dimension_numbers = #tpu.dot_dimension_numbers<[0], [0], [1], [1], [0, 1, 1, 1], [], []>, transpose_lhs_hint = false} : vector<2000x64xf32>, vector<2000x256xf32>, vector<64x256xf32> -> vector<64x256xf32>
    %eq3A_58 = arith.constant 0 : i32
    %eq3A_59 = arith.cmpi eq, %arg0, %eq3A_58 : i32
    %convert_element_type3A_60 = arith.extui %eq3A_59 : i1 to i32
    %cond3A = arith.constant 0 : i32
    %cond3A_61 = arith.cmpi ne, %convert_element_type3A_60, %cond3A : i32
    scf.if %cond3A_61 {
      %swap3A_66 = arith.constant 0 : index
      %swap3A_67 = arith.constant 0 : index
      %swap3A_68 = vector.load %arg9[%swap3A_66, %swap3A_67] : memref<64x128xf32, #tpu.memory_space<vmem>>, vector<64x128xf32>
      tpu.vector_store %arg9[%swap3A_66, %swap3A_67], %dot_general3A_55 {strides = array<i32>} : memref<64x128xf32, #tpu.memory_space<vmem>>, vector<64x128xf32>,
      %swap3A_69 = arith.constant 0 : index
      %swap3A_70 = arith.constant 0 : index
      %swap3A_71 = vector.load %arg10[%swap3A_69, %swap3A_70] : memref<64x256xf32, #tpu.memory_space<vmem>>, vector<64x256xf32>
      tpu.vector_store %arg10[%swap3A_69, %swap3A_70], %dot_general3A_57 {strides = array<i32>} : memref<64x256xf32, #tpu.memory_space<vmem>>, vector<64x256xf32>,
    } else {
    }
    %gt3A = arith.constant 0 : i32
    %gt3A_62 = arith.cmpi sgt, %arg0, %gt3A : i32
    %convert_element_type3A_63 = arith.extui %gt3A_62 : i1 to i32
    %cond3A_64 = arith.constant 0 : i32
    %cond3A_65 = arith.cmpi ne, %convert_element_type3A_63, %cond3A_64 : i32
    scf.if %cond3A_65 {
      %get3A_66 = arith.constant 0 : index
      %get3A_67 = arith.constant 0 : index
      %get3A_68 = vector.load %arg9[%get3A_66, %get3A_67] : memref<64x128xf32, #tpu.memory_space<vmem>>, vector<64x128xf32>
      %add3A_69 = arith.addf %get3A_68, %dot_general3A_55 : vector<64x128xf32>
      %swap3A_70 = arith.constant 0 : index
      %swap3A_71 = arith.constant 0 : index
      %swap3A_72 = vector.load %arg9[%swap3A_70, %swap3A_71] : memref<64x128xf32, #tpu.memory_space<vmem>>, vector<64x128xf32>
      tpu.vector_store %arg9[%swap3A_70, %swap3A_71], %add3A_69 {strides = array<i32>} : memref<64x128xf32, #tpu.memory_space<vmem>>, vector<64x128xf32>,
      %get3A_73 = arith.constant 0 : index
      %get3A_74 = arith.constant 0 : index
      %get3A_75 = vector.load %arg10[%get3A_73, %get3A_74] : memref<64x256xf32, #tpu.memory_space<vmem>>, vector<64x256xf32>
      %add3A_76 = arith.addf %get3A_75, %dot_general3A_57 : vector<64x256xf32>
      %swap3A_77 = arith.constant 0 : index
      %swap3A_78 = arith.constant 0 : index
      %swap3A_79 = vector.load %arg10[%swap3A_77, %swap3A_78] : memref<64x256xf32, #tpu.memory_space<vmem>>, vector<64x256xf32>
      tpu.vector_store %arg10[%swap3A_77, %swap3A_78], %add3A_76 {strides = array<i32>} : memref<64x256xf32, #tpu.memory_space<vmem>>, vector<64x256xf32>,
    } else {
    }
    return
  }
  func.func @transform_0(%arg0: i32) -> (i32, i32) {
    %c0_i32 = arith.constant 0 : i32
    %c0_i32_0 = arith.constant 0 : i32
    return %arg0, %c0_i32 : i32, i32
  }
  func.func @transform_1(%arg0: i32) -> (i32, i32, i32) {
    %c0_i32 = arith.constant 0 : i32
    %c0_i32_0 = arith.constant 0 : i32
    %c0_i32_1 = arith.constant 0 : i32
    return %c0_i32, %arg0, %c0_i32_0 : i32, i32, i32
  }
  func.func @transform_2(%arg0: i32) -> (i32, i32) {
    %c0_i32 = arith.constant 0 : i32
    %c0_i32_0 = arith.constant 0 : i32
    return %arg0, %c0_i32 : i32, i32
  }
  func.func @transform_3(%arg0: i32) -> (i32, i32) {
    %c0_i32 = arith.constant 0 : i32
    %c0_i32_0 = arith.constant 0 : i32
    %c0_i32_1 = arith.constant 0 : i32
    return %c0_i32, %c0_i32_0 : i32, i32
  }
  func.func @transform_4(%arg0: i32) -> (i32, i32) {
    %c0_i32 = arith.constant 0 : i32
    %c0_i32_0 = arith.constant 0 : i32
    %c0_i32_1 = arith.constant 0 : i32
    return %c0_i32, %c0_i32_0 : i32, i32
  }
  func.func @transform_5(%arg0: i32) -> (i32, i32) {
    %c0_i32 = arith.constant 0 : i32
    %c0_i32_0 = arith.constant 0 : i32
    %c0_i32_1 = arith.constant 0 : i32
    return %c0_i32, %c0_i32_0 : i32, i32
  }
  func.func @transform_6(%arg0: i32) -> (i32, i32) {
    %c0_i32 = arith.constant 0 : i32
    %c0_i32_0 = arith.constant 0 : i32
    %c0_i32_1 = arith.constant 0 : i32
    return %c0_i32, %c0_i32_0 : i32, i32
  }
  func.func @transform_7(%arg0: i32) -> (i32, i32, i32) {
    %c0_i32 = arith.constant 0 : i32
    %c0_i32_0 = arith.constant 0 : i32
    %c0_i32_1 = arith.constant 0 : i32
    return %c0_i32, %arg0, %c0_i32_0 : i32, i32, i32
  }
  func.func @transform_8(%arg0: i32) -> (i32, i32) {
    %c0_i32 = arith.constant 0 : i32
    %c0_i32_0 = arith.constant 0 : i32
    %c0_i32_1 = arith.constant 0 : i32
    return %c0_i32, %c0_i32_0 : i32, i32
  }
  func.func @transform_9(%arg0: i32) -> (i32, i32) {
    %c0_i32 = arith.constant 0 : i32
    %c0_i32_0 = arith.constant 0 : i32
    %c0_i32_1 = arith.constant 0 : i32
    return %c0_i32, %c0_i32_0 : i32, i32
  }
}

module attributes {stable_mosaic.version = 14 : i64} {
  func.func @body(%arg0: i32, %arg1: memref<2x2000x128xf32, #tpu.memory_space<vmem>>, %arg2: memref<2000x1xi32, #tpu.memory_space<vmem>>, %arg3: memref<128x256xf32, #tpu.memory_space<vmem>>, %arg4: memref<128x256xf32, #tpu.memory_space<vmem>>, %arg5: memref<1x256xf32, #tpu.memory_space<vmem>>, %arg6: memref<256x256xf32, #tpu.memory_space<vmem>>, %arg7: memref<1x256xf32, #tpu.memory_space<vmem>>, %arg8: memref<64x128xf32, #tpu.memory_space<vmem>>, %arg9: memref<64x256xf32, #tpu.memory_space<vmem>>, %arg10: memref<128x128xf32, #tpu.memory_space<vmem>>, %arg11: memref<256x128xf32, #tpu.memory_space<vmem>>, %arg12: memref<256x128xf32, #tpu.memory_space<vmem>>, %arg13: memref<1x128xf32, #tpu.memory_space<vmem>>, %arg14: memref<64x128xf32, #tpu.memory_space<vmem>>, %arg15: memref<64x256xf32, #tpu.memory_space<vmem>>) attributes {dimension_semantics = [#tpu.dimension_semantics<arbitrary>], iteration_bounds = array<i64: 5>, scalar_prefetch = 0 : i64, scratch_operands = 1 : i64, tpu.core_type = #tpu.core_type<tc>, window_params = [{transform_indices = @transform_0, window_bounds = array<i64: 2, 2000, 128>}, {transform_indices = @transform_1, window_bounds = array<i64: 2000, 1>}, {pipeline_mode = #tpu.pipeline_mode<synchronous>, transform_indices = @transform_2, window_bounds = array<i64: 128, 256>}, {pipeline_mode = #tpu.pipeline_mode<synchronous>, transform_indices = @transform_3, window_bounds = array<i64: 128, 256>}, {pipeline_mode = #tpu.pipeline_mode<synchronous>, transform_indices = @transform_4, window_bounds = array<i64: 1, 256>}, {pipeline_mode = #tpu.pipeline_mode<synchronous>, transform_indices = @transform_5, window_bounds = array<i64: 256, 256>}, {pipeline_mode = #tpu.pipeline_mode<synchronous>, transform_indices = @transform_6, window_bounds = array<i64: 1, 256>}, {pipeline_mode = #tpu.pipeline_mode<synchronous>, transform_indices = @transform_7, window_bounds = array<i64: 64, 128>}, {pipeline_mode = #tpu.pipeline_mode<synchronous>, transform_indices = @transform_8, window_bounds = array<i64: 64, 256>}, {pipeline_mode = #tpu.pipeline_mode<synchronous>, transform_indices = @transform_9, window_bounds = array<i64: 128, 128>}, {pipeline_mode = #tpu.pipeline_mode<synchronous>, transform_indices = @transform_10, window_bounds = array<i64: 256, 128>}, {pipeline_mode = #tpu.pipeline_mode<synchronous>, transform_indices = @transform_11, window_bounds = array<i64: 256, 128>}, {pipeline_mode = #tpu.pipeline_mode<synchronous>, transform_indices = @transform_12, window_bounds = array<i64: 1, 128>}, {pipeline_mode = #tpu.pipeline_mode<synchronous>, transform_indices = @transform_13, window_bounds = array<i64: 64, 128>}]} {
    %get3A = arith.constant 0 : index
    %get3A_0 = arith.constant 0 : index
    %get3A_1 = arith.constant 0 : index
    %get3A_2 = vector.load %arg1[%get3A, %get3A_0, %get3A_1] : memref<2x2000x128xf32, #tpu.memory_space<vmem>>, vector<1x2000x128xf32>
    %get3A_3 = vector.shape_cast %get3A_2 : vector<1x2000x128xf32> to vector<2000x128xf32>
    %get3A_4 = arith.constant 1 : index
    %get3A_5 = arith.constant 0 : index
    %get3A_6 = arith.constant 0 : index
    %get3A_7 = vector.load %arg1[%get3A_4, %get3A_5, %get3A_6] : memref<2x2000x128xf32, #tpu.memory_space<vmem>>, vector<1x2000x128xf32>
    %get3A_8 = vector.shape_cast %get3A_7 : vector<1x2000x128xf32> to vector<2000x128xf32>
    %get3A_9 = arith.constant 0 : index
    %get3A_10 = arith.constant 0 : index
    %get3A_11 = vector.load %arg3[%get3A_9, %get3A_10] : memref<128x256xf32, #tpu.memory_space<vmem>>, vector<128x256xf32>
    %dot_general3A = arith.constant dense<0.000000e+00> : vector<2000x256xf32>
    %dot_general3A_12 = tpu.matmul %get3A_3, %get3A_11, %dot_general3A {dimension_numbers = #tpu.dot_dimension_numbers<[1], [0], [0], [1], [0, 0, 1, 1], [], []>, transpose_lhs_hint = false} : vector<2000x128xf32>, vector<128x256xf32>, vector<2000x256xf32> -> vector<2000x256xf32>
    %get3A_13 = arith.constant 0 : index
    %get3A_14 = arith.constant 0 : index
    %get3A_15 = vector.load %arg4[%get3A_13, %get3A_14] : memref<128x256xf32, #tpu.memory_space<vmem>>, vector<128x256xf32>
    %dot_general3A_16 = arith.constant dense<0.000000e+00> : vector<2000x256xf32>
    %dot_general3A_17 = tpu.matmul %get3A_8, %get3A_15, %dot_general3A_16 {dimension_numbers = #tpu.dot_dimension_numbers<[1], [0], [0], [1], [0, 0, 1, 1], [], []>, transpose_lhs_hint = false} : vector<2000x128xf32>, vector<128x256xf32>, vector<2000x256xf32> -> vector<2000x256xf32>
    %add3A = arith.addf %dot_general3A_12, %dot_general3A_17 : vector<2000x256xf32>
    %get3A_18 = arith.constant 0 : index
    %get3A_19 = arith.constant 0 : index
    %get3A_20 = vector.load %arg5[%get3A_18, %get3A_19] : memref<1x256xf32, #tpu.memory_space<vmem>>, vector<1x256xf32>
    %add3A_21 = vector.broadcast %get3A_20 : vector<1x256xf32> to vector<2000x256xf32>
    %add3A_22 = arith.addf %add3A, %add3A_21 : vector<2000x256xf32>
    %max3A = arith.constant 0.000000e+00 : f32
    %max3A_23 = vector.broadcast %max3A : f32 to vector<2000x256xf32>
    %max3A_24 = arith.maximumf %add3A_22, %max3A_23 : vector<2000x256xf32>
    %get3A_25 = arith.constant 0 : index
    %get3A_26 = arith.constant 0 : index
    %get3A_27 = vector.load %arg6[%get3A_25, %get3A_26] : memref<256x256xf32, #tpu.memory_space<vmem>>, vector<256x256xf32>
    %dot_general3A_28 = arith.constant dense<0.000000e+00> : vector<2000x256xf32>
    %dot_general3A_29 = tpu.matmul %max3A_24, %get3A_27, %dot_general3A_28 {dimension_numbers = #tpu.dot_dimension_numbers<[1], [0], [0], [1], [0, 0, 1, 1], [], []>, transpose_lhs_hint = false} : vector<2000x256xf32>, vector<256x256xf32>, vector<2000x256xf32> -> vector<2000x256xf32>
    %get3A_30 = arith.constant 0 : index
    %get3A_31 = arith.constant 0 : index
    %get3A_32 = vector.load %arg7[%get3A_30, %get3A_31] : memref<1x256xf32, #tpu.memory_space<vmem>>, vector<1x256xf32>
    %add3A_33 = vector.broadcast %get3A_32 : vector<1x256xf32> to vector<2000x256xf32>
    %add3A_34 = arith.addf %dot_general3A_29, %add3A_33 : vector<2000x256xf32>
    %max3A_35 = arith.constant 0.000000e+00 : f32
    %max3A_36 = vector.broadcast %max3A_35 : f32 to vector<2000x256xf32>
    %max3A_37 = arith.maximumf %add3A_34, %max3A_36 : vector<2000x256xf32>
    %iota3A = tpu.iota {dimensions = array<i32: 1>} : vector<1x64xi32>
    %get3A_38 = arith.constant 0 : index
    %get3A_39 = arith.constant 0 : index
    %get3A_40 = vector.load %arg2[%get3A_38, %get3A_39] : memref<2000x1xi32, #tpu.memory_space<vmem>>, vector<2000x1xi32>
    %eq3A = vector.broadcast %get3A_40 : vector<2000x1xi32> to vector<2000x64xi32>
    %eq3A_41 = vector.broadcast %iota3A : vector<1x64xi32> to vector<2000x64xi32>
    %eq3A_42 = arith.cmpi eq, %eq3A, %eq3A_41 : vector<2000x64xi32>
    %convert_element_type3A = arith.extui %eq3A_42 : vector<2000x64xi1> to vector<2000x64xi32>
    %convert_element_type3A_43 = arith.sitofp %convert_element_type3A : vector<2000x64xi32> to vector<2000x64xf32>
    %dot_general3A_44 = arith.constant dense<0.000000e+00> : vector<64x256xf32>
    %dot_general3A_45 = tpu.matmul %convert_element_type3A_43, %max3A_37, %dot_general3A_44 {dimension_numbers = #tpu.dot_dimension_numbers<[0], [0], [1], [1], [0, 1, 1, 1], [], []>, transpose_lhs_hint = false} : vector<2000x64xf32>, vector<2000x256xf32>, vector<64x256xf32> -> vector<64x256xf32>
    %eq3A_46 = arith.constant 0 : i32
    %eq3A_47 = arith.cmpi eq, %arg0, %eq3A_46 : i32
    %convert_element_type3A_48 = arith.extui %eq3A_47 : i1 to i32
    %cond3A = arith.constant 0 : i32
    %cond3A_49 = arith.cmpi ne, %convert_element_type3A_48, %cond3A : i32
    scf.if %cond3A_49 {
      %swap3A = arith.constant 0 : index
      %swap3A_59 = arith.constant 0 : index
      %swap3A_60 = vector.load %arg15[%swap3A, %swap3A_59] : memref<64x256xf32, #tpu.memory_space<vmem>>, vector<64x256xf32>
      tpu.vector_store %arg15[%swap3A, %swap3A_59], %dot_general3A_45 {strides = array<i32>} : memref<64x256xf32, #tpu.memory_space<vmem>>, vector<64x256xf32>,
    } else {
    }
    %gt3A = arith.constant 0 : i32
    %gt3A_50 = arith.cmpi sgt, %arg0, %gt3A : i32
    %convert_element_type3A_51 = arith.extui %gt3A_50 : i1 to i32
    %cond3A_52 = arith.constant 0 : i32
    %cond3A_53 = arith.cmpi ne, %convert_element_type3A_51, %cond3A_52 : i32
    scf.if %cond3A_53 {
      %get3A_59 = arith.constant 0 : index
      %get3A_60 = arith.constant 0 : index
      %get3A_61 = vector.load %arg15[%get3A_59, %get3A_60] : memref<64x256xf32, #tpu.memory_space<vmem>>, vector<64x256xf32>
      %add3A_62 = arith.addf %get3A_61, %dot_general3A_45 : vector<64x256xf32>
      %swap3A = arith.constant 0 : index
      %swap3A_63 = arith.constant 0 : index
      %swap3A_64 = vector.load %arg15[%swap3A, %swap3A_63] : memref<64x256xf32, #tpu.memory_space<vmem>>, vector<64x256xf32>
      tpu.vector_store %arg15[%swap3A, %swap3A_63], %add3A_62 {strides = array<i32>} : memref<64x256xf32, #tpu.memory_space<vmem>>, vector<64x256xf32>,
    } else {
    }
    %eq3A_54 = arith.constant 4 : i32
    %eq3A_55 = arith.cmpi eq, %arg0, %eq3A_54 : i32
    %convert_element_type3A_56 = arith.extui %eq3A_55 : i1 to i32
    %cond3A_57 = arith.constant 0 : i32
    %cond3A_58 = arith.cmpi ne, %convert_element_type3A_56, %cond3A_57 : i32
    scf.if %cond3A_58 {
      %get3A_59 = arith.constant 0 : index
      %get3A_60 = arith.constant 0 : index
      %get3A_61 = vector.load %arg8[%get3A_59, %get3A_60] : memref<64x128xf32, #tpu.memory_space<vmem>>, vector<64x128xf32>
      %get3A_62 = arith.constant 0 : index
      %get3A_63 = arith.constant 0 : index
      %get3A_64 = vector.load %arg10[%get3A_62, %get3A_63] : memref<128x128xf32, #tpu.memory_space<vmem>>, vector<128x128xf32>
      %dot_general3A_65 = arith.constant dense<0.000000e+00> : vector<64x128xf32>
      %dot_general3A_66 = tpu.matmul %get3A_61, %get3A_64, %dot_general3A_65 {dimension_numbers = #tpu.dot_dimension_numbers<[1], [0], [0], [1], [0, 0, 1, 1], [], []>, transpose_lhs_hint = false} : vector<64x128xf32>, vector<128x128xf32>, vector<64x128xf32> -> vector<64x128xf32>
      %get3A_67 = arith.constant 0 : index
      %get3A_68 = arith.constant 0 : index
      %get3A_69 = vector.load %arg9[%get3A_67, %get3A_68] : memref<64x256xf32, #tpu.memory_space<vmem>>, vector<64x256xf32>
      %get3A_70 = arith.constant 0 : index
      %get3A_71 = arith.constant 0 : index
      %get3A_72 = vector.load %arg11[%get3A_70, %get3A_71] : memref<256x128xf32, #tpu.memory_space<vmem>>, vector<256x128xf32>
      %dot_general3A_73 = arith.constant dense<0.000000e+00> : vector<64x128xf32>
      %dot_general3A_74 = tpu.matmul %get3A_69, %get3A_72, %dot_general3A_73 {dimension_numbers = #tpu.dot_dimension_numbers<[1], [0], [0], [1], [0, 0, 1, 1], [], []>, transpose_lhs_hint = false} : vector<64x256xf32>, vector<256x128xf32>, vector<64x128xf32> -> vector<64x128xf32>
      %add3A_75 = arith.addf %dot_general3A_66, %dot_general3A_74 : vector<64x128xf32>
      %get3A_76 = arith.constant 0 : index
      %get3A_77 = arith.constant 0 : index
      %get3A_78 = vector.load %arg15[%get3A_76, %get3A_77] : memref<64x256xf32, #tpu.memory_space<vmem>>, vector<64x256xf32>
      %get3A_79 = arith.constant 0 : index
      %get3A_80 = arith.constant 0 : index
      %get3A_81 = vector.load %arg12[%get3A_79, %get3A_80] : memref<256x128xf32, #tpu.memory_space<vmem>>, vector<256x128xf32>
      %dot_general3A_82 = arith.constant dense<0.000000e+00> : vector<64x128xf32>
      %dot_general3A_83 = tpu.matmul %get3A_78, %get3A_81, %dot_general3A_82 {dimension_numbers = #tpu.dot_dimension_numbers<[1], [0], [0], [1], [0, 0, 1, 1], [], []>, transpose_lhs_hint = false} : vector<64x256xf32>, vector<256x128xf32>, vector<64x128xf32> -> vector<64x128xf32>
      %add3A_84 = arith.addf %add3A_75, %dot_general3A_83 : vector<64x128xf32>
      %get3A_85 = arith.constant 0 : index
      %get3A_86 = arith.constant 0 : index
      %get3A_87 = vector.load %arg13[%get3A_85, %get3A_86] : memref<1x128xf32, #tpu.memory_space<vmem>>, vector<1x128xf32>
      %add3A_88 = vector.broadcast %get3A_87 : vector<1x128xf32> to vector<64x128xf32>
      %add3A_89 = arith.addf %add3A_84, %add3A_88 : vector<64x128xf32>
      %swap3A = arith.constant 0 : index
      %swap3A_90 = arith.constant 0 : index
      %swap3A_91 = vector.load %arg14[%swap3A, %swap3A_90] : memref<64x128xf32, #tpu.memory_space<vmem>>, vector<64x128xf32>
      tpu.vector_store %arg14[%swap3A, %swap3A_90], %add3A_89 {strides = array<i32>} : memref<64x128xf32, #tpu.memory_space<vmem>>, vector<64x128xf32>,
    } else {
    }
    return
  }
  func.func @transform_0(%arg0: i32) -> (i32, i32, i32) {
    %c0_i32 = arith.constant 0 : i32
    %c0_i32_0 = arith.constant 0 : i32
    %c0_i32_1 = arith.constant 0 : i32
    return %c0_i32, %arg0, %c0_i32_0 : i32, i32, i32
  }
  func.func @transform_1(%arg0: i32) -> (i32, i32) {
    %c0_i32 = arith.constant 0 : i32
    %c0_i32_0 = arith.constant 0 : i32
    return %arg0, %c0_i32 : i32, i32
  }
  func.func @transform_2(%arg0: i32) -> (i32, i32) {
    %c0_i32 = arith.constant 0 : i32
    %c0_i32_0 = arith.constant 0 : i32
    %c0_i32_1 = arith.constant 0 : i32
    return %c0_i32, %c0_i32_0 : i32, i32
  }
  func.func @transform_3(%arg0: i32) -> (i32, i32) {
    %c0_i32 = arith.constant 0 : i32
    %c0_i32_0 = arith.constant 0 : i32
    %c0_i32_1 = arith.constant 0 : i32
    return %c0_i32, %c0_i32_0 : i32, i32
  }
  func.func @transform_4(%arg0: i32) -> (i32, i32) {
    %c0_i32 = arith.constant 0 : i32
    %c0_i32_0 = arith.constant 0 : i32
    %c0_i32_1 = arith.constant 0 : i32
    return %c0_i32, %c0_i32_0 : i32, i32
  }
  func.func @transform_5(%arg0: i32) -> (i32, i32) {
    %c0_i32 = arith.constant 0 : i32
    %c0_i32_0 = arith.constant 0 : i32
    %c0_i32_1 = arith.constant 0 : i32
    return %c0_i32, %c0_i32_0 : i32, i32
  }
  func.func @transform_6(%arg0: i32) -> (i32, i32) {
    %c0_i32 = arith.constant 0 : i32
    %c0_i32_0 = arith.constant 0 : i32
    %c0_i32_1 = arith.constant 0 : i32
    return %c0_i32, %c0_i32_0 : i32, i32
  }
  func.func @transform_7(%arg0: i32) -> (i32, i32) {
    %c0_i32 = arith.constant 0 : i32
    %c0_i32_0 = arith.constant 0 : i32
    %c0_i32_1 = arith.constant 0 : i32
    return %c0_i32, %c0_i32_0 : i32, i32
  }
  func.func @transform_8(%arg0: i32) -> (i32, i32) {
    %c0_i32 = arith.constant 0 : i32
    %c0_i32_0 = arith.constant 0 : i32
    %c0_i32_1 = arith.constant 0 : i32
    return %c0_i32, %c0_i32_0 : i32, i32
  }
  func.func @transform_9(%arg0: i32) -> (i32, i32) {
    %c0_i32 = arith.constant 0 : i32
    %c0_i32_0 = arith.constant 0 : i32
    %c0_i32_1 = arith.constant 0 : i32
    return %c0_i32, %c0_i32_0 : i32, i32
  }
  func.func @transform_10(%arg0: i32) -> (i32, i32) {
    %c0_i32 = arith.constant 0 : i32
    %c0_i32_0 = arith.constant 0 : i32
    %c0_i32_1 = arith.constant 0 : i32
    return %c0_i32, %c0_i32_0 : i32, i32
  }
  func.func @transform_11(%arg0: i32) -> (i32, i32) {
    %c0_i32 = arith.constant 0 : i32
    %c0_i32_0 = arith.constant 0 : i32
    %c0_i32_1 = arith.constant 0 : i32
    return %c0_i32, %c0_i32_0 : i32, i32
  }
  func.func @transform_12(%arg0: i32) -> (i32, i32) {
    %c0_i32 = arith.constant 0 : i32
    %c0_i32_0 = arith.constant 0 : i32
    %c0_i32_1 = arith.constant 0 : i32
    return %c0_i32, %c0_i32_0 : i32, i32
  }
  func.func @transform_13(%arg0: i32) -> (i32, i32) {
    %c0_i32 = arith.constant 0 : i32
    %c0_i32_0 = arith.constant 0 : i32
    %c0_i32_1 = arith.constant 0 : i32
    return %c0_i32, %c0_i32_0 : i32, i32
  }
}

</mosaic_0001>

<sc_bundles>
// kernel: kernel.6.cloned.1.call-start
scs
__scs_entry_jumppad:
0x0: {  	(pc) =	sbr.rel $0x88, $3  }
0x1: {  	(tag) =	ssettag $0x0;
	lr =	simm.s32 $0x1  }
0x2: {  	[smem:$0x3F88] =	sst lr;
	_ =	strace $0xD0000000  }
0x3: {  	_ = 	snop  }
0x4: {  	_ = 	snop  }
0x5: {  	_ = 	snop  }
0x6: {  	_ = 	snop  }
0x7: {  	_ = 	snop  }
__scs_overlays_trampoline_lowered:
0x8: {  	[smem:$0x3F97] =	sst s0  }
0x9: {  	[smem:$0x3F98] =	sst s1  }
0xa: {  	[smem:$0x3F99] =	sst s2  }
0xb: {  	[smem:$0x3F9A] =	sst s3  }
0xc: {  	[smem:$0x3F9B] =	sst s4  }
0xd: {  	[smem:$0x3F9C] =	sst s5  }
0xe: {  	[smem:$0x3F9D] =	sst s6  }
0xf: {  	[smem:$0x3F9E] =	sst s7  }
0x10: {  	[smem:$0x3F9F] =	sst s8  }
0x11: {  	[smem:$0x3FA0] =	sst s9;
	s0 =	simm.s32 @!p0 $0x0  }
0x12: {  	s1 =	sld [smem:$0x3F86];
	s0 =	simm.s32 @p0 $0x1  }
0x13: {  	[smem:$0x3FA1] =	sst s0;
	s0 =	simm.s32 @!p1 $0x0  }
0x14: {  	s2 =	sld [smem:$0x3F85];
	s0 =	simm.s32 @p1 $0x1  }
0x15: {  	[smem:$0x3FA2] =	sst s0;
	s0 =	simm.s32 @!p2 $0x0  }
0x16: {  	s3 =	sld [smem:$0x3FDB];
	s0 =	simm.s32 @p2 $0x1  }
0x17: {  	s4 =	simm.s32 $0x1BF5;
	[smem:$0x3FA4] =	sst s0  }
0x18: {  	s0 =	sld [smem:$0x3F87];
	_ =	swait.ge [sflag:s4], $0x0  }
0x19: {  	s7 =	sld [smem:$0x3F88]  }
0x1a: {  	s8 =	sadd.s32 $0xFFFFE003, lr  }
0x1b: {  	s9 =	sadd.s32 $0xFFFFFEF7, lr;
	s5 =	simm.s32 $0xFFFFFFFF;
	p2 =	slt.u32 s8, $0xFFFFF086  }
0x1c: {  	p1 =	slt.u32 s9, $0xF7A;
	s5 =	simm.s32 @!p2 $0x0  }
0x1d: {  	s5 =	simm.s32 @p1 $0x1;
	p0 =	seq.s32 s7, s2  }
0x1e: {  	s7 =	smul.u32 @!p0 $0xF7A, s2;
	p2 =	seq.s32 @!p0 s5, $0x0  }
0x1f: {  	s9 =	smul.u32 $0xF7A, s1;
	s8 =	simm.s32 @!p0 $0x1BF5;
	p2 =	por !p2, p0  }
0x20: {  	[sflag:s8] =	ssyncset.s32 @!p0 $0xFFFFF086;
	s6 =	sadd.s32 @!p0 s3, s7;
	s7 =	simm.s32 @!p0 $0x108  }
0x21: {  	s3 =	sadd.s32 s3, s9;
	s6 =	sadd.s32 @!p0 $0x88, s6;
	s7 =	simm.s32 @p2 $0x1082  }
0x22: {  	[simem:s7], [sflag:s8] =	dma.local @!p0 [hbm:s6], $0xF7A  }
0x23: {  	s9 =	sor.u32 $0xD0000000, s2;
	s6 =	simm.s32 $0x108;
	_ =	swait.ge @!p0 [sflag:s8], $0x0  }
0x24: {  	s3 =	sadd.s32 $0x88, s3;
	s6 =	simm.s32 @!p1 $0x1082;
	[sflag:s4] =	ssyncset.s32 $0xFFFFF086  }
0x25: {  	[simem:s6], [sflag:s4] =	dma.local [hbm:s3], $0xF7A  }
0x26: {  	[smem:$0x3F88] =	sst s1;
	(tag) =	ssettag s2;
	_ =	strace s9  }
0x27: {  	s1 =	sld [smem:$0x3F98]  }
0x28: {  	s2 =	sld [smem:$0x3F99]  }
0x29: {  	s4 =	sld [smem:$0x3F9B]  }
0x2a: {  	p0 =	seq.s32 s5, $0x0;
	s5 =	sld [smem:$0x3F9C]  }
0x2b: {  	s6 =	sld [smem:$0x3F9D]  }
0x2c: {  	s7 =	sld [smem:$0x3F9E]  }
0x2d: {  	s3 =	simm.s32 $0x108;
	s8 =	sld [smem:$0x3F9F]  }
0x2e: {  	s3 =	simm.s32 @!p0 $0x1082;
	s9 =	sld [smem:$0x3FA0]  }
0x2f: {  	lr =	sadd.s32 s0, s3;
	s0 =	sld [smem:$0x3F97]  }
0x30: {  	s3 =	sld [smem:$0x3F9A]  }
0x31: {  	[smem:$0x3FA3] =	sst s10  }
0x32: {  	s10 =	sld [smem:$0x3FA1];
	_ =	sdelay $0x3  }
0x33: {  	p0 =	seq.s32 s10, $0x1;
	s10 =	sld [smem:$0x3FA3];
	_ =	sdelay $0x3  }
0x34: {  	[smem:$0x3FA3] =	sst s10  }
0x35: {  	s10 =	sld [smem:$0x3FA2];
	_ =	sdelay $0x3  }
0x36: {  	p1 =	seq.s32 s10, $0x1;
	s10 =	sld [smem:$0x3FA3];
	_ =	sdelay $0x3  }
0x37: {  	[smem:$0x3FA3] =	sst s10  }
0x38: {  	s10 =	sld [smem:$0x3FA4]  }
0x39: {  	_ = 	snop;
	(pc) =	sbr.ind lr, $3  }
0x3a: {  	_ = 	snop  }
0x3b: {  	_ = 	snop  }
0x3c: {  	p2 =	seq.s32 s10, $0x1;
	s10 =	sld [smem:$0x3FA3]  }
0x3d: {  	_ =	shalt  }
0x3e: {  	_ =	shalt  }
0x3f: {  	_ =	shalt  }
0x40: {  	_ =	shalt  }
0x41: {  	_ =	shalt  }
0x42: {  	_ =	shalt  }
0x43: {  	_ =	shalt  }
0x44: {  	_ =	shalt  }
0x45: {  	_ =	shalt  }
0x46: {  	_ =	shalt  }
0x47: {  	_ =	shalt  }
0x48: {  	_ =	shalt  }
0x49: {  	_ =	shalt  }
0x4a: {  	_ =	shalt  }
0x4b: {  	_ =	shalt  }
0x4c: {  	_ =	shalt  }
0x4d: {  	_ =	shalt  }
0x4e: {  	_ =	shalt  }
0x4f: {  	_ =	shalt  }
0x50: {  	_ =	shalt  }
0x51: {  	_ =	shalt  }
0x52: {  	_ =	shalt  }
0x53: {  	_ =	shalt  }
0x54: {  	_ =	shalt  }
0x55: {  	_ =	shalt  }
0x56: {  	_ =	shalt  }
0x57: {  	_ =	shalt  }
0x58: {  	_ =	shalt  }
0x59: {  	_ =	shalt  }
0x5a: {  	_ =	shalt  }
0x5b: {  	_ =	shalt  }
0x5c: {  	_ =	shalt  }
0x5d: {  	_ =	shalt  }
0x5e: {  	_ =	shalt  }
0x5f: {  	_ =	shalt  }
0x60: {  	_ =	shalt  }
0x61: {  	_ =	shalt  }
0x62: {  	_ =	shalt  }
0x63: {  	_ =	shalt  }
0x64: {  	_ =	shalt  }
0x65: {  	_ =	shalt  }
0x66: {  	_ =	shalt  }
0x67: {  	_ =	shalt  }
0x68: {  	_ =	shalt  }
0x69: {  	_ =	shalt  }
0x6a: {  	_ =	shalt  }
0x6b: {  	_ =	shalt  }
0x6c: {  	_ =	shalt  }
0x6d: {  	_ =	shalt  }
0x6e: {  	_ =	shalt  }
0x6f: {  	_ =	shalt  }
0x70: {  	_ =	shalt  }
0x71: {  	_ =	shalt  }
0x72: {  	_ =	shalt  }
0x73: {  	_ =	shalt  }
0x74: {  	_ =	shalt  }
0x75: {  	_ =	shalt  }
0x76: {  	_ =	shalt  }
0x77: {  	_ =	shalt  }
0x78: {  	_ =	shalt  }
0x79: {  	_ =	shalt  }
0x7a: {  	_ =	shalt  }
0x7b: {  	_ =	shalt  }
0x7c: {  	_ =	shalt  }
0x7d: {  	_ =	shalt  }
0x7e: {  	_ =	shalt  }
0x7f: {  	_ =	shalt  }
0x80: {  	_ =	shalt  }
0x81: {  	_ =	shalt  }
0x82: {  	_ =	shalt  }
0x83: {  	_ =	shalt  }
0x84: {  	_ =	shalt  }
0x85: {  	_ =	shalt  }
0x86: {  	_ =	shalt  }
0x87: {  	_ =	shalt  }
.Lfunc_end0:
.L_simem_size_0:
called_computation_lowered:
.L_overlay_start_0:
0x88: {  	s2 =	sld [smem:$0x3FD9]  }
0x89: {  	s3 =	sld [smem:$0x3FFE];
	_ =	sdelay $0x1  }
0x8a: {  	s1 =	srdreg.scid  }
0x8b: {  	s0 =	sand.u32 $0x1, s1  }
0x8c: {  	s17 =	sshll.u32 s0, $0xA;
	s2 =	sadd.s32 s3, s2  }
0x8d: {  	s2 =	sadd.s32 s2, s17  }
0x8e: {  	[smem:$0x3FAF] =	sst s2  }
0x8f: {  	_ = 	snop  }
0x90: {  	s2 =	sld [smem:$0x3FC9];
	(tm) =	ssettm $0x1  }
0x91: {  	s18 =	sld [smem:$0x3FFB];
	_ =	sdelay $0x3  }
0x92: {  	_ =	strace s18  }
0x93: {  	s3 =	sld [smem:$0x3FFC];
	_ =	sdelay $0x3  }
0x94: {  	_ =	strace s3  }
0x95: {  	s3 =	sld [smem:$0x3FFD];
	_ =	sdelay $0x3  }
0x96: {  	_ =	strace s3  }
0x97: {  	_ =	strace $0x8FFFFFFF  }
0x98: {  	s19 =	sld [smem:$0x3FDB];
	_ =	sdelay $0x1  }
0x99: {  	s4 =	simm.s32 $_scs_section_size  }
0x9a: {  	s5 =	simm.s32 $_size__tile_overlayer_lowered;
	s6 =	simm.s32 $_tile_overlayer_lowered  }
0x9b: {  	s22 =	simm.s32 $0x1BFF;
	s21 =	sshll.u32 s6, $0x1;
	s3 =	sadd.s32 s4, s19  }
0x9c: {  	s7 =	simm.s32 $0x0;
	s20 =	sshll.u32 s5, $0x1;
	s5 =	sadd.s32 s21, s3  }
0x9d: {  	[timem:s7], [sflag:s22] =	dma.local [hbm:s5], s20  }
0x9e: {  	_ =	swait.ge [sflag:s22], s20  }
0x9f: {  	s4 =	ssub.s32 $0x0, s20;
	[sflag:s22] =	ssyncset.done $0x0  }
0xa0: {  	[sflag:s22] =	ssyncadd.s32 s4;
	_ =	sdelay $0x1  }
0xa1: {  	s23 =	simm.s32 $0x1B8B  }
0xa2: {  	_ =	swait.ge [sflag:s23], $0x1  }
0xa3: {  	[sflag:s23] =	ssyncset.done $0x0  }
0xa4: {  	s25 =	simm.s32 $0x1B8E;
	s24 =	sld [smem:$0x3FFE];
	[sflag:s23] =	ssyncadd.s32 $0xFFFFFFFF  }
0xa5: {  	s26 =	simm.s32 $execute0_lowered;
	[smem:$0x3FD2] =	sst s25  }
0xa6: {  	s5 =	sshll.u32 s26, $0x1;
	_ =	strace $0x80000046;
	[dreg:$0x1] =	wrdreg $0xFFFFFFFF  }
0xa7: {  	s28 =	simm.s32 $_size_execute0_lowered;
	s3 =	sadd.s32 s3, s5;
	[dreg:$0x0] =	wrdreg $0x0  }
0xa8: {  	s5 =	sshll.u32 s28, $0x1;
	[dreg:$0x2] =	wrdreg s3  }
0xa9: {  	[dreg:$0x3] =	wrdreg s5  }
0xaa: {  	[dreg:$0x4] =	wrdreg $0xC0  }
0xab: {  	_ =	task [dreg:s7], $0x5FFFF  }
0xac: {  	[dreg:$0x1] =	wrdreg $0xFFFFFFFF  }
0xad: {  	[dreg:$0x0] =	wrdreg $0x60  }
0xae: {  	[dreg:$0x2] =	wrdreg s24  }
0xaf: {  	[dreg:$0x3] =	wrdreg s2  }
0xb0: {  	[dreg:$0x4] =	wrdreg $0xA8000  }
0xb1: {  	[dreg:$0x5] =	wrdreg $0x9  }
0xb2: {  	_ =	task.clear_ibuf [dreg:s7], $0x6FFFF;
	_ =	strace $0x90000046  }
0xb3: {  	s29 =	simm.s32 $0x9;
	_ =	strace $0x80000048  }
0xb4: {  	_ =	swait.ge [sflag:s29], $0x1  }
0xb5: {  	[sflag:s29] =	ssyncadd.s32 $0xFFFFFFFF  }
0xb6: {  	_ =	strace $0x90000048  }
0xb7: {  	_ =	sfence  }
0xb8: {  	s30 =	sld [smem:$0x0];
	_ =	sdelay $0x2  }
0xb9: {  	s31 =	sshll.u32 s1, $0xD;
	s1 =	sshrl.u32 s1, $0x2  }
0xba: {  	s3 =	sand.u32 $0x4000, s31;
	s1 =	sadd.s32 s1, s30  }
0xbb: {  	s0 =	sor.u32 s3, s0;
	s1 =	sshll.u32 s1, $0x11  }
0xbc: {  	s0 =	sor.u32 s1, s0  }
0xbd: {  	s0 =	sadd.s32 $0x8F2B, s0  }
0xbe: {  	[sflag:s0] =	ssyncadd.remote.s32 $0x1  }
0xbf: {  	_ =	sfence.sel $0xFFFF  }
0xc0: {  	[dreg:$0x0] =	wrdreg $0xFFFFFFFF;
	(pc) =	sbr.abs _section_cstart, $3  }
0xc1: {  	[dreg:$0x1] =	wrdreg $0xFFFFFFFF  }
0xc2: {  	_ =	task.clear_ibuf [dreg:s7], $0x2FFFF;
	_ =	strace $0x9FFFFFFF  }
0xc3: {  	(tm) =	ssettm $0x7FFFFFFF  }
tec
execute0_lowered:
.L_overlay_start_1:
0x0: {  	(tag) =	ssettag $0x1  }
0x1: {  	s0 =	rddreg [dreg:$0x0];
	s5 =	stileid.u32  }
0x2: {  	s1 =	rddreg [dreg:$0x1];
	s7 =	smul.u32 $0x14000, s5  }
0x3: {  	s2 =	rddreg [dreg:$0x2];
	s28 =	smul.u32 $0x2710, s5  }
0x4: {  	s3 =	srdreg.scid;
	s31 =	simm.s32 $0x4800;
	s9 =	smul.u32 $0x4E000, s5  }
0x5: {  	s4 =	sand.u32 $0x1, s3;
	s3 =	simm.s32 $0x0;
	s14 =	smul.u32 $0x2700, s5  }
0x6: {  	s12 =	sadd.s32 $0x4800, s0;
	s13 =	sadd.s32 $0xE600, s0;
	s25 =	smul.u32 $0x50000, s5  }
0x7: {  	p0 =	sne.s32 s5, $0x0;
	s6 =	smul.u32 $0x140000, s4;
	[smem:$0x7FF] =	sst s3  }
0x8: {  	s8 =	smul.u32 $0x27100, s4;
	s4 =	ssub.s32 $0x2, s4;
	s30 =	smov.u32 s13  }
0x9: {  	s29 =	smov.u32 s12;
	_ =	strace $0x80000047;
	s10 =	sshrl.u32 s4, $0x1  }
0xa: {  	s11 =	sshrl.u32 s9, $0x2;
	s9 =	sadd.s32 s1, s14;
	s14 =	sshll.u32 s5, $0x6  }
0xb: {  	s6 =	sadd.s32 s7, s6;
	s7 =	sadd.s32 s28, s8;
	[dreg:$0x4] =	wrdreg s9  }
0xc: {  	s4 =	ssub.s32 s4, s10;
	[dreg:$0x5] =	wrdreg s14;
	s6 =	sshrl.u32 s6, $0x3  }
0xd: {  	s8 =	sshrl.u32 s7, $0x3;
	s19 =	sadd.s32 $0xC0, s7;
	s20 =	sadd.s32 $0x100, s7  }
0xe: {  	s4 =	smax.u32 s4, $0x1;
	s0 =	sadd.s32 s6, s0;
	s6 =	sadd.s32 s11, s2  }
0xf: {  	s15 =	sadd.s32 $0x8, s8;
	s10 =	sadd.s32 s12, s8;
	[dreg:$0x15] =	wrdreg s4  }
0x10: {  	s16 =	sadd.s32 s13, s8;
	s18 =	sadd.s32 $0x10, s8;
	[dreg:$0x6] =	wrdreg s10  }
0x11: {  	s22 =	sshrl.u32 s20, $0x3;
	[dreg:$0x7] =	wrdreg s16;
	s17 =	sadd.s32 s12, s15  }
0x12: {  	s24 =	sadd.s32 $0x4D8, s8;
	s9 =	sadd.s32 s13, s15;
	[dreg:$0x8] =	wrdreg s17  }
0x13: {  	s11 =	sadd.s32 s12, s18;
	s10 =	sshrl.u32 s19, $0x3;
	[dreg:$0x9] =	wrdreg s9  }
0x14: {  	s23 =	sadd.s32 s12, s22;
	s26 =	sadd.s32 s12, s24;
	[dreg:$0xa] =	wrdreg s11  }
0x15: {  	s28 =	sadd.s32 s13, s24;
	s0 =	sadd.s32 $0x18400, s0;
	[dreg:$0xe] =	wrdreg s23  }
0x16: {  	s15 =	sadd.s32 $0x240, s7;
	s19 =	sadd.s32 $0x1C0, s7;
	[dreg:$0x10] =	wrdreg s26  }
0x17: {  	s24 =	sadd.s32 $0x140, s7;
	s9 =	sadd.s32 s13, s18;
	[dreg:$0x11] =	wrdreg s28  }
0x18: {  	s21 =	sadd.s32 s12, s10;
	s10 =	sadd.s32 s13, s10;
	[dreg:$0x14] =	wrdreg s0  }
0x19: {  	s16 =	sshrl.u32 s15, $0x3;
	s17 =	sadd.s32 $0x200, s7;
	[dreg:$0x1c] =	wrdreg s24  }
0x1a: {  	s20 =	sshrl.u32 s19, $0x3;
	s26 =	sor.u32 $0x1C15, s14;
	[dreg:$0xb] =	wrdreg s9  }
0x1b: {  	s28 =	sadd.s32 $0x27000, s1;
	s14 =	simm.s32 $0x500;
	[dreg:$0xc] =	wrdreg s21  }
0x1c: {  	s19 =	simm.s32 $0x200;
	s15 =	simm.s32 $0x13;
	[dreg:$0xd] =	wrdreg s10  }
0x1d: {  	s9 =	sadd.s32 s13, s22;
	s10 =	sshrl.u32 s25, $0x2;
	s4 =	sadd.s32 s16, s12  }
0x1e: {  	s18 =	sshrl.u32 s17, $0x3;
	s21 =	sadd.s32 $0x180, s7;
	[smem:$0x7FC] =	sst s26  }
0x1f: {  	s22 =	sadd.s32 s20, s13;
	s25 =	sshrl.u32 s6, $0x3;
	[smem:$0x7FD] =	sst s28  }
0x20: {  	s17 =	simm.s32 $0x400;
	s26 =	simm.s32 $0x800;
	s6 =	simm.s32 $0x4  }
0x21: {  	s7 =	simm.s32 $0x5;
	s16 =	simm.s32 $0xD;
	[dreg:$0xf] =	wrdreg s9  }
0x22: {  	s9 =	sadd.s32 $0x4E0, s8;
	s11 =	sadd.s32 s10, s2;
	[dreg:$0x16] =	wrdreg s4  }
0x23: {  	s4 =	sadd.s32 s18, s12;
	[dreg:$0x18] =	wrdreg s22;
	s23 =	sshrl.u32 s21, $0x3  }
0x24: {  	[dreg:$0x1d] =	wrdreg s25;
	s10 =	simm.s32 $0xB;
	s21 =	simm.s32 $0x6  }
0x25: {  	s22 =	simm.s32 $0xC;
	s18 =	simm.s32 $0x7;
	s8 =	sadd.s32 s12, s9  }
0x26: {  	s5 =	sadd.s32 s13, s9;
	[dreg:$0x17] =	wrdreg s4;
	s4 =	sadd.s32 s20, s12  }
0x27: {  	s0 =	sshrl.u32 s11, $0x3;
	s20 =	simm.s32 $0x8;
	[dreg:$0x12] =	wrdreg s8  }
0x28: {  	s9 =	simm.s32 $0xF;
	s11 =	simm.s32 $0x12;
	[dreg:$0x13] =	wrdreg s5  }
.Ltmp0:
0x29: {  	[dreg:$0x19] =	wrdreg s4;
	s5 =	sadd.s32 s23, s13;
	(pc) =	sbr.rel .LBB2_1-.Ltmp0, $4  }
0x2a: {  	s4 =	sadd.s32 s23, s12;
	[dreg:$0x1f] =	wrdreg s0;
	s23 =	simm.s32 $0x40  }
0x2b: {  	s8 =	simm.s32 $0x3;
	[dreg:$0x1b] =	wrdreg s4;
	s4 =	sadd.s32 $0x138000, s2  }
0x2c: {  	s13 =	simm.s32 $0x8800;
	[dreg:$0x1a] =	wrdreg s5;
	s4 =	sshrl.u32 @!p0 s4, $0x3  }
0x2d: {  	v0 =	vimm.s32 $0x0;
	v1 =	vimm.s32 $0x2710;
	s12 =	simm.s32 $0xA;
	s5 =	simm.s32 $0x0;
	[dreg:$0x1e] =	wrdreg s4  }
.LBB2_7:
0x2e: {  	s5 =	simm.s32 $0x10  }
0x2f: {  	_ =	swait.ge [sflag:s5], $0x2000  }
0x30: {  	[sflag:s5] =	ssyncset.done $0x0  }
0x31: {  	s0 =	simm.s32 $0x11;
	[sflag:s5] =	ssyncadd.s32 $0xFFFFE000  }
0x32: {  	_ =	swait.ge [sflag:s0], $0x2000  }
0x33: {  	[sflag:s0] =	ssyncset.done $0x0  }
0x34: {  	[sflag:s0] =	ssyncadd.s32 $0xFFFFE000  }
0x35: {  	_ =	swait.ge [sflag:s11], $0x2000  }
0x36: {  	[sflag:s11] =	ssyncset.done $0x0  }
0x37: {  	[sflag:s11] =	ssyncadd.s32 $0xFFFFE000  }
0x38: {  	_ =	swait.ge [sflag:s15], $0x2000  }
0x39: {  	[sflag:s15] =	ssyncset.done $0x0  }
0x3a: {  	s4 =	simm.s32 $0x14;
	[sflag:s15] =	ssyncadd.s32 $0xFFFFE000  }
0x3b: {  	_ =	swait.ge [sflag:s4], $0x2000  }
0x3c: {  	[sflag:s4] =	ssyncset.done $0x0  }
0x3d: {  	s17 =	rddreg [dreg:$0x10];
	[sflag:s4] =	ssyncadd.s32 $0xFFFFE000  }
0x3e: {  	[tilespmem:s3], [sflag:$0x1] =	stream.linear.gather [hbm4b:s17+s3], $0x40, $0x38;
	[tilespmem:$0x1E800] =	vst v63  }
0x3f: {  	s24 =	rddreg [dreg:$0x11];
	s4 =	simm.s32 $0x1;
	s17 =	simm.s32 $0x400  }
0x40: {  	[tilespmem:s17], [sflag:$0x6] =	stream.linear.gather [hbm4b:s24+s3], $0x40, $0x38;
	[tilespmem:$0x1E800] =	vst v63  }
0x41: {  	_ =	swait.ge [sflag:s4], $0x40  }
0x42: {  	[sflag:s4] =	ssyncset.done $0x0  }
0x43: {  	[sflag:s4] =	ssyncadd.s32 $0xFFFFFFC0  }
0x44: {  	_ =	swait.ge [sflag:s21], $0x40  }
0x45: {  	[sflag:s21] =	ssyncset.done $0x0  }
0x46: {  	s26 =	simm.s32 $0x800;
	[sflag:s21] =	ssyncadd.s32 $0xFFFFFFC0  }
0x47: {  	[tilespmem:s26], [sflag:$0xB] =	stream.indirect.gather [hbm4b:s1+s23], $0x80, s3, s23, $0xb8;
	[tilespmem:$0x1E800] =	vst v63  }
0x48: {  	_ =	swait.ge [sflag:s10], $0x2000  }
0x49: {  	[sflag:s10] =	ssyncset.done $0x0  }
0x4a: {  	[sflag:s10] =	ssyncadd.s32 $0xFFFFE000  }
0x4b: {  	[spmem:s2] =	stream.indirect.scatter.add.f32 [tilespmem:s26], [sflag:$0x10], $0x80, s17, s23, $0xb8;
	[tilespmem:$0x1E800] =	vst v63  }
0x4c: {  	_ =	swait.ge [sflag:s5], $0x2000  }
0x4d: {  	[sflag:s5] =	ssyncset.done $0x0  }
0x4e: {  	[sflag:s5] =	ssyncadd.s32 $0xFFFFE000  }
0x4f: {  	[tilespmem:$0x0] =	vst v0  }
0x50: {  	[tilespmem:$0x400] =	vst v1  }
0x51: {  	[tilespmem:$0x10] =	vst v0  }
0x52: {  	[tilespmem:$0x410] =	vst v1  }
0x53: {  	[tilespmem:$0x20] =	vst v0  }
0x54: {  	[tilespmem:$0x420] =	vst v1  }
0x55: {  	[tilespmem:$0x30] =	vst v0  }
0x56: {  	s25 =	rddreg [dreg:$0x12];
	[tilespmem:$0x430] =	vst v1  }
0x57: {  	[tilespmem:s3], [sflag:$0x1] =	stream.linear.gather [hbm4b:s25+s3], $0x10, $0x38;
	[tilespmem:$0x1E800] =	vst v63  }
0x58: {  	s28 =	rddreg [dreg:$0x13]  }
0x59: {  	[tilespmem:s17], [sflag:$0x6] =	stream.linear.gather [hbm4b:s28+s3], $0x10, $0x38;
	[tilespmem:$0x1E800] =	vst v63  }
0x5a: {  	_ =	swait.ge [sflag:s4], $0x10  }
0x5b: {  	[sflag:s4] =	ssyncset.done $0x0  }
0x5c: {  	[sflag:s4] =	ssyncadd.s32 $0xFFFFFFF0  }
0x5d: {  	_ =	swait.ge [sflag:s21], $0x10  }
0x5e: {  	[sflag:s21] =	ssyncset.done $0x0  }
0x5f: {  	[sflag:s21] =	ssyncadd.s32 $0xFFFFFFF0  }
0x60: {  	[tilespmem:s26], [sflag:$0xB] =	stream.indirect.gather [hbm4b:s1+s23], $0x80, s3, s23, $0xb8;
	[tilespmem:$0x1E800] =	vst v63  }
0x61: {  	_ =	swait.ge [sflag:s10], $0x2000  }
0x62: {  	[sflag:s10] =	ssyncset.done $0x0  }
0x63: {  	[sflag:s10] =	ssyncadd.s32 $0xFFFFE000  }
0x64: {  	[spmem:s2] =	stream.indirect.scatter.add.f32 [tilespmem:s26], [sflag:$0x10], $0x80, s17, s23, $0xb8;
	[tilespmem:$0x1E800] =	vst v63  }
0x65: {  	_ =	swait.ge [sflag:s5], $0x2000  }
0x66: {  	[sflag:s5] =	ssyncset.done $0x0  }
0x67: {  	[sflag:s5] =	ssyncadd.s32 $0xFFFFE000  }
0x68: {  	[bflag:$0x0] =	sbarrier.arrive $0xFFFF  }
0x69: {  	s24 =	rddreg [dreg:$0x5]  }
0x6a: {  	s25 =	rddreg [dreg:$0x14]  }
0x6b: {  	s28 =	rddreg [dreg:$0x1f];
	s0 =	sor.u32 $0x1C16, s24;
	s24 =	simm.s32 $0x16  }
0x6c: {  	[hbm:s25], [sflag:s0] =	dma.local [spmem:s28], $0x2800  }
0x6d: {  	_ =	swait.ge [sflag:s24], $0x2800  }
0x6e: {  	s25 =	sld [smem:$0x7FB];
	_ =	sdelay $0x2  }
0x6f: {  	s28 =	rddreg [dreg:$0x15];
	s5 =	sadd.s32 $0x1, s25  }
0x70: {  	p1 =	sne.s32 s5, s28  }
.Ltmp1:
0x71: {  	_ = 	snop;
	(pc) =	sbr.rel @!p1 .LBB2_8-.Ltmp1, $3  }
0x72: {  	_ =	sdelay $0x1  }
0x73: {  	[sflag:s24] =	ssyncset.done $0x0  }
0x74: {  	[sflag:s24] =	ssyncadd.s32 $0xFFFFD800  }
.LBB2_1:
0x75: {  	[smem:$0x7FB] =	sst s5  }
0x76: {  	s5 =	sld [smem:$0x7FC]  }
0x77: {  	s0 =	rddreg [dreg:$0x4]  }
0x78: {  	s4 =	rddreg [dreg:$0x1d]  }
0x79: {  	[spmem:s4], [sflag:s5] =	dma.local [hbm:s0], $0x2700  }
0x7a: {  	s4 =	sld [smem:$0x7FD];
	_ =	sdelay $0x1  }
0x7b: {  	s0 =	rddreg [dreg:$0x1e]  }
0x7c: {  	[spmem:s0], [sflag:s5] =	dma.local @!p0 [hbm:s4], $0x100  }
0x7d: {  	s0 =	rddreg [dreg:$0x6]  }
0x7e: {  	[tilespmem:s3], [sflag:$0x1] =	stream.linear.gather [hbm4b:s0+s3], $0x40, $0x38;
	[tilespmem:$0x1E800] =	vst v63  }
0x7f: {  	s5 =	rddreg [dreg:$0x7]  }
0x80: {  	[tilespmem:s17], [sflag:$0x6] =	stream.linear.gather [hbm4b:s5+s3], $0x40, $0x38;
	[tilespmem:$0x1E800] =	vst v63  }
0x81: {  	s4 =	simm.s32 $0x80;
	s24 =	rddreg [dreg:$0x8]  }
0x82: {  	[tilespmem:s4], [sflag:$0x2] =	stream.linear.gather [hbm4b:s24+s3], $0x40, $0x38;
	[tilespmem:$0x1E800] =	vst v63  }
0x83: {  	s28 =	simm.s32 $0x480;
	s25 =	rddreg [dreg:$0x9]  }
0x84: {  	[tilespmem:s28], [sflag:$0x7] =	stream.linear.gather [hbm4b:s25+s3], $0x40, $0x38;
	[tilespmem:$0x1E800] =	vst v63  }
0x85: {  	s5 =	simm.s32 $0x100;
	s24 =	rddreg [dreg:$0xa]  }
0x86: {  	[tilespmem:s5], [sflag:$0x3] =	stream.linear.gather [hbm4b:s24+s3], $0x40, $0x38;
	[tilespmem:$0x1E800] =	vst v63  }
0x87: {  	s25 =	rddreg [dreg:$0xb]  }
0x88: {  	[tilespmem:s14], [sflag:$0x8] =	stream.linear.gather [hbm4b:s25+s3], $0x40, $0x38;
	[tilespmem:$0x1E800] =	vst v63  }
0x89: {  	s28 =	rddreg [dreg:$0xc];
	s24 =	simm.s32 $0x180  }
0x8a: {  	[tilespmem:s24], [sflag:$0x4] =	stream.linear.gather [hbm4b:s28+s3], $0x40, $0x38;
	[tilespmem:$0x1E800] =	vst v63  }
0x8b: {  	s24 =	rddreg [dreg:$0xd];
	s28 =	simm.s32 $0x580  }
0x8c: {  	[tilespmem:s28], [sflag:$0x9] =	stream.linear.gather [hbm4b:s24+s3], $0x40, $0x38;
	[tilespmem:$0x1E800] =	vst v63  }
0x8d: {  	s28 =	rddreg [dreg:$0xe]  }
0x8e: {  	[tilespmem:s19], [sflag:$0x5] =	stream.linear.gather [hbm4b:s28+s3], $0x40, $0x38;
	[tilespmem:$0x1E800] =	vst v63  }
0x8f: {  	s24 =	rddreg [dreg:$0xf];
	s28 =	simm.s32 $0x600  }
0x90: {  	[tilespmem:s28], [sflag:$0xA] =	stream.linear.gather [hbm4b:s24+s3], $0x40, $0x38;
	[tilespmem:$0x1E800] =	vst v63  }
0x91: {  	s24 =	simm.s32 $0x15  }
0x92: {  	_ =	swait.ge [sflag:s24], $0x2700  }
0x93: {  	[sflag:s24] =	ssyncset.done $0x0  }
0x94: {  	s0 =	simm.s32 @!p0 $0x15;
	[sflag:s24] =	ssyncadd.s32 $0xFFFFD900  }
0x95: {  	_ =	swait.ge @!p0 [sflag:s0], $0x100  }
0x96: {  	[sflag:s0] =	ssyncset.done @!p0 $0x0  }
0x97: {  	[sflag:s0] =	ssyncadd.s32 @!p0 $0xFFFFFF00  }
0x98: {  	s25 =	simm.s32 $0x1;
	[bflag:$0x0] =	sbarrier.arrive $0xFFFF  }
0x99: {  	_ =	swait.ge [sflag:s25], $0x40  }
0x9a: {  	[sflag:s25] =	ssyncset.done $0x0  }
0x9b: {  	[sflag:s25] =	ssyncadd.s32 $0xFFFFFFC0;
	s25 =	simm.s32 $0x2  }
0x9c: {  	[tilespmem:s26], [sflag:$0xB] =	stream.indirect.gather [hbm4b:s1+s23], $0x80, s3, s23, $0xb8;
	[tilespmem:$0x1E800] =	vst v63  }
0x9d: {  	_ =	swait.ge [sflag:s25], $0x40  }
0x9e: {  	[sflag:s25] =	ssyncset.done $0x0  }
0x9f: {  	s28 =	simm.s32 $0x2800;
	[sflag:s25] =	ssyncadd.s32 $0xFFFFFFC0  }
0xa0: {  	[tilespmem:s28], [sflag:$0xC] =	stream.indirect.gather [hbm4b:s1+s23], $0x80, s4, s23, $0xb8;
	[tilespmem:$0x1E800] =	vst v63  }
0xa1: {  	_ =	swait.ge [sflag:s8], $0x40  }
0xa2: {  	[sflag:s8] =	ssyncset.done $0x0  }
0xa3: {  	s4 =	simm.s32 $0x0;
	s0 =	rddreg [dreg:$0x1c];
	[sflag:s8] =	ssyncadd.s32 $0xFFFFFFC0  }
0xa4: {  	[tilespmem:s31], [sflag:$0xD] =	stream.indirect.gather [hbm4b:s1+s23], $0x80, s5, s23, $0xb8;
	[tilespmem:$0x1E800] =	vst v63  }
.LBB2_2:
0xa5: {  	_ =	swait.ge [sflag:s10], $0x2000  }
0xa6: {  	[sflag:s10] =	ssyncset.done $0x0  }
0xa7: {  	p1 =	seq.s32 s4, $0x4B0;
	[sflag:s10] =	ssyncadd.s32 $0xFFFFE000  }
0xa8: {  	p2 =	seq.s32 @!p1 s4, $0x0;
	_ =	swait.ge [sflag:s21], $0x40  }
0xa9: {  	p2 =	por p1, !p2;
	[sflag:s21] =	ssyncset.done $0x0  }
.Ltmp2:
0xaa: {  	[sflag:s21] =	ssyncadd.s32 $0xFFFFFFC0;
	(pc) =	sbr.rel @!p2 .LBB2_3-.Ltmp2, $4  }
0xab: {  	[spmem:s2] =	stream.indirect.scatter.add.f32 [tilespmem:s26], [sflag:$0x10], $0x80, s17, s23, $0xb8;
	[tilespmem:$0x1E800] =	vst v63  }
0xac: {  	s17 =	sshrl.u32 @!p1 s0, $0x3  }
0xad: {  	s5 =	simm.s32 @!p1 $0x0;
	s24 =	sadd.s32 @!p1 s29, s17  }
0xae: {  	[tilespmem:s5], [sflag:$0x1] =	stream.linear.gather @!p1 [hbm4b:s24+s5], $0x40, $0x38;
	[tilespmem:$0x1E800] =	vst v63  }
.Ltmp3:
0xaf: {  	(pc) =	sbr.rel .LBB2_5-.Ltmp3, $4  }
0xb0: {  	_ =	swait.ge [sflag:s15], $0x2000  }
0xb1: {  	s25 =	simm.s32 $0x580;
	[sflag:s15] =	ssyncset.done $0x0;
	s24 =	rddreg [dreg:$0xd]  }
0xb2: {  	p2 =	por $0x0, $0x0;
	[sflag:s15] =	ssyncadd.s32 $0xFFFFE000;
	s24 =	sadd.s32 s4, s24  }
0xb3: {  	[tilespmem:s25], [sflag:$0x9] =	stream.linear.gather [hbm4b:s24+s3], $0x40, $0x38;
	[tilespmem:$0x1E800] =	vst v63  }
.LBB2_3:
0xb4: {  	p2 =	por @!p1 $0x1, $0x1  }
.LBB2_5:
0xb5: {  	_ =	swait.ge [sflag:s6], $0x40  }
0xb6: {  	[sflag:s6] =	ssyncset.done $0x0  }
0xb7: {  	s24 =	simm.s32 $0x180;
	s25 =	simm.s32 $0x6800;
	[sflag:s6] =	ssyncadd.s32 $0xFFFFFFC0  }
0xb8: {  	[tilespmem:s25], [sflag:$0xE] =	stream.indirect.gather [hbm4b:s1+s23], $0x80, s24, s23, $0xb8;
	[tilespmem:$0x1E800] =	vst v63  }
0xb9: {  	_ =	swait.ge [sflag:s22], $0x2000  }
0xba: {  	[sflag:s22] =	ssyncset.done $0x0  }
0xbb: {  	[sflag:s22] =	ssyncadd.s32 $0xFFFFE000  }
0xbc: {  	_ =	swait.ge [sflag:s18], $0x40  }
0xbd: {  	s26 =	simm.s32 $0x2800;
	[sflag:s18] =	ssyncset.done $0x0  }
0xbe: {  	s25 =	simm.s32 $0x480;
	s24 =	rddreg [dreg:$0x1b];
	[sflag:s18] =	ssyncadd.s32 $0xFFFFFFC0  }
0xbf: {  	[spmem:s2] =	stream.indirect.scatter.add.f32 [tilespmem:s26], [sflag:$0x11], $0x80, s25, s23, $0xb8;
	[tilespmem:$0x1E800] =	vst v63  }
0xc0: {  	s26 =	sadd.s32 @!p1 s4, s24;
	s24 =	simm.s32 @!p1 $0x80  }
0xc1: {  	[tilespmem:s24], [sflag:$0x2] =	stream.linear.gather @!p1 [hbm4b:s26+s5], $0x40, $0x38;
	[tilespmem:$0x1E800] =	vst v63  }
0xc2: {  	s26 =	simm.s32 @!p2 $0x14  }
0xc3: {  	_ =	swait.ge @!p2 [sflag:s26], $0x2000  }
0xc4: {  	s28 =	simm.s32 @!p2 $0x600;
	[sflag:s26] =	ssyncset.done @!p2 $0x0;
	s25 =	rddreg [dreg:$0xf]  }
0xc5: {  	[sflag:s26] =	ssyncadd.s32 @!p2 $0xFFFFE000;
	s26 =	sadd.s32 @!p2 s4, s25;
	s25 =	simm.s32 @!p2 $0x0  }
0xc6: {  	[tilespmem:s28], [sflag:$0xA] =	stream.linear.gather @!p2 [hbm4b:s26+s25], $0x40, $0x38;
	[tilespmem:$0x1E800] =	vst v63  }
0xc7: {  	_ =	swait.ge [sflag:s7], $0x40  }
0xc8: {  	[sflag:s7] =	ssyncset.done $0x0  }
0xc9: {  	[sflag:s7] =	ssyncadd.s32 $0xFFFFFFC0  }
0xca: {  	[tilespmem:s13], [sflag:$0xF] =	stream.indirect.gather [hbm4b:s1+s23], $0x80, s19, s23, $0xb8;
	[tilespmem:$0x1E800] =	vst v63  }
0xcb: {  	_ =	swait.ge [sflag:s16], $0x2000  }
0xcc: {  	[sflag:s16] =	ssyncset.done $0x0  }
0xcd: {  	[sflag:s16] =	ssyncadd.s32 $0xFFFFE000  }
0xce: {  	_ =	swait.ge [sflag:s20], $0x40  }
0xcf: {  	[sflag:s20] =	ssyncset.done $0x0  }
0xd0: {  	s25 =	simm.s32 @p1 $0xE;
	[sflag:s20] =	ssyncadd.s32 $0xFFFFFFC0  }
0xd1: {  	[spmem:s2] =	stream.indirect.scatter.add.f32 [tilespmem:s31], [sflag:$0x12], $0x80, s14, s23, $0xb8;
	[tilespmem:$0x1E800] =	vst v63  }
0xd2: {  	_ =	swait.ge @p1 [sflag:s25], $0x2000  }
0xd3: {  	[sflag:s25] =	ssyncset.done @p1 $0x0  }
0xd4: {  	[sflag:s25] =	ssyncadd.s32 @p1 $0xFFFFE000;
	s25 =	simm.s32 @p1 $0x9  }
0xd5: {  	_ =	swait.ge @p1 [sflag:s25], $0x40  }
0xd6: {  	s26 =	simm.s32 @p1 $0x580;
	[sflag:s25] =	ssyncset.done @p1 $0x0  }
0xd7: {  	s28 =	simm.s32 @p1 $0x6800;
	[sflag:s25] =	ssyncadd.s32 @p1 $0xFFFFFFC0;
	s25 =	simm.s32 @p1 $0x40  }
0xd8: {  	[spmem:s2] =	stream.indirect.scatter.add.f32 @p1 [tilespmem:s28], [sflag:$0x13], $0x80, s26, s25, $0xb8;
	[tilespmem:$0x1E800] =	vst v63  }
0xd9: {  	s25 =	rddreg [dreg:$0x19]  }
0xda: {  	s26 =	simm.s32 @!p1 $0x100;
	s25 =	sadd.s32 @!p1 s4, s25  }
0xdb: {  	[tilespmem:s26], [sflag:$0x3] =	stream.linear.gather @!p1 [hbm4b:s25+s5], $0x40, $0x38;
	[tilespmem:$0x1E800] =	vst v63  }
0xdc: {  	s25 =	simm.s32 @!p1 $0x10  }
0xdd: {  	_ =	swait.ge @!p1 [sflag:s25], $0x2000  }
0xde: {  	[sflag:s25] =	ssyncset.done @!p1 $0x0  }
0xdf: {  	s17 =	sadd.s32 @!p1 s30, s17;
	[sflag:s25] =	ssyncadd.s32 @!p1 $0xFFFFE000;
	s25 =	simm.s32 @!p1 $0x400  }
0xe0: {  	[tilespmem:s25], [sflag:$0x6] =	stream.linear.gather @!p1 [hbm4b:s17+s5], $0x40, $0x38;
	[tilespmem:$0x1E800] =	vst v63  }
0xe1: {  	s17 =	simm.s32 @!p1 $0x1  }
0xe2: {  	_ =	swait.ge @!p1 [sflag:s17], $0x40  }
0xe3: {  	[sflag:s17] =	ssyncset.done @!p1 $0x0  }
0xe4: {  	s25 =	simm.s32 @!p1 $0x800;
	[sflag:s17] =	ssyncadd.s32 @!p1 $0xFFFFFFC0;
	s17 =	simm.s32 @!p1 $0x40  }
0xe5: {  	[tilespmem:s25], [sflag:$0xB] =	stream.indirect.gather @!p1 [hbm4b:s1+s17], $0x80, s5, s17, $0xb8;
	[tilespmem:$0x1E800] =	vst v63  }
0xe6: {  	s25 =	simm.s32 @!p1 $0xE  }
0xe7: {  	_ =	swait.ge @!p1 [sflag:s25], $0x2000  }
0xe8: {  	[sflag:s25] =	ssyncset.done @!p1 $0x0  }
0xe9: {  	[sflag:s25] =	ssyncadd.s32 @!p1 $0xFFFFE000;
	s25 =	simm.s32 @!p1 $0x9  }
0xea: {  	_ =	swait.ge @!p1 [sflag:s25], $0x40  }
0xeb: {  	[sflag:s25] =	ssyncset.done @!p1 $0x0  }
0xec: {  	s26 =	simm.s32 @!p1 $0x6800;
	[sflag:s25] =	ssyncadd.s32 @!p1 $0xFFFFFFC0;
	s25 =	simm.s32 @!p1 $0x580  }
0xed: {  	[spmem:s2] =	stream.indirect.scatter.add.f32 @!p1 [tilespmem:s26], [sflag:$0x13], $0x80, s25, s17, $0xb8;
	[tilespmem:$0x1E800] =	vst v63  }
0xee: {  	s25 =	rddreg [dreg:$0x17]  }
0xef: {  	s26 =	simm.s32 @!p1 $0x180;
	s25 =	sadd.s32 @!p1 s4, s25  }
0xf0: {  	[tilespmem:s26], [sflag:$0x4] =	stream.linear.gather @!p1 [hbm4b:s25+s5], $0x40, $0x38;
	[tilespmem:$0x1E800] =	vst v63  }
0xf1: {  	s25 =	simm.s32 @!p1 $0x11  }
0xf2: {  	_ =	swait.ge @!p1 [sflag:s25], $0x2000  }
0xf3: {  	[sflag:s25] =	ssyncset.done @!p1 $0x0  }
0xf4: {  	[sflag:s25] =	ssyncadd.s32 @!p1 $0xFFFFE000;
	s25 =	rddreg [dreg:$0x1a]  }
0xf5: {  	s26 =	simm.s32 @!p1 $0x480;
	s25 =	sadd.s32 @!p1 s4, s25  }
0xf6: {  	[tilespmem:s26], [sflag:$0x7] =	stream.linear.gather @!p1 [hbm4b:s25+s5], $0x40, $0x38;
	[tilespmem:$0x1E800] =	vst v63  }
0xf7: {  	s5 =	simm.s32 @!p1 $0x2  }
0xf8: {  	_ =	swait.ge @!p1 [sflag:s5], $0x40  }
0xf9: {  	[sflag:s5] =	ssyncset.done @!p1 $0x0  }
0xfa: {  	[sflag:s5] =	ssyncadd.s32 @!p1 $0xFFFFFFC0;
	s5 =	simm.s32 @!p1 $0x2800  }
0xfb: {  	[tilespmem:s5], [sflag:$0xC] =	stream.indirect.gather @!p1 [hbm4b:s1+s17], $0x80, s24, s17, $0xb8;
	[tilespmem:$0x1E800] =	vst v63  }
0xfc: {  	_ =	swait.ge [sflag:s9], $0x2000  }
0xfd: {  	[sflag:s9] =	ssyncset.done $0x0  }
.Ltmp4:
0xfe: {  	[sflag:s9] =	ssyncadd.s32 $0xFFFFE000;
	(pc) =	sbr.rel @p1 .LBB2_7-.Ltmp4, $4  }
0xff: {  	_ =	swait.ge [sflag:s12], $0x40  }
0x100: {  	[sflag:s12] =	ssyncset.done $0x0  }
0x101: {  	s28 =	simm.s32 $0x600;
	[sflag:s12] =	ssyncadd.s32 $0xFFFFFFC0  }
0x102: {  	[spmem:s2] =	stream.indirect.scatter.add.f32 [tilespmem:s13], [sflag:$0x14], $0x80, s28, s23, $0xb8;
	[tilespmem:$0x1E800] =	vst v63  }
0x103: {  	s5 =	rddreg [dreg:$0x16]  }
0x104: {  	s5 =	sadd.s32 s4, s5  }
0x105: {  	[tilespmem:s19], [sflag:$0x5] =	stream.linear.gather [hbm4b:s5+s3], $0x40, $0x38;
	[tilespmem:$0x1E800] =	vst v63  }
0x106: {  	_ =	swait.ge [sflag:s11], $0x2000  }
0x107: {  	[sflag:s11] =	ssyncset.done $0x0;
	s26 =	rddreg [dreg:$0x18]  }
0x108: {  	[sflag:s11] =	ssyncadd.s32 $0xFFFFE000;
	s5 =	sadd.s32 s4, s26  }
0x109: {  	[tilespmem:s14], [sflag:$0x8] =	stream.linear.gather [hbm4b:s5+s3], $0x40, $0x38;
	[tilespmem:$0x1E800] =	vst v63  }
.Ltmp5:
0x10a: {  	_ = 	snop;
	(pc) =	sbr.rel .LBB2_2-.Ltmp5, $4  }
0x10b: {  	s28 =	simm.s32 $0x100;
	_ =	swait.ge [sflag:s8], $0x40  }
0x10c: {  	s0 =	sadd.s32 $0x140, s0;
	s17 =	simm.s32 $0x400;
	[sflag:s8] =	ssyncset.done $0x0  }
0x10d: {  	s4 =	sadd.s32 $0x28, s4;
	s26 =	simm.s32 $0x800;
	[sflag:s8] =	ssyncadd.s32 $0xFFFFFFC0  }
0x10e: {  	[tilespmem:s31], [sflag:$0xD] =	stream.indirect.gather [hbm4b:s1+s23], $0x80, s28, s23, $0xb8;
	[tilespmem:$0x1E800] =	vst v63  }
.LBB2_8:
0x10f: {  	_ =	sfence.sel $0x180000  }
0x110: {  	[bflag:$0x0] =	sbarrier.arrive $0xFFFF  }
0x111: {  	_ =	strace $0x90000047  }
0x112: {  	[bflag:$0x2] =	sbarrier.arrive $0xFFFF  }
0x113: {  	s0 =	rddreg [dreg:$0x3]  }
0x114: {  	s0 =	sadd.s32 @!p0 $0x100000, s0  }
0x115: {  	[sflag:s0] =	ssyncadd.tile.s32 @!p0 $0x1;
	_ =	shalt  }
.Lfunc_end2:
_tile_overlayer_lowered:
.L_overlay_start_2:
0x116: {  	(tag) =	ssettag $0x2  }
0x117: {  	s0 =	rddreg [dreg:$0x0];
	s2 =	stileid.u32  }
0x118: {  	s1 =	rddreg [dreg:$0x1];
	p0 =	sne.s32 s2, $0x0  }
0x119: {  	s3 =	rddreg [dreg:$0x2];
	[bflag:$0x3] =	sbarrier.arrive $0xFFFF;
	s2 =	simm.s32 @!p0 $0x1C16  }
0x11a: {  	[timem:s3], [sflag:s2] =	dma.local @!p0 [hbm:s0], s1  }
0x11b: {  	s0 =	simm.s32 @!p0 $0x16  }
0x11c: {  	_ =	swait.ge @!p0 [sflag:s0], s1  }
0x11d: {  	s1 =	ssub.s32 @!p0 $0x0, s1;
	[sflag:s0] =	ssyncset.done @!p0 $0x0  }
0x11e: {  	[sflag:s0] =	ssyncadd.s32 @!p0 s1  }
0x11f: {  	[bflag:$0x3] =	sbarrier.arrive $0xFFFF  }
0x120: {  	_ =	shalt  }

// kernel: kernel.9.cloned.1.call-start
scs
__scs_entry_jumppad:
0x0: {  	(pc) =	sbr.rel $0x88, $3  }
0x1: {  	(tag) =	ssettag $0x0;
	lr =	simm.s32 $0x1  }
0x2: {  	[smem:$0x3F88] =	sst lr;
	_ =	strace $0xD0000000  }
0x3: {  	_ = 	snop  }
0x4: {  	_ = 	snop  }
0x5: {  	_ = 	snop  }
0x6: {  	_ = 	snop  }
0x7: {  	_ = 	snop  }
__scs_overlays_trampoline_lowered:
0x8: {  	[smem:$0x3F97] =	sst s0  }
0x9: {  	[smem:$0x3F98] =	sst s1  }
0xa: {  	[smem:$0x3F99] =	sst s2  }
0xb: {  	[smem:$0x3F9A] =	sst s3  }
0xc: {  	[smem:$0x3F9B] =	sst s4  }
0xd: {  	[smem:$0x3F9C] =	sst s5  }
0xe: {  	[smem:$0x3F9D] =	sst s6  }
0xf: {  	[smem:$0x3F9E] =	sst s7  }
0x10: {  	[smem:$0x3F9F] =	sst s8  }
0x11: {  	[smem:$0x3FA0] =	sst s9;
	s0 =	simm.s32 @!p0 $0x0  }
0x12: {  	s1 =	sld [smem:$0x3F86];
	s0 =	simm.s32 @p0 $0x1  }
0x13: {  	[smem:$0x3FA1] =	sst s0;
	s0 =	simm.s32 @!p1 $0x0  }
0x14: {  	s2 =	sld [smem:$0x3F85];
	s0 =	simm.s32 @p1 $0x1  }
0x15: {  	[smem:$0x3FA2] =	sst s0;
	s0 =	simm.s32 @!p2 $0x0  }
0x16: {  	s3 =	sld [smem:$0x3FDB];
	s0 =	simm.s32 @p2 $0x1  }
0x17: {  	s4 =	simm.s32 $0x1BF5;
	[smem:$0x3FA4] =	sst s0  }
0x18: {  	s0 =	sld [smem:$0x3F87];
	_ =	swait.ge [sflag:s4], $0x0  }
0x19: {  	s7 =	sld [smem:$0x3F88]  }
0x1a: {  	s8 =	sadd.s32 $0xFFFFE003, lr  }
0x1b: {  	s9 =	sadd.s32 $0xFFFFFEF7, lr;
	s5 =	simm.s32 $0xFFFFFFFF;
	p2 =	slt.u32 s8, $0xFFFFF086  }
0x1c: {  	p1 =	slt.u32 s9, $0xF7A;
	s5 =	simm.s32 @!p2 $0x0  }
0x1d: {  	s5 =	simm.s32 @p1 $0x1;
	p0 =	seq.s32 s7, s2  }
0x1e: {  	s7 =	smul.u32 @!p0 $0xF7A, s2;
	p2 =	seq.s32 @!p0 s5, $0x0  }
0x1f: {  	s9 =	smul.u32 $0xF7A, s1;
	s8 =	simm.s32 @!p0 $0x1BF5;
	p2 =	por !p2, p0  }
0x20: {  	[sflag:s8] =	ssyncset.s32 @!p0 $0xFFFFF086;
	s6 =	sadd.s32 @!p0 s3, s7;
	s7 =	simm.s32 @!p0 $0x108  }
0x21: {  	s3 =	sadd.s32 s3, s9;
	s6 =	sadd.s32 @!p0 $0x88, s6;
	s7 =	simm.s32 @p2 $0x1082  }
0x22: {  	[simem:s7], [sflag:s8] =	dma.local @!p0 [hbm:s6], $0xF7A  }
0x23: {  	s9 =	sor.u32 $0xD0000000, s2;
	s6 =	simm.s32 $0x108;
	_ =	swait.ge @!p0 [sflag:s8], $0x0  }
0x24: {  	s3 =	sadd.s32 $0x88, s3;
	s6 =	simm.s32 @!p1 $0x1082;
	[sflag:s4] =	ssyncset.s32 $0xFFFFF086  }
0x25: {  	[simem:s6], [sflag:s4] =	dma.local [hbm:s3], $0xF7A  }
0x26: {  	[smem:$0x3F88] =	sst s1;
	(tag) =	ssettag s2;
	_ =	strace s9  }
0x27: {  	s1 =	sld [smem:$0x3F98]  }
0x28: {  	s2 =	sld [smem:$0x3F99]  }
0x29: {  	s4 =	sld [smem:$0x3F9B]  }
0x2a: {  	p0 =	seq.s32 s5, $0x0;
	s5 =	sld [smem:$0x3F9C]  }
0x2b: {  	s6 =	sld [smem:$0x3F9D]  }
0x2c: {  	s7 =	sld [smem:$0x3F9E]  }
0x2d: {  	s3 =	simm.s32 $0x108;
	s8 =	sld [smem:$0x3F9F]  }
0x2e: {  	s3 =	simm.s32 @!p0 $0x1082;
	s9 =	sld [smem:$0x3FA0]  }
0x2f: {  	lr =	sadd.s32 s0, s3;
	s0 =	sld [smem:$0x3F97]  }
0x30: {  	s3 =	sld [smem:$0x3F9A]  }
0x31: {  	[smem:$0x3FA3] =	sst s10  }
0x32: {  	s10 =	sld [smem:$0x3FA1];
	_ =	sdelay $0x3  }
0x33: {  	p0 =	seq.s32 s10, $0x1;
	s10 =	sld [smem:$0x3FA3];
	_ =	sdelay $0x3  }
0x34: {  	[smem:$0x3FA3] =	sst s10  }
0x35: {  	s10 =	sld [smem:$0x3FA2];
	_ =	sdelay $0x3  }
0x36: {  	p1 =	seq.s32 s10, $0x1;
	s10 =	sld [smem:$0x3FA3];
	_ =	sdelay $0x3  }
0x37: {  	[smem:$0x3FA3] =	sst s10  }
0x38: {  	s10 =	sld [smem:$0x3FA4]  }
0x39: {  	_ = 	snop;
	(pc) =	sbr.ind lr, $3  }
0x3a: {  	_ = 	snop  }
0x3b: {  	_ = 	snop  }
0x3c: {  	p2 =	seq.s32 s10, $0x1;
	s10 =	sld [smem:$0x3FA3]  }
0x3d: {  	_ =	shalt  }
0x3e: {  	_ =	shalt  }
0x3f: {  	_ =	shalt  }
0x40: {  	_ =	shalt  }
0x41: {  	_ =	shalt  }
0x42: {  	_ =	shalt  }
0x43: {  	_ =	shalt  }
0x44: {  	_ =	shalt  }
0x45: {  	_ =	shalt  }
0x46: {  	_ =	shalt  }
0x47: {  	_ =	shalt  }
0x48: {  	_ =	shalt  }
0x49: {  	_ =	shalt  }
0x4a: {  	_ =	shalt  }
0x4b: {  	_ =	shalt  }
0x4c: {  	_ =	shalt  }
0x4d: {  	_ =	shalt  }
0x4e: {  	_ =	shalt  }
0x4f: {  	_ =	shalt  }
0x50: {  	_ =	shalt  }
0x51: {  	_ =	shalt  }
0x52: {  	_ =	shalt  }
0x53: {  	_ =	shalt  }
0x54: {  	_ =	shalt  }
0x55: {  	_ =	shalt  }
0x56: {  	_ =	shalt  }
0x57: {  	_ =	shalt  }
0x58: {  	_ =	shalt  }
0x59: {  	_ =	shalt  }
0x5a: {  	_ =	shalt  }
0x5b: {  	_ =	shalt  }
0x5c: {  	_ =	shalt  }
0x5d: {  	_ =	shalt  }
0x5e: {  	_ =	shalt  }
0x5f: {  	_ =	shalt  }
0x60: {  	_ =	shalt  }
0x61: {  	_ =	shalt  }
0x62: {  	_ =	shalt  }
0x63: {  	_ =	shalt  }
0x64: {  	_ =	shalt  }
0x65: {  	_ =	shalt  }
0x66: {  	_ =	shalt  }
0x67: {  	_ =	shalt  }
0x68: {  	_ =	shalt  }
0x69: {  	_ =	shalt  }
0x6a: {  	_ =	shalt  }
0x6b: {  	_ =	shalt  }
0x6c: {  	_ =	shalt  }
0x6d: {  	_ =	shalt  }
0x6e: {  	_ =	shalt  }
0x6f: {  	_ =	shalt  }
0x70: {  	_ =	shalt  }
0x71: {  	_ =	shalt  }
0x72: {  	_ =	shalt  }
0x73: {  	_ =	shalt  }
0x74: {  	_ =	shalt  }
0x75: {  	_ =	shalt  }
0x76: {  	_ =	shalt  }
0x77: {  	_ =	shalt  }
0x78: {  	_ =	shalt  }
0x79: {  	_ =	shalt  }
0x7a: {  	_ =	shalt  }
0x7b: {  	_ =	shalt  }
0x7c: {  	_ =	shalt  }
0x7d: {  	_ =	shalt  }
0x7e: {  	_ =	shalt  }
0x7f: {  	_ =	shalt  }
0x80: {  	_ =	shalt  }
0x81: {  	_ =	shalt  }
0x82: {  	_ =	shalt  }
0x83: {  	_ =	shalt  }
0x84: {  	_ =	shalt  }
0x85: {  	_ =	shalt  }
0x86: {  	_ =	shalt  }
0x87: {  	_ =	shalt  }
.Lfunc_end0:
.L_simem_size_0:
called_computation.1_lowered:
.L_overlay_start_0:
0x88: {  	s2 =	sld [smem:$0x3FD9]  }
0x89: {  	s3 =	sld [smem:$0x3FFE];
	_ =	sdelay $0x1  }
0x8a: {  	s1 =	srdreg.scid  }
0x8b: {  	s0 =	sand.u32 $0x1, s1  }
0x8c: {  	s16 =	sshll.u32 s0, $0xA;
	s2 =	sadd.s32 s3, s2  }
0x8d: {  	s2 =	sadd.s32 s2, s16  }
0x8e: {  	[smem:$0x3FAF] =	sst s2  }
0x8f: {  	_ = 	snop  }
0x90: {  	(tm) =	ssettm $0x1  }
0x91: {  	s17 =	sld [smem:$0x3FFB];
	_ =	sdelay $0x3  }
0x92: {  	_ =	strace s17  }
0x93: {  	s2 =	sld [smem:$0x3FFC];
	_ =	sdelay $0x3  }
0x94: {  	_ =	strace s2  }
0x95: {  	s2 =	sld [smem:$0x3FFD];
	_ =	sdelay $0x3  }
0x96: {  	_ =	strace s2  }
0x97: {  	_ =	strace $0x8FFFFFFF  }
0x98: {  	s18 =	sld [smem:$0x3FDB];
	_ =	sdelay $0x1  }
0x99: {  	s19 =	simm.s32 $_scs_section_size  }
0x9a: {  	s4 =	simm.s32 $_size__tile_overlayer_lowered;
	s5 =	simm.s32 $_tile_overlayer_lowered  }
0x9b: {  	s22 =	simm.s32 $0x1BFF;
	s21 =	sshll.u32 s5, $0x1;
	s2 =	sadd.s32 s19, s18  }
0x9c: {  	s6 =	simm.s32 $0x0;
	s20 =	sshll.u32 s4, $0x1;
	s4 =	sadd.s32 s21, s2  }
0x9d: {  	[timem:s6], [sflag:s22] =	dma.local [hbm:s4], s20  }
0x9e: {  	_ =	swait.ge [sflag:s22], s20  }
0x9f: {  	s3 =	ssub.s32 $0x0, s20;
	[sflag:s22] =	ssyncset.done $0x0  }
0xa0: {  	[sflag:s22] =	ssyncadd.s32 s3;
	_ =	sdelay $0x1  }
0xa1: {  	s23 =	simm.s32 $0x1B8B  }
0xa2: {  	_ =	swait.ge [sflag:s23], $0x1  }
0xa3: {  	[sflag:s23] =	ssyncset.done $0x0  }
0xa4: {  	s25 =	simm.s32 $0x1B8E;
	s24 =	sld [smem:$0x3FFE];
	[sflag:s23] =	ssyncadd.s32 $0xFFFFFFFF  }
0xa5: {  	s26 =	simm.s32 $execute0_lowered;
	[smem:$0x3FD2] =	sst s25  }
0xa6: {  	s4 =	sshll.u32 s26, $0x1;
	_ =	strace $0x80000049;
	[dreg:$0x1] =	wrdreg $0xFFFFFFFF  }
0xa7: {  	s28 =	simm.s32 $_size_execute0_lowered;
	s2 =	sadd.s32 s2, s4;
	[dreg:$0x0] =	wrdreg $0x0  }
0xa8: {  	s4 =	sshll.u32 s28, $0x1;
	[dreg:$0x2] =	wrdreg s2  }
0xa9: {  	[dreg:$0x3] =	wrdreg s4  }
0xaa: {  	[dreg:$0x4] =	wrdreg $0xC0  }
0xab: {  	_ =	task [dreg:s6], $0x5FFFF  }
0xac: {  	[dreg:$0x1] =	wrdreg $0xFFFFFFFF  }
0xad: {  	[dreg:$0x0] =	wrdreg $0x60  }
0xae: {  	[dreg:$0x2] =	wrdreg s24  }
0xaf: {  	[dreg:$0x3] =	wrdreg $0xA8000  }
0xb0: {  	[dreg:$0x4] =	wrdreg $0x9  }
0xb1: {  	_ =	task.clear_ibuf [dreg:s6], $0x5FFFF;
	_ =	strace $0x90000049  }
0xb2: {  	s29 =	simm.s32 $0x9;
	_ =	strace $0x8000004B  }
0xb3: {  	_ =	swait.ge [sflag:s29], $0x1  }
0xb4: {  	[sflag:s29] =	ssyncadd.s32 $0xFFFFFFFF  }
0xb5: {  	_ =	strace $0x9000004B  }
0xb6: {  	_ =	sfence  }
0xb7: {  	s30 =	sld [smem:$0x0];
	_ =	sdelay $0x2  }
0xb8: {  	s31 =	sshll.u32 s1, $0xD;
	s1 =	sshrl.u32 s1, $0x2  }
0xb9: {  	s3 =	sand.u32 $0x4000, s31;
	s1 =	sadd.s32 s1, s30  }
0xba: {  	s0 =	sor.u32 s3, s0;
	s1 =	sshll.u32 s1, $0x11  }
0xbb: {  	s0 =	sor.u32 s1, s0  }
0xbc: {  	s0 =	sadd.s32 $0x8F2B, s0  }
0xbd: {  	[sflag:s0] =	ssyncadd.remote.s32 $0x1  }
0xbe: {  	_ =	sfence.sel $0xFFFF  }
0xbf: {  	[dreg:$0x0] =	wrdreg $0xFFFFFFFF;
	(pc) =	sbr.abs _section_cstart, $3  }
0xc0: {  	[dreg:$0x1] =	wrdreg $0xFFFFFFFF  }
0xc1: {  	_ =	task.clear_ibuf [dreg:s6], $0x2FFFF;
	_ =	strace $0x9FFFFFFF  }
0xc2: {  	(tm) =	ssettm $0x7FFFFFFF  }
0xc3: {  	_ =	shalt  }
tec
execute0_lowered:
.L_overlay_start_1:
0x0: {  	(tag) =	ssettag $0x1  }
0x1: {  	s0 =	rddreg [dreg:$0x0];
	s6 =	stileid.u32  }
0x2: {  	s1 =	rddreg [dreg:$0x1];
	s8 =	smul.u32 $0x14000, s6  }
0x3: {  	s2 =	srdreg.scid;
	s9 =	smul.u32 $0x4E20, s6  }
0x4: {  	s29 =	simm.s32 $0x40;
	s31 =	simm.s32 $0x5;
	s12 =	smul.u32 $0x4E000, s6  }
0x5: {  	s28 =	simm.s32 $0xD;
	s5 =	sand.u32 $0x1, s2;
	s26 =	smul.u32 $0x2700, s6  }
0x6: {  	s2 =	simm.s32 $0x0;
	s3 =	sadd.s32 $0x68400, s0;
	s18 =	smul.u32 $0x50000, s6  }
0x7: {  	s10 =	sadd.s32 $0xE600, s0;
	s4 =	sadd.s32 $0x18400, s0;
	s7 =	smul.u32 $0x140000, s5  }
0x8: {  	s30 =	sshll.u32 s6, $0x6;
	p0 =	sne.s32 s6, $0x0;
	s11 =	smul.u32 $0x4E200, s5  }
0x9: {  	[smem:$0x7FF] =	sst s2;
	s24 =	ssub.s32 $0x2, s5;
	s14 =	smul.u32 $0x27100, s5  }
0xa: {  	s5 =	smul.u32 $0x138800, s5;
	_ =	strace $0x8000004A;
	s13 =	sshrl.u32 s24, $0x1  }
0xb: {  	s12 =	sshrl.u32 s12, $0x2;
	[dreg:$0x3] =	wrdreg s30;
	s16 =	sshrl.u32 s9, $0x3  }
0xc: {  	s22 =	sshrl.u32 s18, $0x2;
	s7 =	sadd.s32 s8, s7;
	s25 =	ssub.s32 s24, s13  }
0xd: {  	s11 =	sadd.s32 s9, s11;
	s12 =	sadd.s32 s12, s1;
	s8 =	sadd.s32 s26, s14  }
0xe: {  	s14 =	sor.u32 $0x1C15, s30;
	s5 =	sshrl.u32 s5, $0x3;
	s24 =	smul.u32 $0x9C4, s6  }
0xf: {  	s6 =	simm.s32 $0x3;
	s7 =	sshrl.u32 s7, $0x3;
	s8 =	sadd.s32 s4, s8  }
0x10: {  	[dreg:$0x5] =	wrdreg s14;
	s5 =	sadd.s32 s4, s5;
	s15 =	sshrl.u32 s11, $0x3  }
0x11: {  	s14 =	sadd.s32 s10, s16;
	s23 =	sadd.s32 $0x240, s11;
	[dreg:$0x4] =	wrdreg s8  }
0x12: {  	s26 =	sadd.s32 $0x1C0, s11;
	s5 =	sadd.s32 $0x27000, s5;
	[dreg:$0x8] =	wrdreg s14  }
0x13: {  	s30 =	sadd.s32 $0x180, s11;
	s19 =	sadd.s32 $0x8, s14;
	[dreg:$0x6] =	wrdreg s5  }
0x14: {  	s0 =	sadd.s32 s7, s0;
	s21 =	sadd.s32 $0x10, s14;
	[dreg:$0xa] =	wrdreg s19  }
0x15: {  	s8 =	sadd.s32 $0x138000, s1;
	s7 =	smax.u32 s25, $0x1;
	[dreg:$0xc] =	wrdreg s21  }
0x16: {  	s25 =	sadd.s32 $0x200, s11;
	s11 =	sadd.s32 $0x140, s11;
	[dreg:$0xe] =	wrdreg s7  }
0x17: {  	s13 =	sadd.s32 s3, s15;
	s15 =	sshrl.u32 s12, $0x3;
	[dreg:$0x13] =	wrdreg s11  }
0x18: {  	s18 =	sadd.s32 s24, s10;
	s10 =	sshrl.u32 s30, $0x3;
	[dreg:$0x14] =	wrdreg s15  }
0x19: {  	s30 =	sadd.s32 $0x9C0, s14;
	s12 =	simm.s32 $0x400;
	[dreg:$0x7] =	wrdreg s13  }
0x1a: {  	s17 =	sadd.s32 $0x8, s13;
	s20 =	sadd.s32 $0x10, s13;
	[smem:$0x7FD] =	sst s30  }
0x1b: {  	s0 =	sadd.s32 $0x7BE00, s0;
	s5 =	sshrl.u32 s23, $0x3;
	[dreg:$0x9] =	wrdreg s17  }
0x1c: {  	s7 =	sshrl.u32 s26, $0x3;
	s21 =	smov.u32 s3;
	[dreg:$0xb] =	wrdreg s20  }
0x1d: {  	s16 =	sadd.s32 $0x18, s13;
	s19 =	sadd.s32 $0x20, s13;
	[dreg:$0xd] =	wrdreg s0  }
0x1e: {  	s23 =	sadd.s32 $0x9B0, s14;
	s24 =	sadd.s32 $0x9B8, s13;
	[dreg:$0x17] =	wrdreg s16  }
0x1f: {  	s26 =	sadd.s32 $0x9C0, s13;
	s11 =	simm.s32 $0x4;
	[dreg:$0x19] =	wrdreg s19  }
0x20: {  	s15 =	simm.s32 $0xA;
	s0 =	sadd.s32 s22, s1;
	[dreg:$0x1c] =	wrdreg s23  }
0x21: {  	s5 =	sadd.s32 s5, s3;
	s9 =	sadd.s32 s7, s3;
	[dreg:$0x1d] =	wrdreg s24  }
0x22: {  	s17 =	sadd.s32 $0x18, s14;
	s20 =	sadd.s32 $0x20, s14;
	[dreg:$0x1f] =	wrdreg s26  }
0x23: {  	s22 =	sadd.s32 $0x9B0, s13;
	s16 =	simm.s32 $0x500;
	[dreg:$0xf] =	wrdreg s5  }
0x24: {  	s19 =	simm.s32 $0x1;
	s13 =	simm.s32 $0x4800;
	[dreg:$0x11] =	wrdreg s9  }
0x25: {  	s26 =	simm.s32 $0x7;
	s7 =	simm.s32 $0x8800;
	[dreg:$0x18] =	wrdreg s17  }
0x26: {  	s24 =	simm.s32 $0x8;
	s23 =	simm.s32 $0x12;
	[dreg:$0x1a] =	wrdreg s20  }
0x27: {  	s5 =	sshrl.u32 s25, $0x3;
	s0 =	sshrl.u32 s0, $0x3;
	[dreg:$0x1b] =	wrdreg s22  }
0x28: {  	s25 =	sadd.s32 $0x9B8, s14;
	s20 =	simm.s32 $0x800;
	s14 =	simm.s32 $0xF  }
.Ltmp0:
0x29: {  	s22 =	simm.s32 $0x13;
	[dreg:$0x16] =	wrdreg s0;
	(pc) =	sbr.rel .LBB2_1-.Ltmp0, $4  }
0x2a: {  	s9 =	simm.s32 $0x0;
	s5 =	sadd.s32 s5, s3;
	[dreg:$0x1e] =	wrdreg s25  }
0x2b: {  	s3 =	sadd.s32 s10, s3;
	s25 =	simm.s32 $0x200;
	[dreg:$0x10] =	wrdreg s5  }
0x2c: {  	s10 =	simm.s32 $0xC;
	[dreg:$0x12] =	wrdreg s3;
	s3 =	sshrl.u32 @!p0 s8, $0x3  }
0x2d: {  	v0 =	vimm.s32 $0x0;
	v1 =	vimm.s32 $0x2710;
	s8 =	simm.s32 $0xB;
	s5 =	simm.s32 $0x6;
	[dreg:$0x15] =	wrdreg s3  }
.LBB2_7:
0x2e: {  	s3 =	simm.s32 $0x10  }
0x2f: {  	_ =	swait.ge [sflag:s3], $0x2000  }
0x30: {  	[sflag:s3] =	ssyncset.done $0x0  }
0x31: {  	s0 =	simm.s32 $0x11;
	[sflag:s3] =	ssyncadd.s32 $0xFFFFE000  }
0x32: {  	_ =	swait.ge [sflag:s0], $0x2000  }
0x33: {  	[sflag:s0] =	ssyncset.done $0x0  }
0x34: {  	[sflag:s0] =	ssyncadd.s32 $0xFFFFE000  }
0x35: {  	_ =	swait.ge [sflag:s23], $0x2000  }
0x36: {  	[sflag:s23] =	ssyncset.done $0x0  }
0x37: {  	[sflag:s23] =	ssyncadd.s32 $0xFFFFE000  }
0x38: {  	_ =	swait.ge [sflag:s22], $0x2000  }
0x39: {  	[sflag:s22] =	ssyncset.done $0x0  }
0x3a: {  	s19 =	simm.s32 $0x14;
	[sflag:s22] =	ssyncadd.s32 $0xFFFFE000  }
0x3b: {  	_ =	swait.ge [sflag:s19], $0x2000  }
0x3c: {  	[sflag:s19] =	ssyncset.done $0x0  }
0x3d: {  	s20 =	rddreg [dreg:$0x1b];
	[sflag:s19] =	ssyncadd.s32 $0xFFFFE000  }
0x3e: {  	[tilespmem:s2], [sflag:$0x1] =	stream.linear.gather [hbm4b:s20+s2], $0x40, $0x38;
	[tilespmem:$0x1E800] =	vst v63  }
0x3f: {  	s12 =	simm.s32 $0x400;
	s30 =	rddreg [dreg:$0x1c];
	s19 =	simm.s32 $0x1  }
0x40: {  	[tilespmem:s12], [sflag:$0x6] =	stream.linear.gather [hbm4b:s30+s2], $0x40, $0x38;
	[tilespmem:$0x1E800] =	vst v63  }
0x41: {  	_ =	swait.ge [sflag:s19], $0x40  }
0x42: {  	[sflag:s19] =	ssyncset.done $0x0  }
0x43: {  	[sflag:s19] =	ssyncadd.s32 $0xFFFFFFC0  }
0x44: {  	_ =	swait.ge [sflag:s5], $0x40  }
0x45: {  	[sflag:s5] =	ssyncset.done $0x0  }
0x46: {  	s20 =	simm.s32 $0x800;
	[sflag:s5] =	ssyncadd.s32 $0xFFFFFFC0  }
0x47: {  	[tilespmem:s20], [sflag:$0xB] =	stream.indirect.gather [hbm4b:s4+s29], $0x80, s2, s29, $0xb8;
	[tilespmem:$0x1E800] =	vst v63  }
0x48: {  	_ =	swait.ge [sflag:s8], $0x2000  }
0x49: {  	[sflag:s8] =	ssyncset.done $0x0  }
0x4a: {  	[sflag:s8] =	ssyncadd.s32 $0xFFFFE000  }
0x4b: {  	[spmem:s1] =	stream.indirect.scatter.add.f32 [tilespmem:s20], [sflag:$0x10], $0x80, s12, s29, $0xb8;
	[tilespmem:$0x1E800] =	vst v63  }
0x4c: {  	_ =	swait.ge [sflag:s3], $0x2000  }
0x4d: {  	[sflag:s3] =	ssyncset.done $0x0  }
0x4e: {  	s9 =	rddreg [dreg:$0x1d];
	[sflag:s3] =	ssyncadd.s32 $0xFFFFE000  }
0x4f: {  	[tilespmem:s2], [sflag:$0x1] =	stream.linear.gather [hbm4b:s9+s2], $0x40, $0x38;
	[tilespmem:$0x1E800] =	vst v63  }
0x50: {  	s17 =	rddreg [dreg:$0x1e]  }
0x51: {  	[tilespmem:s12], [sflag:$0x6] =	stream.linear.gather [hbm4b:s17+s2], $0x40, $0x38;
	[tilespmem:$0x1E800] =	vst v63  }
0x52: {  	_ =	swait.ge [sflag:s19], $0x40  }
0x53: {  	[sflag:s19] =	ssyncset.done $0x0  }
0x54: {  	[sflag:s19] =	ssyncadd.s32 $0xFFFFFFC0  }
0x55: {  	_ =	swait.ge [sflag:s5], $0x40  }
0x56: {  	[sflag:s5] =	ssyncset.done $0x0  }
0x57: {  	[sflag:s5] =	ssyncadd.s32 $0xFFFFFFC0  }
0x58: {  	[tilespmem:s20], [sflag:$0xB] =	stream.indirect.gather [hbm4b:s4+s29], $0x80, s2, s29, $0xb8;
	[tilespmem:$0x1E800] =	vst v63  }
0x59: {  	_ =	swait.ge [sflag:s8], $0x2000  }
0x5a: {  	[sflag:s8] =	ssyncset.done $0x0  }
0x5b: {  	[sflag:s8] =	ssyncadd.s32 $0xFFFFE000  }
0x5c: {  	[spmem:s1] =	stream.indirect.scatter.add.f32 [tilespmem:s20], [sflag:$0x10], $0x80, s12, s29, $0xb8;
	[tilespmem:$0x1E800] =	vst v63  }
0x5d: {  	_ =	swait.ge [sflag:s3], $0x2000  }
0x5e: {  	[sflag:s3] =	ssyncset.done $0x0  }
0x5f: {  	[sflag:s3] =	ssyncadd.s32 $0xFFFFE000  }
0x60: {  	[tilespmem:$0x0] =	vst v0  }
0x61: {  	[tilespmem:$0x400] =	vst v1  }
0x62: {  	[tilespmem:$0x10] =	vst v0  }
0x63: {  	[tilespmem:$0x410] =	vst v1  }
0x64: {  	[tilespmem:$0x20] =	vst v0  }
0x65: {  	[tilespmem:$0x420] =	vst v1  }
0x66: {  	s30 =	rddreg [dreg:$0x1f];
	[tilespmem:$0x30] =	vst v0  }
0x67: {  	s9 =	sld [smem:$0x7FD];
	[tilespmem:$0x430] =	vst v1  }
0x68: {  	[tilespmem:s2], [sflag:$0x1] =	stream.linear.gather [hbm4b:s30+s2], $0x20, $0x38;
	[tilespmem:$0x1E800] =	vst v63  }
0x69: {  	_ = 	snop  }
0x6a: {  	[tilespmem:s12], [sflag:$0x6] =	stream.linear.gather [hbm4b:s9+s2], $0x20, $0x38;
	[tilespmem:$0x1E800] =	vst v63  }
0x6b: {  	_ =	swait.ge [sflag:s19], $0x20  }
0x6c: {  	[sflag:s19] =	ssyncset.done $0x0  }
0x6d: {  	[sflag:s19] =	ssyncadd.s32 $0xFFFFFFE0  }
0x6e: {  	_ =	swait.ge [sflag:s5], $0x20  }
0x6f: {  	[sflag:s5] =	ssyncset.done $0x0  }
0x70: {  	[sflag:s5] =	ssyncadd.s32 $0xFFFFFFE0  }
0x71: {  	[tilespmem:s20], [sflag:$0xB] =	stream.indirect.gather [hbm4b:s4+s29], $0x80, s2, s29, $0xb8;
	[tilespmem:$0x1E800] =	vst v63  }
0x72: {  	_ =	swait.ge [sflag:s8], $0x2000  }
0x73: {  	[sflag:s8] =	ssyncset.done $0x0  }
0x74: {  	[sflag:s8] =	ssyncadd.s32 $0xFFFFE000  }
0x75: {  	[spmem:s1] =	stream.indirect.scatter.add.f32 [tilespmem:s20], [sflag:$0x10], $0x80, s12, s29, $0xb8;
	[tilespmem:$0x1E800] =	vst v63  }
0x76: {  	_ =	swait.ge [sflag:s3], $0x2000  }
0x77: {  	[sflag:s3] =	ssyncset.done $0x0  }
0x78: {  	[sflag:s3] =	ssyncadd.s32 $0xFFFFE000  }
0x79: {  	[bflag:$0x0] =	sbarrier.arrive $0xFFFF  }
0x7a: {  	s17 =	rddreg [dreg:$0x3]  }
0x7b: {  	s30 =	rddreg [dreg:$0xd]  }
0x7c: {  	s3 =	simm.s32 $0x16;
	s9 =	rddreg [dreg:$0x16];
	s0 =	sor.u32 $0x1C16, s17  }
0x7d: {  	[hbm:s30], [sflag:s0] =	dma.local [spmem:s9], $0x2800  }
0x7e: {  	_ =	swait.ge [sflag:s3], $0x2800  }
0x7f: {  	s17 =	sld [smem:$0x7FC];
	_ =	sdelay $0x2  }
0x80: {  	s30 =	rddreg [dreg:$0xe];
	s9 =	sadd.s32 $0x1, s17  }
0x81: {  	p1 =	sne.s32 s9, s30  }
.Ltmp1:
0x82: {  	_ = 	snop;
	(pc) =	sbr.rel @!p1 .LBB2_8-.Ltmp1, $3  }
0x83: {  	_ =	sdelay $0x1  }
0x84: {  	[sflag:s3] =	ssyncset.done $0x0  }
0x85: {  	[sflag:s3] =	ssyncadd.s32 $0xFFFFD800  }
.LBB2_1:
0x86: {  	[smem:$0x7FC] =	sst s9  }
0x87: {  	s0 =	rddreg [dreg:$0x4]  }
0x88: {  	s3 =	rddreg [dreg:$0x5]  }
0x89: {  	s30 =	rddreg [dreg:$0x14]  }
0x8a: {  	[spmem:s30], [sflag:s3] =	dma.local [hbm:s0], $0x2700  }
0x8b: {  	s0 =	rddreg [dreg:$0x6]  }
0x8c: {  	s9 =	rddreg [dreg:$0x15]  }
0x8d: {  	[spmem:s9], [sflag:s3] =	dma.local @!p0 [hbm:s0], $0x100  }
0x8e: {  	s0 =	rddreg [dreg:$0x7]  }
0x8f: {  	[tilespmem:s2], [sflag:$0x1] =	stream.linear.gather [hbm4b:s0+s2], $0x40, $0x38;
	[tilespmem:$0x1E800] =	vst v63  }
0x90: {  	s17 =	rddreg [dreg:$0x8]  }
0x91: {  	[tilespmem:s12], [sflag:$0x6] =	stream.linear.gather [hbm4b:s17+s2], $0x40, $0x38;
	[tilespmem:$0x1E800] =	vst v63  }
0x92: {  	s3 =	simm.s32 $0x80;
	s30 =	rddreg [dreg:$0x9]  }
0x93: {  	[tilespmem:s3], [sflag:$0x2] =	stream.linear.gather [hbm4b:s30+s2], $0x40, $0x38;
	[tilespmem:$0x1E800] =	vst v63  }
0x94: {  	s9 =	rddreg [dreg:$0xa];
	s17 =	simm.s32 $0x480  }
0x95: {  	[tilespmem:s17], [sflag:$0x7] =	stream.linear.gather [hbm4b:s9+s2], $0x40, $0x38;
	[tilespmem:$0x1E800] =	vst v63  }
0x96: {  	s30 =	rddreg [dreg:$0xb];
	s9 =	simm.s32 $0x100  }
0x97: {  	[tilespmem:s9], [sflag:$0x3] =	stream.linear.gather [hbm4b:s30+s2], $0x40, $0x38;
	[tilespmem:$0x1E800] =	vst v63  }
0x98: {  	s17 =	rddreg [dreg:$0xc]  }
0x99: {  	[tilespmem:s16], [sflag:$0x8] =	stream.linear.gather [hbm4b:s17+s2], $0x40, $0x38;
	[tilespmem:$0x1E800] =	vst v63  }
0x9a: {  	s30 =	rddreg [dreg:$0x17];
	s17 =	simm.s32 $0x180  }
0x9b: {  	[tilespmem:s17], [sflag:$0x4] =	stream.linear.gather [hbm4b:s30+s2], $0x40, $0x38;
	[tilespmem:$0x1E800] =	vst v63  }
0x9c: {  	s17 =	rddreg [dreg:$0x18];
	s30 =	simm.s32 $0x580  }
0x9d: {  	[tilespmem:s30], [sflag:$0x9] =	stream.linear.gather [hbm4b:s17+s2], $0x40, $0x38;
	[tilespmem:$0x1E800] =	vst v63  }
0x9e: {  	s30 =	rddreg [dreg:$0x19]  }
0x9f: {  	[tilespmem:s25], [sflag:$0x5] =	stream.linear.gather [hbm4b:s30+s2], $0x40, $0x38;
	[tilespmem:$0x1E800] =	vst v63  }
0xa0: {  	s17 =	rddreg [dreg:$0x1a];
	s30 =	simm.s32 $0x600  }
0xa1: {  	[tilespmem:s30], [sflag:$0xA] =	stream.linear.gather [hbm4b:s17+s2], $0x40, $0x38;
	[tilespmem:$0x1E800] =	vst v63  }
0xa2: {  	s17 =	simm.s32 $0x15  }
0xa3: {  	_ =	swait.ge [sflag:s17], $0x2700  }
0xa4: {  	[sflag:s17] =	ssyncset.done $0x0  }
0xa5: {  	s0 =	simm.s32 @!p0 $0x15;
	[sflag:s17] =	ssyncadd.s32 $0xFFFFD900  }
0xa6: {  	_ =	swait.ge @!p0 [sflag:s0], $0x100  }
0xa7: {  	[sflag:s0] =	ssyncset.done @!p0 $0x0  }
0xa8: {  	[sflag:s0] =	ssyncadd.s32 @!p0 $0xFFFFFF00  }
0xa9: {  	[bflag:$0x0] =	sbarrier.arrive $0xFFFF  }
0xaa: {  	_ =	swait.ge [sflag:s19], $0x40  }
0xab: {  	[sflag:s19] =	ssyncset.done $0x0  }
0xac: {  	[sflag:s19] =	ssyncadd.s32 $0xFFFFFFC0;
	s19 =	simm.s32 $0x2  }
0xad: {  	[tilespmem:s20], [sflag:$0xB] =	stream.indirect.gather [hbm4b:s4+s29], $0x80, s2, s29, $0xb8;
	[tilespmem:$0x1E800] =	vst v63  }
0xae: {  	_ =	swait.ge [sflag:s19], $0x40  }
0xaf: {  	[sflag:s19] =	ssyncset.done $0x0  }
0xb0: {  	s30 =	simm.s32 $0x2800;
	[sflag:s19] =	ssyncadd.s32 $0xFFFFFFC0  }
0xb1: {  	[tilespmem:s30], [sflag:$0xC] =	stream.indirect.gather [hbm4b:s4+s29], $0x80, s3, s29, $0xb8;
	[tilespmem:$0x1E800] =	vst v63  }
0xb2: {  	_ =	swait.ge [sflag:s6], $0x40  }
0xb3: {  	[sflag:s6] =	ssyncset.done $0x0  }
0xb4: {  	[sflag:s6] =	ssyncadd.s32 $0xFFFFFFC0  }
0xb5: {  	[tilespmem:s13], [sflag:$0xD] =	stream.indirect.gather [hbm4b:s4+s29], $0x80, s9, s29, $0xb8;
	[tilespmem:$0x1E800] =	vst v63  }
0xb6: {  	s0 =	simm.s32 $0x0;
	s9 =	rddreg [dreg:$0x13]  }
.LBB2_2:
0xb7: {  	_ =	swait.ge [sflag:s8], $0x2000  }
0xb8: {  	[sflag:s8] =	ssyncset.done $0x0  }
0xb9: {  	p1 =	seq.s32 s0, $0x988;
	[sflag:s8] =	ssyncadd.s32 $0xFFFFE000  }
0xba: {  	p2 =	seq.s32 @!p1 s0, $0x0;
	_ =	swait.ge [sflag:s5], $0x40  }
0xbb: {  	p2 =	por p1, !p2;
	[sflag:s5] =	ssyncset.done $0x0  }
.Ltmp2:
0xbc: {  	[sflag:s5] =	ssyncadd.s32 $0xFFFFFFC0;
	(pc) =	sbr.rel @!p2 .LBB2_3-.Ltmp2, $4  }
0xbd: {  	[spmem:s1] =	stream.indirect.scatter.add.f32 [tilespmem:s20], [sflag:$0x10], $0x80, s12, s29, $0xb8;
	[tilespmem:$0x1E800] =	vst v63  }
0xbe: {  	s12 =	sshrl.u32 @!p1 s9, $0x3  }
0xbf: {  	s30 =	sadd.s32 @!p1 s21, s12;
	s12 =	simm.s32 @!p1 $0x0  }
0xc0: {  	[tilespmem:s12], [sflag:$0x1] =	stream.linear.gather @!p1 [hbm4b:s30+s12], $0x40, $0x38;
	[tilespmem:$0x1E800] =	vst v63  }
.Ltmp3:
0xc1: {  	(pc) =	sbr.rel .LBB2_5-.Ltmp3, $4  }
0xc2: {  	_ =	swait.ge [sflag:s22], $0x2000  }
0xc3: {  	s30 =	sadd.s32 s0, s18;
	s3 =	simm.s32 $0x580;
	[sflag:s22] =	ssyncset.done $0x0  }
0xc4: {  	p2 =	por $0x0, $0x0;
	s30 =	sadd.s32 $0x18, s30;
	[sflag:s22] =	ssyncadd.s32 $0xFFFFE000  }
0xc5: {  	[tilespmem:s3], [sflag:$0x9] =	stream.linear.gather [hbm4b:s30+s2], $0x40, $0x38;
	[tilespmem:$0x1E800] =	vst v63  }
.LBB2_3:
0xc6: {  	p2 =	por @!p1 $0x1, $0x1  }
.LBB2_5:
0xc7: {  	_ =	swait.ge [sflag:s11], $0x40  }
0xc8: {  	[sflag:s11] =	ssyncset.done $0x0  }
0xc9: {  	s3 =	simm.s32 $0x180;
	s17 =	simm.s32 $0x6800;
	[sflag:s11] =	ssyncadd.s32 $0xFFFFFFC0  }
0xca: {  	[tilespmem:s17], [sflag:$0xE] =	stream.indirect.gather [hbm4b:s4+s29], $0x80, s3, s29, $0xb8;
	[tilespmem:$0x1E800] =	vst v63  }
0xcb: {  	_ =	swait.ge [sflag:s10], $0x2000  }
0xcc: {  	[sflag:s10] =	ssyncset.done $0x0  }
0xcd: {  	[sflag:s10] =	ssyncadd.s32 $0xFFFFE000  }
0xce: {  	_ =	swait.ge [sflag:s26], $0x40  }
0xcf: {  	s19 =	simm.s32 $0x480;
	[sflag:s26] =	ssyncset.done $0x0  }
0xd0: {  	s20 =	simm.s32 $0x2800;
	s3 =	rddreg [dreg:$0x12];
	[sflag:s26] =	ssyncadd.s32 $0xFFFFFFC0  }
0xd1: {  	[spmem:s1] =	stream.indirect.scatter.add.f32 [tilespmem:s20], [sflag:$0x11], $0x80, s19, s29, $0xb8;
	[tilespmem:$0x1E800] =	vst v63  }
0xd2: {  	s30 =	simm.s32 @!p1 $0x80;
	s3 =	sadd.s32 @!p1 s0, s3  }
0xd3: {  	[tilespmem:s30], [sflag:$0x2] =	stream.linear.gather @!p1 [hbm4b:s3+s12], $0x40, $0x38;
	[tilespmem:$0x1E800] =	vst v63  }
0xd4: {  	s3 =	simm.s32 @!p2 $0x14  }
0xd5: {  	_ =	swait.ge @!p2 [sflag:s3], $0x2000  }
0xd6: {  	[sflag:s3] =	ssyncset.done @!p2 $0x0  }
0xd7: {  	[sflag:s3] =	ssyncadd.s32 @!p2 $0xFFFFE000;
	s3 =	sadd.s32 @!p2 s0, s18  }
0xd8: {  	s17 =	simm.s32 @!p2 $0x0;
	s19 =	simm.s32 @!p2 $0x600;
	s3 =	sadd.s32 @!p2 $0x20, s3  }
0xd9: {  	[tilespmem:s19], [sflag:$0xA] =	stream.linear.gather @!p2 [hbm4b:s3+s17], $0x40, $0x38;
	[tilespmem:$0x1E800] =	vst v63  }
0xda: {  	_ =	swait.ge [sflag:s31], $0x40  }
0xdb: {  	[sflag:s31] =	ssyncset.done $0x0  }
0xdc: {  	[sflag:s31] =	ssyncadd.s32 $0xFFFFFFC0  }
0xdd: {  	[tilespmem:s7], [sflag:$0xF] =	stream.indirect.gather [hbm4b:s4+s29], $0x80, s25, s29, $0xb8;
	[tilespmem:$0x1E800] =	vst v63  }
0xde: {  	_ =	swait.ge [sflag:s28], $0x2000  }
0xdf: {  	[sflag:s28] =	ssyncset.done $0x0  }
0xe0: {  	[sflag:s28] =	ssyncadd.s32 $0xFFFFE000  }
0xe1: {  	_ =	swait.ge [sflag:s24], $0x40  }
0xe2: {  	[sflag:s24] =	ssyncset.done $0x0  }
0xe3: {  	s3 =	simm.s32 @p1 $0xE;
	[sflag:s24] =	ssyncadd.s32 $0xFFFFFFC0  }
0xe4: {  	[spmem:s1] =	stream.indirect.scatter.add.f32 [tilespmem:s13], [sflag:$0x12], $0x80, s16, s29, $0xb8;
	[tilespmem:$0x1E800] =	vst v63  }
0xe5: {  	_ =	swait.ge @p1 [sflag:s3], $0x2000  }
0xe6: {  	[sflag:s3] =	ssyncset.done @p1 $0x0  }
0xe7: {  	[sflag:s3] =	ssyncadd.s32 @p1 $0xFFFFE000;
	s3 =	simm.s32 @p1 $0x9  }
0xe8: {  	_ =	swait.ge @p1 [sflag:s3], $0x40  }
0xe9: {  	s17 =	simm.s32 @p1 $0x580;
	[sflag:s3] =	ssyncset.done @p1 $0x0  }
0xea: {  	s19 =	simm.s32 @p1 $0x6800;
	[sflag:s3] =	ssyncadd.s32 @p1 $0xFFFFFFC0;
	s3 =	simm.s32 @p1 $0x40  }
0xeb: {  	[spmem:s1] =	stream.indirect.scatter.add.f32 @p1 [tilespmem:s19], [sflag:$0x13], $0x80, s17, s3, $0xb8;
	[tilespmem:$0x1E800] =	vst v63  }
0xec: {  	s3 =	rddreg [dreg:$0x11]  }
0xed: {  	s17 =	simm.s32 @!p1 $0x100;
	s3 =	sadd.s32 @!p1 s0, s3  }
0xee: {  	[tilespmem:s17], [sflag:$0x3] =	stream.linear.gather @!p1 [hbm4b:s3+s12], $0x40, $0x38;
	[tilespmem:$0x1E800] =	vst v63  }
0xef: {  	s3 =	simm.s32 @!p1 $0x10  }
0xf0: {  	_ =	swait.ge @!p1 [sflag:s3], $0x2000  }
0xf1: {  	s17 =	sadd.s32 @!p1 s0, s18;
	[sflag:s3] =	ssyncset.done @!p1 $0x0  }
0xf2: {  	s19 =	simm.s32 @!p1 $0x400;
	[sflag:s3] =	ssyncadd.s32 @!p1 $0xFFFFE000;
	s3 =	sadd.s32 @!p1 $0x28, s17  }
0xf3: {  	[tilespmem:s19], [sflag:$0x6] =	stream.linear.gather @!p1 [hbm4b:s3+s12], $0x40, $0x38;
	[tilespmem:$0x1E800] =	vst v63  }
0xf4: {  	s3 =	simm.s32 @!p1 $0x1  }
0xf5: {  	_ =	swait.ge @!p1 [sflag:s3], $0x40  }
0xf6: {  	[sflag:s3] =	ssyncset.done @!p1 $0x0  }
0xf7: {  	s19 =	simm.s32 @!p1 $0x800;
	[sflag:s3] =	ssyncadd.s32 @!p1 $0xFFFFFFC0;
	s3 =	simm.s32 @!p1 $0x40  }
0xf8: {  	[tilespmem:s19], [sflag:$0xB] =	stream.indirect.gather @!p1 [hbm4b:s4+s3], $0x80, s12, s3, $0xb8;
	[tilespmem:$0x1E800] =	vst v63  }
0xf9: {  	s19 =	simm.s32 @!p1 $0xE  }
0xfa: {  	_ =	swait.ge @!p1 [sflag:s19], $0x2000  }
0xfb: {  	[sflag:s19] =	ssyncset.done @!p1 $0x0  }
0xfc: {  	[sflag:s19] =	ssyncadd.s32 @!p1 $0xFFFFE000;
	s19 =	simm.s32 @!p1 $0x9  }
0xfd: {  	_ =	swait.ge @!p1 [sflag:s19], $0x40  }
0xfe: {  	[sflag:s19] =	ssyncset.done @!p1 $0x0  }
0xff: {  	s20 =	simm.s32 @!p1 $0x6800;
	[sflag:s19] =	ssyncadd.s32 @!p1 $0xFFFFFFC0;
	s19 =	simm.s32 @!p1 $0x580  }
0x100: {  	[spmem:s1] =	stream.indirect.scatter.add.f32 @!p1 [tilespmem:s20], [sflag:$0x13], $0x80, s19, s3, $0xb8;
	[tilespmem:$0x1E800] =	vst v63  }
0x101: {  	s19 =	rddreg [dreg:$0x10]  }
0x102: {  	s20 =	simm.s32 @!p1 $0x180;
	s19 =	sadd.s32 @!p1 s0, s19  }
0x103: {  	[tilespmem:s20], [sflag:$0x4] =	stream.linear.gather @!p1 [hbm4b:s19+s12], $0x40, $0x38;
	[tilespmem:$0x1E800] =	vst v63  }
0x104: {  	s19 =	simm.s32 @!p1 $0x11  }
0x105: {  	_ =	swait.ge @!p1 [sflag:s19], $0x2000  }
0x106: {  	[sflag:s19] =	ssyncset.done @!p1 $0x0  }
0x107: {  	s17 =	sadd.s32 @!p1 $0x30, s17;
	[sflag:s19] =	ssyncadd.s32 @!p1 $0xFFFFE000;
	s19 =	simm.s32 @!p1 $0x480  }
0x108: {  	[tilespmem:s19], [sflag:$0x7] =	stream.linear.gather @!p1 [hbm4b:s17+s12], $0x40, $0x38;
	[tilespmem:$0x1E800] =	vst v63  }
0x109: {  	s12 =	simm.s32 @!p1 $0x2  }
0x10a: {  	_ =	swait.ge @!p1 [sflag:s12], $0x40  }
0x10b: {  	[sflag:s12] =	ssyncset.done @!p1 $0x0  }
0x10c: {  	[sflag:s12] =	ssyncadd.s32 @!p1 $0xFFFFFFC0;
	s12 =	simm.s32 @!p1 $0x2800  }
0x10d: {  	[tilespmem:s12], [sflag:$0xC] =	stream.indirect.gather @!p1 [hbm4b:s4+s3], $0x80, s30, s3, $0xb8;
	[tilespmem:$0x1E800] =	vst v63  }
0x10e: {  	_ =	swait.ge [sflag:s14], $0x2000  }
0x10f: {  	[sflag:s14] =	ssyncset.done $0x0  }
.Ltmp4:
0x110: {  	[sflag:s14] =	ssyncadd.s32 $0xFFFFE000;
	(pc) =	sbr.rel @p1 .LBB2_7-.Ltmp4, $4  }
0x111: {  	_ =	swait.ge [sflag:s15], $0x40  }
0x112: {  	[sflag:s15] =	ssyncset.done $0x0  }
0x113: {  	s30 =	simm.s32 $0x600;
	[sflag:s15] =	ssyncadd.s32 $0xFFFFFFC0  }
0x114: {  	[spmem:s1] =	stream.indirect.scatter.add.f32 [tilespmem:s7], [sflag:$0x14], $0x80, s30, s29, $0xb8;
	[tilespmem:$0x1E800] =	vst v63  }
0x115: {  	s3 =	rddreg [dreg:$0xf]  }
0x116: {  	s3 =	sadd.s32 s0, s3  }
0x117: {  	[tilespmem:s25], [sflag:$0x5] =	stream.linear.gather [hbm4b:s3+s2], $0x40, $0x38;
	[tilespmem:$0x1E800] =	vst v63  }
0x118: {  	_ =	swait.ge [sflag:s23], $0x2000  }
0x119: {  	s20 =	sadd.s32 s0, s18;
	[sflag:s23] =	ssyncset.done $0x0  }
0x11a: {  	s3 =	sadd.s32 $0x38, s20;
	[sflag:s23] =	ssyncadd.s32 $0xFFFFE000  }
0x11b: {  	[tilespmem:s16], [sflag:$0x8] =	stream.linear.gather [hbm4b:s3+s2], $0x40, $0x38;
	[tilespmem:$0x1E800] =	vst v63  }
.Ltmp5:
0x11c: {  	_ = 	snop;
	(pc) =	sbr.rel .LBB2_2-.Ltmp5, $4  }
0x11d: {  	s30 =	simm.s32 $0x100;
	_ =	swait.ge [sflag:s6], $0x40  }
0x11e: {  	s9 =	sadd.s32 $0x140, s9;
	s12 =	simm.s32 $0x400;
	[sflag:s6] =	ssyncset.done $0x0  }
0x11f: {  	s0 =	sadd.s32 $0x28, s0;
	s20 =	simm.s32 $0x800;
	[sflag:s6] =	ssyncadd.s32 $0xFFFFFFC0  }
0x120: {  	[tilespmem:s13], [sflag:$0xD] =	stream.indirect.gather [hbm4b:s4+s29], $0x80, s30, s29, $0xb8;
	[tilespmem:$0x1E800] =	vst v63  }
.LBB2_8:
0x121: {  	_ =	sfence.sel $0x180000  }
0x122: {  	[bflag:$0x0] =	sbarrier.arrive $0xFFFF  }
0x123: {  	_ =	strace $0x9000004A  }
0x124: {  	[bflag:$0x2] =	sbarrier.arrive $0xFFFF  }
0x125: {  	s0 =	rddreg [dreg:$0x2]  }
0x126: {  	s0 =	sadd.s32 @!p0 $0x100000, s0  }
0x127: {  	[sflag:s0] =	ssyncadd.tile.s32 @!p0 $0x1;
	_ =	shalt  }
.Lfunc_end2:
_tile_overlayer_lowered:
.L_overlay_start_2:
0x128: {  	(tag) =	ssettag $0x2  }
0x129: {  	s0 =	rddreg [dreg:$0x0];
	s2 =	stileid.u32  }
0x12a: {  	s1 =	rddreg [dreg:$0x1];
	p0 =	sne.s32 s2, $0x0  }
0x12b: {  	s3 =	rddreg [dreg:$0x2];
	[bflag:$0x3] =	sbarrier.arrive $0xFFFF;
	s2 =	simm.s32 @!p0 $0x1C16  }
0x12c: {  	[timem:s3], [sflag:s2] =	dma.local @!p0 [hbm:s0], s1  }
0x12d: {  	s0 =	simm.s32 @!p0 $0x16  }
0x12e: {  	_ =	swait.ge @!p0 [sflag:s0], s1  }
0x12f: {  	s1 =	ssub.s32 @!p0 $0x0, s1;
	[sflag:s0] =	ssyncset.done @!p0 $0x0  }
0x130: {  	[sflag:s0] =	ssyncadd.s32 @!p0 s1  }
0x131: {  	[bflag:$0x3] =	sbarrier.arrive $0xFFFF  }
0x132: {  	_ =	shalt  }

</sc_bundles>
